<compile_context>
chip_gen: v7x
topology: tpu7x:2x2x1
jax: 0.10.2.dev20260603
libtpu: 0.0.44.dev20260713+nightly
codegen_flags: <defaults>
</compile_context>

<pallas_src>
import functools

import jax
import jax.numpy as jnp
from jax import lax
from jax.experimental import pallas as pl
from jax.experimental.pallas import tpu as pltpu
from jax.experimental.pallas import tpu_sc as plsc

B = 16
MAX = 512
D = 128
NT = 10
H = 1024
N = 4096
TRI = MAX * (MAX + 1) // 2
OUT2 = MAX * (NT + 1)
NPAD = N + MAX + 128
TRIP = TRI + 256


def _elu(v):
    return jnp.where(v > 0, v, jnp.exp(jnp.minimum(v, 0.0)) - 1.0)


def _pad_body(ptr_ref, x_ref, wc_ref, wa_ref, bc_ref, ba_ref,
              outc_ref, outa_ref, sc_ref, sa_ref):
    dn = (((0,), (1,)), ((), ()))
    snc = lax.dot_general(wc_ref[...], x_ref[...], dn,
                          preferred_element_type=jnp.float32) + bc_ref[0, 0]
    sna = lax.dot_general(wa_ref[...], x_ref[...], dn,
                          preferred_element_type=jnp.float32) + ba_ref[0, 0]
    sc_ref[:, :N] = snc
    sc_ref[:, N:] = jnp.zeros((1, NPAD - N), jnp.float32)
    sa_ref[:, :N] = sna
    sa_ref[:, N:] = jnp.zeros((1, NPAD - N), jnp.float32)
    pos = lax.broadcasted_iota(jnp.int32, (1, MAX), 1)

    def body(b, carry):
        lo = ptr_ref[b]
        hi = ptr_ref[b + 1]
        m = pos < (hi - lo)
        off = lo % 128
        al = pl.multiple_of(lo - off, 128)
        vc = pltpu.roll(sc_ref[:, pl.ds(al, MAX + 128)],
                        (MAX + 128) - off, 1)[:, :MAX]
        va = pltpu.roll(sa_ref[:, pl.ds(al, MAX + 128)],
                        (MAX + 128) - off, 1)[:, :MAX]
        outc_ref[pl.ds(b, 1), :] = jnp.where(m, vc, 0.0)
        outa_ref[pl.ds(b, 1), :] = jnp.where(m, va, 0.0)
        return carry

    lax.fori_loop(0, B, body, 0)


def _pad_call(ptr, x, W_sn_c, W_sn_a, b_sn_c, b_sn_a):
    return pl.pallas_call(
        _pad_body,
        in_specs=[
            pl.BlockSpec(memory_space=pltpu.SMEM),
            pl.BlockSpec(memory_space=pltpu.MemorySpace.VMEM),
            pl.BlockSpec(memory_space=pltpu.MemorySpace.VMEM),
            pl.BlockSpec(memory_space=pltpu.MemorySpace.VMEM),
            pl.BlockSpec(memory_space=pltpu.MemorySpace.VMEM),
            pl.BlockSpec(memory_space=pltpu.MemorySpace.VMEM),
        ],
        out_shape=[
            jax.ShapeDtypeStruct((B, MAX), jnp.float32),
            jax.ShapeDtypeStruct((B, MAX), jnp.float32),
        ],
        scratch_shapes=[
            pltpu.VMEM((1, NPAD), jnp.float32),
            pltpu.VMEM((1, NPAD), jnp.float32),
        ],
    )(ptr, x, W_sn_c, W_sn_a,
      b_sn_c.reshape(1, 1), b_sn_a.reshape(1, 1))


def _mlp_body(pc_ref, pa_ref,
              wc0, bc0, wc1, bc1, wc2, bc2,
              wa0, ba0, wa1, ba1, wa2, ba2,
              h_ref, g_ref):
    h = _elu(jnp.dot(pc_ref[...], wc0[...],
                     preferred_element_type=jnp.float32) + bc0[...])
    h = _elu(jnp.dot(h, wc1[...],
                     preferred_element_type=jnp.float32) + bc1[...])
    h = _elu(jnp.dot(h, wc2[...],
                     preferred_element_type=jnp.float32) + bc2[...])
    h_ref[...] = h
    g = _elu(jnp.dot(pa_ref[...], wa0[...],
                     preferred_element_type=jnp.float32) + ba0[...])
    g = _elu(jnp.dot(g, wa1[...],
                     preferred_element_type=jnp.float32) + ba1[...])
    g = _elu(jnp.dot(g, wa2[...],
                     preferred_element_type=jnp.float32) + ba2[...])
    g_ref[...] = g


def _mlp_call(pad_c, pad_a, Wc0, bc0, Wc1, bc1, Wc2, bc2,
              Wa0, ba0, Wa1, ba1, Wa2, ba2):
    return pl.pallas_call(
        _mlp_body,
        out_shape=[
            jax.ShapeDtypeStruct((B, H), jnp.float32),
            jax.ShapeDtypeStruct((B, H), jnp.float32),
        ],
    )(pad_c, pad_a,
      Wc0, bc0.reshape(1, H), Wc1, bc1.reshape(1, H), Wc2, bc2.reshape(1, H),
      Wa0, ba0.reshape(1, H), Wa1, ba1.reshape(1, H), Wa2, ba2.reshape(1, H))


def _head_body(h_ref, w_ref, b_ref, o_ref):
    o_ref[...] = jnp.dot(h_ref[...], w_ref[...],
                         preferred_element_type=jnp.float32) + b_ref[...]


def _head_call(h, W, bvec, cols, cblk):
    nblk = cols // cblk
    return pl.pallas_call(
        _head_body,
        grid=(nblk,),
        in_specs=[
            pl.BlockSpec((B, H), lambda i: (0, 0)),
            pl.BlockSpec((H, cblk), lambda i: (0, i)),
            pl.BlockSpec((1, cblk), lambda i: (0, i)),
        ],
        out_specs=pl.BlockSpec((B, cblk), lambda i: (0, i)),
        out_shape=jax.ShapeDtypeStruct((B, cols), jnp.float32),
        compiler_params=pltpu.CompilerParams(
            dimension_semantics=("arbitrary",)),
    )(h, W, bvec.reshape(1, cols))


def _expand_body(d_ref, o_ref, u_ref, dp_ref):
    dp_ref[:, :TRI] = d_ref[0]

    def body(r, carry):
        base = r * MAX - (r * (r - 1)) // 2
        s = base - r
        off = s % 128
        al = pl.multiple_of(s - off, 128)
        sl = pltpu.roll(dp_ref[:, pl.ds(al, MAX + 128)],
                        (MAX + 128) - off, 1)[:, :MAX]
        c = lax.broadcasted_iota(jnp.int32, (1, MAX), 1)
        u_ref[pl.ds(r, 1), :] = jnp.where(c >= r, sl, 0.0)
        return carry

    lax.fori_loop(0, MAX, body, 0)
    u = u_ref[...]
    rr = lax.broadcasted_iota(jnp.int32, (MAX, MAX), 0)
    cc = lax.broadcasted_iota(jnp.int32, (MAX, MAX), 1)
    o_ref[...] = (u + jnp.where(rr > cc, u.T, 0.0))[None]


def _expand_call(x1_diag):
    return pl.pallas_call(
        _expand_body,
        grid=(B,),
        in_specs=[pl.BlockSpec((1, 1, TRI), lambda i: (i, 0, 0))],
        out_specs=pl.BlockSpec((1, MAX, MAX), lambda i: (i, 0, 0)),
        out_shape=jax.ShapeDtypeStruct((B, MAX, MAX), jnp.float32),
        scratch_shapes=[pltpu.VMEM((MAX, MAX), jnp.float32),
                        pltpu.VMEM((1, TRIP), jnp.float32)],
        compiler_params=pltpu.CompilerParams(
            dimension_semantics=("arbitrary",)),
    )(x1_diag.reshape(B, 1, TRI))


BLK = 128
NBLK = MAX // BLK
NW = 32

_COMBOS = [(R, C) for R in range(NBLK) for C in range(R, NBLK)]


def _tri_base(r):
    return r * MAX - (r * (r - 1)) // 2


def _stage_bounds(R, C):
    r0, c0 = R * BLK, C * BLK
    lo = _tri_base(r0) + c0 - r0
    hi = _tri_base(r0 + BLK - 1) + c0 - (r0 + BLK - 1) + BLK
    lo_al = lo & ~15
    hi_al = (hi + 15) & ~15
    return lo_al, hi_al - lo_al


_STAGE_MAX = max(_stage_bounds(R, C)[1] for R, C in _COMBOS)


def _expand_sc(x1_diag):
    mesh = plsc.VectorSubcoreMesh(core_axis_name="c", subcore_axis_name="s")

    @functools.partial(
        pl.kernel,
        mesh=mesh,
        out_type=jax.ShapeDtypeStruct((B, MAX, MAX), jnp.float32),
        compiler_params=pltpu.CompilerParams(needs_layout_passes=False),
        scratch_types=[
            pltpu.VMEM((_STAGE_MAX,), jnp.float32),
            pltpu.VMEM((BLK, BLK), jnp.float32),
            pltpu.VMEM((BLK, BLK), jnp.float32),
        ],
    )
    def k(d_hbm, o_hbm, stage, ubuf, tbuf):
        wid = lax.axis_index("s") * 2 + lax.axis_index("c")
        lane = lax.iota(jnp.int32, 16)
        for ci, (R, C) in enumerate(_COMBOS):
            half = ci % 2
            b = wid - 16 * half

            @pl.when((b >= 0) & (b < 16))
            def _task(R=R, C=C, b=b):
                r0, c0 = R * BLK, C * BLK
                lo_al, L = _stage_bounds(R, C)
                src0 = pl.multiple_of(b * TRI + lo_al, 8)
                pltpu.sync_copy(d_hbm.at[pl.ds(src0, L)],
                                stage.at[pl.ds(0, L)])

                def row(r_loc, carry):
                    r = r0 + r_loc
                    off = r * MAX - (r * (r - 1)) // 2 + c0 - r - lo_al
                    for kk in range(BLK // 16):
                        idx = off + kk * 16 + lane
                        v = plsc.load_gather(stage, [idx])
                        if R == C:
                            cc = c0 + kk * 16 + lane
                            v = jnp.where(cc >= r, v, 0.0)
                        ubuf[r_loc, pl.ds(kk * 16, 16)] = v
                        if R != C:
                            plsc.store_scatter(
                                tbuf, [kk * 16 + lane,
                                       jnp.broadcast_to(r_loc, (16,))], v)
                    return carry

                lax.fori_loop(0, BLK, row, 0)

                if R == C:
                    def row2(r_loc, carry):
                        r = r0 + r_loc
                        for kk in range(BLK // 16):
                            v = ubuf[r_loc, pl.ds(kk * 16, 16)]
                            cc = c0 + kk * 16 + lane
                            plsc.store_scatter(
                                ubuf, [kk * 16 + lane,
                                       jnp.broadcast_to(r_loc, (16,))],
                                v, mask=cc > r)
                        return carry

                    lax.fori_loop(0, BLK, row2, 0)
                    pltpu.sync_copy(
                        ubuf, o_hbm.at[b, pl.ds(r0, BLK), pl.ds(c0, BLK)])
                else:
                    pltpu.sync_copy(
                        ubuf, o_hbm.at[b, pl.ds(r0, BLK), pl.ds(c0, BLK)])
                    pltpu.sync_copy(
                        tbuf, o_hbm.at[b, pl.ds(c0, BLK), pl.ds(r0, BLK)])

    return k(x1_diag.reshape(B * TRI))


def kernel(x, ptr, W_sn_c, b_sn_c, W_sn_a, b_sn_a,
           Wc0, bc0, Wc1, bc1, Wc2, bc2, Wc3, bc3,
           Wa0, ba0, Wa1, ba1, Wa2, ba2, Wa3, ba3):
    pad_c, pad_a = _pad_call(ptr, x, W_sn_c, W_sn_a, b_sn_c, b_sn_a)
    h, g = _mlp_call(pad_c, pad_a, Wc0, bc0, Wc1, bc1, Wc2, bc2,
                     Wa0, ba0, Wa1, ba1, Wa2, ba2)
    x1_diag = _head_call(h, Wc3, bc3, TRI, 256)
    x2 = _head_call(g, Wa3, ba3, OUT2, 256)
    x1 = _expand_sc(x1_diag)
    return (x1.reshape(B, MAX * MAX), x2)

# --- scband reference (transcript-rebuilt; emitter-appended) ---
"""Pipeline reference for scband-rsn-with-label-3728031613676 (READ-ONLY COPY).

The authoritative reference and input builder live on the scoring server;
editing this copy changes nothing except your own understanding.
"""

import jax, jax.numpy as jnp
import numpy as np

B = 16          # batch_size
MAX = 512       # max_n_atoms
D = 128         # node feature dim for SN surrogate
NT = 10         # num_atoms_type
H = 1024        # n_nodes_mlp_cmap / n_nodes_mlp_atoms
N = 4096        # total ragged tokens (atoms)
TRI = MAX * (MAX + 1) // 2      # 131328
OUT2 = MAX * (NT + 1)           # 5632


def setup_inputs(seed: int = 0) -> dict:
    key = jax.random.key(seed)
    ks = jax.random.split(key, 24)
    s = 0.05
    inp = {}
    inp['x'] = jax.random.normal(ks[0], (N, D), dtype=jnp.float32)
    # cu_seqlens: equal-length segments of 256 atoms each (<= MAX), sums to N
    inp['ptr'] = jnp.arange(B + 1, dtype=jnp.int32) * (N // B)
    # SN_cmap / SN_atoms surrogates: per-atom scalar heads
    inp['W_sn_c'] = jax.random.normal(ks[1], (D, 1), dtype=jnp.float32) * s
    inp['b_sn_c'] = jnp.zeros((1,), dtype=jnp.float32)
    inp['W_sn_a'] = jax.random.normal(ks[2], (D, 1), dtype=jnp.float32) * s
    inp['b_sn_a'] = jnp.zeros((1,), dtype=jnp.float32)
    # mlp_cmap: Linear(MAX->H)+ELU, 2x(Linear(H->H)+ELU), Linear(H->TRI)
    inp['Wc0'] = jax.random.normal(ks[3], (MAX, H), dtype=jnp.float32) * s
    inp['bc0'] = jnp.zeros((H,), dtype=jnp.float32)
    inp['Wc1'] = jax.random.normal(ks[4], (H, H), dtype=jnp.float32) * s
    inp['bc1'] = jnp.zeros((H,), dtype=jnp.float32)
    inp['Wc2'] = jax.random.normal(ks[5], (H, H), dtype=jnp.float32) * s
    inp['bc2'] = jnp.zeros((H,), dtype=jnp.float32)
    inp['Wc3'] = jax.random.normal(ks[6], (H, TRI), dtype=jnp.float32) * s
    inp['bc3'] = jnp.zeros((TRI,), dtype=jnp.float32)
    # mlp_atoms: Linear(MAX->H)+ELU, 2x(Linear(H->H)+ELU), Linear(H->OUT2)
    inp['Wa0'] = jax.random.normal(ks[7], (MAX, H), dtype=jnp.float32) * s
    inp['ba0'] = jnp.zeros((H,), dtype=jnp.float32)
    inp['Wa1'] = jax.random.normal(ks[8], (H, H), dtype=jnp.float32) * s
    inp['ba1'] = jnp.zeros((H,), dtype=jnp.float32)
    inp['Wa2'] = jax.random.normal(ks[9], (H, H), dtype=jnp.float32) * s
    inp['ba2'] = jnp.zeros((H,), dtype=jnp.float32)
    inp['Wa3'] = jax.random.normal(ks[10], (H, OUT2), dtype=jnp.float32) * s
    inp['ba3'] = jnp.zeros((OUT2,), dtype=jnp.float32)
    return inp


def _scatter_pad(vals, ptr):
    # vals: [N] per-atom scalars; pack ragged segments into [B, MAX] zero-padded rows
    tok = jnp.arange(N, dtype=jnp.int32)
    seg = jnp.searchsorted(ptr, tok, side='right') - 1  # segment id per token
    pos = tok - ptr[seg]                                # position within segment
    return jnp.zeros((B, MAX), dtype=vals.dtype).at[seg, pos].set(vals)


def reference(x, ptr, W_sn_c, b_sn_c, W_sn_a, b_sn_a,
              Wc0, bc0, Wc1, bc1, Wc2, bc2, Wc3, bc3,
              Wa0, ba0, Wa1, ba1, Wa2, ba2, Wa3, ba3):
    # SN_cmap surrogate -> per-atom scalar
    x_cmap = (x @ W_sn_c + b_sn_c)[:, 0]            # [N]
    my_pad = _scatter_pad(x_cmap, ptr)              # [B, MAX]
    h = jax.nn.elu(my_pad @ Wc0 + bc0)
    h = jax.nn.elu(h @ Wc1 + bc1)
    h = jax.nn.elu(h @ Wc2 + bc2)
    x1_diag = h @ Wc3 + bc3                         # [B, TRI]
    ii, jj = jnp.triu_indices(MAX)
    x1 = jnp.zeros((B, MAX, MAX), dtype=x1_diag.dtype)
    x1 = x1.at[:, ii, jj].set(x1_diag)
    x1 = x1.at[:, jj, ii].set(x1_diag)              # symmetrize (matches x1[i].T[ii,jj]=v)
    # SN_atoms surrogate -> per-atom scalar
    x_atoms = (x @ W_sn_a + b_sn_a)[:, 0]
    my_pad_a = _scatter_pad(x_atoms, ptr)
    g = jax.nn.elu(my_pad_a @ Wa0 + ba0)
    g = jax.nn.elu(g @ Wa1 + ba1)
    g = jax.nn.elu(g @ Wa2 + ba2)
    x2 = g @ Wa3 + ba3                              # [B, MAX*(NT+1)]
    return (x1.reshape(B, MAX * MAX), x2)

if __name__ == "__main__":
    import jax
    _d = setup_inputs()
    print(jax.jit(kernel)(*tuple(_d.values())))

</pallas_src>

<mosaic_0001>
#map = affine_map<(d0, d1) -> (0)>
#map1 = affine_map<(d0, d1) -> (0, 0, 0)>
module attributes {stable_mosaic.version = 14 : i64} {
  func.func @k(%arg0: i32, %arg1: i32, %arg2: memref<2101248xf32, #tpu.memory_space<hbm>>, %arg3: memref<16x512x512xf32, #tpu.memory_space<hbm>>, %arg4: memref<57024xf32, #tpu.memory_space<vmem>>, %arg5: memref<128x128xf32, #tpu.memory_space<vmem>>, %arg6: memref<128x128xf32, #tpu.memory_space<vmem>>) attributes {dimension_semantics = [#tpu.dimension_semantics<core_parallel>, #tpu.dimension_semantics<subcore_parallel>], iteration_bounds = array<i64: 2, 16>, scalar_prefetch = 0 : i64, scratch_operands = 3 : i64, tpu.core_type = #tpu.core_type<sc_vector_subcore>, window_params = [{transform_indices = #map}, {transform_indices = #map1}]} {
    %mul3A = arith.constant 2 : i32
    %mul3A_0 = arith.muli %arg1, %mul3A : i32
    %add3A = arith.addi %mul3A_0, %arg0 : i32
    %iota3A = tpu.iota {dimensions = array<i32: 0>} : vector<16xi32>
    %sub3A = arith.constant 0 : i32
    %sub3A_1 = arith.subi %add3A, %sub3A : i32
    %ge3A = arith.constant 0 : i32
    %ge3A_2 = arith.cmpi sge, %sub3A_1, %ge3A : i32
    %lt3A = arith.constant 16 : i32
    %lt3A_3 = arith.cmpi slt, %sub3A_1, %lt3A : i32
    %and3A = arith.andi %ge3A_2, %lt3A_3 : i1
    %convert_element_type3A = arith.extui %and3A : i1 to i32
    %cond3A = arith.constant 0 : i32
    %cond3A_4 = arith.cmpi ne, %convert_element_type3A, %cond3A : i32
    scf.if %cond3A_4 {
      %mul3A_95 = arith.constant 131328 : i32
      %mul3A_96 = arith.muli %sub3A_1, %mul3A_95 : i32
      %add3A_97 = arith.constant 0 : i32
      %add3A_98 = arith.addi %mul3A_96, %add3A_97 : i32
      %multiple_of3A = tpu.assume_multiple %add3A_98, 8 : i32
      "tpu.region"() ({
        %run_scoped3A = tpu.sem_alloc : memref<!tpu.dma_semaphore, #tpu.memory_space<semaphore_mem>>
        %dma_start3A = arith.constant 0 : i32
        %dma_start3A_110 = tpu.memref_slice %arg4[%dma_start3A] : memref<57024xf32, #tpu.memory_space<vmem>> -> memref<57024xf32, #tpu.memory_space<vmem>>
        %dma_start3A_111 = tpu.memref_slice %arg2[%multiple_of3A] : memref<2101248xf32, #tpu.memory_space<hbm>> -> memref<57024xf32, #tpu.memory_space<hbm>>
        %dma_start3A_112 = arith.constant 0 : i32
        %dma_start3A_113 = tpu.memref_slice %arg4[%dma_start3A_112] : memref<57024xf32, #tpu.memory_space<vmem>> -> memref<57024xf32, #tpu.memory_space<vmem>>
        %dma_start3A_114 = tpu.memref_slice %arg2[%multiple_of3A] : memref<2101248xf32, #tpu.memory_space<hbm>> -> memref<57024xf32, #tpu.memory_space<hbm>>
        tpu.enqueue_dma source(%dma_start3A_114 : memref<57024xf32, #tpu.memory_space<hbm>>) target(%dma_start3A_113 : memref<57024xf32, #tpu.memory_space<vmem>>) target_semaphore(%run_scoped3A : memref<!tpu.dma_semaphore, #tpu.memory_space<semaphore_mem>>)
        %dma_wait3A = arith.constant 0 : i32
        %dma_wait3A_115 = tpu.memref_slice %arg4[%dma_wait3A] : memref<57024xf32, #tpu.memory_space<vmem>> -> memref<57024xf32, #tpu.memory_space<vmem>>
        %dma_wait3A_116 = tpu.memref_slice %arg2[%multiple_of3A] : memref<2101248xf32, #tpu.memory_space<hbm>> -> memref<57024xf32, #tpu.memory_space<hbm>>
        %dma_wait3A_117 = arith.constant 0 : i32
        %dma_wait3A_118 = tpu.memref_slice %arg4[%dma_wait3A_117] : memref<57024xf32, #tpu.memory_space<vmem>> -> memref<57024xf32, #tpu.memory_space<vmem>>
        %dma_wait3A_119 = tpu.memref_slice %arg2[%multiple_of3A] : memref<2101248xf32, #tpu.memory_space<hbm>> -> memref<57024xf32, #tpu.memory_space<hbm>>
        tpu.wait_dma2 semaphore(%run_scoped3A : memref<!tpu.dma_semaphore, #tpu.memory_space<semaphore_mem>>) src(%dma_wait3A_119 : memref<57024xf32, #tpu.memory_space<hbm>>) dst(%dma_wait3A_118 : memref<57024xf32, #tpu.memory_space<vmem>>)
        tpu.yield
      }) : () -> ()
      %scan3A = arith.constant 0 : i32
      %scan3A_99 = arith.constant 0 : i32
      %scan3A_100 = arith.constant 128 : i32
      %scan3A_101 = arith.addi %scan3A_99, %scan3A_100 : i32
      %scan3A_102 = arith.constant 1 : i32
      scf.for %scan3A_110 = %scan3A_99 to %scan3A_101 step %scan3A_102  : i32 {
        %add3A_111 = arith.constant 0 : i32
        %add3A_112 = arith.addi %add3A_111, %scan3A_110 : i32
        %mul3A_113 = arith.constant 512 : i32
        %mul3A_114 = arith.muli %add3A_112, %mul3A_113 : i32
        %sub3A_115 = arith.constant 1 : i32
        %sub3A_116 = arith.subi %add3A_112, %sub3A_115 : i32
        %mul3A_117 = arith.muli %add3A_112, %sub3A_116 : i32
        %jit3A = arith.constant 2 : i32
        %div3A = arith.divsi %mul3A_117, %jit3A : i32
        %sign3A = arith.constant 0 : i32
        %sign3A_118 = arith.cmpi sgt, %mul3A_117, %sign3A : i32
        %sign3A_119 = arith.extui %sign3A_118 : i1 to i32
        %sign3A_120 = arith.constant 0 : i32
        %sign3A_121 = arith.cmpi slt, %mul3A_117, %sign3A_120 : i32
        %sign3A_122 = arith.extui %sign3A_121 : i1 to i32
        %sign3A_123 = arith.subi %sign3A_119, %sign3A_122 : i32
        %sign3A_124 = arith.constant 0 : i32
        %sign3A_125 = arith.cmpi sgt, %jit3A, %sign3A_124 : i32
        %sign3A_126 = arith.extui %sign3A_125 : i1 to i32
        %sign3A_127 = arith.constant 0 : i32
        %sign3A_128 = arith.cmpi slt, %jit3A, %sign3A_127 : i32
        %sign3A_129 = arith.extui %sign3A_128 : i1 to i32
        %sign3A_130 = arith.subi %sign3A_126, %sign3A_129 : i32
        %ne3A = arith.cmpi ne, %sign3A_123, %sign3A_130 : i32
        %rem3A = arith.remsi %mul3A_117, %jit3A : i32
        %ne3A_131 = arith.constant 0 : i32
        %ne3A_132 = arith.cmpi ne, %rem3A, %ne3A_131 : i32
        %and3A_133 = arith.andi %ne3A, %ne3A_132 : i1
        %sub3A_134 = arith.constant 1 : i32
        %sub3A_135 = arith.subi %div3A, %sub3A_134 : i32
        %select_n3A = arith.select %and3A_133, %sub3A_135, %div3A : i32
        %sub3A_136 = arith.subi %mul3A_114, %select_n3A : i32
        %add3A_137 = arith.constant 0 : i32
        %add3A_138 = arith.addi %sub3A_136, %add3A_137 : i32
        %sub3A_139 = arith.subi %add3A_138, %add3A_112 : i32
        %sub3A_140 = arith.constant 0 : i32
        %sub3A_141 = arith.subi %sub3A_139, %sub3A_140 : i32
        %add3A_142 = arith.constant 0 : i32
        %add3A_143 = arith.addi %sub3A_141, %add3A_142 : i32
        %add3A_144 = vector.broadcast %add3A_143 : i32 to vector<16xi32>
        %add3A_145 = arith.addi %add3A_144, %iota3A : vector<16xi32>
        %gather3A = tpu.vector_load_idx %arg4[%add3A_145] : memref<57024xf32, #tpu.memory_space<vmem>>[vector<16xi32>], vector<16xf32>,
        %add3A_146 = arith.constant 0 : i32
        %add3A_147 = vector.broadcast %add3A_146 : i32 to vector<16xi32>
        %add3A_148 = arith.addi %add3A_147, %iota3A : vector<16xi32>
        %ge3A_149 = vector.broadcast %add3A_112 : i32 to vector<16xi32>
        %ge3A_150 = arith.cmpi sge, %add3A_148, %ge3A_149 : vector<16xi32>
        %jit3A_151 = arith.constant 0.000000e+00 : f32
        %broadcast_in_dim3A = vector.broadcast %jit3A_151 : f32 to vector<16xf32>
        %select_n3A_152 = arith.select %ge3A_150, %gather3A, %broadcast_in_dim3A : vector<16xi1>, vector<16xf32>
        %swap3A = arith.index_cast %scan3A_110 : i32 to index
        %swap3A_153 = arith.constant 0 : index
        %swap3A_154 = tpu.vector_load %arg5[%swap3A, %swap3A_153] {strides = array<i32>} : memref<128x128xf32, #tpu.memory_space<vmem>>, vector<16xf32>,
        tpu.vector_store %arg5[%swap3A, %swap3A_153], %select_n3A_152 {strides = array<i32>} : memref<128x128xf32, #tpu.memory_space<vmem>>, vector<16xf32>,
        %add3A_155 = arith.constant 16 : i32
        %add3A_156 = arith.addi %sub3A_141, %add3A_155 : i32
        %add3A_157 = vector.broadcast %add3A_156 : i32 to vector<16xi32>
        %add3A_158 = arith.addi %add3A_157, %iota3A : vector<16xi32>
        %gather3A_159 = tpu.vector_load_idx %arg4[%add3A_158] : memref<57024xf32, #tpu.memory_space<vmem>>[vector<16xi32>], vector<16xf32>,
        %add3A_160 = arith.constant 16 : i32
        %add3A_161 = vector.broadcast %add3A_160 : i32 to vector<16xi32>
        %add3A_162 = arith.addi %add3A_161, %iota3A : vector<16xi32>
        %ge3A_163 = vector.broadcast %add3A_112 : i32 to vector<16xi32>
        %ge3A_164 = arith.cmpi sge, %add3A_162, %ge3A_163 : vector<16xi32>
        %jit3A_165 = arith.constant 0.000000e+00 : f32
        %broadcast_in_dim3A_166 = vector.broadcast %jit3A_165 : f32 to vector<16xf32>
        %select_n3A_167 = arith.select %ge3A_164, %gather3A_159, %broadcast_in_dim3A_166 : vector<16xi1>, vector<16xf32>
        %swap3A_168 = arith.index_cast %scan3A_110 : i32 to index
        %swap3A_169 = arith.constant 16 : index
        %swap3A_170 = tpu.vector_load %arg5[%swap3A_168, %swap3A_169] {strides = array<i32>} : memref<128x128xf32, #tpu.memory_space<vmem>>, vector<16xf32>,
        tpu.vector_store %arg5[%swap3A_168, %swap3A_169], %select_n3A_167 {strides = array<i32>} : memref<128x128xf32, #tpu.memory_space<vmem>>, vector<16xf32>,
        %add3A_171 = arith.constant 32 : i32
        %add3A_172 = arith.addi %sub3A_141, %add3A_171 : i32
        %add3A_173 = vector.broadcast %add3A_172 : i32 to vector<16xi32>
        %add3A_174 = arith.addi %add3A_173, %iota3A : vector<16xi32>
        %gather3A_175 = tpu.vector_load_idx %arg4[%add3A_174] : memref<57024xf32, #tpu.memory_space<vmem>>[vector<16xi32>], vector<16xf32>,
        %add3A_176 = arith.constant 32 : i32
        %add3A_177 = vector.broadcast %add3A_176 : i32 to vector<16xi32>
        %add3A_178 = arith.addi %add3A_177, %iota3A : vector<16xi32>
        %ge3A_179 = vector.broadcast %add3A_112 : i32 to vector<16xi32>
        %ge3A_180 = arith.cmpi sge, %add3A_178, %ge3A_179 : vector<16xi32>
        %jit3A_181 = arith.constant 0.000000e+00 : f32
        %broadcast_in_dim3A_182 = vector.broadcast %jit3A_181 : f32 to vector<16xf32>
        %select_n3A_183 = arith.select %ge3A_180, %gather3A_175, %broadcast_in_dim3A_182 : vector<16xi1>, vector<16xf32>
        %swap3A_184 = arith.index_cast %scan3A_110 : i32 to index
        %swap3A_185 = arith.constant 32 : index
        %swap3A_186 = tpu.vector_load %arg5[%swap3A_184, %swap3A_185] {strides = array<i32>} : memref<128x128xf32, #tpu.memory_space<vmem>>, vector<16xf32>,
        tpu.vector_store %arg5[%swap3A_184, %swap3A_185], %select_n3A_183 {strides = array<i32>} : memref<128x128xf32, #tpu.memory_space<vmem>>, vector<16xf32>,
        %add3A_187 = arith.constant 48 : i32
        %add3A_188 = arith.addi %sub3A_141, %add3A_187 : i32
        %add3A_189 = vector.broadcast %add3A_188 : i32 to vector<16xi32>
        %add3A_190 = arith.addi %add3A_189, %iota3A : vector<16xi32>
        %gather3A_191 = tpu.vector_load_idx %arg4[%add3A_190] : memref<57024xf32, #tpu.memory_space<vmem>>[vector<16xi32>], vector<16xf32>,
        %add3A_192 = arith.constant 48 : i32
        %add3A_193 = vector.broadcast %add3A_192 : i32 to vector<16xi32>
        %add3A_194 = arith.addi %add3A_193, %iota3A : vector<16xi32>
        %ge3A_195 = vector.broadcast %add3A_112 : i32 to vector<16xi32>
        %ge3A_196 = arith.cmpi sge, %add3A_194, %ge3A_195 : vector<16xi32>
        %jit3A_197 = arith.constant 0.000000e+00 : f32
        %broadcast_in_dim3A_198 = vector.broadcast %jit3A_197 : f32 to vector<16xf32>
        %select_n3A_199 = arith.select %ge3A_196, %gather3A_191, %broadcast_in_dim3A_198 : vector<16xi1>, vector<16xf32>
        %swap3A_200 = arith.index_cast %scan3A_110 : i32 to index
        %swap3A_201 = arith.constant 48 : index
        %swap3A_202 = tpu.vector_load %arg5[%swap3A_200, %swap3A_201] {strides = array<i32>} : memref<128x128xf32, #tpu.memory_space<vmem>>, vector<16xf32>,
        tpu.vector_store %arg5[%swap3A_200, %swap3A_201], %select_n3A_199 {strides = array<i32>} : memref<128x128xf32, #tpu.memory_space<vmem>>, vector<16xf32>,
        %add3A_203 = arith.constant 64 : i32
        %add3A_204 = arith.addi %sub3A_141, %add3A_203 : i32
        %add3A_205 = vector.broadcast %add3A_204 : i32 to vector<16xi32>
        %add3A_206 = arith.addi %add3A_205, %iota3A : vector<16xi32>
        %gather3A_207 = tpu.vector_load_idx %arg4[%add3A_206] : memref<57024xf32, #tpu.memory_space<vmem>>[vector<16xi32>], vector<16xf32>,
        %add3A_208 = arith.constant 64 : i32
        %add3A_209 = vector.broadcast %add3A_208 : i32 to vector<16xi32>
        %add3A_210 = arith.addi %add3A_209, %iota3A : vector<16xi32>
        %ge3A_211 = vector.broadcast %add3A_112 : i32 to vector<16xi32>
        %ge3A_212 = arith.cmpi sge, %add3A_210, %ge3A_211 : vector<16xi32>
        %jit3A_213 = arith.constant 0.000000e+00 : f32
        %broadcast_in_dim3A_214 = vector.broadcast %jit3A_213 : f32 to vector<16xf32>
        %select_n3A_215 = arith.select %ge3A_212, %gather3A_207, %broadcast_in_dim3A_214 : vector<16xi1>, vector<16xf32>
        %swap3A_216 = arith.index_cast %scan3A_110 : i32 to index
        %swap3A_217 = arith.constant 64 : index
        %swap3A_218 = tpu.vector_load %arg5[%swap3A_216, %swap3A_217] {strides = array<i32>} : memref<128x128xf32, #tpu.memory_space<vmem>>, vector<16xf32>,
        tpu.vector_store %arg5[%swap3A_216, %swap3A_217], %select_n3A_215 {strides = array<i32>} : memref<128x128xf32, #tpu.memory_space<vmem>>, vector<16xf32>,
        %add3A_219 = arith.constant 80 : i32
        %add3A_220 = arith.addi %sub3A_141, %add3A_219 : i32
        %add3A_221 = vector.broadcast %add3A_220 : i32 to vector<16xi32>
        %add3A_222 = arith.addi %add3A_221, %iota3A : vector<16xi32>
        %gather3A_223 = tpu.vector_load_idx %arg4[%add3A_222] : memref<57024xf32, #tpu.memory_space<vmem>>[vector<16xi32>], vector<16xf32>,
        %add3A_224 = arith.constant 80 : i32
        %add3A_225 = vector.broadcast %add3A_224 : i32 to vector<16xi32>
        %add3A_226 = arith.addi %add3A_225, %iota3A : vector<16xi32>
        %ge3A_227 = vector.broadcast %add3A_112 : i32 to vector<16xi32>
        %ge3A_228 = arith.cmpi sge, %add3A_226, %ge3A_227 : vector<16xi32>
        %jit3A_229 = arith.constant 0.000000e+00 : f32
        %broadcast_in_dim3A_230 = vector.broadcast %jit3A_229 : f32 to vector<16xf32>
        %select_n3A_231 = arith.select %ge3A_228, %gather3A_223, %broadcast_in_dim3A_230 : vector<16xi1>, vector<16xf32>
        %swap3A_232 = arith.index_cast %scan3A_110 : i32 to index
        %swap3A_233 = arith.constant 80 : index
        %swap3A_234 = tpu.vector_load %arg5[%swap3A_232, %swap3A_233] {strides = array<i32>} : memref<128x128xf32, #tpu.memory_space<vmem>>, vector<16xf32>,
        tpu.vector_store %arg5[%swap3A_232, %swap3A_233], %select_n3A_231 {strides = array<i32>} : memref<128x128xf32, #tpu.memory_space<vmem>>, vector<16xf32>,
        %add3A_235 = arith.constant 96 : i32
        %add3A_236 = arith.addi %sub3A_141, %add3A_235 : i32
        %add3A_237 = vector.broadcast %add3A_236 : i32 to vector<16xi32>
        %add3A_238 = arith.addi %add3A_237, %iota3A : vector<16xi32>
        %gather3A_239 = tpu.vector_load_idx %arg4[%add3A_238] : memref<57024xf32, #tpu.memory_space<vmem>>[vector<16xi32>], vector<16xf32>,
        %add3A_240 = arith.constant 96 : i32
        %add3A_241 = vector.broadcast %add3A_240 : i32 to vector<16xi32>
        %add3A_242 = arith.addi %add3A_241, %iota3A : vector<16xi32>
        %ge3A_243 = vector.broadcast %add3A_112 : i32 to vector<16xi32>
        %ge3A_244 = arith.cmpi sge, %add3A_242, %ge3A_243 : vector<16xi32>
        %jit3A_245 = arith.constant 0.000000e+00 : f32
        %broadcast_in_dim3A_246 = vector.broadcast %jit3A_245 : f32 to vector<16xf32>
        %select_n3A_247 = arith.select %ge3A_244, %gather3A_239, %broadcast_in_dim3A_246 : vector<16xi1>, vector<16xf32>
        %swap3A_248 = arith.index_cast %scan3A_110 : i32 to index
        %swap3A_249 = arith.constant 96 : index
        %swap3A_250 = tpu.vector_load %arg5[%swap3A_248, %swap3A_249] {strides = array<i32>} : memref<128x128xf32, #tpu.memory_space<vmem>>, vector<16xf32>,
        tpu.vector_store %arg5[%swap3A_248, %swap3A_249], %select_n3A_247 {strides = array<i32>} : memref<128x128xf32, #tpu.memory_space<vmem>>, vector<16xf32>,
        %add3A_251 = arith.constant 112 : i32
        %add3A_252 = arith.addi %sub3A_141, %add3A_251 : i32
        %add3A_253 = vector.broadcast %add3A_252 : i32 to vector<16xi32>
        %add3A_254 = arith.addi %add3A_253, %iota3A : vector<16xi32>
        %gather3A_255 = tpu.vector_load_idx %arg4[%add3A_254] : memref<57024xf32, #tpu.memory_space<vmem>>[vector<16xi32>], vector<16xf32>,
        %add3A_256 = arith.constant 112 : i32
        %add3A_257 = vector.broadcast %add3A_256 : i32 to vector<16xi32>
        %add3A_258 = arith.addi %add3A_257, %iota3A : vector<16xi32>
        %ge3A_259 = vector.broadcast %add3A_112 : i32 to vector<16xi32>
        %ge3A_260 = arith.cmpi sge, %add3A_258, %ge3A_259 : vector<16xi32>
        %jit3A_261 = arith.constant 0.000000e+00 : f32
        %broadcast_in_dim3A_262 = vector.broadcast %jit3A_261 : f32 to vector<16xf32>
        %select_n3A_263 = arith.select %ge3A_260, %gather3A_255, %broadcast_in_dim3A_262 : vector<16xi1>, vector<16xf32>
        %swap3A_264 = arith.index_cast %scan3A_110 : i32 to index
        %swap3A_265 = arith.constant 112 : index
        %swap3A_266 = tpu.vector_load %arg5[%swap3A_264, %swap3A_265] {strides = array<i32>} : memref<128x128xf32, #tpu.memory_space<vmem>>, vector<16xf32>,
        tpu.vector_store %arg5[%swap3A_264, %swap3A_265], %select_n3A_263 {strides = array<i32>} : memref<128x128xf32, #tpu.memory_space<vmem>>, vector<16xf32>,
      }
      %scan3A_103 = arith.constant 128 : i32
      %scan3A_104 = arith.constant 0 : i32
      %scan3A_105 = arith.constant 0 : i32
      %scan3A_106 = arith.constant 128 : i32
      %scan3A_107 = arith.addi %scan3A_105, %scan3A_106 : i32
      %scan3A_108 = arith.constant 1 : i32
      scf.for %scan3A_110 = %scan3A_105 to %scan3A_107 step %scan3A_108  : i32 {
        %add3A_111 = arith.constant 0 : i32
        %add3A_112 = arith.addi %add3A_111, %scan3A_110 : i32
        %get3A = arith.index_cast %scan3A_110 : i32 to index
        %get3A_113 = arith.constant 0 : index
        %get3A_114 = tpu.vector_load %arg5[%get3A, %get3A_113] {strides = array<i32>} : memref<128x128xf32, #tpu.memory_space<vmem>>, vector<16xf32>,
        %add3A_115 = arith.constant 0 : i32
        %add3A_116 = vector.broadcast %add3A_115 : i32 to vector<16xi32>
        %add3A_117 = arith.addi %add3A_116, %iota3A : vector<16xi32>
        %add3A_118 = arith.constant 0 : i32
        %add3A_119 = vector.broadcast %add3A_118 : i32 to vector<16xi32>
        %add3A_120 = arith.addi %add3A_119, %iota3A : vector<16xi32>
        %broadcast_in_dim3A = vector.broadcast %scan3A_110 : i32 to vector<16xi32>
        %gt3A = vector.broadcast %add3A_112 : i32 to vector<16xi32>
        %gt3A_121 = arith.cmpi sgt, %add3A_117, %gt3A : vector<16xi32>
        tpu.vector_store_idx %arg5[%add3A_120, %broadcast_in_dim3A], %get3A_114 masked %gt3A_121 : memref<128x128xf32, #tpu.memory_space<vmem>>[vector<16xi32>, vector<16xi32>], vector<16xf32>, vector<16xi1>
        %get3A_122 = arith.index_cast %scan3A_110 : i32 to index
        %get3A_123 = arith.constant 16 : index
        %get3A_124 = tpu.vector_load %arg5[%get3A_122, %get3A_123] {strides = array<i32>} : memref<128x128xf32, #tpu.memory_space<vmem>>, vector<16xf32>,
        %add3A_125 = arith.constant 16 : i32
        %add3A_126 = vector.broadcast %add3A_125 : i32 to vector<16xi32>
        %add3A_127 = arith.addi %add3A_126, %iota3A : vector<16xi32>
        %add3A_128 = arith.constant 16 : i32
        %add3A_129 = vector.broadcast %add3A_128 : i32 to vector<16xi32>
        %add3A_130 = arith.addi %add3A_129, %iota3A : vector<16xi32>
        %broadcast_in_dim3A_131 = vector.broadcast %scan3A_110 : i32 to vector<16xi32>
        %gt3A_132 = vector.broadcast %add3A_112 : i32 to vector<16xi32>
        %gt3A_133 = arith.cmpi sgt, %add3A_127, %gt3A_132 : vector<16xi32>
        tpu.vector_store_idx %arg5[%add3A_130, %broadcast_in_dim3A_131], %get3A_124 masked %gt3A_133 : memref<128x128xf32, #tpu.memory_space<vmem>>[vector<16xi32>, vector<16xi32>], vector<16xf32>, vector<16xi1>
        %get3A_134 = arith.index_cast %scan3A_110 : i32 to index
        %get3A_135 = arith.constant 32 : index
        %get3A_136 = tpu.vector_load %arg5[%get3A_134, %get3A_135] {strides = array<i32>} : memref<128x128xf32, #tpu.memory_space<vmem>>, vector<16xf32>,
        %add3A_137 = arith.constant 32 : i32
        %add3A_138 = vector.broadcast %add3A_137 : i32 to vector<16xi32>
        %add3A_139 = arith.addi %add3A_138, %iota3A : vector<16xi32>
        %add3A_140 = arith.constant 32 : i32
        %add3A_141 = vector.broadcast %add3A_140 : i32 to vector<16xi32>
        %add3A_142 = arith.addi %add3A_141, %iota3A : vector<16xi32>
        %broadcast_in_dim3A_143 = vector.broadcast %scan3A_110 : i32 to vector<16xi32>
        %gt3A_144 = vector.broadcast %add3A_112 : i32 to vector<16xi32>
        %gt3A_145 = arith.cmpi sgt, %add3A_139, %gt3A_144 : vector<16xi32>
        tpu.vector_store_idx %arg5[%add3A_142, %broadcast_in_dim3A_143], %get3A_136 masked %gt3A_145 : memref<128x128xf32, #tpu.memory_space<vmem>>[vector<16xi32>, vector<16xi32>], vector<16xf32>, vector<16xi1>
        %get3A_146 = arith.index_cast %scan3A_110 : i32 to index
        %get3A_147 = arith.constant 48 : index
        %get3A_148 = tpu.vector_load %arg5[%get3A_146, %get3A_147] {strides = array<i32>} : memref<128x128xf32, #tpu.memory_space<vmem>>, vector<16xf32>,
        %add3A_149 = arith.constant 48 : i32
        %add3A_150 = vector.broadcast %add3A_149 : i32 to vector<16xi32>
        %add3A_151 = arith.addi %add3A_150, %iota3A : vector<16xi32>
        %add3A_152 = arith.constant 48 : i32
        %add3A_153 = vector.broadcast %add3A_152 : i32 to vector<16xi32>
        %add3A_154 = arith.addi %add3A_153, %iota3A : vector<16xi32>
        %broadcast_in_dim3A_155 = vector.broadcast %scan3A_110 : i32 to vector<16xi32>
        %gt3A_156 = vector.broadcast %add3A_112 : i32 to vector<16xi32>
        %gt3A_157 = arith.cmpi sgt, %add3A_151, %gt3A_156 : vector<16xi32>
        tpu.vector_store_idx %arg5[%add3A_154, %broadcast_in_dim3A_155], %get3A_148 masked %gt3A_157 : memref<128x128xf32, #tpu.memory_space<vmem>>[vector<16xi32>, vector<16xi32>], vector<16xf32>, vector<16xi1>
        %get3A_158 = arith.index_cast %scan3A_110 : i32 to index
        %get3A_159 = arith.constant 64 : index
        %get3A_160 = tpu.vector_load %arg5[%get3A_158, %get3A_159] {strides = array<i32>} : memref<128x128xf32, #tpu.memory_space<vmem>>, vector<16xf32>,
        %add3A_161 = arith.constant 64 : i32
        %add3A_162 = vector.broadcast %add3A_161 : i32 to vector<16xi32>
        %add3A_163 = arith.addi %add3A_162, %iota3A : vector<16xi32>
        %add3A_164 = arith.constant 64 : i32
        %add3A_165 = vector.broadcast %add3A_164 : i32 to vector<16xi32>
        %add3A_166 = arith.addi %add3A_165, %iota3A : vector<16xi32>
        %broadcast_in_dim3A_167 = vector.broadcast %scan3A_110 : i32 to vector<16xi32>
        %gt3A_168 = vector.broadcast %add3A_112 : i32 to vector<16xi32>
        %gt3A_169 = arith.cmpi sgt, %add3A_163, %gt3A_168 : vector<16xi32>
        tpu.vector_store_idx %arg5[%add3A_166, %broadcast_in_dim3A_167], %get3A_160 masked %gt3A_169 : memref<128x128xf32, #tpu.memory_space<vmem>>[vector<16xi32>, vector<16xi32>], vector<16xf32>, vector<16xi1>
        %get3A_170 = arith.index_cast %scan3A_110 : i32 to index
        %get3A_171 = arith.constant 80 : index
        %get3A_172 = tpu.vector_load %arg5[%get3A_170, %get3A_171] {strides = array<i32>} : memref<128x128xf32, #tpu.memory_space<vmem>>, vector<16xf32>,
        %add3A_173 = arith.constant 80 : i32
        %add3A_174 = vector.broadcast %add3A_173 : i32 to vector<16xi32>
        %add3A_175 = arith.addi %add3A_174, %iota3A : vector<16xi32>
        %add3A_176 = arith.constant 80 : i32
        %add3A_177 = vector.broadcast %add3A_176 : i32 to vector<16xi32>
        %add3A_178 = arith.addi %add3A_177, %iota3A : vector<16xi32>
        %broadcast_in_dim3A_179 = vector.broadcast %scan3A_110 : i32 to vector<16xi32>
        %gt3A_180 = vector.broadcast %add3A_112 : i32 to vector<16xi32>
        %gt3A_181 = arith.cmpi sgt, %add3A_175, %gt3A_180 : vector<16xi32>
        tpu.vector_store_idx %arg5[%add3A_178, %broadcast_in_dim3A_179], %get3A_172 masked %gt3A_181 : memref<128x128xf32, #tpu.memory_space<vmem>>[vector<16xi32>, vector<16xi32>], vector<16xf32>, vector<16xi1>
        %get3A_182 = arith.index_cast %scan3A_110 : i32 to index
        %get3A_183 = arith.constant 96 : index
        %get3A_184 = tpu.vector_load %arg5[%get3A_182, %get3A_183] {strides = array<i32>} : memref<128x128xf32, #tpu.memory_space<vmem>>, vector<16xf32>,
        %add3A_185 = arith.constant 96 : i32
        %add3A_186 = vector.broadcast %add3A_185 : i32 to vector<16xi32>
        %add3A_187 = arith.addi %add3A_186, %iota3A : vector<16xi32>
        %add3A_188 = arith.constant 96 : i32
        %add3A_189 = vector.broadcast %add3A_188 : i32 to vector<16xi32>
        %add3A_190 = arith.addi %add3A_189, %iota3A : vector<16xi32>
        %broadcast_in_dim3A_191 = vector.broadcast %scan3A_110 : i32 to vector<16xi32>
        %gt3A_192 = vector.broadcast %add3A_112 : i32 to vector<16xi32>
        %gt3A_193 = arith.cmpi sgt, %add3A_187, %gt3A_192 : vector<16xi32>
        tpu.vector_store_idx %arg5[%add3A_190, %broadcast_in_dim3A_191], %get3A_184 masked %gt3A_193 : memref<128x128xf32, #tpu.memory_space<vmem>>[vector<16xi32>, vector<16xi32>], vector<16xf32>, vector<16xi1>
        %get3A_194 = arith.index_cast %scan3A_110 : i32 to index
        %get3A_195 = arith.constant 112 : index
        %get3A_196 = tpu.vector_load %arg5[%get3A_194, %get3A_195] {strides = array<i32>} : memref<128x128xf32, #tpu.memory_space<vmem>>, vector<16xf32>,
        %add3A_197 = arith.constant 112 : i32
        %add3A_198 = vector.broadcast %add3A_197 : i32 to vector<16xi32>
        %add3A_199 = arith.addi %add3A_198, %iota3A : vector<16xi32>
        %add3A_200 = arith.constant 112 : i32
        %add3A_201 = vector.broadcast %add3A_200 : i32 to vector<16xi32>
        %add3A_202 = arith.addi %add3A_201, %iota3A : vector<16xi32>
        %broadcast_in_dim3A_203 = vector.broadcast %scan3A_110 : i32 to vector<16xi32>
        %gt3A_204 = vector.broadcast %add3A_112 : i32 to vector<16xi32>
        %gt3A_205 = arith.cmpi sgt, %add3A_199, %gt3A_204 : vector<16xi32>
        tpu.vector_store_idx %arg5[%add3A_202, %broadcast_in_dim3A_203], %get3A_196 masked %gt3A_205 : memref<128x128xf32, #tpu.memory_space<vmem>>[vector<16xi32>, vector<16xi32>], vector<16xf32>, vector<16xi1>
      }
      %scan3A_109 = arith.constant 128 : i32
      "tpu.region"() ({
        %run_scoped3A = tpu.sem_alloc : memref<!tpu.dma_semaphore, #tpu.memory_space<semaphore_mem>>
        %dma_start3A = arith.constant 0 : i32
        %dma_start3A_110 = arith.constant 0 : i32
        %dma_start3A_111 = tpu.memref_slice %arg3[%sub3A_1, %dma_start3A, %dma_start3A_110] : memref<16x512x512xf32, #tpu.memory_space<hbm>> -> memref<1x128x128xf32, #tpu.memory_space<hbm>>
        %dma_start3A_112 = tpu.memref_squeeze %dma_start3A_111 : memref<1x128x128xf32, #tpu.memory_space<hbm>> -> memref<128x128xf32, #tpu.memory_space<hbm>>
        %dma_start3A_113 = arith.constant 0 : i32
        %dma_start3A_114 = arith.constant 0 : i32
        %dma_start3A_115 = tpu.memref_slice %arg3[%sub3A_1, %dma_start3A_113, %dma_start3A_114] : memref<16x512x512xf32, #tpu.memory_space<hbm>> -> memref<1x128x128xf32, #tpu.memory_space<hbm>>
        %dma_start3A_116 = tpu.memref_squeeze %dma_start3A_115 : memref<1x128x128xf32, #tpu.memory_space<hbm>> -> memref<128x128xf32, #tpu.memory_space<hbm>>
        tpu.enqueue_dma source(%arg5 : memref<128x128xf32, #tpu.memory_space<vmem>>) target(%dma_start3A_116 : memref<128x128xf32, #tpu.memory_space<hbm>>) target_semaphore(%run_scoped3A : memref<!tpu.dma_semaphore, #tpu.memory_space<semaphore_mem>>)
        %dma_wait3A = arith.constant 0 : i32
        %dma_wait3A_117 = arith.constant 0 : i32
        %dma_wait3A_118 = tpu.memref_slice %arg3[%sub3A_1, %dma_wait3A, %dma_wait3A_117] : memref<16x512x512xf32, #tpu.memory_space<hbm>> -> memref<1x128x128xf32, #tpu.memory_space<hbm>>
        %dma_wait3A_119 = tpu.memref_squeeze %dma_wait3A_118 : memref<1x128x128xf32, #tpu.memory_space<hbm>> -> memref<128x128xf32, #tpu.memory_space<hbm>>
        %dma_wait3A_120 = arith.constant 0 : i32
        %dma_wait3A_121 = arith.constant 0 : i32
        %dma_wait3A_122 = tpu.memref_slice %arg3[%sub3A_1, %dma_wait3A_120, %dma_wait3A_121] : memref<16x512x512xf32, #tpu.memory_space<hbm>> -> memref<1x128x128xf32, #tpu.memory_space<hbm>>
        %dma_wait3A_123 = tpu.memref_squeeze %dma_wait3A_122 : memref<1x128x128xf32, #tpu.memory_space<hbm>> -> memref<128x128xf32, #tpu.memory_space<hbm>>
        tpu.wait_dma2 semaphore(%run_scoped3A : memref<!tpu.dma_semaphore, #tpu.memory_space<semaphore_mem>>) src(%arg5 : memref<128x128xf32, #tpu.memory_space<vmem>>) dst(%dma_wait3A_123 : memref<128x128xf32, #tpu.memory_space<hbm>>)
        tpu.yield
      }) : () -> ()
    } else {
    }
    %sub3A_5 = arith.constant 16 : i32
    %sub3A_6 = arith.subi %add3A, %sub3A_5 : i32
    %ge3A_7 = arith.constant 0 : i32
    %ge3A_8 = arith.cmpi sge, %sub3A_6, %ge3A_7 : i32
    %lt3A_9 = arith.constant 16 : i32
    %lt3A_10 = arith.cmpi slt, %sub3A_6, %lt3A_9 : i32
    %and3A_11 = arith.andi %ge3A_8, %lt3A_10 : i1
    %convert_element_type3A_12 = arith.extui %and3A_11 : i1 to i32
    %cond3A_13 = arith.constant 0 : i32
    %cond3A_14 = arith.cmpi ne, %convert_element_type3A_12, %cond3A_13 : i32
    scf.if %cond3A_14 {
      %mul3A_95 = arith.constant 131328 : i32
      %mul3A_96 = arith.muli %sub3A_6, %mul3A_95 : i32
      %add3A_97 = arith.constant 128 : i32
      %add3A_98 = arith.addi %mul3A_96, %add3A_97 : i32
      %multiple_of3A = tpu.assume_multiple %add3A_98, 8 : i32
      "tpu.region"() ({
        %run_scoped3A = tpu.sem_alloc : memref<!tpu.dma_semaphore, #tpu.memory_space<semaphore_mem>>
        %dma_start3A = arith.constant 0 : i32
        %dma_start3A_104 = tpu.memref_slice %arg4[%dma_start3A] : memref<57024xf32, #tpu.memory_space<vmem>> -> memref<57024xf32, #tpu.memory_space<vmem>>
        %dma_start3A_105 = tpu.memref_slice %arg2[%multiple_of3A] : memref<2101248xf32, #tpu.memory_space<hbm>> -> memref<57024xf32, #tpu.memory_space<hbm>>
        %dma_start3A_106 = arith.constant 0 : i32
        %dma_start3A_107 = tpu.memref_slice %arg4[%dma_start3A_106] : memref<57024xf32, #tpu.memory_space<vmem>> -> memref<57024xf32, #tpu.memory_space<vmem>>
        %dma_start3A_108 = tpu.memref_slice %arg2[%multiple_of3A] : memref<2101248xf32, #tpu.memory_space<hbm>> -> memref<57024xf32, #tpu.memory_space<hbm>>
        tpu.enqueue_dma source(%dma_start3A_108 : memref<57024xf32, #tpu.memory_space<hbm>>) target(%dma_start3A_107 : memref<57024xf32, #tpu.memory_space<vmem>>) target_semaphore(%run_scoped3A : memref<!tpu.dma_semaphore, #tpu.memory_space<semaphore_mem>>)
        %dma_wait3A = arith.constant 0 : i32
        %dma_wait3A_109 = tpu.memref_slice %arg4[%dma_wait3A] : memref<57024xf32, #tpu.memory_space<vmem>> -> memref<57024xf32, #tpu.memory_space<vmem>>
        %dma_wait3A_110 = tpu.memref_slice %arg2[%multiple_of3A] : memref<2101248xf32, #tpu.memory_space<hbm>> -> memref<57024xf32, #tpu.memory_space<hbm>>
        %dma_wait3A_111 = arith.constant 0 : i32
        %dma_wait3A_112 = tpu.memref_slice %arg4[%dma_wait3A_111] : memref<57024xf32, #tpu.memory_space<vmem>> -> memref<57024xf32, #tpu.memory_space<vmem>>
        %dma_wait3A_113 = tpu.memref_slice %arg2[%multiple_of3A] : memref<2101248xf32, #tpu.memory_space<hbm>> -> memref<57024xf32, #tpu.memory_space<hbm>>
        tpu.wait_dma2 semaphore(%run_scoped3A : memref<!tpu.dma_semaphore, #tpu.memory_space<semaphore_mem>>) src(%dma_wait3A_113 : memref<57024xf32, #tpu.memory_space<hbm>>) dst(%dma_wait3A_112 : memref<57024xf32, #tpu.memory_space<vmem>>)
        tpu.yield
      }) : () -> ()
      %scan3A = arith.constant 0 : i32
      %scan3A_99 = arith.constant 0 : i32
      %scan3A_100 = arith.constant 128 : i32
      %scan3A_101 = arith.addi %scan3A_99, %scan3A_100 : i32
      %scan3A_102 = arith.constant 1 : i32
      scf.for %scan3A_104 = %scan3A_99 to %scan3A_101 step %scan3A_102  : i32 {
        %add3A_105 = arith.constant 0 : i32
        %add3A_106 = arith.addi %add3A_105, %scan3A_104 : i32
        %mul3A_107 = arith.constant 512 : i32
        %mul3A_108 = arith.muli %add3A_106, %mul3A_107 : i32
        %sub3A_109 = arith.constant 1 : i32
        %sub3A_110 = arith.subi %add3A_106, %sub3A_109 : i32
        %mul3A_111 = arith.muli %add3A_106, %sub3A_110 : i32
        %jit3A = arith.constant 2 : i32
        %div3A = arith.divsi %mul3A_111, %jit3A : i32
        %sign3A = arith.constant 0 : i32
        %sign3A_112 = arith.cmpi sgt, %mul3A_111, %sign3A : i32
        %sign3A_113 = arith.extui %sign3A_112 : i1 to i32
        %sign3A_114 = arith.constant 0 : i32
        %sign3A_115 = arith.cmpi slt, %mul3A_111, %sign3A_114 : i32
        %sign3A_116 = arith.extui %sign3A_115 : i1 to i32
        %sign3A_117 = arith.subi %sign3A_113, %sign3A_116 : i32
        %sign3A_118 = arith.constant 0 : i32
        %sign3A_119 = arith.cmpi sgt, %jit3A, %sign3A_118 : i32
        %sign3A_120 = arith.extui %sign3A_119 : i1 to i32
        %sign3A_121 = arith.constant 0 : i32
        %sign3A_122 = arith.cmpi slt, %jit3A, %sign3A_121 : i32
        %sign3A_123 = arith.extui %sign3A_122 : i1 to i32
        %sign3A_124 = arith.subi %sign3A_120, %sign3A_123 : i32
        %ne3A = arith.cmpi ne, %sign3A_117, %sign3A_124 : i32
        %rem3A = arith.remsi %mul3A_111, %jit3A : i32
        %ne3A_125 = arith.constant 0 : i32
        %ne3A_126 = arith.cmpi ne, %rem3A, %ne3A_125 : i32
        %and3A_127 = arith.andi %ne3A, %ne3A_126 : i1
        %sub3A_128 = arith.constant 1 : i32
        %sub3A_129 = arith.subi %div3A, %sub3A_128 : i32
        %select_n3A = arith.select %and3A_127, %sub3A_129, %div3A : i32
        %sub3A_130 = arith.subi %mul3A_108, %select_n3A : i32
        %add3A_131 = arith.constant 128 : i32
        %add3A_132 = arith.addi %sub3A_130, %add3A_131 : i32
        %sub3A_133 = arith.subi %add3A_132, %add3A_106 : i32
        %sub3A_134 = arith.constant 128 : i32
        %sub3A_135 = arith.subi %sub3A_133, %sub3A_134 : i32
        %add3A_136 = arith.constant 0 : i32
        %add3A_137 = arith.addi %sub3A_135, %add3A_136 : i32
        %add3A_138 = vector.broadcast %add3A_137 : i32 to vector<16xi32>
        %add3A_139 = arith.addi %add3A_138, %iota3A : vector<16xi32>
        %gather3A = tpu.vector_load_idx %arg4[%add3A_139] : memref<57024xf32, #tpu.memory_space<vmem>>[vector<16xi32>], vector<16xf32>,
        %swap3A = arith.index_cast %scan3A_104 : i32 to index
        %swap3A_140 = arith.constant 0 : index
        %swap3A_141 = tpu.vector_load %arg5[%swap3A, %swap3A_140] {strides = array<i32>} : memref<128x128xf32, #tpu.memory_space<vmem>>, vector<16xf32>,
        tpu.vector_store %arg5[%swap3A, %swap3A_140], %gather3A {strides = array<i32>} : memref<128x128xf32, #tpu.memory_space<vmem>>, vector<16xf32>,
        %add3A_142 = arith.constant 0 : i32
        %add3A_143 = vector.broadcast %add3A_142 : i32 to vector<16xi32>
        %add3A_144 = arith.addi %add3A_143, %iota3A : vector<16xi32>
        %broadcast_in_dim3A = vector.broadcast %scan3A_104 : i32 to vector<16xi32>
        tpu.vector_store_idx %arg6[%add3A_144, %broadcast_in_dim3A], %gather3A : memref<128x128xf32, #tpu.memory_space<vmem>>[vector<16xi32>, vector<16xi32>], vector<16xf32>,
        %add3A_145 = arith.constant 16 : i32
        %add3A_146 = arith.addi %sub3A_135, %add3A_145 : i32
        %add3A_147 = vector.broadcast %add3A_146 : i32 to vector<16xi32>
        %add3A_148 = arith.addi %add3A_147, %iota3A : vector<16xi32>
        %gather3A_149 = tpu.vector_load_idx %arg4[%add3A_148] : memref<57024xf32, #tpu.memory_space<vmem>>[vector<16xi32>], vector<16xf32>,
        %swap3A_150 = arith.index_cast %scan3A_104 : i32 to index
        %swap3A_151 = arith.constant 16 : index
        %swap3A_152 = tpu.vector_load %arg5[%swap3A_150, %swap3A_151] {strides = array<i32>} : memref<128x128xf32, #tpu.memory_space<vmem>>, vector<16xf32>,
        tpu.vector_store %arg5[%swap3A_150, %swap3A_151], %gather3A_149 {strides = array<i32>} : memref<128x128xf32, #tpu.memory_space<vmem>>, vector<16xf32>,
        %add3A_153 = arith.constant 16 : i32
        %add3A_154 = vector.broadcast %add3A_153 : i32 to vector<16xi32>
        %add3A_155 = arith.addi %add3A_154, %iota3A : vector<16xi32>
        %broadcast_in_dim3A_156 = vector.broadcast %scan3A_104 : i32 to vector<16xi32>
        tpu.vector_store_idx %arg6[%add3A_155, %broadcast_in_dim3A_156], %gather3A_149 : memref<128x128xf32, #tpu.memory_space<vmem>>[vector<16xi32>, vector<16xi32>], vector<16xf32>,
        %add3A_157 = arith.constant 32 : i32
        %add3A_158 = arith.addi %sub3A_135, %add3A_157 : i32
        %add3A_159 = vector.broadcast %add3A_158 : i32 to vector<16xi32>
        %add3A_160 = arith.addi %add3A_159, %iota3A : vector<16xi32>
        %gather3A_161 = tpu.vector_load_idx %arg4[%add3A_160] : memref<57024xf32, #tpu.memory_space<vmem>>[vector<16xi32>], vector<16xf32>,
        %swap3A_162 = arith.index_cast %scan3A_104 : i32 to index
        %swap3A_163 = arith.constant 32 : index
        %swap3A_164 = tpu.vector_load %arg5[%swap3A_162, %swap3A_163] {strides = array<i32>} : memref<128x128xf32, #tpu.memory_space<vmem>>, vector<16xf32>,
        tpu.vector_store %arg5[%swap3A_162, %swap3A_163], %gather3A_161 {strides = array<i32>} : memref<128x128xf32, #tpu.memory_space<vmem>>, vector<16xf32>,
        %add3A_165 = arith.constant 32 : i32
        %add3A_166 = vector.broadcast %add3A_165 : i32 to vector<16xi32>
        %add3A_167 = arith.addi %add3A_166, %iota3A : vector<16xi32>
        %broadcast_in_dim3A_168 = vector.broadcast %scan3A_104 : i32 to vector<16xi32>
        tpu.vector_store_idx %arg6[%add3A_167, %broadcast_in_dim3A_168], %gather3A_161 : memref<128x128xf32, #tpu.memory_space<vmem>>[vector<16xi32>, vector<16xi32>], vector<16xf32>,
        %add3A_169 = arith.constant 48 : i32
        %add3A_170 = arith.addi %sub3A_135, %add3A_169 : i32
        %add3A_171 = vector.broadcast %add3A_170 : i32 to vector<16xi32>
        %add3A_172 = arith.addi %add3A_171, %iota3A : vector<16xi32>
        %gather3A_173 = tpu.vector_load_idx %arg4[%add3A_172] : memref<57024xf32, #tpu.memory_space<vmem>>[vector<16xi32>], vector<16xf32>,
        %swap3A_174 = arith.index_cast %scan3A_104 : i32 to index
        %swap3A_175 = arith.constant 48 : index
        %swap3A_176 = tpu.vector_load %arg5[%swap3A_174, %swap3A_175] {strides = array<i32>} : memref<128x128xf32, #tpu.memory_space<vmem>>, vector<16xf32>,
        tpu.vector_store %arg5[%swap3A_174, %swap3A_175], %gather3A_173 {strides = array<i32>} : memref<128x128xf32, #tpu.memory_space<vmem>>, vector<16xf32>,
        %add3A_177 = arith.constant 48 : i32
        %add3A_178 = vector.broadcast %add3A_177 : i32 to vector<16xi32>
        %add3A_179 = arith.addi %add3A_178, %iota3A : vector<16xi32>
        %broadcast_in_dim3A_180 = vector.broadcast %scan3A_104 : i32 to vector<16xi32>
        tpu.vector_store_idx %arg6[%add3A_179, %broadcast_in_dim3A_180], %gather3A_173 : memref<128x128xf32, #tpu.memory_space<vmem>>[vector<16xi32>, vector<16xi32>], vector<16xf32>,
        %add3A_181 = arith.constant 64 : i32
        %add3A_182 = arith.addi %sub3A_135, %add3A_181 : i32
        %add3A_183 = vector.broadcast %add3A_182 : i32 to vector<16xi32>
        %add3A_184 = arith.addi %add3A_183, %iota3A : vector<16xi32>
        %gather3A_185 = tpu.vector_load_idx %arg4[%add3A_184] : memref<57024xf32, #tpu.memory_space<vmem>>[vector<16xi32>], vector<16xf32>,
        %swap3A_186 = arith.index_cast %scan3A_104 : i32 to index
        %swap3A_187 = arith.constant 64 : index
        %swap3A_188 = tpu.vector_load %arg5[%swap3A_186, %swap3A_187] {strides = array<i32>} : memref<128x128xf32, #tpu.memory_space<vmem>>, vector<16xf32>,
        tpu.vector_store %arg5[%swap3A_186, %swap3A_187], %gather3A_185 {strides = array<i32>} : memref<128x128xf32, #tpu.memory_space<vmem>>, vector<16xf32>,
        %add3A_189 = arith.constant 64 : i32
        %add3A_190 = vector.broadcast %add3A_189 : i32 to vector<16xi32>
        %add3A_191 = arith.addi %add3A_190, %iota3A : vector<16xi32>
        %broadcast_in_dim3A_192 = vector.broadcast %scan3A_104 : i32 to vector<16xi32>
        tpu.vector_store_idx %arg6[%add3A_191, %broadcast_in_dim3A_192], %gather3A_185 : memref<128x128xf32, #tpu.memory_space<vmem>>[vector<16xi32>, vector<16xi32>], vector<16xf32>,
        %add3A_193 = arith.constant 80 : i32
        %add3A_194 = arith.addi %sub3A_135, %add3A_193 : i32
        %add3A_195 = vector.broadcast %add3A_194 : i32 to vector<16xi32>
        %add3A_196 = arith.addi %add3A_195, %iota3A : vector<16xi32>
        %gather3A_197 = tpu.vector_load_idx %arg4[%add3A_196] : memref<57024xf32, #tpu.memory_space<vmem>>[vector<16xi32>], vector<16xf32>,
        %swap3A_198 = arith.index_cast %scan3A_104 : i32 to index
        %swap3A_199 = arith.constant 80 : index
        %swap3A_200 = tpu.vector_load %arg5[%swap3A_198, %swap3A_199] {strides = array<i32>} : memref<128x128xf32, #tpu.memory_space<vmem>>, vector<16xf32>,
        tpu.vector_store %arg5[%swap3A_198, %swap3A_199], %gather3A_197 {strides = array<i32>} : memref<128x128xf32, #tpu.memory_space<vmem>>, vector<16xf32>,
        %add3A_201 = arith.constant 80 : i32
        %add3A_202 = vector.broadcast %add3A_201 : i32 to vector<16xi32>
        %add3A_203 = arith.addi %add3A_202, %iota3A : vector<16xi32>
        %broadcast_in_dim3A_204 = vector.broadcast %scan3A_104 : i32 to vector<16xi32>
        tpu.vector_store_idx %arg6[%add3A_203, %broadcast_in_dim3A_204], %gather3A_197 : memref<128x128xf32, #tpu.memory_space<vmem>>[vector<16xi32>, vector<16xi32>], vector<16xf32>,
        %add3A_205 = arith.constant 96 : i32
        %add3A_206 = arith.addi %sub3A_135, %add3A_205 : i32
        %add3A_207 = vector.broadcast %add3A_206 : i32 to vector<16xi32>
        %add3A_208 = arith.addi %add3A_207, %iota3A : vector<16xi32>
        %gather3A_209 = tpu.vector_load_idx %arg4[%add3A_208] : memref<57024xf32, #tpu.memory_space<vmem>>[vector<16xi32>], vector<16xf32>,
        %swap3A_210 = arith.index_cast %scan3A_104 : i32 to index
        %swap3A_211 = arith.constant 96 : index
        %swap3A_212 = tpu.vector_load %arg5[%swap3A_210, %swap3A_211] {strides = array<i32>} : memref<128x128xf32, #tpu.memory_space<vmem>>, vector<16xf32>,
        tpu.vector_store %arg5[%swap3A_210, %swap3A_211], %gather3A_209 {strides = array<i32>} : memref<128x128xf32, #tpu.memory_space<vmem>>, vector<16xf32>,
        %add3A_213 = arith.constant 96 : i32
        %add3A_214 = vector.broadcast %add3A_213 : i32 to vector<16xi32>
        %add3A_215 = arith.addi %add3A_214, %iota3A : vector<16xi32>
        %broadcast_in_dim3A_216 = vector.broadcast %scan3A_104 : i32 to vector<16xi32>
        tpu.vector_store_idx %arg6[%add3A_215, %broadcast_in_dim3A_216], %gather3A_209 : memref<128x128xf32, #tpu.memory_space<vmem>>[vector<16xi32>, vector<16xi32>], vector<16xf32>,
        %add3A_217 = arith.constant 112 : i32
        %add3A_218 = arith.addi %sub3A_135, %add3A_217 : i32
        %add3A_219 = vector.broadcast %add3A_218 : i32 to vector<16xi32>
        %add3A_220 = arith.addi %add3A_219, %iota3A : vector<16xi32>
        %gather3A_221 = tpu.vector_load_idx %arg4[%add3A_220] : memref<57024xf32, #tpu.memory_space<vmem>>[vector<16xi32>], vector<16xf32>,
        %swap3A_222 = arith.index_cast %scan3A_104 : i32 to index
        %swap3A_223 = arith.constant 112 : index
        %swap3A_224 = tpu.vector_load %arg5[%swap3A_222, %swap3A_223] {strides = array<i32>} : memref<128x128xf32, #tpu.memory_space<vmem>>, vector<16xf32>,
        tpu.vector_store %arg5[%swap3A_222, %swap3A_223], %gather3A_221 {strides = array<i32>} : memref<128x128xf32, #tpu.memory_space<vmem>>, vector<16xf32>,
        %add3A_225 = arith.constant 112 : i32
        %add3A_226 = vector.broadcast %add3A_225 : i32 to vector<16xi32>
        %add3A_227 = arith.addi %add3A_226, %iota3A : vector<16xi32>
        %broadcast_in_dim3A_228 = vector.broadcast %scan3A_104 : i32 to vector<16xi32>
        tpu.vector_store_idx %arg6[%add3A_227, %broadcast_in_dim3A_228], %gather3A_221 : memref<128x128xf32, #tpu.memory_space<vmem>>[vector<16xi32>, vector<16xi32>], vector<16xf32>,
      }
      %scan3A_103 = arith.constant 128 : i32
      "tpu.region"() ({
        %run_scoped3A = tpu.sem_alloc : memref<!tpu.dma_semaphore, #tpu.memory_space<semaphore_mem>>
        %dma_start3A = arith.constant 0 : i32
        %dma_start3A_104 = arith.constant 128 : i32
        %dma_start3A_105 = tpu.memref_slice %arg3[%sub3A_6, %dma_start3A, %dma_start3A_104] : memref<16x512x512xf32, #tpu.memory_space<hbm>> -> memref<1x128x128xf32, #tpu.memory_space<hbm>>
        %dma_start3A_106 = tpu.memref_squeeze %dma_start3A_105 : memref<1x128x128xf32, #tpu.memory_space<hbm>> -> memref<128x128xf32, #tpu.memory_space<hbm>>
        %dma_start3A_107 = arith.constant 0 : i32
        %dma_start3A_108 = arith.constant 128 : i32
        %dma_start3A_109 = tpu.memref_slice %arg3[%sub3A_6, %dma_start3A_107, %dma_start3A_108] : memref<16x512x512xf32, #tpu.memory_space<hbm>> -> memref<1x128x128xf32, #tpu.memory_space<hbm>>
        %dma_start3A_110 = tpu.memref_squeeze %dma_start3A_109 : memref<1x128x128xf32, #tpu.memory_space<hbm>> -> memref<128x128xf32, #tpu.memory_space<hbm>>
        tpu.enqueue_dma source(%arg5 : memref<128x128xf32, #tpu.memory_space<vmem>>) target(%dma_start3A_110 : memref<128x128xf32, #tpu.memory_space<hbm>>) target_semaphore(%run_scoped3A : memref<!tpu.dma_semaphore, #tpu.memory_space<semaphore_mem>>)
        %dma_wait3A = arith.constant 0 : i32
        %dma_wait3A_111 = arith.constant 128 : i32
        %dma_wait3A_112 = tpu.memref_slice %arg3[%sub3A_6, %dma_wait3A, %dma_wait3A_111] : memref<16x512x512xf32, #tpu.memory_space<hbm>> -> memref<1x128x128xf32, #tpu.memory_space<hbm>>
        %dma_wait3A_113 = tpu.memref_squeeze %dma_wait3A_112 : memref<1x128x128xf32, #tpu.memory_space<hbm>> -> memref<128x128xf32, #tpu.memory_space<hbm>>
        %dma_wait3A_114 = arith.constant 0 : i32
        %dma_wait3A_115 = arith.constant 128 : i32
        %dma_wait3A_116 = tpu.memref_slice %arg3[%sub3A_6, %dma_wait3A_114, %dma_wait3A_115] : memref<16x512x512xf32, #tpu.memory_space<hbm>> -> memref<1x128x128xf32, #tpu.memory_space<hbm>>
        %dma_wait3A_117 = tpu.memref_squeeze %dma_wait3A_116 : memref<1x128x128xf32, #tpu.memory_space<hbm>> -> memref<128x128xf32, #tpu.memory_space<hbm>>
        tpu.wait_dma2 semaphore(%run_scoped3A : memref<!tpu.dma_semaphore, #tpu.memory_space<semaphore_mem>>) src(%arg5 : memref<128x128xf32, #tpu.memory_space<vmem>>) dst(%dma_wait3A_117 : memref<128x128xf32, #tpu.memory_space<hbm>>)
        tpu.yield
      }) : () -> ()
      "tpu.region"() ({
        %run_scoped3A = tpu.sem_alloc : memref<!tpu.dma_semaphore, #tpu.memory_space<semaphore_mem>>
        %dma_start3A = arith.constant 128 : i32
        %dma_start3A_104 = arith.constant 0 : i32
        %dma_start3A_105 = tpu.memref_slice %arg3[%sub3A_6, %dma_start3A, %dma_start3A_104] : memref<16x512x512xf32, #tpu.memory_space<hbm>> -> memref<1x128x128xf32, #tpu.memory_space<hbm>>
        %dma_start3A_106 = tpu.memref_squeeze %dma_start3A_105 : memref<1x128x128xf32, #tpu.memory_space<hbm>> -> memref<128x128xf32, #tpu.memory_space<hbm>>
        %dma_start3A_107 = arith.constant 128 : i32
        %dma_start3A_108 = arith.constant 0 : i32
        %dma_start3A_109 = tpu.memref_slice %arg3[%sub3A_6, %dma_start3A_107, %dma_start3A_108] : memref<16x512x512xf32, #tpu.memory_space<hbm>> -> memref<1x128x128xf32, #tpu.memory_space<hbm>>
        %dma_start3A_110 = tpu.memref_squeeze %dma_start3A_109 : memref<1x128x128xf32, #tpu.memory_space<hbm>> -> memref<128x128xf32, #tpu.memory_space<hbm>>
        tpu.enqueue_dma source(%arg6 : memref<128x128xf32, #tpu.memory_space<vmem>>) target(%dma_start3A_110 : memref<128x128xf32, #tpu.memory_space<hbm>>) target_semaphore(%run_scoped3A : memref<!tpu.dma_semaphore, #tpu.memory_space<semaphore_mem>>)
        %dma_wait3A = arith.constant 128 : i32
        %dma_wait3A_111 = arith.constant 0 : i32
        %dma_wait3A_112 = tpu.memref_slice %arg3[%sub3A_6, %dma_wait3A, %dma_wait3A_111] : memref<16x512x512xf32, #tpu.memory_space<hbm>> -> memref<1x128x128xf32, #tpu.memory_space<hbm>>
        %dma_wait3A_113 = tpu.memref_squeeze %dma_wait3A_112 : memref<1x128x128xf32, #tpu.memory_space<hbm>> -> memref<128x128xf32, #tpu.memory_space<hbm>>
        %dma_wait3A_114 = arith.constant 128 : i32
        %dma_wait3A_115 = arith.constant 0 : i32
        %dma_wait3A_116 = tpu.memref_slice %arg3[%sub3A_6, %dma_wait3A_114, %dma_wait3A_115] : memref<16x512x512xf32, #tpu.memory_space<hbm>> -> memref<1x128x128xf32, #tpu.memory_space<hbm>>
        %dma_wait3A_117 = tpu.memref_squeeze %dma_wait3A_116 : memref<1x128x128xf32, #tpu.memory_space<hbm>> -> memref<128x128xf32, #tpu.memory_space<hbm>>
        tpu.wait_dma2 semaphore(%run_scoped3A : memref<!tpu.dma_semaphore, #tpu.memory_space<semaphore_mem>>) src(%arg6 : memref<128x128xf32, #tpu.memory_space<vmem>>) dst(%dma_wait3A_117 : memref<128x128xf32, #tpu.memory_space<hbm>>)
        tpu.yield
      }) : () -> ()
    } else {
    }
    %sub3A_15 = arith.constant 0 : i32
    %sub3A_16 = arith.subi %add3A, %sub3A_15 : i32
    %ge3A_17 = arith.constant 0 : i32
    %ge3A_18 = arith.cmpi sge, %sub3A_16, %ge3A_17 : i32
    %lt3A_19 = arith.constant 16 : i32
    %lt3A_20 = arith.cmpi slt, %sub3A_16, %lt3A_19 : i32
    %and3A_21 = arith.andi %ge3A_18, %lt3A_20 : i1
    %convert_element_type3A_22 = arith.extui %and3A_21 : i1 to i32
    %cond3A_23 = arith.constant 0 : i32
    %cond3A_24 = arith.cmpi ne, %convert_element_type3A_22, %cond3A_23 : i32
    scf.if %cond3A_24 {
      %mul3A_95 = arith.constant 131328 : i32
      %mul3A_96 = arith.muli %sub3A_16, %mul3A_95 : i32
      %add3A_97 = arith.constant 256 : i32
      %add3A_98 = arith.addi %mul3A_96, %add3A_97 : i32
      %multiple_of3A = tpu.assume_multiple %add3A_98, 8 : i32
      "tpu.region"() ({
        %run_scoped3A = tpu.sem_alloc : memref<!tpu.dma_semaphore, #tpu.memory_space<semaphore_mem>>
        %dma_start3A = arith.constant 0 : i32
        %dma_start3A_104 = tpu.memref_slice %arg4[%dma_start3A] : memref<57024xf32, #tpu.memory_space<vmem>> -> memref<57024xf32, #tpu.memory_space<vmem>>
        %dma_start3A_105 = tpu.memref_slice %arg2[%multiple_of3A] : memref<2101248xf32, #tpu.memory_space<hbm>> -> memref<57024xf32, #tpu.memory_space<hbm>>
        %dma_start3A_106 = arith.constant 0 : i32
        %dma_start3A_107 = tpu.memref_slice %arg4[%dma_start3A_106] : memref<57024xf32, #tpu.memory_space<vmem>> -> memref<57024xf32, #tpu.memory_space<vmem>>
        %dma_start3A_108 = tpu.memref_slice %arg2[%multiple_of3A] : memref<2101248xf32, #tpu.memory_space<hbm>> -> memref<57024xf32, #tpu.memory_space<hbm>>
        tpu.enqueue_dma source(%dma_start3A_108 : memref<57024xf32, #tpu.memory_space<hbm>>) target(%dma_start3A_107 : memref<57024xf32, #tpu.memory_space<vmem>>) target_semaphore(%run_scoped3A : memref<!tpu.dma_semaphore, #tpu.memory_space<semaphore_mem>>)
        %dma_wait3A = arith.constant 0 : i32
        %dma_wait3A_109 = tpu.memref_slice %arg4[%dma_wait3A] : memref<57024xf32, #tpu.memory_space<vmem>> -> memref<57024xf32, #tpu.memory_space<vmem>>
        %dma_wait3A_110 = tpu.memref_slice %arg2[%multiple_of3A] : memref<2101248xf32, #tpu.memory_space<hbm>> -> memref<57024xf32, #tpu.memory_space<hbm>>
        %dma_wait3A_111 = arith.constant 0 : i32
        %dma_wait3A_112 = tpu.memref_slice %arg4[%dma_wait3A_111] : memref<57024xf32, #tpu.memory_space<vmem>> -> memref<57024xf32, #tpu.memory_space<vmem>>
        %dma_wait3A_113 = tpu.memref_slice %arg2[%multiple_of3A] : memref<2101248xf32, #tpu.memory_space<hbm>> -> memref<57024xf32, #tpu.memory_space<hbm>>
        tpu.wait_dma2 semaphore(%run_scoped3A : memref<!tpu.dma_semaphore, #tpu.memory_space<semaphore_mem>>) src(%dma_wait3A_113 : memref<57024xf32, #tpu.memory_space<hbm>>) dst(%dma_wait3A_112 : memref<57024xf32, #tpu.memory_space<vmem>>)
        tpu.yield
      }) : () -> ()
      %scan3A = arith.constant 0 : i32
      %scan3A_99 = arith.constant 0 : i32
      %scan3A_100 = arith.constant 128 : i32
      %scan3A_101 = arith.addi %scan3A_99, %scan3A_100 : i32
      %scan3A_102 = arith.constant 1 : i32
      scf.for %scan3A_104 = %scan3A_99 to %scan3A_101 step %scan3A_102  : i32 {
        %add3A_105 = arith.constant 0 : i32
        %add3A_106 = arith.addi %add3A_105, %scan3A_104 : i32
        %mul3A_107 = arith.constant 512 : i32
        %mul3A_108 = arith.muli %add3A_106, %mul3A_107 : i32
        %sub3A_109 = arith.constant 1 : i32
        %sub3A_110 = arith.subi %add3A_106, %sub3A_109 : i32
        %mul3A_111 = arith.muli %add3A_106, %sub3A_110 : i32
        %jit3A = arith.constant 2 : i32
        %div3A = arith.divsi %mul3A_111, %jit3A : i32
        %sign3A = arith.constant 0 : i32
        %sign3A_112 = arith.cmpi sgt, %mul3A_111, %sign3A : i32
        %sign3A_113 = arith.extui %sign3A_112 : i1 to i32
        %sign3A_114 = arith.constant 0 : i32
        %sign3A_115 = arith.cmpi slt, %mul3A_111, %sign3A_114 : i32
        %sign3A_116 = arith.extui %sign3A_115 : i1 to i32
        %sign3A_117 = arith.subi %sign3A_113, %sign3A_116 : i32
        %sign3A_118 = arith.constant 0 : i32
        %sign3A_119 = arith.cmpi sgt, %jit3A, %sign3A_118 : i32
        %sign3A_120 = arith.extui %sign3A_119 : i1 to i32
        %sign3A_121 = arith.constant 0 : i32
        %sign3A_122 = arith.cmpi slt, %jit3A, %sign3A_121 : i32
        %sign3A_123 = arith.extui %sign3A_122 : i1 to i32
        %sign3A_124 = arith.subi %sign3A_120, %sign3A_123 : i32
        %ne3A = arith.cmpi ne, %sign3A_117, %sign3A_124 : i32
        %rem3A = arith.remsi %mul3A_111, %jit3A : i32
        %ne3A_125 = arith.constant 0 : i32
        %ne3A_126 = arith.cmpi ne, %rem3A, %ne3A_125 : i32
        %and3A_127 = arith.andi %ne3A, %ne3A_126 : i1
        %sub3A_128 = arith.constant 1 : i32
        %sub3A_129 = arith.subi %div3A, %sub3A_128 : i32
        %select_n3A = arith.select %and3A_127, %sub3A_129, %div3A : i32
        %sub3A_130 = arith.subi %mul3A_108, %select_n3A : i32
        %add3A_131 = arith.constant 256 : i32
        %add3A_132 = arith.addi %sub3A_130, %add3A_131 : i32
        %sub3A_133 = arith.subi %add3A_132, %add3A_106 : i32
        %sub3A_134 = arith.constant 256 : i32
        %sub3A_135 = arith.subi %sub3A_133, %sub3A_134 : i32
        %add3A_136 = arith.constant 0 : i32
        %add3A_137 = arith.addi %sub3A_135, %add3A_136 : i32
        %add3A_138 = vector.broadcast %add3A_137 : i32 to vector<16xi32>
        %add3A_139 = arith.addi %add3A_138, %iota3A : vector<16xi32>
        %gather3A = tpu.vector_load_idx %arg4[%add3A_139] : memref<57024xf32, #tpu.memory_space<vmem>>[vector<16xi32>], vector<16xf32>,
        %swap3A = arith.index_cast %scan3A_104 : i32 to index
        %swap3A_140 = arith.constant 0 : index
        %swap3A_141 = tpu.vector_load %arg5[%swap3A, %swap3A_140] {strides = array<i32>} : memref<128x128xf32, #tpu.memory_space<vmem>>, vector<16xf32>,
        tpu.vector_store %arg5[%swap3A, %swap3A_140], %gather3A {strides = array<i32>} : memref<128x128xf32, #tpu.memory_space<vmem>>, vector<16xf32>,
        %add3A_142 = arith.constant 0 : i32
        %add3A_143 = vector.broadcast %add3A_142 : i32 to vector<16xi32>
        %add3A_144 = arith.addi %add3A_143, %iota3A : vector<16xi32>
        %broadcast_in_dim3A = vector.broadcast %scan3A_104 : i32 to vector<16xi32>
        tpu.vector_store_idx %arg6[%add3A_144, %broadcast_in_dim3A], %gather3A : memref<128x128xf32, #tpu.memory_space<vmem>>[vector<16xi32>, vector<16xi32>], vector<16xf32>,
        %add3A_145 = arith.constant 16 : i32
        %add3A_146 = arith.addi %sub3A_135, %add3A_145 : i32
        %add3A_147 = vector.broadcast %add3A_146 : i32 to vector<16xi32>
        %add3A_148 = arith.addi %add3A_147, %iota3A : vector<16xi32>
        %gather3A_149 = tpu.vector_load_idx %arg4[%add3A_148] : memref<57024xf32, #tpu.memory_space<vmem>>[vector<16xi32>], vector<16xf32>,
        %swap3A_150 = arith.index_cast %scan3A_104 : i32 to index
        %swap3A_151 = arith.constant 16 : index
        %swap3A_152 = tpu.vector_load %arg5[%swap3A_150, %swap3A_151] {strides = array<i32>} : memref<128x128xf32, #tpu.memory_space<vmem>>, vector<16xf32>,
        tpu.vector_store %arg5[%swap3A_150, %swap3A_151], %gather3A_149 {strides = array<i32>} : memref<128x128xf32, #tpu.memory_space<vmem>>, vector<16xf32>,
        %add3A_153 = arith.constant 16 : i32
        %add3A_154 = vector.broadcast %add3A_153 : i32 to vector<16xi32>
        %add3A_155 = arith.addi %add3A_154, %iota3A : vector<16xi32>
        %broadcast_in_dim3A_156 = vector.broadcast %scan3A_104 : i32 to vector<16xi32>
        tpu.vector_store_idx %arg6[%add3A_155, %broadcast_in_dim3A_156], %gather3A_149 : memref<128x128xf32, #tpu.memory_space<vmem>>[vector<16xi32>, vector<16xi32>], vector<16xf32>,
        %add3A_157 = arith.constant 32 : i32
        %add3A_158 = arith.addi %sub3A_135, %add3A_157 : i32
        %add3A_159 = vector.broadcast %add3A_158 : i32 to vector<16xi32>
        %add3A_160 = arith.addi %add3A_159, %iota3A : vector<16xi32>
        %gather3A_161 = tpu.vector_load_idx %arg4[%add3A_160] : memref<57024xf32, #tpu.memory_space<vmem>>[vector<16xi32>], vector<16xf32>,
        %swap3A_162 = arith.index_cast %scan3A_104 : i32 to index
        %swap3A_163 = arith.constant 32 : index
        %swap3A_164 = tpu.vector_load %arg5[%swap3A_162, %swap3A_163] {strides = array<i32>} : memref<128x128xf32, #tpu.memory_space<vmem>>, vector<16xf32>,
        tpu.vector_store %arg5[%swap3A_162, %swap3A_163], %gather3A_161 {strides = array<i32>} : memref<128x128xf32, #tpu.memory_space<vmem>>, vector<16xf32>,
        %add3A_165 = arith.constant 32 : i32
        %add3A_166 = vector.broadcast %add3A_165 : i32 to vector<16xi32>
        %add3A_167 = arith.addi %add3A_166, %iota3A : vector<16xi32>
        %broadcast_in_dim3A_168 = vector.broadcast %scan3A_104 : i32 to vector<16xi32>
        tpu.vector_store_idx %arg6[%add3A_167, %broadcast_in_dim3A_168], %gather3A_161 : memref<128x128xf32, #tpu.memory_space<vmem>>[vector<16xi32>, vector<16xi32>], vector<16xf32>,
        %add3A_169 = arith.constant 48 : i32
        %add3A_170 = arith.addi %sub3A_135, %add3A_169 : i32
        %add3A_171 = vector.broadcast %add3A_170 : i32 to vector<16xi32>
        %add3A_172 = arith.addi %add3A_171, %iota3A : vector<16xi32>
        %gather3A_173 = tpu.vector_load_idx %arg4[%add3A_172] : memref<57024xf32, #tpu.memory_space<vmem>>[vector<16xi32>], vector<16xf32>,
        %swap3A_174 = arith.index_cast %scan3A_104 : i32 to index
        %swap3A_175 = arith.constant 48 : index
        %swap3A_176 = tpu.vector_load %arg5[%swap3A_174, %swap3A_175] {strides = array<i32>} : memref<128x128xf32, #tpu.memory_space<vmem>>, vector<16xf32>,
        tpu.vector_store %arg5[%swap3A_174, %swap3A_175], %gather3A_173 {strides = array<i32>} : memref<128x128xf32, #tpu.memory_space<vmem>>, vector<16xf32>,
        %add3A_177 = arith.constant 48 : i32
        %add3A_178 = vector.broadcast %add3A_177 : i32 to vector<16xi32>
        %add3A_179 = arith.addi %add3A_178, %iota3A : vector<16xi32>
        %broadcast_in_dim3A_180 = vector.broadcast %scan3A_104 : i32 to vector<16xi32>
        tpu.vector_store_idx %arg6[%add3A_179, %broadcast_in_dim3A_180], %gather3A_173 : memref<128x128xf32, #tpu.memory_space<vmem>>[vector<16xi32>, vector<16xi32>], vector<16xf32>,
        %add3A_181 = arith.constant 64 : i32
        %add3A_182 = arith.addi %sub3A_135, %add3A_181 : i32
        %add3A_183 = vector.broadcast %add3A_182 : i32 to vector<16xi32>
        %add3A_184 = arith.addi %add3A_183, %iota3A : vector<16xi32>
        %gather3A_185 = tpu.vector_load_idx %arg4[%add3A_184] : memref<57024xf32, #tpu.memory_space<vmem>>[vector<16xi32>], vector<16xf32>,
        %swap3A_186 = arith.index_cast %scan3A_104 : i32 to index
        %swap3A_187 = arith.constant 64 : index
        %swap3A_188 = tpu.vector_load %arg5[%swap3A_186, %swap3A_187] {strides = array<i32>} : memref<128x128xf32, #tpu.memory_space<vmem>>, vector<16xf32>,
        tpu.vector_store %arg5[%swap3A_186, %swap3A_187], %gather3A_185 {strides = array<i32>} : memref<128x128xf32, #tpu.memory_space<vmem>>, vector<16xf32>,
        %add3A_189 = arith.constant 64 : i32
        %add3A_190 = vector.broadcast %add3A_189 : i32 to vector<16xi32>
        %add3A_191 = arith.addi %add3A_190, %iota3A : vector<16xi32>
        %broadcast_in_dim3A_192 = vector.broadcast %scan3A_104 : i32 to vector<16xi32>
        tpu.vector_store_idx %arg6[%add3A_191, %broadcast_in_dim3A_192], %gather3A_185 : memref<128x128xf32, #tpu.memory_space<vmem>>[vector<16xi32>, vector<16xi32>], vector<16xf32>,
        %add3A_193 = arith.constant 80 : i32
        %add3A_194 = arith.addi %sub3A_135, %add3A_193 : i32
        %add3A_195 = vector.broadcast %add3A_194 : i32 to vector<16xi32>
        %add3A_196 = arith.addi %add3A_195, %iota3A : vector<16xi32>
        %gather3A_197 = tpu.vector_load_idx %arg4[%add3A_196] : memref<57024xf32, #tpu.memory_space<vmem>>[vector<16xi32>], vector<16xf32>,
        %swap3A_198 = arith.index_cast %scan3A_104 : i32 to index
        %swap3A_199 = arith.constant 80 : index
        %swap3A_200 = tpu.vector_load %arg5[%swap3A_198, %swap3A_199] {strides = array<i32>} : memref<128x128xf32, #tpu.memory_space<vmem>>, vector<16xf32>,
        tpu.vector_store %arg5[%swap3A_198, %swap3A_199], %gather3A_197 {strides = array<i32>} : memref<128x128xf32, #tpu.memory_space<vmem>>, vector<16xf32>,
        %add3A_201 = arith.constant 80 : i32
        %add3A_202 = vector.broadcast %add3A_201 : i32 to vector<16xi32>
        %add3A_203 = arith.addi %add3A_202, %iota3A : vector<16xi32>
        %broadcast_in_dim3A_204 = vector.broadcast %scan3A_104 : i32 to vector<16xi32>
        tpu.vector_store_idx %arg6[%add3A_203, %broadcast_in_dim3A_204], %gather3A_197 : memref<128x128xf32, #tpu.memory_space<vmem>>[vector<16xi32>, vector<16xi32>], vector<16xf32>,
        %add3A_205 = arith.constant 96 : i32
        %add3A_206 = arith.addi %sub3A_135, %add3A_205 : i32
        %add3A_207 = vector.broadcast %add3A_206 : i32 to vector<16xi32>
        %add3A_208 = arith.addi %add3A_207, %iota3A : vector<16xi32>
        %gather3A_209 = tpu.vector_load_idx %arg4[%add3A_208] : memref<57024xf32, #tpu.memory_space<vmem>>[vector<16xi32>], vector<16xf32>,
        %swap3A_210 = arith.index_cast %scan3A_104 : i32 to index
        %swap3A_211 = arith.constant 96 : index
        %swap3A_212 = tpu.vector_load %arg5[%swap3A_210, %swap3A_211] {strides = array<i32>} : memref<128x128xf32, #tpu.memory_space<vmem>>, vector<16xf32>,
        tpu.vector_store %arg5[%swap3A_210, %swap3A_211], %gather3A_209 {strides = array<i32>} : memref<128x128xf32, #tpu.memory_space<vmem>>, vector<16xf32>,
        %add3A_213 = arith.constant 96 : i32
        %add3A_214 = vector.broadcast %add3A_213 : i32 to vector<16xi32>
        %add3A_215 = arith.addi %add3A_214, %iota3A : vector<16xi32>
        %broadcast_in_dim3A_216 = vector.broadcast %scan3A_104 : i32 to vector<16xi32>
        tpu.vector_store_idx %arg6[%add3A_215, %broadcast_in_dim3A_216], %gather3A_209 : memref<128x128xf32, #tpu.memory_space<vmem>>[vector<16xi32>, vector<16xi32>], vector<16xf32>,
        %add3A_217 = arith.constant 112 : i32
        %add3A_218 = arith.addi %sub3A_135, %add3A_217 : i32
        %add3A_219 = vector.broadcast %add3A_218 : i32 to vector<16xi32>
        %add3A_220 = arith.addi %add3A_219, %iota3A : vector<16xi32>
        %gather3A_221 = tpu.vector_load_idx %arg4[%add3A_220] : memref<57024xf32, #tpu.memory_space<vmem>>[vector<16xi32>], vector<16xf32>,
        %swap3A_222 = arith.index_cast %scan3A_104 : i32 to index
        %swap3A_223 = arith.constant 112 : index
        %swap3A_224 = tpu.vector_load %arg5[%swap3A_222, %swap3A_223] {strides = array<i32>} : memref<128x128xf32, #tpu.memory_space<vmem>>, vector<16xf32>,
        tpu.vector_store %arg5[%swap3A_222, %swap3A_223], %gather3A_221 {strides = array<i32>} : memref<128x128xf32, #tpu.memory_space<vmem>>, vector<16xf32>,
        %add3A_225 = arith.constant 112 : i32
        %add3A_226 = vector.broadcast %add3A_225 : i32 to vector<16xi32>
        %add3A_227 = arith.addi %add3A_226, %iota3A : vector<16xi32>
        %broadcast_in_dim3A_228 = vector.broadcast %scan3A_104 : i32 to vector<16xi32>
        tpu.vector_store_idx %arg6[%add3A_227, %broadcast_in_dim3A_228], %gather3A_221 : memref<128x128xf32, #tpu.memory_space<vmem>>[vector<16xi32>, vector<16xi32>], vector<16xf32>,
      }
      %scan3A_103 = arith.constant 128 : i32
      "tpu.region"() ({
        %run_scoped3A = tpu.sem_alloc : memref<!tpu.dma_semaphore, #tpu.memory_space<semaphore_mem>>
        %dma_start3A = arith.constant 0 : i32
        %dma_start3A_104 = arith.constant 256 : i32
        %dma_start3A_105 = tpu.memref_slice %arg3[%sub3A_16, %dma_start3A, %dma_start3A_104] : memref<16x512x512xf32, #tpu.memory_space<hbm>> -> memref<1x128x128xf32, #tpu.memory_space<hbm>>
        %dma_start3A_106 = tpu.memref_squeeze %dma_start3A_105 : memref<1x128x128xf32, #tpu.memory_space<hbm>> -> memref<128x128xf32, #tpu.memory_space<hbm>>
        %dma_start3A_107 = arith.constant 0 : i32
        %dma_start3A_108 = arith.constant 256 : i32
        %dma_start3A_109 = tpu.memref_slice %arg3[%sub3A_16, %dma_start3A_107, %dma_start3A_108] : memref<16x512x512xf32, #tpu.memory_space<hbm>> -> memref<1x128x128xf32, #tpu.memory_space<hbm>>
        %dma_start3A_110 = tpu.memref_squeeze %dma_start3A_109 : memref<1x128x128xf32, #tpu.memory_space<hbm>> -> memref<128x128xf32, #tpu.memory_space<hbm>>
        tpu.enqueue_dma source(%arg5 : memref<128x128xf32, #tpu.memory_space<vmem>>) target(%dma_start3A_110 : memref<128x128xf32, #tpu.memory_space<hbm>>) target_semaphore(%run_scoped3A : memref<!tpu.dma_semaphore, #tpu.memory_space<semaphore_mem>>)
        %dma_wait3A = arith.constant 0 : i32
        %dma_wait3A_111 = arith.constant 256 : i32
        %dma_wait3A_112 = tpu.memref_slice %arg3[%sub3A_16, %dma_wait3A, %dma_wait3A_111] : memref<16x512x512xf32, #tpu.memory_space<hbm>> -> memref<1x128x128xf32, #tpu.memory_space<hbm>>
        %dma_wait3A_113 = tpu.memref_squeeze %dma_wait3A_112 : memref<1x128x128xf32, #tpu.memory_space<hbm>> -> memref<128x128xf32, #tpu.memory_space<hbm>>
        %dma_wait3A_114 = arith.constant 0 : i32
        %dma_wait3A_115 = arith.constant 256 : i32
        %dma_wait3A_116 = tpu.memref_slice %arg3[%sub3A_16, %dma_wait3A_114, %dma_wait3A_115] : memref<16x512x512xf32, #tpu.memory_space<hbm>> -> memref<1x128x128xf32, #tpu.memory_space<hbm>>
        %dma_wait3A_117 = tpu.memref_squeeze %dma_wait3A_116 : memref<1x128x128xf32, #tpu.memory_space<hbm>> -> memref<128x128xf32, #tpu.memory_space<hbm>>
        tpu.wait_dma2 semaphore(%run_scoped3A : memref<!tpu.dma_semaphore, #tpu.memory_space<semaphore_mem>>) src(%arg5 : memref<128x128xf32, #tpu.memory_space<vmem>>) dst(%dma_wait3A_117 : memref<128x128xf32, #tpu.memory_space<hbm>>)
        tpu.yield
      }) : () -> ()
      "tpu.region"() ({
        %run_scoped3A = tpu.sem_alloc : memref<!tpu.dma_semaphore, #tpu.memory_space<semaphore_mem>>
        %dma_start3A = arith.constant 256 : i32
        %dma_start3A_104 = arith.constant 0 : i32
        %dma_start3A_105 = tpu.memref_slice %arg3[%sub3A_16, %dma_start3A, %dma_start3A_104] : memref<16x512x512xf32, #tpu.memory_space<hbm>> -> memref<1x128x128xf32, #tpu.memory_space<hbm>>
        %dma_start3A_106 = tpu.memref_squeeze %dma_start3A_105 : memref<1x128x128xf32, #tpu.memory_space<hbm>> -> memref<128x128xf32, #tpu.memory_space<hbm>>
        %dma_start3A_107 = arith.constant 256 : i32
        %dma_start3A_108 = arith.constant 0 : i32
        %dma_start3A_109 = tpu.memref_slice %arg3[%sub3A_16, %dma_start3A_107, %dma_start3A_108] : memref<16x512x512xf32, #tpu.memory_space<hbm>> -> memref<1x128x128xf32, #tpu.memory_space<hbm>>
        %dma_start3A_110 = tpu.memref_squeeze %dma_start3A_109 : memref<1x128x128xf32, #tpu.memory_space<hbm>> -> memref<128x128xf32, #tpu.memory_space<hbm>>
        tpu.enqueue_dma source(%arg6 : memref<128x128xf32, #tpu.memory_space<vmem>>) target(%dma_start3A_110 : memref<128x128xf32, #tpu.memory_space<hbm>>) target_semaphore(%run_scoped3A : memref<!tpu.dma_semaphore, #tpu.memory_space<semaphore_mem>>)
        %dma_wait3A = arith.constant 256 : i32
        %dma_wait3A_111 = arith.constant 0 : i32
        %dma_wait3A_112 = tpu.memref_slice %arg3[%sub3A_16, %dma_wait3A, %dma_wait3A_111] : memref<16x512x512xf32, #tpu.memory_space<hbm>> -> memref<1x128x128xf32, #tpu.memory_space<hbm>>
        %dma_wait3A_113 = tpu.memref_squeeze %dma_wait3A_112 : memref<1x128x128xf32, #tpu.memory_space<hbm>> -> memref<128x128xf32, #tpu.memory_space<hbm>>
        %dma_wait3A_114 = arith.constant 256 : i32
        %dma_wait3A_115 = arith.constant 0 : i32
        %dma_wait3A_116 = tpu.memref_slice %arg3[%sub3A_16, %dma_wait3A_114, %dma_wait3A_115] : memref<16x512x512xf32, #tpu.memory_space<hbm>> -> memref<1x128x128xf32, #tpu.memory_space<hbm>>
        %dma_wait3A_117 = tpu.memref_squeeze %dma_wait3A_116 : memref<1x128x128xf32, #tpu.memory_space<hbm>> -> memref<128x128xf32, #tpu.memory_space<hbm>>
        tpu.wait_dma2 semaphore(%run_scoped3A : memref<!tpu.dma_semaphore, #tpu.memory_space<semaphore_mem>>) src(%arg6 : memref<128x128xf32, #tpu.memory_space<vmem>>) dst(%dma_wait3A_117 : memref<128x128xf32, #tpu.memory_space<hbm>>)
        tpu.yield
      }) : () -> ()
    } else {
    }
    %sub3A_25 = arith.constant 16 : i32
    %sub3A_26 = arith.subi %add3A, %sub3A_25 : i32
    %ge3A_27 = arith.constant 0 : i32
    %ge3A_28 = arith.cmpi sge, %sub3A_26, %ge3A_27 : i32
    %lt3A_29 = arith.constant 16 : i32
    %lt3A_30 = arith.cmpi slt, %sub3A_26, %lt3A_29 : i32
    %and3A_31 = arith.andi %ge3A_28, %lt3A_30 : i1
    %convert_element_type3A_32 = arith.extui %and3A_31 : i1 to i32
    %cond3A_33 = arith.constant 0 : i32
    %cond3A_34 = arith.cmpi ne, %convert_element_type3A_32, %cond3A_33 : i32
    scf.if %cond3A_34 {
      %mul3A_95 = arith.constant 131328 : i32
      %mul3A_96 = arith.muli %sub3A_26, %mul3A_95 : i32
      %add3A_97 = arith.constant 384 : i32
      %add3A_98 = arith.addi %mul3A_96, %add3A_97 : i32
      %multiple_of3A = tpu.assume_multiple %add3A_98, 8 : i32
      "tpu.region"() ({
        %run_scoped3A = tpu.sem_alloc : memref<!tpu.dma_semaphore, #tpu.memory_space<semaphore_mem>>
        %dma_start3A = arith.constant 0 : i32
        %dma_start3A_104 = tpu.memref_slice %arg4[%dma_start3A] : memref<57024xf32, #tpu.memory_space<vmem>> -> memref<57024xf32, #tpu.memory_space<vmem>>
        %dma_start3A_105 = tpu.memref_slice %arg2[%multiple_of3A] : memref<2101248xf32, #tpu.memory_space<hbm>> -> memref<57024xf32, #tpu.memory_space<hbm>>
        %dma_start3A_106 = arith.constant 0 : i32
        %dma_start3A_107 = tpu.memref_slice %arg4[%dma_start3A_106] : memref<57024xf32, #tpu.memory_space<vmem>> -> memref<57024xf32, #tpu.memory_space<vmem>>
        %dma_start3A_108 = tpu.memref_slice %arg2[%multiple_of3A] : memref<2101248xf32, #tpu.memory_space<hbm>> -> memref<57024xf32, #tpu.memory_space<hbm>>
        tpu.enqueue_dma source(%dma_start3A_108 : memref<57024xf32, #tpu.memory_space<hbm>>) target(%dma_start3A_107 : memref<57024xf32, #tpu.memory_space<vmem>>) target_semaphore(%run_scoped3A : memref<!tpu.dma_semaphore, #tpu.memory_space<semaphore_mem>>)
        %dma_wait3A = arith.constant 0 : i32
        %dma_wait3A_109 = tpu.memref_slice %arg4[%dma_wait3A] : memref<57024xf32, #tpu.memory_space<vmem>> -> memref<57024xf32, #tpu.memory_space<vmem>>
        %dma_wait3A_110 = tpu.memref_slice %arg2[%multiple_of3A] : memref<2101248xf32, #tpu.memory_space<hbm>> -> memref<57024xf32, #tpu.memory_space<hbm>>
        %dma_wait3A_111 = arith.constant 0 : i32
        %dma_wait3A_112 = tpu.memref_slice %arg4[%dma_wait3A_111] : memref<57024xf32, #tpu.memory_space<vmem>> -> memref<57024xf32, #tpu.memory_space<vmem>>
        %dma_wait3A_113 = tpu.memref_slice %arg2[%multiple_of3A] : memref<2101248xf32, #tpu.memory_space<hbm>> -> memref<57024xf32, #tpu.memory_space<hbm>>
        tpu.wait_dma2 semaphore(%run_scoped3A : memref<!tpu.dma_semaphore, #tpu.memory_space<semaphore_mem>>) src(%dma_wait3A_113 : memref<57024xf32, #tpu.memory_space<hbm>>) dst(%dma_wait3A_112 : memref<57024xf32, #tpu.memory_space<vmem>>)
        tpu.yield
      }) : () -> ()
      %scan3A = arith.constant 0 : i32
      %scan3A_99 = arith.constant 0 : i32
      %scan3A_100 = arith.constant 128 : i32
      %scan3A_101 = arith.addi %scan3A_99, %scan3A_100 : i32
      %scan3A_102 = arith.constant 1 : i32
      scf.for %scan3A_104 = %scan3A_99 to %scan3A_101 step %scan3A_102  : i32 {
        %add3A_105 = arith.constant 0 : i32
        %add3A_106 = arith.addi %add3A_105, %scan3A_104 : i32
        %mul3A_107 = arith.constant 512 : i32
        %mul3A_108 = arith.muli %add3A_106, %mul3A_107 : i32
        %sub3A_109 = arith.constant 1 : i32
        %sub3A_110 = arith.subi %add3A_106, %sub3A_109 : i32
        %mul3A_111 = arith.muli %add3A_106, %sub3A_110 : i32
        %jit3A = arith.constant 2 : i32
        %div3A = arith.divsi %mul3A_111, %jit3A : i32
        %sign3A = arith.constant 0 : i32
        %sign3A_112 = arith.cmpi sgt, %mul3A_111, %sign3A : i32
        %sign3A_113 = arith.extui %sign3A_112 : i1 to i32
        %sign3A_114 = arith.constant 0 : i32
        %sign3A_115 = arith.cmpi slt, %mul3A_111, %sign3A_114 : i32
        %sign3A_116 = arith.extui %sign3A_115 : i1 to i32
        %sign3A_117 = arith.subi %sign3A_113, %sign3A_116 : i32
        %sign3A_118 = arith.constant 0 : i32
        %sign3A_119 = arith.cmpi sgt, %jit3A, %sign3A_118 : i32
        %sign3A_120 = arith.extui %sign3A_119 : i1 to i32
        %sign3A_121 = arith.constant 0 : i32
        %sign3A_122 = arith.cmpi slt, %jit3A, %sign3A_121 : i32
        %sign3A_123 = arith.extui %sign3A_122 : i1 to i32
        %sign3A_124 = arith.subi %sign3A_120, %sign3A_123 : i32
        %ne3A = arith.cmpi ne, %sign3A_117, %sign3A_124 : i32
        %rem3A = arith.remsi %mul3A_111, %jit3A : i32
        %ne3A_125 = arith.constant 0 : i32
        %ne3A_126 = arith.cmpi ne, %rem3A, %ne3A_125 : i32
        %and3A_127 = arith.andi %ne3A, %ne3A_126 : i1
        %sub3A_128 = arith.constant 1 : i32
        %sub3A_129 = arith.subi %div3A, %sub3A_128 : i32
        %select_n3A = arith.select %and3A_127, %sub3A_129, %div3A : i32
        %sub3A_130 = arith.subi %mul3A_108, %select_n3A : i32
        %add3A_131 = arith.constant 384 : i32
        %add3A_132 = arith.addi %sub3A_130, %add3A_131 : i32
        %sub3A_133 = arith.subi %add3A_132, %add3A_106 : i32
        %sub3A_134 = arith.constant 384 : i32
        %sub3A_135 = arith.subi %sub3A_133, %sub3A_134 : i32
        %add3A_136 = arith.constant 0 : i32
        %add3A_137 = arith.addi %sub3A_135, %add3A_136 : i32
        %add3A_138 = vector.broadcast %add3A_137 : i32 to vector<16xi32>
        %add3A_139 = arith.addi %add3A_138, %iota3A : vector<16xi32>
        %gather3A = tpu.vector_load_idx %arg4[%add3A_139] : memref<57024xf32, #tpu.memory_space<vmem>>[vector<16xi32>], vector<16xf32>,
        %swap3A = arith.index_cast %scan3A_104 : i32 to index
        %swap3A_140 = arith.constant 0 : index
        %swap3A_141 = tpu.vector_load %arg5[%swap3A, %swap3A_140] {strides = array<i32>} : memref<128x128xf32, #tpu.memory_space<vmem>>, vector<16xf32>,
        tpu.vector_store %arg5[%swap3A, %swap3A_140], %gather3A {strides = array<i32>} : memref<128x128xf32, #tpu.memory_space<vmem>>, vector<16xf32>,
        %add3A_142 = arith.constant 0 : i32
        %add3A_143 = vector.broadcast %add3A_142 : i32 to vector<16xi32>
        %add3A_144 = arith.addi %add3A_143, %iota3A : vector<16xi32>
        %broadcast_in_dim3A = vector.broadcast %scan3A_104 : i32 to vector<16xi32>
        tpu.vector_store_idx %arg6[%add3A_144, %broadcast_in_dim3A], %gather3A : memref<128x128xf32, #tpu.memory_space<vmem>>[vector<16xi32>, vector<16xi32>], vector<16xf32>,
        %add3A_145 = arith.constant 16 : i32
        %add3A_146 = arith.addi %sub3A_135, %add3A_145 : i32
        %add3A_147 = vector.broadcast %add3A_146 : i32 to vector<16xi32>
        %add3A_148 = arith.addi %add3A_147, %iota3A : vector<16xi32>
        %gather3A_149 = tpu.vector_load_idx %arg4[%add3A_148] : memref<57024xf32, #tpu.memory_space<vmem>>[vector<16xi32>], vector<16xf32>,
        %swap3A_150 = arith.index_cast %scan3A_104 : i32 to index
        %swap3A_151 = arith.constant 16 : index
        %swap3A_152 = tpu.vector_load %arg5[%swap3A_150, %swap3A_151] {strides = array<i32>} : memref<128x128xf32, #tpu.memory_space<vmem>>, vector<16xf32>,
        tpu.vector_store %arg5[%swap3A_150, %swap3A_151], %gather3A_149 {strides = array<i32>} : memref<128x128xf32, #tpu.memory_space<vmem>>, vector<16xf32>,
        %add3A_153 = arith.constant 16 : i32
        %add3A_154 = vector.broadcast %add3A_153 : i32 to vector<16xi32>
        %add3A_155 = arith.addi %add3A_154, %iota3A : vector<16xi32>
        %broadcast_in_dim3A_156 = vector.broadcast %scan3A_104 : i32 to vector<16xi32>
        tpu.vector_store_idx %arg6[%add3A_155, %broadcast_in_dim3A_156], %gather3A_149 : memref<128x128xf32, #tpu.memory_space<vmem>>[vector<16xi32>, vector<16xi32>], vector<16xf32>,
        %add3A_157 = arith.constant 32 : i32
        %add3A_158 = arith.addi %sub3A_135, %add3A_157 : i32
        %add3A_159 = vector.broadcast %add3A_158 : i32 to vector<16xi32>
        %add3A_160 = arith.addi %add3A_159, %iota3A : vector<16xi32>
        %gather3A_161 = tpu.vector_load_idx %arg4[%add3A_160] : memref<57024xf32, #tpu.memory_space<vmem>>[vector<16xi32>], vector<16xf32>,
        %swap3A_162 = arith.index_cast %scan3A_104 : i32 to index
        %swap3A_163 = arith.constant 32 : index
        %swap3A_164 = tpu.vector_load %arg5[%swap3A_162, %swap3A_163] {strides = array<i32>} : memref<128x128xf32, #tpu.memory_space<vmem>>, vector<16xf32>,
        tpu.vector_store %arg5[%swap3A_162, %swap3A_163], %gather3A_161 {strides = array<i32>} : memref<128x128xf32, #tpu.memory_space<vmem>>, vector<16xf32>,
        %add3A_165 = arith.constant 32 : i32
        %add3A_166 = vector.broadcast %add3A_165 : i32 to vector<16xi32>
        %add3A_167 = arith.addi %add3A_166, %iota3A : vector<16xi32>
        %broadcast_in_dim3A_168 = vector.broadcast %scan3A_104 : i32 to vector<16xi32>
        tpu.vector_store_idx %arg6[%add3A_167, %broadcast_in_dim3A_168], %gather3A_161 : memref<128x128xf32, #tpu.memory_space<vmem>>[vector<16xi32>, vector<16xi32>], vector<16xf32>,
        %add3A_169 = arith.constant 48 : i32
        %add3A_170 = arith.addi %sub3A_135, %add3A_169 : i32
        %add3A_171 = vector.broadcast %add3A_170 : i32 to vector<16xi32>
        %add3A_172 = arith.addi %add3A_171, %iota3A : vector<16xi32>
        %gather3A_173 = tpu.vector_load_idx %arg4[%add3A_172] : memref<57024xf32, #tpu.memory_space<vmem>>[vector<16xi32>], vector<16xf32>,
        %swap3A_174 = arith.index_cast %scan3A_104 : i32 to index
        %swap3A_175 = arith.constant 48 : index
        %swap3A_176 = tpu.vector_load %arg5[%swap3A_174, %swap3A_175] {strides = array<i32>} : memref<128x128xf32, #tpu.memory_space<vmem>>, vector<16xf32>,
        tpu.vector_store %arg5[%swap3A_174, %swap3A_175], %gather3A_173 {strides = array<i32>} : memref<128x128xf32, #tpu.memory_space<vmem>>, vector<16xf32>,
        %add3A_177 = arith.constant 48 : i32
        %add3A_178 = vector.broadcast %add3A_177 : i32 to vector<16xi32>
        %add3A_179 = arith.addi %add3A_178, %iota3A : vector<16xi32>
        %broadcast_in_dim3A_180 = vector.broadcast %scan3A_104 : i32 to vector<16xi32>
        tpu.vector_store_idx %arg6[%add3A_179, %broadcast_in_dim3A_180], %gather3A_173 : memref<128x128xf32, #tpu.memory_space<vmem>>[vector<16xi32>, vector<16xi32>], vector<16xf32>,
        %add3A_181 = arith.constant 64 : i32
        %add3A_182 = arith.addi %sub3A_135, %add3A_181 : i32
        %add3A_183 = vector.broadcast %add3A_182 : i32 to vector<16xi32>
        %add3A_184 = arith.addi %add3A_183, %iota3A : vector<16xi32>
        %gather3A_185 = tpu.vector_load_idx %arg4[%add3A_184] : memref<57024xf32, #tpu.memory_space<vmem>>[vector<16xi32>], vector<16xf32>,
        %swap3A_186 = arith.index_cast %scan3A_104 : i32 to index
        %swap3A_187 = arith.constant 64 : index
        %swap3A_188 = tpu.vector_load %arg5[%swap3A_186, %swap3A_187] {strides = array<i32>} : memref<128x128xf32, #tpu.memory_space<vmem>>, vector<16xf32>,
        tpu.vector_store %arg5[%swap3A_186, %swap3A_187], %gather3A_185 {strides = array<i32>} : memref<128x128xf32, #tpu.memory_space<vmem>>, vector<16xf32>,
        %add3A_189 = arith.constant 64 : i32
        %add3A_190 = vector.broadcast %add3A_189 : i32 to vector<16xi32>
        %add3A_191 = arith.addi %add3A_190, %iota3A : vector<16xi32>
        %broadcast_in_dim3A_192 = vector.broadcast %scan3A_104 : i32 to vector<16xi32>
        tpu.vector_store_idx %arg6[%add3A_191, %broadcast_in_dim3A_192], %gather3A_185 : memref<128x128xf32, #tpu.memory_space<vmem>>[vector<16xi32>, vector<16xi32>], vector<16xf32>,
        %add3A_193 = arith.constant 80 : i32
        %add3A_194 = arith.addi %sub3A_135, %add3A_193 : i32
        %add3A_195 = vector.broadcast %add3A_194 : i32 to vector<16xi32>
        %add3A_196 = arith.addi %add3A_195, %iota3A : vector<16xi32>
        %gather3A_197 = tpu.vector_load_idx %arg4[%add3A_196] : memref<57024xf32, #tpu.memory_space<vmem>>[vector<16xi32>], vector<16xf32>,
        %swap3A_198 = arith.index_cast %scan3A_104 : i32 to index
        %swap3A_199 = arith.constant 80 : index
        %swap3A_200 = tpu.vector_load %arg5[%swap3A_198, %swap3A_199] {strides = array<i32>} : memref<128x128xf32, #tpu.memory_space<vmem>>, vector<16xf32>,
        tpu.vector_store %arg5[%swap3A_198, %swap3A_199], %gather3A_197 {strides = array<i32>} : memref<128x128xf32, #tpu.memory_space<vmem>>, vector<16xf32>,
        %add3A_201 = arith.constant 80 : i32
        %add3A_202 = vector.broadcast %add3A_201 : i32 to vector<16xi32>
        %add3A_203 = arith.addi %add3A_202, %iota3A : vector<16xi32>
        %broadcast_in_dim3A_204 = vector.broadcast %scan3A_104 : i32 to vector<16xi32>
        tpu.vector_store_idx %arg6[%add3A_203, %broadcast_in_dim3A_204], %gather3A_197 : memref<128x128xf32, #tpu.memory_space<vmem>>[vector<16xi32>, vector<16xi32>], vector<16xf32>,
        %add3A_205 = arith.constant 96 : i32
        %add3A_206 = arith.addi %sub3A_135, %add3A_205 : i32
        %add3A_207 = vector.broadcast %add3A_206 : i32 to vector<16xi32>
        %add3A_208 = arith.addi %add3A_207, %iota3A : vector<16xi32>
        %gather3A_209 = tpu.vector_load_idx %arg4[%add3A_208] : memref<57024xf32, #tpu.memory_space<vmem>>[vector<16xi32>], vector<16xf32>,
        %swap3A_210 = arith.index_cast %scan3A_104 : i32 to index
        %swap3A_211 = arith.constant 96 : index
        %swap3A_212 = tpu.vector_load %arg5[%swap3A_210, %swap3A_211] {strides = array<i32>} : memref<128x128xf32, #tpu.memory_space<vmem>>, vector<16xf32>,
        tpu.vector_store %arg5[%swap3A_210, %swap3A_211], %gather3A_209 {strides = array<i32>} : memref<128x128xf32, #tpu.memory_space<vmem>>, vector<16xf32>,
        %add3A_213 = arith.constant 96 : i32
        %add3A_214 = vector.broadcast %add3A_213 : i32 to vector<16xi32>
        %add3A_215 = arith.addi %add3A_214, %iota3A : vector<16xi32>
        %broadcast_in_dim3A_216 = vector.broadcast %scan3A_104 : i32 to vector<16xi32>
        tpu.vector_store_idx %arg6[%add3A_215, %broadcast_in_dim3A_216], %gather3A_209 : memref<128x128xf32, #tpu.memory_space<vmem>>[vector<16xi32>, vector<16xi32>], vector<16xf32>,
        %add3A_217 = arith.constant 112 : i32
        %add3A_218 = arith.addi %sub3A_135, %add3A_217 : i32
        %add3A_219 = vector.broadcast %add3A_218 : i32 to vector<16xi32>
        %add3A_220 = arith.addi %add3A_219, %iota3A : vector<16xi32>
        %gather3A_221 = tpu.vector_load_idx %arg4[%add3A_220] : memref<57024xf32, #tpu.memory_space<vmem>>[vector<16xi32>], vector<16xf32>,
        %swap3A_222 = arith.index_cast %scan3A_104 : i32 to index
        %swap3A_223 = arith.constant 112 : index
        %swap3A_224 = tpu.vector_load %arg5[%swap3A_222, %swap3A_223] {strides = array<i32>} : memref<128x128xf32, #tpu.memory_space<vmem>>, vector<16xf32>,
        tpu.vector_store %arg5[%swap3A_222, %swap3A_223], %gather3A_221 {strides = array<i32>} : memref<128x128xf32, #tpu.memory_space<vmem>>, vector<16xf32>,
        %add3A_225 = arith.constant 112 : i32
        %add3A_226 = vector.broadcast %add3A_225 : i32 to vector<16xi32>
        %add3A_227 = arith.addi %add3A_226, %iota3A : vector<16xi32>
        %broadcast_in_dim3A_228 = vector.broadcast %scan3A_104 : i32 to vector<16xi32>
        tpu.vector_store_idx %arg6[%add3A_227, %broadcast_in_dim3A_228], %gather3A_221 : memref<128x128xf32, #tpu.memory_space<vmem>>[vector<16xi32>, vector<16xi32>], vector<16xf32>,
      }
      %scan3A_103 = arith.constant 128 : i32
      "tpu.region"() ({
        %run_scoped3A = tpu.sem_alloc : memref<!tpu.dma_semaphore, #tpu.memory_space<semaphore_mem>>
        %dma_start3A = arith.constant 0 : i32
        %dma_start3A_104 = arith.constant 384 : i32
        %dma_start3A_105 = tpu.memref_slice %arg3[%sub3A_26, %dma_start3A, %dma_start3A_104] : memref<16x512x512xf32, #tpu.memory_space<hbm>> -> memref<1x128x128xf32, #tpu.memory_space<hbm>>
        %dma_start3A_106 = tpu.memref_squeeze %dma_start3A_105 : memref<1x128x128xf32, #tpu.memory_space<hbm>> -> memref<128x128xf32, #tpu.memory_space<hbm>>
        %dma_start3A_107 = arith.constant 0 : i32
        %dma_start3A_108 = arith.constant 384 : i32
        %dma_start3A_109 = tpu.memref_slice %arg3[%sub3A_26, %dma_start3A_107, %dma_start3A_108] : memref<16x512x512xf32, #tpu.memory_space<hbm>> -> memref<1x128x128xf32, #tpu.memory_space<hbm>>
        %dma_start3A_110 = tpu.memref_squeeze %dma_start3A_109 : memref<1x128x128xf32, #tpu.memory_space<hbm>> -> memref<128x128xf32, #tpu.memory_space<hbm>>
        tpu.enqueue_dma source(%arg5 : memref<128x128xf32, #tpu.memory_space<vmem>>) target(%dma_start3A_110 : memref<128x128xf32, #tpu.memory_space<hbm>>) target_semaphore(%run_scoped3A : memref<!tpu.dma_semaphore, #tpu.memory_space<semaphore_mem>>)
        %dma_wait3A = arith.constant 0 : i32
        %dma_wait3A_111 = arith.constant 384 : i32
        %dma_wait3A_112 = tpu.memref_slice %arg3[%sub3A_26, %dma_wait3A, %dma_wait3A_111] : memref<16x512x512xf32, #tpu.memory_space<hbm>> -> memref<1x128x128xf32, #tpu.memory_space<hbm>>
        %dma_wait3A_113 = tpu.memref_squeeze %dma_wait3A_112 : memref<1x128x128xf32, #tpu.memory_space<hbm>> -> memref<128x128xf32, #tpu.memory_space<hbm>>
        %dma_wait3A_114 = arith.constant 0 : i32
        %dma_wait3A_115 = arith.constant 384 : i32
        %dma_wait3A_116 = tpu.memref_slice %arg3[%sub3A_26, %dma_wait3A_114, %dma_wait3A_115] : memref<16x512x512xf32, #tpu.memory_space<hbm>> -> memref<1x128x128xf32, #tpu.memory_space<hbm>>
        %dma_wait3A_117 = tpu.memref_squeeze %dma_wait3A_116 : memref<1x128x128xf32, #tpu.memory_space<hbm>> -> memref<128x128xf32, #tpu.memory_space<hbm>>
        tpu.wait_dma2 semaphore(%run_scoped3A : memref<!tpu.dma_semaphore, #tpu.memory_space<semaphore_mem>>) src(%arg5 : memref<128x128xf32, #tpu.memory_space<vmem>>) dst(%dma_wait3A_117 : memref<128x128xf32, #tpu.memory_space<hbm>>)
        tpu.yield
      }) : () -> ()
      "tpu.region"() ({
        %run_scoped3A = tpu.sem_alloc : memref<!tpu.dma_semaphore, #tpu.memory_space<semaphore_mem>>
        %dma_start3A = arith.constant 384 : i32
        %dma_start3A_104 = arith.constant 0 : i32
        %dma_start3A_105 = tpu.memref_slice %arg3[%sub3A_26, %dma_start3A, %dma_start3A_104] : memref<16x512x512xf32, #tpu.memory_space<hbm>> -> memref<1x128x128xf32, #tpu.memory_space<hbm>>
        %dma_start3A_106 = tpu.memref_squeeze %dma_start3A_105 : memref<1x128x128xf32, #tpu.memory_space<hbm>> -> memref<128x128xf32, #tpu.memory_space<hbm>>
        %dma_start3A_107 = arith.constant 384 : i32
        %dma_start3A_108 = arith.constant 0 : i32
        %dma_start3A_109 = tpu.memref_slice %arg3[%sub3A_26, %dma_start3A_107, %dma_start3A_108] : memref<16x512x512xf32, #tpu.memory_space<hbm>> -> memref<1x128x128xf32, #tpu.memory_space<hbm>>
        %dma_start3A_110 = tpu.memref_squeeze %dma_start3A_109 : memref<1x128x128xf32, #tpu.memory_space<hbm>> -> memref<128x128xf32, #tpu.memory_space<hbm>>
        tpu.enqueue_dma source(%arg6 : memref<128x128xf32, #tpu.memory_space<vmem>>) target(%dma_start3A_110 : memref<128x128xf32, #tpu.memory_space<hbm>>) target_semaphore(%run_scoped3A : memref<!tpu.dma_semaphore, #tpu.memory_space<semaphore_mem>>)
        %dma_wait3A = arith.constant 384 : i32
        %dma_wait3A_111 = arith.constant 0 : i32
        %dma_wait3A_112 = tpu.memref_slice %arg3[%sub3A_26, %dma_wait3A, %dma_wait3A_111] : memref<16x512x512xf32, #tpu.memory_space<hbm>> -> memref<1x128x128xf32, #tpu.memory_space<hbm>>
        %dma_wait3A_113 = tpu.memref_squeeze %dma_wait3A_112 : memref<1x128x128xf32, #tpu.memory_space<hbm>> -> memref<128x128xf32, #tpu.memory_space<hbm>>
        %dma_wait3A_114 = arith.constant 384 : i32
        %dma_wait3A_115 = arith.constant 0 : i32
        %dma_wait3A_116 = tpu.memref_slice %arg3[%sub3A_26, %dma_wait3A_114, %dma_wait3A_115] : memref<16x512x512xf32, #tpu.memory_space<hbm>> -> memref<1x128x128xf32, #tpu.memory_space<hbm>>
        %dma_wait3A_117 = tpu.memref_squeeze %dma_wait3A_116 : memref<1x128x128xf32, #tpu.memory_space<hbm>> -> memref<128x128xf32, #tpu.memory_space<hbm>>
        tpu.wait_dma2 semaphore(%run_scoped3A : memref<!tpu.dma_semaphore, #tpu.memory_space<semaphore_mem>>) src(%arg6 : memref<128x128xf32, #tpu.memory_space<vmem>>) dst(%dma_wait3A_117 : memref<128x128xf32, #tpu.memory_space<hbm>>)
        tpu.yield
      }) : () -> ()
    } else {
    }
    %sub3A_35 = arith.constant 0 : i32
    %sub3A_36 = arith.subi %add3A, %sub3A_35 : i32
    %ge3A_37 = arith.constant 0 : i32
    %ge3A_38 = arith.cmpi sge, %sub3A_36, %ge3A_37 : i32
    %lt3A_39 = arith.constant 16 : i32
    %lt3A_40 = arith.cmpi slt, %sub3A_36, %lt3A_39 : i32
    %and3A_41 = arith.andi %ge3A_38, %lt3A_40 : i1
    %convert_element_type3A_42 = arith.extui %and3A_41 : i1 to i32
    %cond3A_43 = arith.constant 0 : i32
    %cond3A_44 = arith.cmpi ne, %convert_element_type3A_42, %cond3A_43 : i32
    scf.if %cond3A_44 {
      %mul3A_95 = arith.constant 131328 : i32
      %mul3A_96 = arith.muli %sub3A_36, %mul3A_95 : i32
      %add3A_97 = arith.constant 57408 : i32
      %add3A_98 = arith.addi %mul3A_96, %add3A_97 : i32
      %multiple_of3A = tpu.assume_multiple %add3A_98, 8 : i32
      "tpu.region"() ({
        %run_scoped3A = tpu.sem_alloc : memref<!tpu.dma_semaphore, #tpu.memory_space<semaphore_mem>>
        %dma_start3A = arith.constant 0 : i32
        %dma_start3A_110 = tpu.memref_slice %arg4[%dma_start3A] : memref<57024xf32, #tpu.memory_space<vmem>> -> memref<40768xf32, #tpu.memory_space<vmem>>
        %dma_start3A_111 = tpu.memref_slice %arg2[%multiple_of3A] : memref<2101248xf32, #tpu.memory_space<hbm>> -> memref<40768xf32, #tpu.memory_space<hbm>>
        %dma_start3A_112 = arith.constant 0 : i32
        %dma_start3A_113 = tpu.memref_slice %arg4[%dma_start3A_112] : memref<57024xf32, #tpu.memory_space<vmem>> -> memref<40768xf32, #tpu.memory_space<vmem>>
        %dma_start3A_114 = tpu.memref_slice %arg2[%multiple_of3A] : memref<2101248xf32, #tpu.memory_space<hbm>> -> memref<40768xf32, #tpu.memory_space<hbm>>
        tpu.enqueue_dma source(%dma_start3A_114 : memref<40768xf32, #tpu.memory_space<hbm>>) target(%dma_start3A_113 : memref<40768xf32, #tpu.memory_space<vmem>>) target_semaphore(%run_scoped3A : memref<!tpu.dma_semaphore, #tpu.memory_space<semaphore_mem>>)
        %dma_wait3A = arith.constant 0 : i32
        %dma_wait3A_115 = tpu.memref_slice %arg4[%dma_wait3A] : memref<57024xf32, #tpu.memory_space<vmem>> -> memref<40768xf32, #tpu.memory_space<vmem>>
        %dma_wait3A_116 = tpu.memref_slice %arg2[%multiple_of3A] : memref<2101248xf32, #tpu.memory_space<hbm>> -> memref<40768xf32, #tpu.memory_space<hbm>>
        %dma_wait3A_117 = arith.constant 0 : i32
        %dma_wait3A_118 = tpu.memref_slice %arg4[%dma_wait3A_117] : memref<57024xf32, #tpu.memory_space<vmem>> -> memref<40768xf32, #tpu.memory_space<vmem>>
        %dma_wait3A_119 = tpu.memref_slice %arg2[%multiple_of3A] : memref<2101248xf32, #tpu.memory_space<hbm>> -> memref<40768xf32, #tpu.memory_space<hbm>>
        tpu.wait_dma2 semaphore(%run_scoped3A : memref<!tpu.dma_semaphore, #tpu.memory_space<semaphore_mem>>) src(%dma_wait3A_119 : memref<40768xf32, #tpu.memory_space<hbm>>) dst(%dma_wait3A_118 : memref<40768xf32, #tpu.memory_space<vmem>>)
        tpu.yield
      }) : () -> ()
      %scan3A = arith.constant 0 : i32
      %scan3A_99 = arith.constant 0 : i32
      %scan3A_100 = arith.constant 128 : i32
      %scan3A_101 = arith.addi %scan3A_99, %scan3A_100 : i32
      %scan3A_102 = arith.constant 1 : i32
      scf.for %scan3A_110 = %scan3A_99 to %scan3A_101 step %scan3A_102  : i32 {
        %add3A_111 = arith.constant 128 : i32
        %add3A_112 = arith.addi %add3A_111, %scan3A_110 : i32
        %mul3A_113 = arith.constant 512 : i32
        %mul3A_114 = arith.muli %add3A_112, %mul3A_113 : i32
        %sub3A_115 = arith.constant 1 : i32
        %sub3A_116 = arith.subi %add3A_112, %sub3A_115 : i32
        %mul3A_117 = arith.muli %add3A_112, %sub3A_116 : i32
        %jit3A = arith.constant 2 : i32
        %div3A = arith.divsi %mul3A_117, %jit3A : i32
        %sign3A = arith.constant 0 : i32
        %sign3A_118 = arith.cmpi sgt, %mul3A_117, %sign3A : i32
        %sign3A_119 = arith.extui %sign3A_118 : i1 to i32
        %sign3A_120 = arith.constant 0 : i32
        %sign3A_121 = arith.cmpi slt, %mul3A_117, %sign3A_120 : i32
        %sign3A_122 = arith.extui %sign3A_121 : i1 to i32
        %sign3A_123 = arith.subi %sign3A_119, %sign3A_122 : i32
        %sign3A_124 = arith.constant 0 : i32
        %sign3A_125 = arith.cmpi sgt, %jit3A, %sign3A_124 : i32
        %sign3A_126 = arith.extui %sign3A_125 : i1 to i32
        %sign3A_127 = arith.constant 0 : i32
        %sign3A_128 = arith.cmpi slt, %jit3A, %sign3A_127 : i32
        %sign3A_129 = arith.extui %sign3A_128 : i1 to i32
        %sign3A_130 = arith.subi %sign3A_126, %sign3A_129 : i32
        %ne3A = arith.cmpi ne, %sign3A_123, %sign3A_130 : i32
        %rem3A = arith.remsi %mul3A_117, %jit3A : i32
        %ne3A_131 = arith.constant 0 : i32
        %ne3A_132 = arith.cmpi ne, %rem3A, %ne3A_131 : i32
        %and3A_133 = arith.andi %ne3A, %ne3A_132 : i1
        %sub3A_134 = arith.constant 1 : i32
        %sub3A_135 = arith.subi %div3A, %sub3A_134 : i32
        %select_n3A = arith.select %and3A_133, %sub3A_135, %div3A : i32
        %sub3A_136 = arith.subi %mul3A_114, %select_n3A : i32
        %add3A_137 = arith.constant 128 : i32
        %add3A_138 = arith.addi %sub3A_136, %add3A_137 : i32
        %sub3A_139 = arith.subi %add3A_138, %add3A_112 : i32
        %sub3A_140 = arith.constant 57408 : i32
        %sub3A_141 = arith.subi %sub3A_139, %sub3A_140 : i32
        %add3A_142 = arith.constant 0 : i32
        %add3A_143 = arith.addi %sub3A_141, %add3A_142 : i32
        %add3A_144 = vector.broadcast %add3A_143 : i32 to vector<16xi32>
        %add3A_145 = arith.addi %add3A_144, %iota3A : vector<16xi32>
        %gather3A = tpu.vector_load_idx %arg4[%add3A_145] : memref<57024xf32, #tpu.memory_space<vmem>>[vector<16xi32>], vector<16xf32>,
        %add3A_146 = arith.constant 128 : i32
        %add3A_147 = vector.broadcast %add3A_146 : i32 to vector<16xi32>
        %add3A_148 = arith.addi %add3A_147, %iota3A : vector<16xi32>
        %ge3A_149 = vector.broadcast %add3A_112 : i32 to vector<16xi32>
        %ge3A_150 = arith.cmpi sge, %add3A_148, %ge3A_149 : vector<16xi32>
        %jit3A_151 = arith.constant 0.000000e+00 : f32
        %broadcast_in_dim3A = vector.broadcast %jit3A_151 : f32 to vector<16xf32>
        %select_n3A_152 = arith.select %ge3A_150, %gather3A, %broadcast_in_dim3A : vector<16xi1>, vector<16xf32>
        %swap3A = arith.index_cast %scan3A_110 : i32 to index
        %swap3A_153 = arith.constant 0 : index
        %swap3A_154 = tpu.vector_load %arg5[%swap3A, %swap3A_153] {strides = array<i32>} : memref<128x128xf32, #tpu.memory_space<vmem>>, vector<16xf32>,
        tpu.vector_store %arg5[%swap3A, %swap3A_153], %select_n3A_152 {strides = array<i32>} : memref<128x128xf32, #tpu.memory_space<vmem>>, vector<16xf32>,
        %add3A_155 = arith.constant 16 : i32
        %add3A_156 = arith.addi %sub3A_141, %add3A_155 : i32
        %add3A_157 = vector.broadcast %add3A_156 : i32 to vector<16xi32>
        %add3A_158 = arith.addi %add3A_157, %iota3A : vector<16xi32>
        %gather3A_159 = tpu.vector_load_idx %arg4[%add3A_158] : memref<57024xf32, #tpu.memory_space<vmem>>[vector<16xi32>], vector<16xf32>,
        %add3A_160 = arith.constant 144 : i32
        %add3A_161 = vector.broadcast %add3A_160 : i32 to vector<16xi32>
        %add3A_162 = arith.addi %add3A_161, %iota3A : vector<16xi32>
        %ge3A_163 = vector.broadcast %add3A_112 : i32 to vector<16xi32>
        %ge3A_164 = arith.cmpi sge, %add3A_162, %ge3A_163 : vector<16xi32>
        %jit3A_165 = arith.constant 0.000000e+00 : f32
        %broadcast_in_dim3A_166 = vector.broadcast %jit3A_165 : f32 to vector<16xf32>
        %select_n3A_167 = arith.select %ge3A_164, %gather3A_159, %broadcast_in_dim3A_166 : vector<16xi1>, vector<16xf32>
        %swap3A_168 = arith.index_cast %scan3A_110 : i32 to index
        %swap3A_169 = arith.constant 16 : index
        %swap3A_170 = tpu.vector_load %arg5[%swap3A_168, %swap3A_169] {strides = array<i32>} : memref<128x128xf32, #tpu.memory_space<vmem>>, vector<16xf32>,
        tpu.vector_store %arg5[%swap3A_168, %swap3A_169], %select_n3A_167 {strides = array<i32>} : memref<128x128xf32, #tpu.memory_space<vmem>>, vector<16xf32>,
        %add3A_171 = arith.constant 32 : i32
        %add3A_172 = arith.addi %sub3A_141, %add3A_171 : i32
        %add3A_173 = vector.broadcast %add3A_172 : i32 to vector<16xi32>
        %add3A_174 = arith.addi %add3A_173, %iota3A : vector<16xi32>
        %gather3A_175 = tpu.vector_load_idx %arg4[%add3A_174] : memref<57024xf32, #tpu.memory_space<vmem>>[vector<16xi32>], vector<16xf32>,
        %add3A_176 = arith.constant 160 : i32
        %add3A_177 = vector.broadcast %add3A_176 : i32 to vector<16xi32>
        %add3A_178 = arith.addi %add3A_177, %iota3A : vector<16xi32>
        %ge3A_179 = vector.broadcast %add3A_112 : i32 to vector<16xi32>
        %ge3A_180 = arith.cmpi sge, %add3A_178, %ge3A_179 : vector<16xi32>
        %jit3A_181 = arith.constant 0.000000e+00 : f32
        %broadcast_in_dim3A_182 = vector.broadcast %jit3A_181 : f32 to vector<16xf32>
        %select_n3A_183 = arith.select %ge3A_180, %gather3A_175, %broadcast_in_dim3A_182 : vector<16xi1>, vector<16xf32>
        %swap3A_184 = arith.index_cast %scan3A_110 : i32 to index
        %swap3A_185 = arith.constant 32 : index
        %swap3A_186 = tpu.vector_load %arg5[%swap3A_184, %swap3A_185] {strides = array<i32>} : memref<128x128xf32, #tpu.memory_space<vmem>>, vector<16xf32>,
        tpu.vector_store %arg5[%swap3A_184, %swap3A_185], %select_n3A_183 {strides = array<i32>} : memref<128x128xf32, #tpu.memory_space<vmem>>, vector<16xf32>,
        %add3A_187 = arith.constant 48 : i32
        %add3A_188 = arith.addi %sub3A_141, %add3A_187 : i32
        %add3A_189 = vector.broadcast %add3A_188 : i32 to vector<16xi32>
        %add3A_190 = arith.addi %add3A_189, %iota3A : vector<16xi32>
        %gather3A_191 = tpu.vector_load_idx %arg4[%add3A_190] : memref<57024xf32, #tpu.memory_space<vmem>>[vector<16xi32>], vector<16xf32>,
        %add3A_192 = arith.constant 176 : i32
        %add3A_193 = vector.broadcast %add3A_192 : i32 to vector<16xi32>
        %add3A_194 = arith.addi %add3A_193, %iota3A : vector<16xi32>
        %ge3A_195 = vector.broadcast %add3A_112 : i32 to vector<16xi32>
        %ge3A_196 = arith.cmpi sge, %add3A_194, %ge3A_195 : vector<16xi32>
        %jit3A_197 = arith.constant 0.000000e+00 : f32
        %broadcast_in_dim3A_198 = vector.broadcast %jit3A_197 : f32 to vector<16xf32>
        %select_n3A_199 = arith.select %ge3A_196, %gather3A_191, %broadcast_in_dim3A_198 : vector<16xi1>, vector<16xf32>
        %swap3A_200 = arith.index_cast %scan3A_110 : i32 to index
        %swap3A_201 = arith.constant 48 : index
        %swap3A_202 = tpu.vector_load %arg5[%swap3A_200, %swap3A_201] {strides = array<i32>} : memref<128x128xf32, #tpu.memory_space<vmem>>, vector<16xf32>,
        tpu.vector_store %arg5[%swap3A_200, %swap3A_201], %select_n3A_199 {strides = array<i32>} : memref<128x128xf32, #tpu.memory_space<vmem>>, vector<16xf32>,
        %add3A_203 = arith.constant 64 : i32
        %add3A_204 = arith.addi %sub3A_141, %add3A_203 : i32
        %add3A_205 = vector.broadcast %add3A_204 : i32 to vector<16xi32>
        %add3A_206 = arith.addi %add3A_205, %iota3A : vector<16xi32>
        %gather3A_207 = tpu.vector_load_idx %arg4[%add3A_206] : memref<57024xf32, #tpu.memory_space<vmem>>[vector<16xi32>], vector<16xf32>,
        %add3A_208 = arith.constant 192 : i32
        %add3A_209 = vector.broadcast %add3A_208 : i32 to vector<16xi32>
        %add3A_210 = arith.addi %add3A_209, %iota3A : vector<16xi32>
        %ge3A_211 = vector.broadcast %add3A_112 : i32 to vector<16xi32>
        %ge3A_212 = arith.cmpi sge, %add3A_210, %ge3A_211 : vector<16xi32>
        %jit3A_213 = arith.constant 0.000000e+00 : f32
        %broadcast_in_dim3A_214 = vector.broadcast %jit3A_213 : f32 to vector<16xf32>
        %select_n3A_215 = arith.select %ge3A_212, %gather3A_207, %broadcast_in_dim3A_214 : vector<16xi1>, vector<16xf32>
        %swap3A_216 = arith.index_cast %scan3A_110 : i32 to index
        %swap3A_217 = arith.constant 64 : index
        %swap3A_218 = tpu.vector_load %arg5[%swap3A_216, %swap3A_217] {strides = array<i32>} : memref<128x128xf32, #tpu.memory_space<vmem>>, vector<16xf32>,
        tpu.vector_store %arg5[%swap3A_216, %swap3A_217], %select_n3A_215 {strides = array<i32>} : memref<128x128xf32, #tpu.memory_space<vmem>>, vector<16xf32>,
        %add3A_219 = arith.constant 80 : i32
        %add3A_220 = arith.addi %sub3A_141, %add3A_219 : i32
        %add3A_221 = vector.broadcast %add3A_220 : i32 to vector<16xi32>
        %add3A_222 = arith.addi %add3A_221, %iota3A : vector<16xi32>
        %gather3A_223 = tpu.vector_load_idx %arg4[%add3A_222] : memref<57024xf32, #tpu.memory_space<vmem>>[vector<16xi32>], vector<16xf32>,
        %add3A_224 = arith.constant 208 : i32
        %add3A_225 = vector.broadcast %add3A_224 : i32 to vector<16xi32>
        %add3A_226 = arith.addi %add3A_225, %iota3A : vector<16xi32>
        %ge3A_227 = vector.broadcast %add3A_112 : i32 to vector<16xi32>
        %ge3A_228 = arith.cmpi sge, %add3A_226, %ge3A_227 : vector<16xi32>
        %jit3A_229 = arith.constant 0.000000e+00 : f32
        %broadcast_in_dim3A_230 = vector.broadcast %jit3A_229 : f32 to vector<16xf32>
        %select_n3A_231 = arith.select %ge3A_228, %gather3A_223, %broadcast_in_dim3A_230 : vector<16xi1>, vector<16xf32>
        %swap3A_232 = arith.index_cast %scan3A_110 : i32 to index
        %swap3A_233 = arith.constant 80 : index
        %swap3A_234 = tpu.vector_load %arg5[%swap3A_232, %swap3A_233] {strides = array<i32>} : memref<128x128xf32, #tpu.memory_space<vmem>>, vector<16xf32>,
        tpu.vector_store %arg5[%swap3A_232, %swap3A_233], %select_n3A_231 {strides = array<i32>} : memref<128x128xf32, #tpu.memory_space<vmem>>, vector<16xf32>,
        %add3A_235 = arith.constant 96 : i32
        %add3A_236 = arith.addi %sub3A_141, %add3A_235 : i32
        %add3A_237 = vector.broadcast %add3A_236 : i32 to vector<16xi32>
        %add3A_238 = arith.addi %add3A_237, %iota3A : vector<16xi32>
        %gather3A_239 = tpu.vector_load_idx %arg4[%add3A_238] : memref<57024xf32, #tpu.memory_space<vmem>>[vector<16xi32>], vector<16xf32>,
        %add3A_240 = arith.constant 224 : i32
        %add3A_241 = vector.broadcast %add3A_240 : i32 to vector<16xi32>
        %add3A_242 = arith.addi %add3A_241, %iota3A : vector<16xi32>
        %ge3A_243 = vector.broadcast %add3A_112 : i32 to vector<16xi32>
        %ge3A_244 = arith.cmpi sge, %add3A_242, %ge3A_243 : vector<16xi32>
        %jit3A_245 = arith.constant 0.000000e+00 : f32
        %broadcast_in_dim3A_246 = vector.broadcast %jit3A_245 : f32 to vector<16xf32>
        %select_n3A_247 = arith.select %ge3A_244, %gather3A_239, %broadcast_in_dim3A_246 : vector<16xi1>, vector<16xf32>
        %swap3A_248 = arith.index_cast %scan3A_110 : i32 to index
        %swap3A_249 = arith.constant 96 : index
        %swap3A_250 = tpu.vector_load %arg5[%swap3A_248, %swap3A_249] {strides = array<i32>} : memref<128x128xf32, #tpu.memory_space<vmem>>, vector<16xf32>,
        tpu.vector_store %arg5[%swap3A_248, %swap3A_249], %select_n3A_247 {strides = array<i32>} : memref<128x128xf32, #tpu.memory_space<vmem>>, vector<16xf32>,
        %add3A_251 = arith.constant 112 : i32
        %add3A_252 = arith.addi %sub3A_141, %add3A_251 : i32
        %add3A_253 = vector.broadcast %add3A_252 : i32 to vector<16xi32>
        %add3A_254 = arith.addi %add3A_253, %iota3A : vector<16xi32>
        %gather3A_255 = tpu.vector_load_idx %arg4[%add3A_254] : memref<57024xf32, #tpu.memory_space<vmem>>[vector<16xi32>], vector<16xf32>,
        %add3A_256 = arith.constant 240 : i32
        %add3A_257 = vector.broadcast %add3A_256 : i32 to vector<16xi32>
        %add3A_258 = arith.addi %add3A_257, %iota3A : vector<16xi32>
        %ge3A_259 = vector.broadcast %add3A_112 : i32 to vector<16xi32>
        %ge3A_260 = arith.cmpi sge, %add3A_258, %ge3A_259 : vector<16xi32>
        %jit3A_261 = arith.constant 0.000000e+00 : f32
        %broadcast_in_dim3A_262 = vector.broadcast %jit3A_261 : f32 to vector<16xf32>
        %select_n3A_263 = arith.select %ge3A_260, %gather3A_255, %broadcast_in_dim3A_262 : vector<16xi1>, vector<16xf32>
        %swap3A_264 = arith.index_cast %scan3A_110 : i32 to index
        %swap3A_265 = arith.constant 112 : index
        %swap3A_266 = tpu.vector_load %arg5[%swap3A_264, %swap3A_265] {strides = array<i32>} : memref<128x128xf32, #tpu.memory_space<vmem>>, vector<16xf32>,
        tpu.vector_store %arg5[%swap3A_264, %swap3A_265], %select_n3A_263 {strides = array<i32>} : memref<128x128xf32, #tpu.memory_space<vmem>>, vector<16xf32>,
      }
      %scan3A_103 = arith.constant 128 : i32
      %scan3A_104 = arith.constant 0 : i32
      %scan3A_105 = arith.constant 0 : i32
      %scan3A_106 = arith.constant 128 : i32
      %scan3A_107 = arith.addi %scan3A_105, %scan3A_106 : i32
      %scan3A_108 = arith.constant 1 : i32
      scf.for %scan3A_110 = %scan3A_105 to %scan3A_107 step %scan3A_108  : i32 {
        %add3A_111 = arith.constant 128 : i32
        %add3A_112 = arith.addi %add3A_111, %scan3A_110 : i32
        %get3A = arith.index_cast %scan3A_110 : i32 to index
        %get3A_113 = arith.constant 0 : index
        %get3A_114 = tpu.vector_load %arg5[%get3A, %get3A_113] {strides = array<i32>} : memref<128x128xf32, #tpu.memory_space<vmem>>, vector<16xf32>,
        %add3A_115 = arith.constant 128 : i32
        %add3A_116 = vector.broadcast %add3A_115 : i32 to vector<16xi32>
        %add3A_117 = arith.addi %add3A_116, %iota3A : vector<16xi32>
        %add3A_118 = arith.constant 0 : i32
        %add3A_119 = vector.broadcast %add3A_118 : i32 to vector<16xi32>
        %add3A_120 = arith.addi %add3A_119, %iota3A : vector<16xi32>
        %broadcast_in_dim3A = vector.broadcast %scan3A_110 : i32 to vector<16xi32>
        %gt3A = vector.broadcast %add3A_112 : i32 to vector<16xi32>
        %gt3A_121 = arith.cmpi sgt, %add3A_117, %gt3A : vector<16xi32>
        tpu.vector_store_idx %arg5[%add3A_120, %broadcast_in_dim3A], %get3A_114 masked %gt3A_121 : memref<128x128xf32, #tpu.memory_space<vmem>>[vector<16xi32>, vector<16xi32>], vector<16xf32>, vector<16xi1>
        %get3A_122 = arith.index_cast %scan3A_110 : i32 to index
        %get3A_123 = arith.constant 16 : index
        %get3A_124 = tpu.vector_load %arg5[%get3A_122, %get3A_123] {strides = array<i32>} : memref<128x128xf32, #tpu.memory_space<vmem>>, vector<16xf32>,
        %add3A_125 = arith.constant 144 : i32
        %add3A_126 = vector.broadcast %add3A_125 : i32 to vector<16xi32>
        %add3A_127 = arith.addi %add3A_126, %iota3A : vector<16xi32>
        %add3A_128 = arith.constant 16 : i32
        %add3A_129 = vector.broadcast %add3A_128 : i32 to vector<16xi32>
        %add3A_130 = arith.addi %add3A_129, %iota3A : vector<16xi32>
        %broadcast_in_dim3A_131 = vector.broadcast %scan3A_110 : i32 to vector<16xi32>
        %gt3A_132 = vector.broadcast %add3A_112 : i32 to vector<16xi32>
        %gt3A_133 = arith.cmpi sgt, %add3A_127, %gt3A_132 : vector<16xi32>
        tpu.vector_store_idx %arg5[%add3A_130, %broadcast_in_dim3A_131], %get3A_124 masked %gt3A_133 : memref<128x128xf32, #tpu.memory_space<vmem>>[vector<16xi32>, vector<16xi32>], vector<16xf32>, vector<16xi1>
        %get3A_134 = arith.index_cast %scan3A_110 : i32 to index
        %get3A_135 = arith.constant 32 : index
        %get3A_136 = tpu.vector_load %arg5[%get3A_134, %get3A_135] {strides = array<i32>} : memref<128x128xf32, #tpu.memory_space<vmem>>, vector<16xf32>,
        %add3A_137 = arith.constant 160 : i32
        %add3A_138 = vector.broadcast %add3A_137 : i32 to vector<16xi32>
        %add3A_139 = arith.addi %add3A_138, %iota3A : vector<16xi32>
        %add3A_140 = arith.constant 32 : i32
        %add3A_141 = vector.broadcast %add3A_140 : i32 to vector<16xi32>
        %add3A_142 = arith.addi %add3A_141, %iota3A : vector<16xi32>
        %broadcast_in_dim3A_143 = vector.broadcast %scan3A_110 : i32 to vector<16xi32>
        %gt3A_144 = vector.broadcast %add3A_112 : i32 to vector<16xi32>
        %gt3A_145 = arith.cmpi sgt, %add3A_139, %gt3A_144 : vector<16xi32>
        tpu.vector_store_idx %arg5[%add3A_142, %broadcast_in_dim3A_143], %get3A_136 masked %gt3A_145 : memref<128x128xf32, #tpu.memory_space<vmem>>[vector<16xi32>, vector<16xi32>], vector<16xf32>, vector<16xi1>
        %get3A_146 = arith.index_cast %scan3A_110 : i32 to index
        %get3A_147 = arith.constant 48 : index
        %get3A_148 = tpu.vector_load %arg5[%get3A_146, %get3A_147] {strides = array<i32>} : memref<128x128xf32, #tpu.memory_space<vmem>>, vector<16xf32>,
        %add3A_149 = arith.constant 176 : i32
        %add3A_150 = vector.broadcast %add3A_149 : i32 to vector<16xi32>
        %add3A_151 = arith.addi %add3A_150, %iota3A : vector<16xi32>
        %add3A_152 = arith.constant 48 : i32
        %add3A_153 = vector.broadcast %add3A_152 : i32 to vector<16xi32>
        %add3A_154 = arith.addi %add3A_153, %iota3A : vector<16xi32>
        %broadcast_in_dim3A_155 = vector.broadcast %scan3A_110 : i32 to vector<16xi32>
        %gt3A_156 = vector.broadcast %add3A_112 : i32 to vector<16xi32>
        %gt3A_157 = arith.cmpi sgt, %add3A_151, %gt3A_156 : vector<16xi32>
        tpu.vector_store_idx %arg5[%add3A_154, %broadcast_in_dim3A_155], %get3A_148 masked %gt3A_157 : memref<128x128xf32, #tpu.memory_space<vmem>>[vector<16xi32>, vector<16xi32>], vector<16xf32>, vector<16xi1>
        %get3A_158 = arith.index_cast %scan3A_110 : i32 to index
        %get3A_159 = arith.constant 64 : index
        %get3A_160 = tpu.vector_load %arg5[%get3A_158, %get3A_159] {strides = array<i32>} : memref<128x128xf32, #tpu.memory_space<vmem>>, vector<16xf32>,
        %add3A_161 = arith.constant 192 : i32
        %add3A_162 = vector.broadcast %add3A_161 : i32 to vector<16xi32>
        %add3A_163 = arith.addi %add3A_162, %iota3A : vector<16xi32>
        %add3A_164 = arith.constant 64 : i32
        %add3A_165 = vector.broadcast %add3A_164 : i32 to vector<16xi32>
        %add3A_166 = arith.addi %add3A_165, %iota3A : vector<16xi32>
        %broadcast_in_dim3A_167 = vector.broadcast %scan3A_110 : i32 to vector<16xi32>
        %gt3A_168 = vector.broadcast %add3A_112 : i32 to vector<16xi32>
        %gt3A_169 = arith.cmpi sgt, %add3A_163, %gt3A_168 : vector<16xi32>
        tpu.vector_store_idx %arg5[%add3A_166, %broadcast_in_dim3A_167], %get3A_160 masked %gt3A_169 : memref<128x128xf32, #tpu.memory_space<vmem>>[vector<16xi32>, vector<16xi32>], vector<16xf32>, vector<16xi1>
        %get3A_170 = arith.index_cast %scan3A_110 : i32 to index
        %get3A_171 = arith.constant 80 : index
        %get3A_172 = tpu.vector_load %arg5[%get3A_170, %get3A_171] {strides = array<i32>} : memref<128x128xf32, #tpu.memory_space<vmem>>, vector<16xf32>,
        %add3A_173 = arith.constant 208 : i32
        %add3A_174 = vector.broadcast %add3A_173 : i32 to vector<16xi32>
        %add3A_175 = arith.addi %add3A_174, %iota3A : vector<16xi32>
        %add3A_176 = arith.constant 80 : i32
        %add3A_177 = vector.broadcast %add3A_176 : i32 to vector<16xi32>
        %add3A_178 = arith.addi %add3A_177, %iota3A : vector<16xi32>
        %broadcast_in_dim3A_179 = vector.broadcast %scan3A_110 : i32 to vector<16xi32>
        %gt3A_180 = vector.broadcast %add3A_112 : i32 to vector<16xi32>
        %gt3A_181 = arith.cmpi sgt, %add3A_175, %gt3A_180 : vector<16xi32>
        tpu.vector_store_idx %arg5[%add3A_178, %broadcast_in_dim3A_179], %get3A_172 masked %gt3A_181 : memref<128x128xf32, #tpu.memory_space<vmem>>[vector<16xi32>, vector<16xi32>], vector<16xf32>, vector<16xi1>
        %get3A_182 = arith.index_cast %scan3A_110 : i32 to index
        %get3A_183 = arith.constant 96 : index
        %get3A_184 = tpu.vector_load %arg5[%get3A_182, %get3A_183] {strides = array<i32>} : memref<128x128xf32, #tpu.memory_space<vmem>>, vector<16xf32>,
        %add3A_185 = arith.constant 224 : i32
        %add3A_186 = vector.broadcast %add3A_185 : i32 to vector<16xi32>
        %add3A_187 = arith.addi %add3A_186, %iota3A : vector<16xi32>
        %add3A_188 = arith.constant 96 : i32
        %add3A_189 = vector.broadcast %add3A_188 : i32 to vector<16xi32>
        %add3A_190 = arith.addi %add3A_189, %iota3A : vector<16xi32>
        %broadcast_in_dim3A_191 = vector.broadcast %scan3A_110 : i32 to vector<16xi32>
        %gt3A_192 = vector.broadcast %add3A_112 : i32 to vector<16xi32>
        %gt3A_193 = arith.cmpi sgt, %add3A_187, %gt3A_192 : vector<16xi32>
        tpu.vector_store_idx %arg5[%add3A_190, %broadcast_in_dim3A_191], %get3A_184 masked %gt3A_193 : memref<128x128xf32, #tpu.memory_space<vmem>>[vector<16xi32>, vector<16xi32>], vector<16xf32>, vector<16xi1>
        %get3A_194 = arith.index_cast %scan3A_110 : i32 to index
        %get3A_195 = arith.constant 112 : index
        %get3A_196 = tpu.vector_load %arg5[%get3A_194, %get3A_195] {strides = array<i32>} : memref<128x128xf32, #tpu.memory_space<vmem>>, vector<16xf32>,
        %add3A_197 = arith.constant 240 : i32
        %add3A_198 = vector.broadcast %add3A_197 : i32 to vector<16xi32>
        %add3A_199 = arith.addi %add3A_198, %iota3A : vector<16xi32>
        %add3A_200 = arith.constant 112 : i32
        %add3A_201 = vector.broadcast %add3A_200 : i32 to vector<16xi32>
        %add3A_202 = arith.addi %add3A_201, %iota3A : vector<16xi32>
        %broadcast_in_dim3A_203 = vector.broadcast %scan3A_110 : i32 to vector<16xi32>
        %gt3A_204 = vector.broadcast %add3A_112 : i32 to vector<16xi32>
        %gt3A_205 = arith.cmpi sgt, %add3A_199, %gt3A_204 : vector<16xi32>
        tpu.vector_store_idx %arg5[%add3A_202, %broadcast_in_dim3A_203], %get3A_196 masked %gt3A_205 : memref<128x128xf32, #tpu.memory_space<vmem>>[vector<16xi32>, vector<16xi32>], vector<16xf32>, vector<16xi1>
      }
      %scan3A_109 = arith.constant 128 : i32
      "tpu.region"() ({
        %run_scoped3A = tpu.sem_alloc : memref<!tpu.dma_semaphore, #tpu.memory_space<semaphore_mem>>
        %dma_start3A = arith.constant 128 : i32
        %dma_start3A_110 = arith.constant 128 : i32
        %dma_start3A_111 = tpu.memref_slice %arg3[%sub3A_36, %dma_start3A, %dma_start3A_110] : memref<16x512x512xf32, #tpu.memory_space<hbm>> -> memref<1x128x128xf32, #tpu.memory_space<hbm>>
        %dma_start3A_112 = tpu.memref_squeeze %dma_start3A_111 : memref<1x128x128xf32, #tpu.memory_space<hbm>> -> memref<128x128xf32, #tpu.memory_space<hbm>>
        %dma_start3A_113 = arith.constant 128 : i32
        %dma_start3A_114 = arith.constant 128 : i32
        %dma_start3A_115 = tpu.memref_slice %arg3[%sub3A_36, %dma_start3A_113, %dma_start3A_114] : memref<16x512x512xf32, #tpu.memory_space<hbm>> -> memref<1x128x128xf32, #tpu.memory_space<hbm>>
        %dma_start3A_116 = tpu.memref_squeeze %dma_start3A_115 : memref<1x128x128xf32, #tpu.memory_space<hbm>> -> memref<128x128xf32, #tpu.memory_space<hbm>>
        tpu.enqueue_dma source(%arg5 : memref<128x128xf32, #tpu.memory_space<vmem>>) target(%dma_start3A_116 : memref<128x128xf32, #tpu.memory_space<hbm>>) target_semaphore(%run_scoped3A : memref<!tpu.dma_semaphore, #tpu.memory_space<semaphore_mem>>)
        %dma_wait3A = arith.constant 128 : i32
        %dma_wait3A_117 = arith.constant 128 : i32
        %dma_wait3A_118 = tpu.memref_slice %arg3[%sub3A_36, %dma_wait3A, %dma_wait3A_117] : memref<16x512x512xf32, #tpu.memory_space<hbm>> -> memref<1x128x128xf32, #tpu.memory_space<hbm>>
        %dma_wait3A_119 = tpu.memref_squeeze %dma_wait3A_118 : memref<1x128x128xf32, #tpu.memory_space<hbm>> -> memref<128x128xf32, #tpu.memory_space<hbm>>
        %dma_wait3A_120 = arith.constant 128 : i32
        %dma_wait3A_121 = arith.constant 128 : i32
        %dma_wait3A_122 = tpu.memref_slice %arg3[%sub3A_36, %dma_wait3A_120, %dma_wait3A_121] : memref<16x512x512xf32, #tpu.memory_space<hbm>> -> memref<1x128x128xf32, #tpu.memory_space<hbm>>
        %dma_wait3A_123 = tpu.memref_squeeze %dma_wait3A_122 : memref<1x128x128xf32, #tpu.memory_space<hbm>> -> memref<128x128xf32, #tpu.memory_space<hbm>>
        tpu.wait_dma2 semaphore(%run_scoped3A : memref<!tpu.dma_semaphore, #tpu.memory_space<semaphore_mem>>) src(%arg5 : memref<128x128xf32, #tpu.memory_space<vmem>>) dst(%dma_wait3A_123 : memref<128x128xf32, #tpu.memory_space<hbm>>)
        tpu.yield
      }) : () -> ()
    } else {
    }
    %sub3A_45 = arith.constant 16 : i32
    %sub3A_46 = arith.subi %add3A, %sub3A_45 : i32
    %ge3A_47 = arith.constant 0 : i32
    %ge3A_48 = arith.cmpi sge, %sub3A_46, %ge3A_47 : i32
    %lt3A_49 = arith.constant 16 : i32
    %lt3A_50 = arith.cmpi slt, %sub3A_46, %lt3A_49 : i32
    %and3A_51 = arith.andi %ge3A_48, %lt3A_50 : i1
    %convert_element_type3A_52 = arith.extui %and3A_51 : i1 to i32
    %cond3A_53 = arith.constant 0 : i32
    %cond3A_54 = arith.cmpi ne, %convert_element_type3A_52, %cond3A_53 : i32
    scf.if %cond3A_54 {
      %mul3A_95 = arith.constant 131328 : i32
      %mul3A_96 = arith.muli %sub3A_46, %mul3A_95 : i32
      %add3A_97 = arith.constant 57536 : i32
      %add3A_98 = arith.addi %mul3A_96, %add3A_97 : i32
      %multiple_of3A = tpu.assume_multiple %add3A_98, 8 : i32
      "tpu.region"() ({
        %run_scoped3A = tpu.sem_alloc : memref<!tpu.dma_semaphore, #tpu.memory_space<semaphore_mem>>
        %dma_start3A = arith.constant 0 : i32
        %dma_start3A_104 = tpu.memref_slice %arg4[%dma_start3A] : memref<57024xf32, #tpu.memory_space<vmem>> -> memref<40768xf32, #tpu.memory_space<vmem>>
        %dma_start3A_105 = tpu.memref_slice %arg2[%multiple_of3A] : memref<2101248xf32, #tpu.memory_space<hbm>> -> memref<40768xf32, #tpu.memory_space<hbm>>
        %dma_start3A_106 = arith.constant 0 : i32
        %dma_start3A_107 = tpu.memref_slice %arg4[%dma_start3A_106] : memref<57024xf32, #tpu.memory_space<vmem>> -> memref<40768xf32, #tpu.memory_space<vmem>>
        %dma_start3A_108 = tpu.memref_slice %arg2[%multiple_of3A] : memref<2101248xf32, #tpu.memory_space<hbm>> -> memref<40768xf32, #tpu.memory_space<hbm>>
        tpu.enqueue_dma source(%dma_start3A_108 : memref<40768xf32, #tpu.memory_space<hbm>>) target(%dma_start3A_107 : memref<40768xf32, #tpu.memory_space<vmem>>) target_semaphore(%run_scoped3A : memref<!tpu.dma_semaphore, #tpu.memory_space<semaphore_mem>>)
        %dma_wait3A = arith.constant 0 : i32
        %dma_wait3A_109 = tpu.memref_slice %arg4[%dma_wait3A] : memref<57024xf32, #tpu.memory_space<vmem>> -> memref<40768xf32, #tpu.memory_space<vmem>>
        %dma_wait3A_110 = tpu.memref_slice %arg2[%multiple_of3A] : memref<2101248xf32, #tpu.memory_space<hbm>> -> memref<40768xf32, #tpu.memory_space<hbm>>
        %dma_wait3A_111 = arith.constant 0 : i32
        %dma_wait3A_112 = tpu.memref_slice %arg4[%dma_wait3A_111] : memref<57024xf32, #tpu.memory_space<vmem>> -> memref<40768xf32, #tpu.memory_space<vmem>>
        %dma_wait3A_113 = tpu.memref_slice %arg2[%multiple_of3A] : memref<2101248xf32, #tpu.memory_space<hbm>> -> memref<40768xf32, #tpu.memory_space<hbm>>
        tpu.wait_dma2 semaphore(%run_scoped3A : memref<!tpu.dma_semaphore, #tpu.memory_space<semaphore_mem>>) src(%dma_wait3A_113 : memref<40768xf32, #tpu.memory_space<hbm>>) dst(%dma_wait3A_112 : memref<40768xf32, #tpu.memory_space<vmem>>)
        tpu.yield
      }) : () -> ()
      %scan3A = arith.constant 0 : i32
      %scan3A_99 = arith.constant 0 : i32
      %scan3A_100 = arith.constant 128 : i32
      %scan3A_101 = arith.addi %scan3A_99, %scan3A_100 : i32
      %scan3A_102 = arith.constant 1 : i32
      scf.for %scan3A_104 = %scan3A_99 to %scan3A_101 step %scan3A_102  : i32 {
        %add3A_105 = arith.constant 128 : i32
        %add3A_106 = arith.addi %add3A_105, %scan3A_104 : i32
        %mul3A_107 = arith.constant 512 : i32
        %mul3A_108 = arith.muli %add3A_106, %mul3A_107 : i32
        %sub3A_109 = arith.constant 1 : i32
        %sub3A_110 = arith.subi %add3A_106, %sub3A_109 : i32
        %mul3A_111 = arith.muli %add3A_106, %sub3A_110 : i32
        %jit3A = arith.constant 2 : i32
        %div3A = arith.divsi %mul3A_111, %jit3A : i32
        %sign3A = arith.constant 0 : i32
        %sign3A_112 = arith.cmpi sgt, %mul3A_111, %sign3A : i32
        %sign3A_113 = arith.extui %sign3A_112 : i1 to i32
        %sign3A_114 = arith.constant 0 : i32
        %sign3A_115 = arith.cmpi slt, %mul3A_111, %sign3A_114 : i32
        %sign3A_116 = arith.extui %sign3A_115 : i1 to i32
        %sign3A_117 = arith.subi %sign3A_113, %sign3A_116 : i32
        %sign3A_118 = arith.constant 0 : i32
        %sign3A_119 = arith.cmpi sgt, %jit3A, %sign3A_118 : i32
        %sign3A_120 = arith.extui %sign3A_119 : i1 to i32
        %sign3A_121 = arith.constant 0 : i32
        %sign3A_122 = arith.cmpi slt, %jit3A, %sign3A_121 : i32
        %sign3A_123 = arith.extui %sign3A_122 : i1 to i32
        %sign3A_124 = arith.subi %sign3A_120, %sign3A_123 : i32
        %ne3A = arith.cmpi ne, %sign3A_117, %sign3A_124 : i32
        %rem3A = arith.remsi %mul3A_111, %jit3A : i32
        %ne3A_125 = arith.constant 0 : i32
        %ne3A_126 = arith.cmpi ne, %rem3A, %ne3A_125 : i32
        %and3A_127 = arith.andi %ne3A, %ne3A_126 : i1
        %sub3A_128 = arith.constant 1 : i32
        %sub3A_129 = arith.subi %div3A, %sub3A_128 : i32
        %select_n3A = arith.select %and3A_127, %sub3A_129, %div3A : i32
        %sub3A_130 = arith.subi %mul3A_108, %select_n3A : i32
        %add3A_131 = arith.constant 256 : i32
        %add3A_132 = arith.addi %sub3A_130, %add3A_131 : i32
        %sub3A_133 = arith.subi %add3A_132, %add3A_106 : i32
        %sub3A_134 = arith.constant 57536 : i32
        %sub3A_135 = arith.subi %sub3A_133, %sub3A_134 : i32
        %add3A_136 = arith.constant 0 : i32
        %add3A_137 = arith.addi %sub3A_135, %add3A_136 : i32
        %add3A_138 = vector.broadcast %add3A_137 : i32 to vector<16xi32>
        %add3A_139 = arith.addi %add3A_138, %iota3A : vector<16xi32>
        %gather3A = tpu.vector_load_idx %arg4[%add3A_139] : memref<57024xf32, #tpu.memory_space<vmem>>[vector<16xi32>], vector<16xf32>,
        %swap3A = arith.index_cast %scan3A_104 : i32 to index
        %swap3A_140 = arith.constant 0 : index
        %swap3A_141 = tpu.vector_load %arg5[%swap3A, %swap3A_140] {strides = array<i32>} : memref<128x128xf32, #tpu.memory_space<vmem>>, vector<16xf32>,
        tpu.vector_store %arg5[%swap3A, %swap3A_140], %gather3A {strides = array<i32>} : memref<128x128xf32, #tpu.memory_space<vmem>>, vector<16xf32>,
        %add3A_142 = arith.constant 0 : i32
        %add3A_143 = vector.broadcast %add3A_142 : i32 to vector<16xi32>
        %add3A_144 = arith.addi %add3A_143, %iota3A : vector<16xi32>
        %broadcast_in_dim3A = vector.broadcast %scan3A_104 : i32 to vector<16xi32>
        tpu.vector_store_idx %arg6[%add3A_144, %broadcast_in_dim3A], %gather3A : memref<128x128xf32, #tpu.memory_space<vmem>>[vector<16xi32>, vector<16xi32>], vector<16xf32>,
        %add3A_145 = arith.constant 16 : i32
        %add3A_146 = arith.addi %sub3A_135, %add3A_145 : i32
        %add3A_147 = vector.broadcast %add3A_146 : i32 to vector<16xi32>
        %add3A_148 = arith.addi %add3A_147, %iota3A : vector<16xi32>
        %gather3A_149 = tpu.vector_load_idx %arg4[%add3A_148] : memref<57024xf32, #tpu.memory_space<vmem>>[vector<16xi32>], vector<16xf32>,
        %swap3A_150 = arith.index_cast %scan3A_104 : i32 to index
        %swap3A_151 = arith.constant 16 : index
        %swap3A_152 = tpu.vector_load %arg5[%swap3A_150, %swap3A_151] {strides = array<i32>} : memref<128x128xf32, #tpu.memory_space<vmem>>, vector<16xf32>,
        tpu.vector_store %arg5[%swap3A_150, %swap3A_151], %gather3A_149 {strides = array<i32>} : memref<128x128xf32, #tpu.memory_space<vmem>>, vector<16xf32>,
        %add3A_153 = arith.constant 16 : i32
        %add3A_154 = vector.broadcast %add3A_153 : i32 to vector<16xi32>
        %add3A_155 = arith.addi %add3A_154, %iota3A : vector<16xi32>
        %broadcast_in_dim3A_156 = vector.broadcast %scan3A_104 : i32 to vector<16xi32>
        tpu.vector_store_idx %arg6[%add3A_155, %broadcast_in_dim3A_156], %gather3A_149 : memref<128x128xf32, #tpu.memory_space<vmem>>[vector<16xi32>, vector<16xi32>], vector<16xf32>,
        %add3A_157 = arith.constant 32 : i32
        %add3A_158 = arith.addi %sub3A_135, %add3A_157 : i32
        %add3A_159 = vector.broadcast %add3A_158 : i32 to vector<16xi32>
        %add3A_160 = arith.addi %add3A_159, %iota3A : vector<16xi32>
        %gather3A_161 = tpu.vector_load_idx %arg4[%add3A_160] : memref<57024xf32, #tpu.memory_space<vmem>>[vector<16xi32>], vector<16xf32>,
        %swap3A_162 = arith.index_cast %scan3A_104 : i32 to index
        %swap3A_163 = arith.constant 32 : index
        %swap3A_164 = tpu.vector_load %arg5[%swap3A_162, %swap3A_163] {strides = array<i32>} : memref<128x128xf32, #tpu.memory_space<vmem>>, vector<16xf32>,
        tpu.vector_store %arg5[%swap3A_162, %swap3A_163], %gather3A_161 {strides = array<i32>} : memref<128x128xf32, #tpu.memory_space<vmem>>, vector<16xf32>,
        %add3A_165 = arith.constant 32 : i32
        %add3A_166 = vector.broadcast %add3A_165 : i32 to vector<16xi32>
        %add3A_167 = arith.addi %add3A_166, %iota3A : vector<16xi32>
        %broadcast_in_dim3A_168 = vector.broadcast %scan3A_104 : i32 to vector<16xi32>
        tpu.vector_store_idx %arg6[%add3A_167, %broadcast_in_dim3A_168], %gather3A_161 : memref<128x128xf32, #tpu.memory_space<vmem>>[vector<16xi32>, vector<16xi32>], vector<16xf32>,
        %add3A_169 = arith.constant 48 : i32
        %add3A_170 = arith.addi %sub3A_135, %add3A_169 : i32
        %add3A_171 = vector.broadcast %add3A_170 : i32 to vector<16xi32>
        %add3A_172 = arith.addi %add3A_171, %iota3A : vector<16xi32>
        %gather3A_173 = tpu.vector_load_idx %arg4[%add3A_172] : memref<57024xf32, #tpu.memory_space<vmem>>[vector<16xi32>], vector<16xf32>,
        %swap3A_174 = arith.index_cast %scan3A_104 : i32 to index
        %swap3A_175 = arith.constant 48 : index
        %swap3A_176 = tpu.vector_load %arg5[%swap3A_174, %swap3A_175] {strides = array<i32>} : memref<128x128xf32, #tpu.memory_space<vmem>>, vector<16xf32>,
        tpu.vector_store %arg5[%swap3A_174, %swap3A_175], %gather3A_173 {strides = array<i32>} : memref<128x128xf32, #tpu.memory_space<vmem>>, vector<16xf32>,
        %add3A_177 = arith.constant 48 : i32
        %add3A_178 = vector.broadcast %add3A_177 : i32 to vector<16xi32>
        %add3A_179 = arith.addi %add3A_178, %iota3A : vector<16xi32>
        %broadcast_in_dim3A_180 = vector.broadcast %scan3A_104 : i32 to vector<16xi32>
        tpu.vector_store_idx %arg6[%add3A_179, %broadcast_in_dim3A_180], %gather3A_173 : memref<128x128xf32, #tpu.memory_space<vmem>>[vector<16xi32>, vector<16xi32>], vector<16xf32>,
        %add3A_181 = arith.constant 64 : i32
        %add3A_182 = arith.addi %sub3A_135, %add3A_181 : i32
        %add3A_183 = vector.broadcast %add3A_182 : i32 to vector<16xi32>
        %add3A_184 = arith.addi %add3A_183, %iota3A : vector<16xi32>
        %gather3A_185 = tpu.vector_load_idx %arg4[%add3A_184] : memref<57024xf32, #tpu.memory_space<vmem>>[vector<16xi32>], vector<16xf32>,
        %swap3A_186 = arith.index_cast %scan3A_104 : i32 to index
        %swap3A_187 = arith.constant 64 : index
        %swap3A_188 = tpu.vector_load %arg5[%swap3A_186, %swap3A_187] {strides = array<i32>} : memref<128x128xf32, #tpu.memory_space<vmem>>, vector<16xf32>,
        tpu.vector_store %arg5[%swap3A_186, %swap3A_187], %gather3A_185 {strides = array<i32>} : memref<128x128xf32, #tpu.memory_space<vmem>>, vector<16xf32>,
        %add3A_189 = arith.constant 64 : i32
        %add3A_190 = vector.broadcast %add3A_189 : i32 to vector<16xi32>
        %add3A_191 = arith.addi %add3A_190, %iota3A : vector<16xi32>
        %broadcast_in_dim3A_192 = vector.broadcast %scan3A_104 : i32 to vector<16xi32>
        tpu.vector_store_idx %arg6[%add3A_191, %broadcast_in_dim3A_192], %gather3A_185 : memref<128x128xf32, #tpu.memory_space<vmem>>[vector<16xi32>, vector<16xi32>], vector<16xf32>,
        %add3A_193 = arith.constant 80 : i32
        %add3A_194 = arith.addi %sub3A_135, %add3A_193 : i32
        %add3A_195 = vector.broadcast %add3A_194 : i32 to vector<16xi32>
        %add3A_196 = arith.addi %add3A_195, %iota3A : vector<16xi32>
        %gather3A_197 = tpu.vector_load_idx %arg4[%add3A_196] : memref<57024xf32, #tpu.memory_space<vmem>>[vector<16xi32>], vector<16xf32>,
        %swap3A_198 = arith.index_cast %scan3A_104 : i32 to index
        %swap3A_199 = arith.constant 80 : index
        %swap3A_200 = tpu.vector_load %arg5[%swap3A_198, %swap3A_199] {strides = array<i32>} : memref<128x128xf32, #tpu.memory_space<vmem>>, vector<16xf32>,
        tpu.vector_store %arg5[%swap3A_198, %swap3A_199], %gather3A_197 {strides = array<i32>} : memref<128x128xf32, #tpu.memory_space<vmem>>, vector<16xf32>,
        %add3A_201 = arith.constant 80 : i32
        %add3A_202 = vector.broadcast %add3A_201 : i32 to vector<16xi32>
        %add3A_203 = arith.addi %add3A_202, %iota3A : vector<16xi32>
        %broadcast_in_dim3A_204 = vector.broadcast %scan3A_104 : i32 to vector<16xi32>
        tpu.vector_store_idx %arg6[%add3A_203, %broadcast_in_dim3A_204], %gather3A_197 : memref<128x128xf32, #tpu.memory_space<vmem>>[vector<16xi32>, vector<16xi32>], vector<16xf32>,
        %add3A_205 = arith.constant 96 : i32
        %add3A_206 = arith.addi %sub3A_135, %add3A_205 : i32
        %add3A_207 = vector.broadcast %add3A_206 : i32 to vector<16xi32>
        %add3A_208 = arith.addi %add3A_207, %iota3A : vector<16xi32>
        %gather3A_209 = tpu.vector_load_idx %arg4[%add3A_208] : memref<57024xf32, #tpu.memory_space<vmem>>[vector<16xi32>], vector<16xf32>,
        %swap3A_210 = arith.index_cast %scan3A_104 : i32 to index
        %swap3A_211 = arith.constant 96 : index
        %swap3A_212 = tpu.vector_load %arg5[%swap3A_210, %swap3A_211] {strides = array<i32>} : memref<128x128xf32, #tpu.memory_space<vmem>>, vector<16xf32>,
        tpu.vector_store %arg5[%swap3A_210, %swap3A_211], %gather3A_209 {strides = array<i32>} : memref<128x128xf32, #tpu.memory_space<vmem>>, vector<16xf32>,
        %add3A_213 = arith.constant 96 : i32
        %add3A_214 = vector.broadcast %add3A_213 : i32 to vector<16xi32>
        %add3A_215 = arith.addi %add3A_214, %iota3A : vector<16xi32>
        %broadcast_in_dim3A_216 = vector.broadcast %scan3A_104 : i32 to vector<16xi32>
        tpu.vector_store_idx %arg6[%add3A_215, %broadcast_in_dim3A_216], %gather3A_209 : memref<128x128xf32, #tpu.memory_space<vmem>>[vector<16xi32>, vector<16xi32>], vector<16xf32>,
        %add3A_217 = arith.constant 112 : i32
        %add3A_218 = arith.addi %sub3A_135, %add3A_217 : i32
        %add3A_219 = vector.broadcast %add3A_218 : i32 to vector<16xi32>
        %add3A_220 = arith.addi %add3A_219, %iota3A : vector<16xi32>
        %gather3A_221 = tpu.vector_load_idx %arg4[%add3A_220] : memref<57024xf32, #tpu.memory_space<vmem>>[vector<16xi32>], vector<16xf32>,
        %swap3A_222 = arith.index_cast %scan3A_104 : i32 to index
        %swap3A_223 = arith.constant 112 : index
        %swap3A_224 = tpu.vector_load %arg5[%swap3A_222, %swap3A_223] {strides = array<i32>} : memref<128x128xf32, #tpu.memory_space<vmem>>, vector<16xf32>,
        tpu.vector_store %arg5[%swap3A_222, %swap3A_223], %gather3A_221 {strides = array<i32>} : memref<128x128xf32, #tpu.memory_space<vmem>>, vector<16xf32>,
        %add3A_225 = arith.constant 112 : i32
        %add3A_226 = vector.broadcast %add3A_225 : i32 to vector<16xi32>
        %add3A_227 = arith.addi %add3A_226, %iota3A : vector<16xi32>
        %broadcast_in_dim3A_228 = vector.broadcast %scan3A_104 : i32 to vector<16xi32>
        tpu.vector_store_idx %arg6[%add3A_227, %broadcast_in_dim3A_228], %gather3A_221 : memref<128x128xf32, #tpu.memory_space<vmem>>[vector<16xi32>, vector<16xi32>], vector<16xf32>,
      }
      %scan3A_103 = arith.constant 128 : i32
      "tpu.region"() ({
        %run_scoped3A = tpu.sem_alloc : memref<!tpu.dma_semaphore, #tpu.memory_space<semaphore_mem>>
        %dma_start3A = arith.constant 128 : i32
        %dma_start3A_104 = arith.constant 256 : i32
        %dma_start3A_105 = tpu.memref_slice %arg3[%sub3A_46, %dma_start3A, %dma_start3A_104] : memref<16x512x512xf32, #tpu.memory_space<hbm>> -> memref<1x128x128xf32, #tpu.memory_space<hbm>>
        %dma_start3A_106 = tpu.memref_squeeze %dma_start3A_105 : memref<1x128x128xf32, #tpu.memory_space<hbm>> -> memref<128x128xf32, #tpu.memory_space<hbm>>
        %dma_start3A_107 = arith.constant 128 : i32
        %dma_start3A_108 = arith.constant 256 : i32
        %dma_start3A_109 = tpu.memref_slice %arg3[%sub3A_46, %dma_start3A_107, %dma_start3A_108] : memref<16x512x512xf32, #tpu.memory_space<hbm>> -> memref<1x128x128xf32, #tpu.memory_space<hbm>>
        %dma_start3A_110 = tpu.memref_squeeze %dma_start3A_109 : memref<1x128x128xf32, #tpu.memory_space<hbm>> -> memref<128x128xf32, #tpu.memory_space<hbm>>
        tpu.enqueue_dma source(%arg5 : memref<128x128xf32, #tpu.memory_space<vmem>>) target(%dma_start3A_110 : memref<128x128xf32, #tpu.memory_space<hbm>>) target_semaphore(%run_scoped3A : memref<!tpu.dma_semaphore, #tpu.memory_space<semaphore_mem>>)
        %dma_wait3A = arith.constant 128 : i32
        %dma_wait3A_111 = arith.constant 256 : i32
        %dma_wait3A_112 = tpu.memref_slice %arg3[%sub3A_46, %dma_wait3A, %dma_wait3A_111] : memref<16x512x512xf32, #tpu.memory_space<hbm>> -> memref<1x128x128xf32, #tpu.memory_space<hbm>>
        %dma_wait3A_113 = tpu.memref_squeeze %dma_wait3A_112 : memref<1x128x128xf32, #tpu.memory_space<hbm>> -> memref<128x128xf32, #tpu.memory_space<hbm>>
        %dma_wait3A_114 = arith.constant 128 : i32
        %dma_wait3A_115 = arith.constant 256 : i32
        %dma_wait3A_116 = tpu.memref_slice %arg3[%sub3A_46, %dma_wait3A_114, %dma_wait3A_115] : memref<16x512x512xf32, #tpu.memory_space<hbm>> -> memref<1x128x128xf32, #tpu.memory_space<hbm>>
        %dma_wait3A_117 = tpu.memref_squeeze %dma_wait3A_116 : memref<1x128x128xf32, #tpu.memory_space<hbm>> -> memref<128x128xf32, #tpu.memory_space<hbm>>
        tpu.wait_dma2 semaphore(%run_scoped3A : memref<!tpu.dma_semaphore, #tpu.memory_space<semaphore_mem>>) src(%arg5 : memref<128x128xf32, #tpu.memory_space<vmem>>) dst(%dma_wait3A_117 : memref<128x128xf32, #tpu.memory_space<hbm>>)
        tpu.yield
      }) : () -> ()
      "tpu.region"() ({
        %run_scoped3A = tpu.sem_alloc : memref<!tpu.dma_semaphore, #tpu.memory_space<semaphore_mem>>
        %dma_start3A = arith.constant 256 : i32
        %dma_start3A_104 = arith.constant 128 : i32
        %dma_start3A_105 = tpu.memref_slice %arg3[%sub3A_46, %dma_start3A, %dma_start3A_104] : memref<16x512x512xf32, #tpu.memory_space<hbm>> -> memref<1x128x128xf32, #tpu.memory_space<hbm>>
        %dma_start3A_106 = tpu.memref_squeeze %dma_start3A_105 : memref<1x128x128xf32, #tpu.memory_space<hbm>> -> memref<128x128xf32, #tpu.memory_space<hbm>>
        %dma_start3A_107 = arith.constant 256 : i32
        %dma_start3A_108 = arith.constant 128 : i32
        %dma_start3A_109 = tpu.memref_slice %arg3[%sub3A_46, %dma_start3A_107, %dma_start3A_108] : memref<16x512x512xf32, #tpu.memory_space<hbm>> -> memref<1x128x128xf32, #tpu.memory_space<hbm>>
        %dma_start3A_110 = tpu.memref_squeeze %dma_start3A_109 : memref<1x128x128xf32, #tpu.memory_space<hbm>> -> memref<128x128xf32, #tpu.memory_space<hbm>>
        tpu.enqueue_dma source(%arg6 : memref<128x128xf32, #tpu.memory_space<vmem>>) target(%dma_start3A_110 : memref<128x128xf32, #tpu.memory_space<hbm>>) target_semaphore(%run_scoped3A : memref<!tpu.dma_semaphore, #tpu.memory_space<semaphore_mem>>)
        %dma_wait3A = arith.constant 256 : i32
        %dma_wait3A_111 = arith.constant 128 : i32
        %dma_wait3A_112 = tpu.memref_slice %arg3[%sub3A_46, %dma_wait3A, %dma_wait3A_111] : memref<16x512x512xf32, #tpu.memory_space<hbm>> -> memref<1x128x128xf32, #tpu.memory_space<hbm>>
        %dma_wait3A_113 = tpu.memref_squeeze %dma_wait3A_112 : memref<1x128x128xf32, #tpu.memory_space<hbm>> -> memref<128x128xf32, #tpu.memory_space<hbm>>
        %dma_wait3A_114 = arith.constant 256 : i32
        %dma_wait3A_115 = arith.constant 128 : i32
        %dma_wait3A_116 = tpu.memref_slice %arg3[%sub3A_46, %dma_wait3A_114, %dma_wait3A_115] : memref<16x512x512xf32, #tpu.memory_space<hbm>> -> memref<1x128x128xf32, #tpu.memory_space<hbm>>
        %dma_wait3A_117 = tpu.memref_squeeze %dma_wait3A_116 : memref<1x128x128xf32, #tpu.memory_space<hbm>> -> memref<128x128xf32, #tpu.memory_space<hbm>>
        tpu.wait_dma2 semaphore(%run_scoped3A : memref<!tpu.dma_semaphore, #tpu.memory_space<semaphore_mem>>) src(%arg6 : memref<128x128xf32, #tpu.memory_space<vmem>>) dst(%dma_wait3A_117 : memref<128x128xf32, #tpu.memory_space<hbm>>)
        tpu.yield
      }) : () -> ()
    } else {
    }
    %sub3A_55 = arith.constant 0 : i32
    %sub3A_56 = arith.subi %add3A, %sub3A_55 : i32
    %ge3A_57 = arith.constant 0 : i32
    %ge3A_58 = arith.cmpi sge, %sub3A_56, %ge3A_57 : i32
    %lt3A_59 = arith.constant 16 : i32
    %lt3A_60 = arith.cmpi slt, %sub3A_56, %lt3A_59 : i32
    %and3A_61 = arith.andi %ge3A_58, %lt3A_60 : i1
    %convert_element_type3A_62 = arith.extui %and3A_61 : i1 to i32
    %cond3A_63 = arith.constant 0 : i32
    %cond3A_64 = arith.cmpi ne, %convert_element_type3A_62, %cond3A_63 : i32
    scf.if %cond3A_64 {
      %mul3A_95 = arith.constant 131328 : i32
      %mul3A_96 = arith.muli %sub3A_56, %mul3A_95 : i32
      %add3A_97 = arith.constant 57664 : i32
      %add3A_98 = arith.addi %mul3A_96, %add3A_97 : i32
      %multiple_of3A = tpu.assume_multiple %add3A_98, 8 : i32
      "tpu.region"() ({
        %run_scoped3A = tpu.sem_alloc : memref<!tpu.dma_semaphore, #tpu.memory_space<semaphore_mem>>
        %dma_start3A = arith.constant 0 : i32
        %dma_start3A_104 = tpu.memref_slice %arg4[%dma_start3A] : memref<57024xf32, #tpu.memory_space<vmem>> -> memref<40768xf32, #tpu.memory_space<vmem>>
        %dma_start3A_105 = tpu.memref_slice %arg2[%multiple_of3A] : memref<2101248xf32, #tpu.memory_space<hbm>> -> memref<40768xf32, #tpu.memory_space<hbm>>
        %dma_start3A_106 = arith.constant 0 : i32
        %dma_start3A_107 = tpu.memref_slice %arg4[%dma_start3A_106] : memref<57024xf32, #tpu.memory_space<vmem>> -> memref<40768xf32, #tpu.memory_space<vmem>>
        %dma_start3A_108 = tpu.memref_slice %arg2[%multiple_of3A] : memref<2101248xf32, #tpu.memory_space<hbm>> -> memref<40768xf32, #tpu.memory_space<hbm>>
        tpu.enqueue_dma source(%dma_start3A_108 : memref<40768xf32, #tpu.memory_space<hbm>>) target(%dma_start3A_107 : memref<40768xf32, #tpu.memory_space<vmem>>) target_semaphore(%run_scoped3A : memref<!tpu.dma_semaphore, #tpu.memory_space<semaphore_mem>>)
        %dma_wait3A = arith.constant 0 : i32
        %dma_wait3A_109 = tpu.memref_slice %arg4[%dma_wait3A] : memref<57024xf32, #tpu.memory_space<vmem>> -> memref<40768xf32, #tpu.memory_space<vmem>>
        %dma_wait3A_110 = tpu.memref_slice %arg2[%multiple_of3A] : memref<2101248xf32, #tpu.memory_space<hbm>> -> memref<40768xf32, #tpu.memory_space<hbm>>
        %dma_wait3A_111 = arith.constant 0 : i32
        %dma_wait3A_112 = tpu.memref_slice %arg4[%dma_wait3A_111] : memref<57024xf32, #tpu.memory_space<vmem>> -> memref<40768xf32, #tpu.memory_space<vmem>>
        %dma_wait3A_113 = tpu.memref_slice %arg2[%multiple_of3A] : memref<2101248xf32, #tpu.memory_space<hbm>> -> memref<40768xf32, #tpu.memory_space<hbm>>
        tpu.wait_dma2 semaphore(%run_scoped3A : memref<!tpu.dma_semaphore, #tpu.memory_space<semaphore_mem>>) src(%dma_wait3A_113 : memref<40768xf32, #tpu.memory_space<hbm>>) dst(%dma_wait3A_112 : memref<40768xf32, #tpu.memory_space<vmem>>)
        tpu.yield
      }) : () -> ()
      %scan3A = arith.constant 0 : i32
      %scan3A_99 = arith.constant 0 : i32
      %scan3A_100 = arith.constant 128 : i32
      %scan3A_101 = arith.addi %scan3A_99, %scan3A_100 : i32
      %scan3A_102 = arith.constant 1 : i32
      scf.for %scan3A_104 = %scan3A_99 to %scan3A_101 step %scan3A_102  : i32 {
        %add3A_105 = arith.constant 128 : i32
        %add3A_106 = arith.addi %add3A_105, %scan3A_104 : i32
        %mul3A_107 = arith.constant 512 : i32
        %mul3A_108 = arith.muli %add3A_106, %mul3A_107 : i32
        %sub3A_109 = arith.constant 1 : i32
        %sub3A_110 = arith.subi %add3A_106, %sub3A_109 : i32
        %mul3A_111 = arith.muli %add3A_106, %sub3A_110 : i32
        %jit3A = arith.constant 2 : i32
        %div3A = arith.divsi %mul3A_111, %jit3A : i32
        %sign3A = arith.constant 0 : i32
        %sign3A_112 = arith.cmpi sgt, %mul3A_111, %sign3A : i32
        %sign3A_113 = arith.extui %sign3A_112 : i1 to i32
        %sign3A_114 = arith.constant 0 : i32
        %sign3A_115 = arith.cmpi slt, %mul3A_111, %sign3A_114 : i32
        %sign3A_116 = arith.extui %sign3A_115 : i1 to i32
        %sign3A_117 = arith.subi %sign3A_113, %sign3A_116 : i32
        %sign3A_118 = arith.constant 0 : i32
        %sign3A_119 = arith.cmpi sgt, %jit3A, %sign3A_118 : i32
        %sign3A_120 = arith.extui %sign3A_119 : i1 to i32
        %sign3A_121 = arith.constant 0 : i32
        %sign3A_122 = arith.cmpi slt, %jit3A, %sign3A_121 : i32
        %sign3A_123 = arith.extui %sign3A_122 : i1 to i32
        %sign3A_124 = arith.subi %sign3A_120, %sign3A_123 : i32
        %ne3A = arith.cmpi ne, %sign3A_117, %sign3A_124 : i32
        %rem3A = arith.remsi %mul3A_111, %jit3A : i32
        %ne3A_125 = arith.constant 0 : i32
        %ne3A_126 = arith.cmpi ne, %rem3A, %ne3A_125 : i32
        %and3A_127 = arith.andi %ne3A, %ne3A_126 : i1
        %sub3A_128 = arith.constant 1 : i32
        %sub3A_129 = arith.subi %div3A, %sub3A_128 : i32
        %select_n3A = arith.select %and3A_127, %sub3A_129, %div3A : i32
        %sub3A_130 = arith.subi %mul3A_108, %select_n3A : i32
        %add3A_131 = arith.constant 384 : i32
        %add3A_132 = arith.addi %sub3A_130, %add3A_131 : i32
        %sub3A_133 = arith.subi %add3A_132, %add3A_106 : i32
        %sub3A_134 = arith.constant 57664 : i32
        %sub3A_135 = arith.subi %sub3A_133, %sub3A_134 : i32
        %add3A_136 = arith.constant 0 : i32
        %add3A_137 = arith.addi %sub3A_135, %add3A_136 : i32
        %add3A_138 = vector.broadcast %add3A_137 : i32 to vector<16xi32>
        %add3A_139 = arith.addi %add3A_138, %iota3A : vector<16xi32>
        %gather3A = tpu.vector_load_idx %arg4[%add3A_139] : memref<57024xf32, #tpu.memory_space<vmem>>[vector<16xi32>], vector<16xf32>,
        %swap3A = arith.index_cast %scan3A_104 : i32 to index
        %swap3A_140 = arith.constant 0 : index
        %swap3A_141 = tpu.vector_load %arg5[%swap3A, %swap3A_140] {strides = array<i32>} : memref<128x128xf32, #tpu.memory_space<vmem>>, vector<16xf32>,
        tpu.vector_store %arg5[%swap3A, %swap3A_140], %gather3A {strides = array<i32>} : memref<128x128xf32, #tpu.memory_space<vmem>>, vector<16xf32>,
        %add3A_142 = arith.constant 0 : i32
        %add3A_143 = vector.broadcast %add3A_142 : i32 to vector<16xi32>
        %add3A_144 = arith.addi %add3A_143, %iota3A : vector<16xi32>
        %broadcast_in_dim3A = vector.broadcast %scan3A_104 : i32 to vector<16xi32>
        tpu.vector_store_idx %arg6[%add3A_144, %broadcast_in_dim3A], %gather3A : memref<128x128xf32, #tpu.memory_space<vmem>>[vector<16xi32>, vector<16xi32>], vector<16xf32>,
        %add3A_145 = arith.constant 16 : i32
        %add3A_146 = arith.addi %sub3A_135, %add3A_145 : i32
        %add3A_147 = vector.broadcast %add3A_146 : i32 to vector<16xi32>
        %add3A_148 = arith.addi %add3A_147, %iota3A : vector<16xi32>
        %gather3A_149 = tpu.vector_load_idx %arg4[%add3A_148] : memref<57024xf32, #tpu.memory_space<vmem>>[vector<16xi32>], vector<16xf32>,
        %swap3A_150 = arith.index_cast %scan3A_104 : i32 to index
        %swap3A_151 = arith.constant 16 : index
        %swap3A_152 = tpu.vector_load %arg5[%swap3A_150, %swap3A_151] {strides = array<i32>} : memref<128x128xf32, #tpu.memory_space<vmem>>, vector<16xf32>,
        tpu.vector_store %arg5[%swap3A_150, %swap3A_151], %gather3A_149 {strides = array<i32>} : memref<128x128xf32, #tpu.memory_space<vmem>>, vector<16xf32>,
        %add3A_153 = arith.constant 16 : i32
        %add3A_154 = vector.broadcast %add3A_153 : i32 to vector<16xi32>
        %add3A_155 = arith.addi %add3A_154, %iota3A : vector<16xi32>
        %broadcast_in_dim3A_156 = vector.broadcast %scan3A_104 : i32 to vector<16xi32>
        tpu.vector_store_idx %arg6[%add3A_155, %broadcast_in_dim3A_156], %gather3A_149 : memref<128x128xf32, #tpu.memory_space<vmem>>[vector<16xi32>, vector<16xi32>], vector<16xf32>,
        %add3A_157 = arith.constant 32 : i32
        %add3A_158 = arith.addi %sub3A_135, %add3A_157 : i32
        %add3A_159 = vector.broadcast %add3A_158 : i32 to vector<16xi32>
        %add3A_160 = arith.addi %add3A_159, %iota3A : vector<16xi32>
        %gather3A_161 = tpu.vector_load_idx %arg4[%add3A_160] : memref<57024xf32, #tpu.memory_space<vmem>>[vector<16xi32>], vector<16xf32>,
        %swap3A_162 = arith.index_cast %scan3A_104 : i32 to index
        %swap3A_163 = arith.constant 32 : index
        %swap3A_164 = tpu.vector_load %arg5[%swap3A_162, %swap3A_163] {strides = array<i32>} : memref<128x128xf32, #tpu.memory_space<vmem>>, vector<16xf32>,
        tpu.vector_store %arg5[%swap3A_162, %swap3A_163], %gather3A_161 {strides = array<i32>} : memref<128x128xf32, #tpu.memory_space<vmem>>, vector<16xf32>,
        %add3A_165 = arith.constant 32 : i32
        %add3A_166 = vector.broadcast %add3A_165 : i32 to vector<16xi32>
        %add3A_167 = arith.addi %add3A_166, %iota3A : vector<16xi32>
        %broadcast_in_dim3A_168 = vector.broadcast %scan3A_104 : i32 to vector<16xi32>
        tpu.vector_store_idx %arg6[%add3A_167, %broadcast_in_dim3A_168], %gather3A_161 : memref<128x128xf32, #tpu.memory_space<vmem>>[vector<16xi32>, vector<16xi32>], vector<16xf32>,
        %add3A_169 = arith.constant 48 : i32
        %add3A_170 = arith.addi %sub3A_135, %add3A_169 : i32
        %add3A_171 = vector.broadcast %add3A_170 : i32 to vector<16xi32>
        %add3A_172 = arith.addi %add3A_171, %iota3A : vector<16xi32>
        %gather3A_173 = tpu.vector_load_idx %arg4[%add3A_172] : memref<57024xf32, #tpu.memory_space<vmem>>[vector<16xi32>], vector<16xf32>,
        %swap3A_174 = arith.index_cast %scan3A_104 : i32 to index
        %swap3A_175 = arith.constant 48 : index
        %swap3A_176 = tpu.vector_load %arg5[%swap3A_174, %swap3A_175] {strides = array<i32>} : memref<128x128xf32, #tpu.memory_space<vmem>>, vector<16xf32>,
        tpu.vector_store %arg5[%swap3A_174, %swap3A_175], %gather3A_173 {strides = array<i32>} : memref<128x128xf32, #tpu.memory_space<vmem>>, vector<16xf32>,
        %add3A_177 = arith.constant 48 : i32
        %add3A_178 = vector.broadcast %add3A_177 : i32 to vector<16xi32>
        %add3A_179 = arith.addi %add3A_178, %iota3A : vector<16xi32>
        %broadcast_in_dim3A_180 = vector.broadcast %scan3A_104 : i32 to vector<16xi32>
        tpu.vector_store_idx %arg6[%add3A_179, %broadcast_in_dim3A_180], %gather3A_173 : memref<128x128xf32, #tpu.memory_space<vmem>>[vector<16xi32>, vector<16xi32>], vector<16xf32>,
        %add3A_181 = arith.constant 64 : i32
        %add3A_182 = arith.addi %sub3A_135, %add3A_181 : i32
        %add3A_183 = vector.broadcast %add3A_182 : i32 to vector<16xi32>
        %add3A_184 = arith.addi %add3A_183, %iota3A : vector<16xi32>
        %gather3A_185 = tpu.vector_load_idx %arg4[%add3A_184] : memref<57024xf32, #tpu.memory_space<vmem>>[vector<16xi32>], vector<16xf32>,
        %swap3A_186 = arith.index_cast %scan3A_104 : i32 to index
        %swap3A_187 = arith.constant 64 : index
        %swap3A_188 = tpu.vector_load %arg5[%swap3A_186, %swap3A_187] {strides = array<i32>} : memref<128x128xf32, #tpu.memory_space<vmem>>, vector<16xf32>,
        tpu.vector_store %arg5[%swap3A_186, %swap3A_187], %gather3A_185 {strides = array<i32>} : memref<128x128xf32, #tpu.memory_space<vmem>>, vector<16xf32>,
        %add3A_189 = arith.constant 64 : i32
        %add3A_190 = vector.broadcast %add3A_189 : i32 to vector<16xi32>
        %add3A_191 = arith.addi %add3A_190, %iota3A : vector<16xi32>
        %broadcast_in_dim3A_192 = vector.broadcast %scan3A_104 : i32 to vector<16xi32>
        tpu.vector_store_idx %arg6[%add3A_191, %broadcast_in_dim3A_192], %gather3A_185 : memref<128x128xf32, #tpu.memory_space<vmem>>[vector<16xi32>, vector<16xi32>], vector<16xf32>,
        %add3A_193 = arith.constant 80 : i32
        %add3A_194 = arith.addi %sub3A_135, %add3A_193 : i32
        %add3A_195 = vector.broadcast %add3A_194 : i32 to vector<16xi32>
        %add3A_196 = arith.addi %add3A_195, %iota3A : vector<16xi32>
        %gather3A_197 = tpu.vector_load_idx %arg4[%add3A_196] : memref<57024xf32, #tpu.memory_space<vmem>>[vector<16xi32>], vector<16xf32>,
        %swap3A_198 = arith.index_cast %scan3A_104 : i32 to index
        %swap3A_199 = arith.constant 80 : index
        %swap3A_200 = tpu.vector_load %arg5[%swap3A_198, %swap3A_199] {strides = array<i32>} : memref<128x128xf32, #tpu.memory_space<vmem>>, vector<16xf32>,
        tpu.vector_store %arg5[%swap3A_198, %swap3A_199], %gather3A_197 {strides = array<i32>} : memref<128x128xf32, #tpu.memory_space<vmem>>, vector<16xf32>,
        %add3A_201 = arith.constant 80 : i32
        %add3A_202 = vector.broadcast %add3A_201 : i32 to vector<16xi32>
        %add3A_203 = arith.addi %add3A_202, %iota3A : vector<16xi32>
        %broadcast_in_dim3A_204 = vector.broadcast %scan3A_104 : i32 to vector<16xi32>
        tpu.vector_store_idx %arg6[%add3A_203, %broadcast_in_dim3A_204], %gather3A_197 : memref<128x128xf32, #tpu.memory_space<vmem>>[vector<16xi32>, vector<16xi32>], vector<16xf32>,
        %add3A_205 = arith.constant 96 : i32
        %add3A_206 = arith.addi %sub3A_135, %add3A_205 : i32
        %add3A_207 = vector.broadcast %add3A_206 : i32 to vector<16xi32>
        %add3A_208 = arith.addi %add3A_207, %iota3A : vector<16xi32>
        %gather3A_209 = tpu.vector_load_idx %arg4[%add3A_208] : memref<57024xf32, #tpu.memory_space<vmem>>[vector<16xi32>], vector<16xf32>,
        %swap3A_210 = arith.index_cast %scan3A_104 : i32 to index
        %swap3A_211 = arith.constant 96 : index
        %swap3A_212 = tpu.vector_load %arg5[%swap3A_210, %swap3A_211] {strides = array<i32>} : memref<128x128xf32, #tpu.memory_space<vmem>>, vector<16xf32>,
        tpu.vector_store %arg5[%swap3A_210, %swap3A_211], %gather3A_209 {strides = array<i32>} : memref<128x128xf32, #tpu.memory_space<vmem>>, vector<16xf32>,
        %add3A_213 = arith.constant 96 : i32
        %add3A_214 = vector.broadcast %add3A_213 : i32 to vector<16xi32>
        %add3A_215 = arith.addi %add3A_214, %iota3A : vector<16xi32>
        %broadcast_in_dim3A_216 = vector.broadcast %scan3A_104 : i32 to vector<16xi32>
        tpu.vector_store_idx %arg6[%add3A_215, %broadcast_in_dim3A_216], %gather3A_209 : memref<128x128xf32, #tpu.memory_space<vmem>>[vector<16xi32>, vector<16xi32>], vector<16xf32>,
        %add3A_217 = arith.constant 112 : i32
        %add3A_218 = arith.addi %sub3A_135, %add3A_217 : i32
        %add3A_219 = vector.broadcast %add3A_218 : i32 to vector<16xi32>
        %add3A_220 = arith.addi %add3A_219, %iota3A : vector<16xi32>
        %gather3A_221 = tpu.vector_load_idx %arg4[%add3A_220] : memref<57024xf32, #tpu.memory_space<vmem>>[vector<16xi32>], vector<16xf32>,
        %swap3A_222 = arith.index_cast %scan3A_104 : i32 to index
        %swap3A_223 = arith.constant 112 : index
        %swap3A_224 = tpu.vector_load %arg5[%swap3A_222, %swap3A_223] {strides = array<i32>} : memref<128x128xf32, #tpu.memory_space<vmem>>, vector<16xf32>,
        tpu.vector_store %arg5[%swap3A_222, %swap3A_223], %gather3A_221 {strides = array<i32>} : memref<128x128xf32, #tpu.memory_space<vmem>>, vector<16xf32>,
        %add3A_225 = arith.constant 112 : i32
        %add3A_226 = vector.broadcast %add3A_225 : i32 to vector<16xi32>
        %add3A_227 = arith.addi %add3A_226, %iota3A : vector<16xi32>
        %broadcast_in_dim3A_228 = vector.broadcast %scan3A_104 : i32 to vector<16xi32>
        tpu.vector_store_idx %arg6[%add3A_227, %broadcast_in_dim3A_228], %gather3A_221 : memref<128x128xf32, #tpu.memory_space<vmem>>[vector<16xi32>, vector<16xi32>], vector<16xf32>,
      }
      %scan3A_103 = arith.constant 128 : i32
      "tpu.region"() ({
        %run_scoped3A = tpu.sem_alloc : memref<!tpu.dma_semaphore, #tpu.memory_space<semaphore_mem>>
        %dma_start3A = arith.constant 128 : i32
        %dma_start3A_104 = arith.constant 384 : i32
        %dma_start3A_105 = tpu.memref_slice %arg3[%sub3A_56, %dma_start3A, %dma_start3A_104] : memref<16x512x512xf32, #tpu.memory_space<hbm>> -> memref<1x128x128xf32, #tpu.memory_space<hbm>>
        %dma_start3A_106 = tpu.memref_squeeze %dma_start3A_105 : memref<1x128x128xf32, #tpu.memory_space<hbm>> -> memref<128x128xf32, #tpu.memory_space<hbm>>
        %dma_start3A_107 = arith.constant 128 : i32
        %dma_start3A_108 = arith.constant 384 : i32
        %dma_start3A_109 = tpu.memref_slice %arg3[%sub3A_56, %dma_start3A_107, %dma_start3A_108] : memref<16x512x512xf32, #tpu.memory_space<hbm>> -> memref<1x128x128xf32, #tpu.memory_space<hbm>>
        %dma_start3A_110 = tpu.memref_squeeze %dma_start3A_109 : memref<1x128x128xf32, #tpu.memory_space<hbm>> -> memref<128x128xf32, #tpu.memory_space<hbm>>
        tpu.enqueue_dma source(%arg5 : memref<128x128xf32, #tpu.memory_space<vmem>>) target(%dma_start3A_110 : memref<128x128xf32, #tpu.memory_space<hbm>>) target_semaphore(%run_scoped3A : memref<!tpu.dma_semaphore, #tpu.memory_space<semaphore_mem>>)
        %dma_wait3A = arith.constant 128 : i32
        %dma_wait3A_111 = arith.constant 384 : i32
        %dma_wait3A_112 = tpu.memref_slice %arg3[%sub3A_56, %dma_wait3A, %dma_wait3A_111] : memref<16x512x512xf32, #tpu.memory_space<hbm>> -> memref<1x128x128xf32, #tpu.memory_space<hbm>>
        %dma_wait3A_113 = tpu.memref_squeeze %dma_wait3A_112 : memref<1x128x128xf32, #tpu.memory_space<hbm>> -> memref<128x128xf32, #tpu.memory_space<hbm>>
        %dma_wait3A_114 = arith.constant 128 : i32
        %dma_wait3A_115 = arith.constant 384 : i32
        %dma_wait3A_116 = tpu.memref_slice %arg3[%sub3A_56, %dma_wait3A_114, %dma_wait3A_115] : memref<16x512x512xf32, #tpu.memory_space<hbm>> -> memref<1x128x128xf32, #tpu.memory_space<hbm>>
        %dma_wait3A_117 = tpu.memref_squeeze %dma_wait3A_116 : memref<1x128x128xf32, #tpu.memory_space<hbm>> -> memref<128x128xf32, #tpu.memory_space<hbm>>
        tpu.wait_dma2 semaphore(%run_scoped3A : memref<!tpu.dma_semaphore, #tpu.memory_space<semaphore_mem>>) src(%arg5 : memref<128x128xf32, #tpu.memory_space<vmem>>) dst(%dma_wait3A_117 : memref<128x128xf32, #tpu.memory_space<hbm>>)
        tpu.yield
      }) : () -> ()
      "tpu.region"() ({
        %run_scoped3A = tpu.sem_alloc : memref<!tpu.dma_semaphore, #tpu.memory_space<semaphore_mem>>
        %dma_start3A = arith.constant 384 : i32
        %dma_start3A_104 = arith.constant 128 : i32
        %dma_start3A_105 = tpu.memref_slice %arg3[%sub3A_56, %dma_start3A, %dma_start3A_104] : memref<16x512x512xf32, #tpu.memory_space<hbm>> -> memref<1x128x128xf32, #tpu.memory_space<hbm>>
        %dma_start3A_106 = tpu.memref_squeeze %dma_start3A_105 : memref<1x128x128xf32, #tpu.memory_space<hbm>> -> memref<128x128xf32, #tpu.memory_space<hbm>>
        %dma_start3A_107 = arith.constant 384 : i32
        %dma_start3A_108 = arith.constant 128 : i32
        %dma_start3A_109 = tpu.memref_slice %arg3[%sub3A_56, %dma_start3A_107, %dma_start3A_108] : memref<16x512x512xf32, #tpu.memory_space<hbm>> -> memref<1x128x128xf32, #tpu.memory_space<hbm>>
        %dma_start3A_110 = tpu.memref_squeeze %dma_start3A_109 : memref<1x128x128xf32, #tpu.memory_space<hbm>> -> memref<128x128xf32, #tpu.memory_space<hbm>>
        tpu.enqueue_dma source(%arg6 : memref<128x128xf32, #tpu.memory_space<vmem>>) target(%dma_start3A_110 : memref<128x128xf32, #tpu.memory_space<hbm>>) target_semaphore(%run_scoped3A : memref<!tpu.dma_semaphore, #tpu.memory_space<semaphore_mem>>)
        %dma_wait3A = arith.constant 384 : i32
        %dma_wait3A_111 = arith.constant 128 : i32
        %dma_wait3A_112 = tpu.memref_slice %arg3[%sub3A_56, %dma_wait3A, %dma_wait3A_111] : memref<16x512x512xf32, #tpu.memory_space<hbm>> -> memref<1x128x128xf32, #tpu.memory_space<hbm>>
        %dma_wait3A_113 = tpu.memref_squeeze %dma_wait3A_112 : memref<1x128x128xf32, #tpu.memory_space<hbm>> -> memref<128x128xf32, #tpu.memory_space<hbm>>
        %dma_wait3A_114 = arith.constant 384 : i32
        %dma_wait3A_115 = arith.constant 128 : i32
        %dma_wait3A_116 = tpu.memref_slice %arg3[%sub3A_56, %dma_wait3A_114, %dma_wait3A_115] : memref<16x512x512xf32, #tpu.memory_space<hbm>> -> memref<1x128x128xf32, #tpu.memory_space<hbm>>
        %dma_wait3A_117 = tpu.memref_squeeze %dma_wait3A_116 : memref<1x128x128xf32, #tpu.memory_space<hbm>> -> memref<128x128xf32, #tpu.memory_space<hbm>>
        tpu.wait_dma2 semaphore(%run_scoped3A : memref<!tpu.dma_semaphore, #tpu.memory_space<semaphore_mem>>) src(%arg6 : memref<128x128xf32, #tpu.memory_space<vmem>>) dst(%dma_wait3A_117 : memref<128x128xf32, #tpu.memory_space<hbm>>)
        tpu.yield
      }) : () -> ()
    } else {
    }
    %sub3A_65 = arith.constant 16 : i32
    %sub3A_66 = arith.subi %add3A, %sub3A_65 : i32
    %ge3A_67 = arith.constant 0 : i32
    %ge3A_68 = arith.cmpi sge, %sub3A_66, %ge3A_67 : i32
    %lt3A_69 = arith.constant 16 : i32
    %lt3A_70 = arith.cmpi slt, %sub3A_66, %lt3A_69 : i32
    %and3A_71 = arith.andi %ge3A_68, %lt3A_70 : i1
    %convert_element_type3A_72 = arith.extui %and3A_71 : i1 to i32
    %cond3A_73 = arith.constant 0 : i32
    %cond3A_74 = arith.cmpi ne, %convert_element_type3A_72, %cond3A_73 : i32
    scf.if %cond3A_74 {
      %mul3A_95 = arith.constant 131328 : i32
      %mul3A_96 = arith.muli %sub3A_66, %mul3A_95 : i32
      %add3A_97 = arith.constant 98432 : i32
      %add3A_98 = arith.addi %mul3A_96, %add3A_97 : i32
      %multiple_of3A = tpu.assume_multiple %add3A_98, 8 : i32
      "tpu.region"() ({
        %run_scoped3A = tpu.sem_alloc : memref<!tpu.dma_semaphore, #tpu.memory_space<semaphore_mem>>
        %dma_start3A = arith.constant 0 : i32
        %dma_start3A_110 = tpu.memref_slice %arg4[%dma_start3A] : memref<57024xf32, #tpu.memory_space<vmem>> -> memref<24512xf32, #tpu.memory_space<vmem>>
        %dma_start3A_111 = tpu.memref_slice %arg2[%multiple_of3A] : memref<2101248xf32, #tpu.memory_space<hbm>> -> memref<24512xf32, #tpu.memory_space<hbm>>
        %dma_start3A_112 = arith.constant 0 : i32
        %dma_start3A_113 = tpu.memref_slice %arg4[%dma_start3A_112] : memref<57024xf32, #tpu.memory_space<vmem>> -> memref<24512xf32, #tpu.memory_space<vmem>>
        %dma_start3A_114 = tpu.memref_slice %arg2[%multiple_of3A] : memref<2101248xf32, #tpu.memory_space<hbm>> -> memref<24512xf32, #tpu.memory_space<hbm>>
        tpu.enqueue_dma source(%dma_start3A_114 : memref<24512xf32, #tpu.memory_space<hbm>>) target(%dma_start3A_113 : memref<24512xf32, #tpu.memory_space<vmem>>) target_semaphore(%run_scoped3A : memref<!tpu.dma_semaphore, #tpu.memory_space<semaphore_mem>>)
        %dma_wait3A = arith.constant 0 : i32
        %dma_wait3A_115 = tpu.memref_slice %arg4[%dma_wait3A] : memref<57024xf32, #tpu.memory_space<vmem>> -> memref<24512xf32, #tpu.memory_space<vmem>>
        %dma_wait3A_116 = tpu.memref_slice %arg2[%multiple_of3A] : memref<2101248xf32, #tpu.memory_space<hbm>> -> memref<24512xf32, #tpu.memory_space<hbm>>
        %dma_wait3A_117 = arith.constant 0 : i32
        %dma_wait3A_118 = tpu.memref_slice %arg4[%dma_wait3A_117] : memref<57024xf32, #tpu.memory_space<vmem>> -> memref<24512xf32, #tpu.memory_space<vmem>>
        %dma_wait3A_119 = tpu.memref_slice %arg2[%multiple_of3A] : memref<2101248xf32, #tpu.memory_space<hbm>> -> memref<24512xf32, #tpu.memory_space<hbm>>
        tpu.wait_dma2 semaphore(%run_scoped3A : memref<!tpu.dma_semaphore, #tpu.memory_space<semaphore_mem>>) src(%dma_wait3A_119 : memref<24512xf32, #tpu.memory_space<hbm>>) dst(%dma_wait3A_118 : memref<24512xf32, #tpu.memory_space<vmem>>)
        tpu.yield
      }) : () -> ()
      %scan3A = arith.constant 0 : i32
      %scan3A_99 = arith.constant 0 : i32
      %scan3A_100 = arith.constant 128 : i32
      %scan3A_101 = arith.addi %scan3A_99, %scan3A_100 : i32
      %scan3A_102 = arith.constant 1 : i32
      scf.for %scan3A_110 = %scan3A_99 to %scan3A_101 step %scan3A_102  : i32 {
        %add3A_111 = arith.constant 256 : i32
        %add3A_112 = arith.addi %add3A_111, %scan3A_110 : i32
        %mul3A_113 = arith.constant 512 : i32
        %mul3A_114 = arith.muli %add3A_112, %mul3A_113 : i32
        %sub3A_115 = arith.constant 1 : i32
        %sub3A_116 = arith.subi %add3A_112, %sub3A_115 : i32
        %mul3A_117 = arith.muli %add3A_112, %sub3A_116 : i32
        %jit3A = arith.constant 2 : i32
        %div3A = arith.divsi %mul3A_117, %jit3A : i32
        %sign3A = arith.constant 0 : i32
        %sign3A_118 = arith.cmpi sgt, %mul3A_117, %sign3A : i32
        %sign3A_119 = arith.extui %sign3A_118 : i1 to i32
        %sign3A_120 = arith.constant 0 : i32
        %sign3A_121 = arith.cmpi slt, %mul3A_117, %sign3A_120 : i32
        %sign3A_122 = arith.extui %sign3A_121 : i1 to i32
        %sign3A_123 = arith.subi %sign3A_119, %sign3A_122 : i32
        %sign3A_124 = arith.constant 0 : i32
        %sign3A_125 = arith.cmpi sgt, %jit3A, %sign3A_124 : i32
        %sign3A_126 = arith.extui %sign3A_125 : i1 to i32
        %sign3A_127 = arith.constant 0 : i32
        %sign3A_128 = arith.cmpi slt, %jit3A, %sign3A_127 : i32
        %sign3A_129 = arith.extui %sign3A_128 : i1 to i32
        %sign3A_130 = arith.subi %sign3A_126, %sign3A_129 : i32
        %ne3A = arith.cmpi ne, %sign3A_123, %sign3A_130 : i32
        %rem3A = arith.remsi %mul3A_117, %jit3A : i32
        %ne3A_131 = arith.constant 0 : i32
        %ne3A_132 = arith.cmpi ne, %rem3A, %ne3A_131 : i32
        %and3A_133 = arith.andi %ne3A, %ne3A_132 : i1
        %sub3A_134 = arith.constant 1 : i32
        %sub3A_135 = arith.subi %div3A, %sub3A_134 : i32
        %select_n3A = arith.select %and3A_133, %sub3A_135, %div3A : i32
        %sub3A_136 = arith.subi %mul3A_114, %select_n3A : i32
        %add3A_137 = arith.constant 256 : i32
        %add3A_138 = arith.addi %sub3A_136, %add3A_137 : i32
        %sub3A_139 = arith.subi %add3A_138, %add3A_112 : i32
        %sub3A_140 = arith.constant 98432 : i32
        %sub3A_141 = arith.subi %sub3A_139, %sub3A_140 : i32
        %add3A_142 = arith.constant 0 : i32
        %add3A_143 = arith.addi %sub3A_141, %add3A_142 : i32
        %add3A_144 = vector.broadcast %add3A_143 : i32 to vector<16xi32>
        %add3A_145 = arith.addi %add3A_144, %iota3A : vector<16xi32>
        %gather3A = tpu.vector_load_idx %arg4[%add3A_145] : memref<57024xf32, #tpu.memory_space<vmem>>[vector<16xi32>], vector<16xf32>,
        %add3A_146 = arith.constant 256 : i32
        %add3A_147 = vector.broadcast %add3A_146 : i32 to vector<16xi32>
        %add3A_148 = arith.addi %add3A_147, %iota3A : vector<16xi32>
        %ge3A_149 = vector.broadcast %add3A_112 : i32 to vector<16xi32>
        %ge3A_150 = arith.cmpi sge, %add3A_148, %ge3A_149 : vector<16xi32>
        %jit3A_151 = arith.constant 0.000000e+00 : f32
        %broadcast_in_dim3A = vector.broadcast %jit3A_151 : f32 to vector<16xf32>
        %select_n3A_152 = arith.select %ge3A_150, %gather3A, %broadcast_in_dim3A : vector<16xi1>, vector<16xf32>
        %swap3A = arith.index_cast %scan3A_110 : i32 to index
        %swap3A_153 = arith.constant 0 : index
        %swap3A_154 = tpu.vector_load %arg5[%swap3A, %swap3A_153] {strides = array<i32>} : memref<128x128xf32, #tpu.memory_space<vmem>>, vector<16xf32>,
        tpu.vector_store %arg5[%swap3A, %swap3A_153], %select_n3A_152 {strides = array<i32>} : memref<128x128xf32, #tpu.memory_space<vmem>>, vector<16xf32>,
        %add3A_155 = arith.constant 16 : i32
        %add3A_156 = arith.addi %sub3A_141, %add3A_155 : i32
        %add3A_157 = vector.broadcast %add3A_156 : i32 to vector<16xi32>
        %add3A_158 = arith.addi %add3A_157, %iota3A : vector<16xi32>
        %gather3A_159 = tpu.vector_load_idx %arg4[%add3A_158] : memref<57024xf32, #tpu.memory_space<vmem>>[vector<16xi32>], vector<16xf32>,
        %add3A_160 = arith.constant 272 : i32
        %add3A_161 = vector.broadcast %add3A_160 : i32 to vector<16xi32>
        %add3A_162 = arith.addi %add3A_161, %iota3A : vector<16xi32>
        %ge3A_163 = vector.broadcast %add3A_112 : i32 to vector<16xi32>
        %ge3A_164 = arith.cmpi sge, %add3A_162, %ge3A_163 : vector<16xi32>
        %jit3A_165 = arith.constant 0.000000e+00 : f32
        %broadcast_in_dim3A_166 = vector.broadcast %jit3A_165 : f32 to vector<16xf32>
        %select_n3A_167 = arith.select %ge3A_164, %gather3A_159, %broadcast_in_dim3A_166 : vector<16xi1>, vector<16xf32>
        %swap3A_168 = arith.index_cast %scan3A_110 : i32 to index
        %swap3A_169 = arith.constant 16 : index
        %swap3A_170 = tpu.vector_load %arg5[%swap3A_168, %swap3A_169] {strides = array<i32>} : memref<128x128xf32, #tpu.memory_space<vmem>>, vector<16xf32>,
        tpu.vector_store %arg5[%swap3A_168, %swap3A_169], %select_n3A_167 {strides = array<i32>} : memref<128x128xf32, #tpu.memory_space<vmem>>, vector<16xf32>,
        %add3A_171 = arith.constant 32 : i32
        %add3A_172 = arith.addi %sub3A_141, %add3A_171 : i32
        %add3A_173 = vector.broadcast %add3A_172 : i32 to vector<16xi32>
        %add3A_174 = arith.addi %add3A_173, %iota3A : vector<16xi32>
        %gather3A_175 = tpu.vector_load_idx %arg4[%add3A_174] : memref<57024xf32, #tpu.memory_space<vmem>>[vector<16xi32>], vector<16xf32>,
        %add3A_176 = arith.constant 288 : i32
        %add3A_177 = vector.broadcast %add3A_176 : i32 to vector<16xi32>
        %add3A_178 = arith.addi %add3A_177, %iota3A : vector<16xi32>
        %ge3A_179 = vector.broadcast %add3A_112 : i32 to vector<16xi32>
        %ge3A_180 = arith.cmpi sge, %add3A_178, %ge3A_179 : vector<16xi32>
        %jit3A_181 = arith.constant 0.000000e+00 : f32
        %broadcast_in_dim3A_182 = vector.broadcast %jit3A_181 : f32 to vector<16xf32>
        %select_n3A_183 = arith.select %ge3A_180, %gather3A_175, %broadcast_in_dim3A_182 : vector<16xi1>, vector<16xf32>
        %swap3A_184 = arith.index_cast %scan3A_110 : i32 to index
        %swap3A_185 = arith.constant 32 : index
        %swap3A_186 = tpu.vector_load %arg5[%swap3A_184, %swap3A_185] {strides = array<i32>} : memref<128x128xf32, #tpu.memory_space<vmem>>, vector<16xf32>,
        tpu.vector_store %arg5[%swap3A_184, %swap3A_185], %select_n3A_183 {strides = array<i32>} : memref<128x128xf32, #tpu.memory_space<vmem>>, vector<16xf32>,
        %add3A_187 = arith.constant 48 : i32
        %add3A_188 = arith.addi %sub3A_141, %add3A_187 : i32
        %add3A_189 = vector.broadcast %add3A_188 : i32 to vector<16xi32>
        %add3A_190 = arith.addi %add3A_189, %iota3A : vector<16xi32>
        %gather3A_191 = tpu.vector_load_idx %arg4[%add3A_190] : memref<57024xf32, #tpu.memory_space<vmem>>[vector<16xi32>], vector<16xf32>,
        %add3A_192 = arith.constant 304 : i32
        %add3A_193 = vector.broadcast %add3A_192 : i32 to vector<16xi32>
        %add3A_194 = arith.addi %add3A_193, %iota3A : vector<16xi32>
        %ge3A_195 = vector.broadcast %add3A_112 : i32 to vector<16xi32>
        %ge3A_196 = arith.cmpi sge, %add3A_194, %ge3A_195 : vector<16xi32>
        %jit3A_197 = arith.constant 0.000000e+00 : f32
        %broadcast_in_dim3A_198 = vector.broadcast %jit3A_197 : f32 to vector<16xf32>
        %select_n3A_199 = arith.select %ge3A_196, %gather3A_191, %broadcast_in_dim3A_198 : vector<16xi1>, vector<16xf32>
        %swap3A_200 = arith.index_cast %scan3A_110 : i32 to index
        %swap3A_201 = arith.constant 48 : index
        %swap3A_202 = tpu.vector_load %arg5[%swap3A_200, %swap3A_201] {strides = array<i32>} : memref<128x128xf32, #tpu.memory_space<vmem>>, vector<16xf32>,
        tpu.vector_store %arg5[%swap3A_200, %swap3A_201], %select_n3A_199 {strides = array<i32>} : memref<128x128xf32, #tpu.memory_space<vmem>>, vector<16xf32>,
        %add3A_203 = arith.constant 64 : i32
        %add3A_204 = arith.addi %sub3A_141, %add3A_203 : i32
        %add3A_205 = vector.broadcast %add3A_204 : i32 to vector<16xi32>
        %add3A_206 = arith.addi %add3A_205, %iota3A : vector<16xi32>
        %gather3A_207 = tpu.vector_load_idx %arg4[%add3A_206] : memref<57024xf32, #tpu.memory_space<vmem>>[vector<16xi32>], vector<16xf32>,
        %add3A_208 = arith.constant 320 : i32
        %add3A_209 = vector.broadcast %add3A_208 : i32 to vector<16xi32>
        %add3A_210 = arith.addi %add3A_209, %iota3A : vector<16xi32>
        %ge3A_211 = vector.broadcast %add3A_112 : i32 to vector<16xi32>
        %ge3A_212 = arith.cmpi sge, %add3A_210, %ge3A_211 : vector<16xi32>
        %jit3A_213 = arith.constant 0.000000e+00 : f32
        %broadcast_in_dim3A_214 = vector.broadcast %jit3A_213 : f32 to vector<16xf32>
        %select_n3A_215 = arith.select %ge3A_212, %gather3A_207, %broadcast_in_dim3A_214 : vector<16xi1>, vector<16xf32>
        %swap3A_216 = arith.index_cast %scan3A_110 : i32 to index
        %swap3A_217 = arith.constant 64 : index
        %swap3A_218 = tpu.vector_load %arg5[%swap3A_216, %swap3A_217] {strides = array<i32>} : memref<128x128xf32, #tpu.memory_space<vmem>>, vector<16xf32>,
        tpu.vector_store %arg5[%swap3A_216, %swap3A_217], %select_n3A_215 {strides = array<i32>} : memref<128x128xf32, #tpu.memory_space<vmem>>, vector<16xf32>,
        %add3A_219 = arith.constant 80 : i32
        %add3A_220 = arith.addi %sub3A_141, %add3A_219 : i32
        %add3A_221 = vector.broadcast %add3A_220 : i32 to vector<16xi32>
        %add3A_222 = arith.addi %add3A_221, %iota3A : vector<16xi32>
        %gather3A_223 = tpu.vector_load_idx %arg4[%add3A_222] : memref<57024xf32, #tpu.memory_space<vmem>>[vector<16xi32>], vector<16xf32>,
        %add3A_224 = arith.constant 336 : i32
        %add3A_225 = vector.broadcast %add3A_224 : i32 to vector<16xi32>
        %add3A_226 = arith.addi %add3A_225, %iota3A : vector<16xi32>
        %ge3A_227 = vector.broadcast %add3A_112 : i32 to vector<16xi32>
        %ge3A_228 = arith.cmpi sge, %add3A_226, %ge3A_227 : vector<16xi32>
        %jit3A_229 = arith.constant 0.000000e+00 : f32
        %broadcast_in_dim3A_230 = vector.broadcast %jit3A_229 : f32 to vector<16xf32>
        %select_n3A_231 = arith.select %ge3A_228, %gather3A_223, %broadcast_in_dim3A_230 : vector<16xi1>, vector<16xf32>
        %swap3A_232 = arith.index_cast %scan3A_110 : i32 to index
        %swap3A_233 = arith.constant 80 : index
        %swap3A_234 = tpu.vector_load %arg5[%swap3A_232, %swap3A_233] {strides = array<i32>} : memref<128x128xf32, #tpu.memory_space<vmem>>, vector<16xf32>,
        tpu.vector_store %arg5[%swap3A_232, %swap3A_233], %select_n3A_231 {strides = array<i32>} : memref<128x128xf32, #tpu.memory_space<vmem>>, vector<16xf32>,
        %add3A_235 = arith.constant 96 : i32
        %add3A_236 = arith.addi %sub3A_141, %add3A_235 : i32
        %add3A_237 = vector.broadcast %add3A_236 : i32 to vector<16xi32>
        %add3A_238 = arith.addi %add3A_237, %iota3A : vector<16xi32>
        %gather3A_239 = tpu.vector_load_idx %arg4[%add3A_238] : memref<57024xf32, #tpu.memory_space<vmem>>[vector<16xi32>], vector<16xf32>,
        %add3A_240 = arith.constant 352 : i32
        %add3A_241 = vector.broadcast %add3A_240 : i32 to vector<16xi32>
        %add3A_242 = arith.addi %add3A_241, %iota3A : vector<16xi32>
        %ge3A_243 = vector.broadcast %add3A_112 : i32 to vector<16xi32>
        %ge3A_244 = arith.cmpi sge, %add3A_242, %ge3A_243 : vector<16xi32>
        %jit3A_245 = arith.constant 0.000000e+00 : f32
        %broadcast_in_dim3A_246 = vector.broadcast %jit3A_245 : f32 to vector<16xf32>
        %select_n3A_247 = arith.select %ge3A_244, %gather3A_239, %broadcast_in_dim3A_246 : vector<16xi1>, vector<16xf32>
        %swap3A_248 = arith.index_cast %scan3A_110 : i32 to index
        %swap3A_249 = arith.constant 96 : index
        %swap3A_250 = tpu.vector_load %arg5[%swap3A_248, %swap3A_249] {strides = array<i32>} : memref<128x128xf32, #tpu.memory_space<vmem>>, vector<16xf32>,
        tpu.vector_store %arg5[%swap3A_248, %swap3A_249], %select_n3A_247 {strides = array<i32>} : memref<128x128xf32, #tpu.memory_space<vmem>>, vector<16xf32>,
        %add3A_251 = arith.constant 112 : i32
        %add3A_252 = arith.addi %sub3A_141, %add3A_251 : i32
        %add3A_253 = vector.broadcast %add3A_252 : i32 to vector<16xi32>
        %add3A_254 = arith.addi %add3A_253, %iota3A : vector<16xi32>
        %gather3A_255 = tpu.vector_load_idx %arg4[%add3A_254] : memref<57024xf32, #tpu.memory_space<vmem>>[vector<16xi32>], vector<16xf32>,
        %add3A_256 = arith.constant 368 : i32
        %add3A_257 = vector.broadcast %add3A_256 : i32 to vector<16xi32>
        %add3A_258 = arith.addi %add3A_257, %iota3A : vector<16xi32>
        %ge3A_259 = vector.broadcast %add3A_112 : i32 to vector<16xi32>
        %ge3A_260 = arith.cmpi sge, %add3A_258, %ge3A_259 : vector<16xi32>
        %jit3A_261 = arith.constant 0.000000e+00 : f32
        %broadcast_in_dim3A_262 = vector.broadcast %jit3A_261 : f32 to vector<16xf32>
        %select_n3A_263 = arith.select %ge3A_260, %gather3A_255, %broadcast_in_dim3A_262 : vector<16xi1>, vector<16xf32>
        %swap3A_264 = arith.index_cast %scan3A_110 : i32 to index
        %swap3A_265 = arith.constant 112 : index
        %swap3A_266 = tpu.vector_load %arg5[%swap3A_264, %swap3A_265] {strides = array<i32>} : memref<128x128xf32, #tpu.memory_space<vmem>>, vector<16xf32>,
        tpu.vector_store %arg5[%swap3A_264, %swap3A_265], %select_n3A_263 {strides = array<i32>} : memref<128x128xf32, #tpu.memory_space<vmem>>, vector<16xf32>,
      }
      %scan3A_103 = arith.constant 128 : i32
      %scan3A_104 = arith.constant 0 : i32
      %scan3A_105 = arith.constant 0 : i32
      %scan3A_106 = arith.constant 128 : i32
      %scan3A_107 = arith.addi %scan3A_105, %scan3A_106 : i32
      %scan3A_108 = arith.constant 1 : i32
      scf.for %scan3A_110 = %scan3A_105 to %scan3A_107 step %scan3A_108  : i32 {
        %add3A_111 = arith.constant 256 : i32
        %add3A_112 = arith.addi %add3A_111, %scan3A_110 : i32
        %get3A = arith.index_cast %scan3A_110 : i32 to index
        %get3A_113 = arith.constant 0 : index
        %get3A_114 = tpu.vector_load %arg5[%get3A, %get3A_113] {strides = array<i32>} : memref<128x128xf32, #tpu.memory_space<vmem>>, vector<16xf32>,
        %add3A_115 = arith.constant 256 : i32
        %add3A_116 = vector.broadcast %add3A_115 : i32 to vector<16xi32>
        %add3A_117 = arith.addi %add3A_116, %iota3A : vector<16xi32>
        %add3A_118 = arith.constant 0 : i32
        %add3A_119 = vector.broadcast %add3A_118 : i32 to vector<16xi32>
        %add3A_120 = arith.addi %add3A_119, %iota3A : vector<16xi32>
        %broadcast_in_dim3A = vector.broadcast %scan3A_110 : i32 to vector<16xi32>
        %gt3A = vector.broadcast %add3A_112 : i32 to vector<16xi32>
        %gt3A_121 = arith.cmpi sgt, %add3A_117, %gt3A : vector<16xi32>
        tpu.vector_store_idx %arg5[%add3A_120, %broadcast_in_dim3A], %get3A_114 masked %gt3A_121 : memref<128x128xf32, #tpu.memory_space<vmem>>[vector<16xi32>, vector<16xi32>], vector<16xf32>, vector<16xi1>
        %get3A_122 = arith.index_cast %scan3A_110 : i32 to index
        %get3A_123 = arith.constant 16 : index
        %get3A_124 = tpu.vector_load %arg5[%get3A_122, %get3A_123] {strides = array<i32>} : memref<128x128xf32, #tpu.memory_space<vmem>>, vector<16xf32>,
        %add3A_125 = arith.constant 272 : i32
        %add3A_126 = vector.broadcast %add3A_125 : i32 to vector<16xi32>
        %add3A_127 = arith.addi %add3A_126, %iota3A : vector<16xi32>
        %add3A_128 = arith.constant 16 : i32
        %add3A_129 = vector.broadcast %add3A_128 : i32 to vector<16xi32>
        %add3A_130 = arith.addi %add3A_129, %iota3A : vector<16xi32>
        %broadcast_in_dim3A_131 = vector.broadcast %scan3A_110 : i32 to vector<16xi32>
        %gt3A_132 = vector.broadcast %add3A_112 : i32 to vector<16xi32>
        %gt3A_133 = arith.cmpi sgt, %add3A_127, %gt3A_132 : vector<16xi32>
        tpu.vector_store_idx %arg5[%add3A_130, %broadcast_in_dim3A_131], %get3A_124 masked %gt3A_133 : memref<128x128xf32, #tpu.memory_space<vmem>>[vector<16xi32>, vector<16xi32>], vector<16xf32>, vector<16xi1>
        %get3A_134 = arith.index_cast %scan3A_110 : i32 to index
        %get3A_135 = arith.constant 32 : index
        %get3A_136 = tpu.vector_load %arg5[%get3A_134, %get3A_135] {strides = array<i32>} : memref<128x128xf32, #tpu.memory_space<vmem>>, vector<16xf32>,
        %add3A_137 = arith.constant 288 : i32
        %add3A_138 = vector.broadcast %add3A_137 : i32 to vector<16xi32>
        %add3A_139 = arith.addi %add3A_138, %iota3A : vector<16xi32>
        %add3A_140 = arith.constant 32 : i32
        %add3A_141 = vector.broadcast %add3A_140 : i32 to vector<16xi32>
        %add3A_142 = arith.addi %add3A_141, %iota3A : vector<16xi32>
        %broadcast_in_dim3A_143 = vector.broadcast %scan3A_110 : i32 to vector<16xi32>
        %gt3A_144 = vector.broadcast %add3A_112 : i32 to vector<16xi32>
        %gt3A_145 = arith.cmpi sgt, %add3A_139, %gt3A_144 : vector<16xi32>
        tpu.vector_store_idx %arg5[%add3A_142, %broadcast_in_dim3A_143], %get3A_136 masked %gt3A_145 : memref<128x128xf32, #tpu.memory_space<vmem>>[vector<16xi32>, vector<16xi32>], vector<16xf32>, vector<16xi1>
        %get3A_146 = arith.index_cast %scan3A_110 : i32 to index
        %get3A_147 = arith.constant 48 : index
        %get3A_148 = tpu.vector_load %arg5[%get3A_146, %get3A_147] {strides = array<i32>} : memref<128x128xf32, #tpu.memory_space<vmem>>, vector<16xf32>,
        %add3A_149 = arith.constant 304 : i32
        %add3A_150 = vector.broadcast %add3A_149 : i32 to vector<16xi32>
        %add3A_151 = arith.addi %add3A_150, %iota3A : vector<16xi32>
        %add3A_152 = arith.constant 48 : i32
        %add3A_153 = vector.broadcast %add3A_152 : i32 to vector<16xi32>
        %add3A_154 = arith.addi %add3A_153, %iota3A : vector<16xi32>
        %broadcast_in_dim3A_155 = vector.broadcast %scan3A_110 : i32 to vector<16xi32>
        %gt3A_156 = vector.broadcast %add3A_112 : i32 to vector<16xi32>
        %gt3A_157 = arith.cmpi sgt, %add3A_151, %gt3A_156 : vector<16xi32>
        tpu.vector_store_idx %arg5[%add3A_154, %broadcast_in_dim3A_155], %get3A_148 masked %gt3A_157 : memref<128x128xf32, #tpu.memory_space<vmem>>[vector<16xi32>, vector<16xi32>], vector<16xf32>, vector<16xi1>
        %get3A_158 = arith.index_cast %scan3A_110 : i32 to index
        %get3A_159 = arith.constant 64 : index
        %get3A_160 = tpu.vector_load %arg5[%get3A_158, %get3A_159] {strides = array<i32>} : memref<128x128xf32, #tpu.memory_space<vmem>>, vector<16xf32>,
        %add3A_161 = arith.constant 320 : i32
        %add3A_162 = vector.broadcast %add3A_161 : i32 to vector<16xi32>
        %add3A_163 = arith.addi %add3A_162, %iota3A : vector<16xi32>
        %add3A_164 = arith.constant 64 : i32
        %add3A_165 = vector.broadcast %add3A_164 : i32 to vector<16xi32>
        %add3A_166 = arith.addi %add3A_165, %iota3A : vector<16xi32>
        %broadcast_in_dim3A_167 = vector.broadcast %scan3A_110 : i32 to vector<16xi32>
        %gt3A_168 = vector.broadcast %add3A_112 : i32 to vector<16xi32>
        %gt3A_169 = arith.cmpi sgt, %add3A_163, %gt3A_168 : vector<16xi32>
        tpu.vector_store_idx %arg5[%add3A_166, %broadcast_in_dim3A_167], %get3A_160 masked %gt3A_169 : memref<128x128xf32, #tpu.memory_space<vmem>>[vector<16xi32>, vector<16xi32>], vector<16xf32>, vector<16xi1>
        %get3A_170 = arith.index_cast %scan3A_110 : i32 to index
        %get3A_171 = arith.constant 80 : index
        %get3A_172 = tpu.vector_load %arg5[%get3A_170, %get3A_171] {strides = array<i32>} : memref<128x128xf32, #tpu.memory_space<vmem>>, vector<16xf32>,
        %add3A_173 = arith.constant 336 : i32
        %add3A_174 = vector.broadcast %add3A_173 : i32 to vector<16xi32>
        %add3A_175 = arith.addi %add3A_174, %iota3A : vector<16xi32>
        %add3A_176 = arith.constant 80 : i32
        %add3A_177 = vector.broadcast %add3A_176 : i32 to vector<16xi32>
        %add3A_178 = arith.addi %add3A_177, %iota3A : vector<16xi32>
        %broadcast_in_dim3A_179 = vector.broadcast %scan3A_110 : i32 to vector<16xi32>
        %gt3A_180 = vector.broadcast %add3A_112 : i32 to vector<16xi32>
        %gt3A_181 = arith.cmpi sgt, %add3A_175, %gt3A_180 : vector<16xi32>
        tpu.vector_store_idx %arg5[%add3A_178, %broadcast_in_dim3A_179], %get3A_172 masked %gt3A_181 : memref<128x128xf32, #tpu.memory_space<vmem>>[vector<16xi32>, vector<16xi32>], vector<16xf32>, vector<16xi1>
        %get3A_182 = arith.index_cast %scan3A_110 : i32 to index
        %get3A_183 = arith.constant 96 : index
        %get3A_184 = tpu.vector_load %arg5[%get3A_182, %get3A_183] {strides = array<i32>} : memref<128x128xf32, #tpu.memory_space<vmem>>, vector<16xf32>,
        %add3A_185 = arith.constant 352 : i32
        %add3A_186 = vector.broadcast %add3A_185 : i32 to vector<16xi32>
        %add3A_187 = arith.addi %add3A_186, %iota3A : vector<16xi32>
        %add3A_188 = arith.constant 96 : i32
        %add3A_189 = vector.broadcast %add3A_188 : i32 to vector<16xi32>
        %add3A_190 = arith.addi %add3A_189, %iota3A : vector<16xi32>
        %broadcast_in_dim3A_191 = vector.broadcast %scan3A_110 : i32 to vector<16xi32>
        %gt3A_192 = vector.broadcast %add3A_112 : i32 to vector<16xi32>
        %gt3A_193 = arith.cmpi sgt, %add3A_187, %gt3A_192 : vector<16xi32>
        tpu.vector_store_idx %arg5[%add3A_190, %broadcast_in_dim3A_191], %get3A_184 masked %gt3A_193 : memref<128x128xf32, #tpu.memory_space<vmem>>[vector<16xi32>, vector<16xi32>], vector<16xf32>, vector<16xi1>
        %get3A_194 = arith.index_cast %scan3A_110 : i32 to index
        %get3A_195 = arith.constant 112 : index
        %get3A_196 = tpu.vector_load %arg5[%get3A_194, %get3A_195] {strides = array<i32>} : memref<128x128xf32, #tpu.memory_space<vmem>>, vector<16xf32>,
        %add3A_197 = arith.constant 368 : i32
        %add3A_198 = vector.broadcast %add3A_197 : i32 to vector<16xi32>
        %add3A_199 = arith.addi %add3A_198, %iota3A : vector<16xi32>
        %add3A_200 = arith.constant 112 : i32
        %add3A_201 = vector.broadcast %add3A_200 : i32 to vector<16xi32>
        %add3A_202 = arith.addi %add3A_201, %iota3A : vector<16xi32>
        %broadcast_in_dim3A_203 = vector.broadcast %scan3A_110 : i32 to vector<16xi32>
        %gt3A_204 = vector.broadcast %add3A_112 : i32 to vector<16xi32>
        %gt3A_205 = arith.cmpi sgt, %add3A_199, %gt3A_204 : vector<16xi32>
        tpu.vector_store_idx %arg5[%add3A_202, %broadcast_in_dim3A_203], %get3A_196 masked %gt3A_205 : memref<128x128xf32, #tpu.memory_space<vmem>>[vector<16xi32>, vector<16xi32>], vector<16xf32>, vector<16xi1>
      }
      %scan3A_109 = arith.constant 128 : i32
      "tpu.region"() ({
        %run_scoped3A = tpu.sem_alloc : memref<!tpu.dma_semaphore, #tpu.memory_space<semaphore_mem>>
        %dma_start3A = arith.constant 256 : i32
        %dma_start3A_110 = arith.constant 256 : i32
        %dma_start3A_111 = tpu.memref_slice %arg3[%sub3A_66, %dma_start3A, %dma_start3A_110] : memref<16x512x512xf32, #tpu.memory_space<hbm>> -> memref<1x128x128xf32, #tpu.memory_space<hbm>>
        %dma_start3A_112 = tpu.memref_squeeze %dma_start3A_111 : memref<1x128x128xf32, #tpu.memory_space<hbm>> -> memref<128x128xf32, #tpu.memory_space<hbm>>
        %dma_start3A_113 = arith.constant 256 : i32
        %dma_start3A_114 = arith.constant 256 : i32
        %dma_start3A_115 = tpu.memref_slice %arg3[%sub3A_66, %dma_start3A_113, %dma_start3A_114] : memref<16x512x512xf32, #tpu.memory_space<hbm>> -> memref<1x128x128xf32, #tpu.memory_space<hbm>>
        %dma_start3A_116 = tpu.memref_squeeze %dma_start3A_115 : memref<1x128x128xf32, #tpu.memory_space<hbm>> -> memref<128x128xf32, #tpu.memory_space<hbm>>
        tpu.enqueue_dma source(%arg5 : memref<128x128xf32, #tpu.memory_space<vmem>>) target(%dma_start3A_116 : memref<128x128xf32, #tpu.memory_space<hbm>>) target_semaphore(%run_scoped3A : memref<!tpu.dma_semaphore, #tpu.memory_space<semaphore_mem>>)
        %dma_wait3A = arith.constant 256 : i32
        %dma_wait3A_117 = arith.constant 256 : i32
        %dma_wait3A_118 = tpu.memref_slice %arg3[%sub3A_66, %dma_wait3A, %dma_wait3A_117] : memref<16x512x512xf32, #tpu.memory_space<hbm>> -> memref<1x128x128xf32, #tpu.memory_space<hbm>>
        %dma_wait3A_119 = tpu.memref_squeeze %dma_wait3A_118 : memref<1x128x128xf32, #tpu.memory_space<hbm>> -> memref<128x128xf32, #tpu.memory_space<hbm>>
        %dma_wait3A_120 = arith.constant 256 : i32
        %dma_wait3A_121 = arith.constant 256 : i32
        %dma_wait3A_122 = tpu.memref_slice %arg3[%sub3A_66, %dma_wait3A_120, %dma_wait3A_121] : memref<16x512x512xf32, #tpu.memory_space<hbm>> -> memref<1x128x128xf32, #tpu.memory_space<hbm>>
        %dma_wait3A_123 = tpu.memref_squeeze %dma_wait3A_122 : memref<1x128x128xf32, #tpu.memory_space<hbm>> -> memref<128x128xf32, #tpu.memory_space<hbm>>
        tpu.wait_dma2 semaphore(%run_scoped3A : memref<!tpu.dma_semaphore, #tpu.memory_space<semaphore_mem>>) src(%arg5 : memref<128x128xf32, #tpu.memory_space<vmem>>) dst(%dma_wait3A_123 : memref<128x128xf32, #tpu.memory_space<hbm>>)
        tpu.yield
      }) : () -> ()
    } else {
    }
    %sub3A_75 = arith.constant 0 : i32
    %sub3A_76 = arith.subi %add3A, %sub3A_75 : i32
    %ge3A_77 = arith.constant 0 : i32
    %ge3A_78 = arith.cmpi sge, %sub3A_76, %ge3A_77 : i32
    %lt3A_79 = arith.constant 16 : i32
    %lt3A_80 = arith.cmpi slt, %sub3A_76, %lt3A_79 : i32
    %and3A_81 = arith.andi %ge3A_78, %lt3A_80 : i1
    %convert_element_type3A_82 = arith.extui %and3A_81 : i1 to i32
    %cond3A_83 = arith.constant 0 : i32
    %cond3A_84 = arith.cmpi ne, %convert_element_type3A_82, %cond3A_83 : i32
    scf.if %cond3A_84 {
      %mul3A_95 = arith.constant 131328 : i32
      %mul3A_96 = arith.muli %sub3A_76, %mul3A_95 : i32
      %add3A_97 = arith.constant 98560 : i32
      %add3A_98 = arith.addi %mul3A_96, %add3A_97 : i32
      %multiple_of3A = tpu.assume_multiple %add3A_98, 8 : i32
      "tpu.region"() ({
        %run_scoped3A = tpu.sem_alloc : memref<!tpu.dma_semaphore, #tpu.memory_space<semaphore_mem>>
        %dma_start3A = arith.constant 0 : i32
        %dma_start3A_104 = tpu.memref_slice %arg4[%dma_start3A] : memref<57024xf32, #tpu.memory_space<vmem>> -> memref<24512xf32, #tpu.memory_space<vmem>>
        %dma_start3A_105 = tpu.memref_slice %arg2[%multiple_of3A] : memref<2101248xf32, #tpu.memory_space<hbm>> -> memref<24512xf32, #tpu.memory_space<hbm>>
        %dma_start3A_106 = arith.constant 0 : i32
        %dma_start3A_107 = tpu.memref_slice %arg4[%dma_start3A_106] : memref<57024xf32, #tpu.memory_space<vmem>> -> memref<24512xf32, #tpu.memory_space<vmem>>
        %dma_start3A_108 = tpu.memref_slice %arg2[%multiple_of3A] : memref<2101248xf32, #tpu.memory_space<hbm>> -> memref<24512xf32, #tpu.memory_space<hbm>>
        tpu.enqueue_dma source(%dma_start3A_108 : memref<24512xf32, #tpu.memory_space<hbm>>) target(%dma_start3A_107 : memref<24512xf32, #tpu.memory_space<vmem>>) target_semaphore(%run_scoped3A : memref<!tpu.dma_semaphore, #tpu.memory_space<semaphore_mem>>)
        %dma_wait3A = arith.constant 0 : i32
        %dma_wait3A_109 = tpu.memref_slice %arg4[%dma_wait3A] : memref<57024xf32, #tpu.memory_space<vmem>> -> memref<24512xf32, #tpu.memory_space<vmem>>
        %dma_wait3A_110 = tpu.memref_slice %arg2[%multiple_of3A] : memref<2101248xf32, #tpu.memory_space<hbm>> -> memref<24512xf32, #tpu.memory_space<hbm>>
        %dma_wait3A_111 = arith.constant 0 : i32
        %dma_wait3A_112 = tpu.memref_slice %arg4[%dma_wait3A_111] : memref<57024xf32, #tpu.memory_space<vmem>> -> memref<24512xf32, #tpu.memory_space<vmem>>
        %dma_wait3A_113 = tpu.memref_slice %arg2[%multiple_of3A] : memref<2101248xf32, #tpu.memory_space<hbm>> -> memref<24512xf32, #tpu.memory_space<hbm>>
        tpu.wait_dma2 semaphore(%run_scoped3A : memref<!tpu.dma_semaphore, #tpu.memory_space<semaphore_mem>>) src(%dma_wait3A_113 : memref<24512xf32, #tpu.memory_space<hbm>>) dst(%dma_wait3A_112 : memref<24512xf32, #tpu.memory_space<vmem>>)
        tpu.yield
      }) : () -> ()
      %scan3A = arith.constant 0 : i32
      %scan3A_99 = arith.constant 0 : i32
      %scan3A_100 = arith.constant 128 : i32
      %scan3A_101 = arith.addi %scan3A_99, %scan3A_100 : i32
      %scan3A_102 = arith.constant 1 : i32
      scf.for %scan3A_104 = %scan3A_99 to %scan3A_101 step %scan3A_102  : i32 {
        %add3A_105 = arith.constant 256 : i32
        %add3A_106 = arith.addi %add3A_105, %scan3A_104 : i32
        %mul3A_107 = arith.constant 512 : i32
        %mul3A_108 = arith.muli %add3A_106, %mul3A_107 : i32
        %sub3A_109 = arith.constant 1 : i32
        %sub3A_110 = arith.subi %add3A_106, %sub3A_109 : i32
        %mul3A_111 = arith.muli %add3A_106, %sub3A_110 : i32
        %jit3A = arith.constant 2 : i32
        %div3A = arith.divsi %mul3A_111, %jit3A : i32
        %sign3A = arith.constant 0 : i32
        %sign3A_112 = arith.cmpi sgt, %mul3A_111, %sign3A : i32
        %sign3A_113 = arith.extui %sign3A_112 : i1 to i32
        %sign3A_114 = arith.constant 0 : i32
        %sign3A_115 = arith.cmpi slt, %mul3A_111, %sign3A_114 : i32
        %sign3A_116 = arith.extui %sign3A_115 : i1 to i32
        %sign3A_117 = arith.subi %sign3A_113, %sign3A_116 : i32
        %sign3A_118 = arith.constant 0 : i32
        %sign3A_119 = arith.cmpi sgt, %jit3A, %sign3A_118 : i32
        %sign3A_120 = arith.extui %sign3A_119 : i1 to i32
        %sign3A_121 = arith.constant 0 : i32
        %sign3A_122 = arith.cmpi slt, %jit3A, %sign3A_121 : i32
        %sign3A_123 = arith.extui %sign3A_122 : i1 to i32
        %sign3A_124 = arith.subi %sign3A_120, %sign3A_123 : i32
        %ne3A = arith.cmpi ne, %sign3A_117, %sign3A_124 : i32
        %rem3A = arith.remsi %mul3A_111, %jit3A : i32
        %ne3A_125 = arith.constant 0 : i32
        %ne3A_126 = arith.cmpi ne, %rem3A, %ne3A_125 : i32
        %and3A_127 = arith.andi %ne3A, %ne3A_126 : i1
        %sub3A_128 = arith.constant 1 : i32
        %sub3A_129 = arith.subi %div3A, %sub3A_128 : i32
        %select_n3A = arith.select %and3A_127, %sub3A_129, %div3A : i32
        %sub3A_130 = arith.subi %mul3A_108, %select_n3A : i32
        %add3A_131 = arith.constant 384 : i32
        %add3A_132 = arith.addi %sub3A_130, %add3A_131 : i32
        %sub3A_133 = arith.subi %add3A_132, %add3A_106 : i32
        %sub3A_134 = arith.constant 98560 : i32
        %sub3A_135 = arith.subi %sub3A_133, %sub3A_134 : i32
        %add3A_136 = arith.constant 0 : i32
        %add3A_137 = arith.addi %sub3A_135, %add3A_136 : i32
        %add3A_138 = vector.broadcast %add3A_137 : i32 to vector<16xi32>
        %add3A_139 = arith.addi %add3A_138, %iota3A : vector<16xi32>
        %gather3A = tpu.vector_load_idx %arg4[%add3A_139] : memref<57024xf32, #tpu.memory_space<vmem>>[vector<16xi32>], vector<16xf32>,
        %swap3A = arith.index_cast %scan3A_104 : i32 to index
        %swap3A_140 = arith.constant 0 : index
        %swap3A_141 = tpu.vector_load %arg5[%swap3A, %swap3A_140] {strides = array<i32>} : memref<128x128xf32, #tpu.memory_space<vmem>>, vector<16xf32>,
        tpu.vector_store %arg5[%swap3A, %swap3A_140], %gather3A {strides = array<i32>} : memref<128x128xf32, #tpu.memory_space<vmem>>, vector<16xf32>,
        %add3A_142 = arith.constant 0 : i32
        %add3A_143 = vector.broadcast %add3A_142 : i32 to vector<16xi32>
        %add3A_144 = arith.addi %add3A_143, %iota3A : vector<16xi32>
        %broadcast_in_dim3A = vector.broadcast %scan3A_104 : i32 to vector<16xi32>
        tpu.vector_store_idx %arg6[%add3A_144, %broadcast_in_dim3A], %gather3A : memref<128x128xf32, #tpu.memory_space<vmem>>[vector<16xi32>, vector<16xi32>], vector<16xf32>,
        %add3A_145 = arith.constant 16 : i32
        %add3A_146 = arith.addi %sub3A_135, %add3A_145 : i32
        %add3A_147 = vector.broadcast %add3A_146 : i32 to vector<16xi32>
        %add3A_148 = arith.addi %add3A_147, %iota3A : vector<16xi32>
        %gather3A_149 = tpu.vector_load_idx %arg4[%add3A_148] : memref<57024xf32, #tpu.memory_space<vmem>>[vector<16xi32>], vector<16xf32>,
        %swap3A_150 = arith.index_cast %scan3A_104 : i32 to index
        %swap3A_151 = arith.constant 16 : index
        %swap3A_152 = tpu.vector_load %arg5[%swap3A_150, %swap3A_151] {strides = array<i32>} : memref<128x128xf32, #tpu.memory_space<vmem>>, vector<16xf32>,
        tpu.vector_store %arg5[%swap3A_150, %swap3A_151], %gather3A_149 {strides = array<i32>} : memref<128x128xf32, #tpu.memory_space<vmem>>, vector<16xf32>,
        %add3A_153 = arith.constant 16 : i32
        %add3A_154 = vector.broadcast %add3A_153 : i32 to vector<16xi32>
        %add3A_155 = arith.addi %add3A_154, %iota3A : vector<16xi32>
        %broadcast_in_dim3A_156 = vector.broadcast %scan3A_104 : i32 to vector<16xi32>
        tpu.vector_store_idx %arg6[%add3A_155, %broadcast_in_dim3A_156], %gather3A_149 : memref<128x128xf32, #tpu.memory_space<vmem>>[vector<16xi32>, vector<16xi32>], vector<16xf32>,
        %add3A_157 = arith.constant 32 : i32
        %add3A_158 = arith.addi %sub3A_135, %add3A_157 : i32
        %add3A_159 = vector.broadcast %add3A_158 : i32 to vector<16xi32>
        %add3A_160 = arith.addi %add3A_159, %iota3A : vector<16xi32>
        %gather3A_161 = tpu.vector_load_idx %arg4[%add3A_160] : memref<57024xf32, #tpu.memory_space<vmem>>[vector<16xi32>], vector<16xf32>,
        %swap3A_162 = arith.index_cast %scan3A_104 : i32 to index
        %swap3A_163 = arith.constant 32 : index
        %swap3A_164 = tpu.vector_load %arg5[%swap3A_162, %swap3A_163] {strides = array<i32>} : memref<128x128xf32, #tpu.memory_space<vmem>>, vector<16xf32>,
        tpu.vector_store %arg5[%swap3A_162, %swap3A_163], %gather3A_161 {strides = array<i32>} : memref<128x128xf32, #tpu.memory_space<vmem>>, vector<16xf32>,
        %add3A_165 = arith.constant 32 : i32
        %add3A_166 = vector.broadcast %add3A_165 : i32 to vector<16xi32>
        %add3A_167 = arith.addi %add3A_166, %iota3A : vector<16xi32>
        %broadcast_in_dim3A_168 = vector.broadcast %scan3A_104 : i32 to vector<16xi32>
        tpu.vector_store_idx %arg6[%add3A_167, %broadcast_in_dim3A_168], %gather3A_161 : memref<128x128xf32, #tpu.memory_space<vmem>>[vector<16xi32>, vector<16xi32>], vector<16xf32>,
        %add3A_169 = arith.constant 48 : i32
        %add3A_170 = arith.addi %sub3A_135, %add3A_169 : i32
        %add3A_171 = vector.broadcast %add3A_170 : i32 to vector<16xi32>
        %add3A_172 = arith.addi %add3A_171, %iota3A : vector<16xi32>
        %gather3A_173 = tpu.vector_load_idx %arg4[%add3A_172] : memref<57024xf32, #tpu.memory_space<vmem>>[vector<16xi32>], vector<16xf32>,
        %swap3A_174 = arith.index_cast %scan3A_104 : i32 to index
        %swap3A_175 = arith.constant 48 : index
        %swap3A_176 = tpu.vector_load %arg5[%swap3A_174, %swap3A_175] {strides = array<i32>} : memref<128x128xf32, #tpu.memory_space<vmem>>, vector<16xf32>,
        tpu.vector_store %arg5[%swap3A_174, %swap3A_175], %gather3A_173 {strides = array<i32>} : memref<128x128xf32, #tpu.memory_space<vmem>>, vector<16xf32>,
        %add3A_177 = arith.constant 48 : i32
        %add3A_178 = vector.broadcast %add3A_177 : i32 to vector<16xi32>
        %add3A_179 = arith.addi %add3A_178, %iota3A : vector<16xi32>
        %broadcast_in_dim3A_180 = vector.broadcast %scan3A_104 : i32 to vector<16xi32>
        tpu.vector_store_idx %arg6[%add3A_179, %broadcast_in_dim3A_180], %gather3A_173 : memref<128x128xf32, #tpu.memory_space<vmem>>[vector<16xi32>, vector<16xi32>], vector<16xf32>,
        %add3A_181 = arith.constant 64 : i32
        %add3A_182 = arith.addi %sub3A_135, %add3A_181 : i32
        %add3A_183 = vector.broadcast %add3A_182 : i32 to vector<16xi32>
        %add3A_184 = arith.addi %add3A_183, %iota3A : vector<16xi32>
        %gather3A_185 = tpu.vector_load_idx %arg4[%add3A_184] : memref<57024xf32, #tpu.memory_space<vmem>>[vector<16xi32>], vector<16xf32>,
        %swap3A_186 = arith.index_cast %scan3A_104 : i32 to index
        %swap3A_187 = arith.constant 64 : index
        %swap3A_188 = tpu.vector_load %arg5[%swap3A_186, %swap3A_187] {strides = array<i32>} : memref<128x128xf32, #tpu.memory_space<vmem>>, vector<16xf32>,
        tpu.vector_store %arg5[%swap3A_186, %swap3A_187], %gather3A_185 {strides = array<i32>} : memref<128x128xf32, #tpu.memory_space<vmem>>, vector<16xf32>,
        %add3A_189 = arith.constant 64 : i32
        %add3A_190 = vector.broadcast %add3A_189 : i32 to vector<16xi32>
        %add3A_191 = arith.addi %add3A_190, %iota3A : vector<16xi32>
        %broadcast_in_dim3A_192 = vector.broadcast %scan3A_104 : i32 to vector<16xi32>
        tpu.vector_store_idx %arg6[%add3A_191, %broadcast_in_dim3A_192], %gather3A_185 : memref<128x128xf32, #tpu.memory_space<vmem>>[vector<16xi32>, vector<16xi32>], vector<16xf32>,
        %add3A_193 = arith.constant 80 : i32
        %add3A_194 = arith.addi %sub3A_135, %add3A_193 : i32
        %add3A_195 = vector.broadcast %add3A_194 : i32 to vector<16xi32>
        %add3A_196 = arith.addi %add3A_195, %iota3A : vector<16xi32>
        %gather3A_197 = tpu.vector_load_idx %arg4[%add3A_196] : memref<57024xf32, #tpu.memory_space<vmem>>[vector<16xi32>], vector<16xf32>,
        %swap3A_198 = arith.index_cast %scan3A_104 : i32 to index
        %swap3A_199 = arith.constant 80 : index
        %swap3A_200 = tpu.vector_load %arg5[%swap3A_198, %swap3A_199] {strides = array<i32>} : memref<128x128xf32, #tpu.memory_space<vmem>>, vector<16xf32>,
        tpu.vector_store %arg5[%swap3A_198, %swap3A_199], %gather3A_197 {strides = array<i32>} : memref<128x128xf32, #tpu.memory_space<vmem>>, vector<16xf32>,
        %add3A_201 = arith.constant 80 : i32
        %add3A_202 = vector.broadcast %add3A_201 : i32 to vector<16xi32>
        %add3A_203 = arith.addi %add3A_202, %iota3A : vector<16xi32>
        %broadcast_in_dim3A_204 = vector.broadcast %scan3A_104 : i32 to vector<16xi32>
        tpu.vector_store_idx %arg6[%add3A_203, %broadcast_in_dim3A_204], %gather3A_197 : memref<128x128xf32, #tpu.memory_space<vmem>>[vector<16xi32>, vector<16xi32>], vector<16xf32>,
        %add3A_205 = arith.constant 96 : i32
        %add3A_206 = arith.addi %sub3A_135, %add3A_205 : i32
        %add3A_207 = vector.broadcast %add3A_206 : i32 to vector<16xi32>
        %add3A_208 = arith.addi %add3A_207, %iota3A : vector<16xi32>
        %gather3A_209 = tpu.vector_load_idx %arg4[%add3A_208] : memref<57024xf32, #tpu.memory_space<vmem>>[vector<16xi32>], vector<16xf32>,
        %swap3A_210 = arith.index_cast %scan3A_104 : i32 to index
        %swap3A_211 = arith.constant 96 : index
        %swap3A_212 = tpu.vector_load %arg5[%swap3A_210, %swap3A_211] {strides = array<i32>} : memref<128x128xf32, #tpu.memory_space<vmem>>, vector<16xf32>,
        tpu.vector_store %arg5[%swap3A_210, %swap3A_211], %gather3A_209 {strides = array<i32>} : memref<128x128xf32, #tpu.memory_space<vmem>>, vector<16xf32>,
        %add3A_213 = arith.constant 96 : i32
        %add3A_214 = vector.broadcast %add3A_213 : i32 to vector<16xi32>
        %add3A_215 = arith.addi %add3A_214, %iota3A : vector<16xi32>
        %broadcast_in_dim3A_216 = vector.broadcast %scan3A_104 : i32 to vector<16xi32>
        tpu.vector_store_idx %arg6[%add3A_215, %broadcast_in_dim3A_216], %gather3A_209 : memref<128x128xf32, #tpu.memory_space<vmem>>[vector<16xi32>, vector<16xi32>], vector<16xf32>,
        %add3A_217 = arith.constant 112 : i32
        %add3A_218 = arith.addi %sub3A_135, %add3A_217 : i32
        %add3A_219 = vector.broadcast %add3A_218 : i32 to vector<16xi32>
        %add3A_220 = arith.addi %add3A_219, %iota3A : vector<16xi32>
        %gather3A_221 = tpu.vector_load_idx %arg4[%add3A_220] : memref<57024xf32, #tpu.memory_space<vmem>>[vector<16xi32>], vector<16xf32>,
        %swap3A_222 = arith.index_cast %scan3A_104 : i32 to index
        %swap3A_223 = arith.constant 112 : index
        %swap3A_224 = tpu.vector_load %arg5[%swap3A_222, %swap3A_223] {strides = array<i32>} : memref<128x128xf32, #tpu.memory_space<vmem>>, vector<16xf32>,
        tpu.vector_store %arg5[%swap3A_222, %swap3A_223], %gather3A_221 {strides = array<i32>} : memref<128x128xf32, #tpu.memory_space<vmem>>, vector<16xf32>,
        %add3A_225 = arith.constant 112 : i32
        %add3A_226 = vector.broadcast %add3A_225 : i32 to vector<16xi32>
        %add3A_227 = arith.addi %add3A_226, %iota3A : vector<16xi32>
        %broadcast_in_dim3A_228 = vector.broadcast %scan3A_104 : i32 to vector<16xi32>
        tpu.vector_store_idx %arg6[%add3A_227, %broadcast_in_dim3A_228], %gather3A_221 : memref<128x128xf32, #tpu.memory_space<vmem>>[vector<16xi32>, vector<16xi32>], vector<16xf32>,
      }
      %scan3A_103 = arith.constant 128 : i32
      "tpu.region"() ({
        %run_scoped3A = tpu.sem_alloc : memref<!tpu.dma_semaphore, #tpu.memory_space<semaphore_mem>>
        %dma_start3A = arith.constant 256 : i32
        %dma_start3A_104 = arith.constant 384 : i32
        %dma_start3A_105 = tpu.memref_slice %arg3[%sub3A_76, %dma_start3A, %dma_start3A_104] : memref<16x512x512xf32, #tpu.memory_space<hbm>> -> memref<1x128x128xf32, #tpu.memory_space<hbm>>
        %dma_start3A_106 = tpu.memref_squeeze %dma_start3A_105 : memref<1x128x128xf32, #tpu.memory_space<hbm>> -> memref<128x128xf32, #tpu.memory_space<hbm>>
        %dma_start3A_107 = arith.constant 256 : i32
        %dma_start3A_108 = arith.constant 384 : i32
        %dma_start3A_109 = tpu.memref_slice %arg3[%sub3A_76, %dma_start3A_107, %dma_start3A_108] : memref<16x512x512xf32, #tpu.memory_space<hbm>> -> memref<1x128x128xf32, #tpu.memory_space<hbm>>
        %dma_start3A_110 = tpu.memref_squeeze %dma_start3A_109 : memref<1x128x128xf32, #tpu.memory_space<hbm>> -> memref<128x128xf32, #tpu.memory_space<hbm>>
        tpu.enqueue_dma source(%arg5 : memref<128x128xf32, #tpu.memory_space<vmem>>) target(%dma_start3A_110 : memref<128x128xf32, #tpu.memory_space<hbm>>) target_semaphore(%run_scoped3A : memref<!tpu.dma_semaphore, #tpu.memory_space<semaphore_mem>>)
        %dma_wait3A = arith.constant 256 : i32
        %dma_wait3A_111 = arith.constant 384 : i32
        %dma_wait3A_112 = tpu.memref_slice %arg3[%sub3A_76, %dma_wait3A, %dma_wait3A_111] : memref<16x512x512xf32, #tpu.memory_space<hbm>> -> memref<1x128x128xf32, #tpu.memory_space<hbm>>
        %dma_wait3A_113 = tpu.memref_squeeze %dma_wait3A_112 : memref<1x128x128xf32, #tpu.memory_space<hbm>> -> memref<128x128xf32, #tpu.memory_space<hbm>>
        %dma_wait3A_114 = arith.constant 256 : i32
        %dma_wait3A_115 = arith.constant 384 : i32
        %dma_wait3A_116 = tpu.memref_slice %arg3[%sub3A_76, %dma_wait3A_114, %dma_wait3A_115] : memref<16x512x512xf32, #tpu.memory_space<hbm>> -> memref<1x128x128xf32, #tpu.memory_space<hbm>>
        %dma_wait3A_117 = tpu.memref_squeeze %dma_wait3A_116 : memref<1x128x128xf32, #tpu.memory_space<hbm>> -> memref<128x128xf32, #tpu.memory_space<hbm>>
        tpu.wait_dma2 semaphore(%run_scoped3A : memref<!tpu.dma_semaphore, #tpu.memory_space<semaphore_mem>>) src(%arg5 : memref<128x128xf32, #tpu.memory_space<vmem>>) dst(%dma_wait3A_117 : memref<128x128xf32, #tpu.memory_space<hbm>>)
        tpu.yield
      }) : () -> ()
      "tpu.region"() ({
        %run_scoped3A = tpu.sem_alloc : memref<!tpu.dma_semaphore, #tpu.memory_space<semaphore_mem>>
        %dma_start3A = arith.constant 384 : i32
        %dma_start3A_104 = arith.constant 256 : i32
        %dma_start3A_105 = tpu.memref_slice %arg3[%sub3A_76, %dma_start3A, %dma_start3A_104] : memref<16x512x512xf32, #tpu.memory_space<hbm>> -> memref<1x128x128xf32, #tpu.memory_space<hbm>>
        %dma_start3A_106 = tpu.memref_squeeze %dma_start3A_105 : memref<1x128x128xf32, #tpu.memory_space<hbm>> -> memref<128x128xf32, #tpu.memory_space<hbm>>
        %dma_start3A_107 = arith.constant 384 : i32
        %dma_start3A_108 = arith.constant 256 : i32
        %dma_start3A_109 = tpu.memref_slice %arg3[%sub3A_76, %dma_start3A_107, %dma_start3A_108] : memref<16x512x512xf32, #tpu.memory_space<hbm>> -> memref<1x128x128xf32, #tpu.memory_space<hbm>>
        %dma_start3A_110 = tpu.memref_squeeze %dma_start3A_109 : memref<1x128x128xf32, #tpu.memory_space<hbm>> -> memref<128x128xf32, #tpu.memory_space<hbm>>
        tpu.enqueue_dma source(%arg6 : memref<128x128xf32, #tpu.memory_space<vmem>>) target(%dma_start3A_110 : memref<128x128xf32, #tpu.memory_space<hbm>>) target_semaphore(%run_scoped3A : memref<!tpu.dma_semaphore, #tpu.memory_space<semaphore_mem>>)
        %dma_wait3A = arith.constant 384 : i32
        %dma_wait3A_111 = arith.constant 256 : i32
        %dma_wait3A_112 = tpu.memref_slice %arg3[%sub3A_76, %dma_wait3A, %dma_wait3A_111] : memref<16x512x512xf32, #tpu.memory_space<hbm>> -> memref<1x128x128xf32, #tpu.memory_space<hbm>>
        %dma_wait3A_113 = tpu.memref_squeeze %dma_wait3A_112 : memref<1x128x128xf32, #tpu.memory_space<hbm>> -> memref<128x128xf32, #tpu.memory_space<hbm>>
        %dma_wait3A_114 = arith.constant 384 : i32
        %dma_wait3A_115 = arith.constant 256 : i32
        %dma_wait3A_116 = tpu.memref_slice %arg3[%sub3A_76, %dma_wait3A_114, %dma_wait3A_115] : memref<16x512x512xf32, #tpu.memory_space<hbm>> -> memref<1x128x128xf32, #tpu.memory_space<hbm>>
        %dma_wait3A_117 = tpu.memref_squeeze %dma_wait3A_116 : memref<1x128x128xf32, #tpu.memory_space<hbm>> -> memref<128x128xf32, #tpu.memory_space<hbm>>
        tpu.wait_dma2 semaphore(%run_scoped3A : memref<!tpu.dma_semaphore, #tpu.memory_space<semaphore_mem>>) src(%arg6 : memref<128x128xf32, #tpu.memory_space<vmem>>) dst(%dma_wait3A_117 : memref<128x128xf32, #tpu.memory_space<hbm>>)
        tpu.yield
      }) : () -> ()
    } else {
    }
    %sub3A_85 = arith.constant 16 : i32
    %sub3A_86 = arith.subi %add3A, %sub3A_85 : i32
    %ge3A_87 = arith.constant 0 : i32
    %ge3A_88 = arith.cmpi sge, %sub3A_86, %ge3A_87 : i32
    %lt3A_89 = arith.constant 16 : i32
    %lt3A_90 = arith.cmpi slt, %sub3A_86, %lt3A_89 : i32
    %and3A_91 = arith.andi %ge3A_88, %lt3A_90 : i1
    %convert_element_type3A_92 = arith.extui %and3A_91 : i1 to i32
    %cond3A_93 = arith.constant 0 : i32
    %cond3A_94 = arith.cmpi ne, %convert_element_type3A_92, %cond3A_93 : i32
    scf.if %cond3A_94 {
      %mul3A_95 = arith.constant 131328 : i32
      %mul3A_96 = arith.muli %sub3A_86, %mul3A_95 : i32
      %add3A_97 = arith.constant 123072 : i32
      %add3A_98 = arith.addi %mul3A_96, %add3A_97 : i32
      %multiple_of3A = tpu.assume_multiple %add3A_98, 8 : i32
      "tpu.region"() ({
        %run_scoped3A = tpu.sem_alloc : memref<!tpu.dma_semaphore, #tpu.memory_space<semaphore_mem>>
        %dma_start3A = arith.constant 0 : i32
        %dma_start3A_110 = tpu.memref_slice %arg4[%dma_start3A] : memref<57024xf32, #tpu.memory_space<vmem>> -> memref<8256xf32, #tpu.memory_space<vmem>>
        %dma_start3A_111 = tpu.memref_slice %arg2[%multiple_of3A] : memref<2101248xf32, #tpu.memory_space<hbm>> -> memref<8256xf32, #tpu.memory_space<hbm>>
        %dma_start3A_112 = arith.constant 0 : i32
        %dma_start3A_113 = tpu.memref_slice %arg4[%dma_start3A_112] : memref<57024xf32, #tpu.memory_space<vmem>> -> memref<8256xf32, #tpu.memory_space<vmem>>
        %dma_start3A_114 = tpu.memref_slice %arg2[%multiple_of3A] : memref<2101248xf32, #tpu.memory_space<hbm>> -> memref<8256xf32, #tpu.memory_space<hbm>>
        tpu.enqueue_dma source(%dma_start3A_114 : memref<8256xf32, #tpu.memory_space<hbm>>) target(%dma_start3A_113 : memref<8256xf32, #tpu.memory_space<vmem>>) target_semaphore(%run_scoped3A : memref<!tpu.dma_semaphore, #tpu.memory_space<semaphore_mem>>)
        %dma_wait3A = arith.constant 0 : i32
        %dma_wait3A_115 = tpu.memref_slice %arg4[%dma_wait3A] : memref<57024xf32, #tpu.memory_space<vmem>> -> memref<8256xf32, #tpu.memory_space<vmem>>
        %dma_wait3A_116 = tpu.memref_slice %arg2[%multiple_of3A] : memref<2101248xf32, #tpu.memory_space<hbm>> -> memref<8256xf32, #tpu.memory_space<hbm>>
        %dma_wait3A_117 = arith.constant 0 : i32
        %dma_wait3A_118 = tpu.memref_slice %arg4[%dma_wait3A_117] : memref<57024xf32, #tpu.memory_space<vmem>> -> memref<8256xf32, #tpu.memory_space<vmem>>
        %dma_wait3A_119 = tpu.memref_slice %arg2[%multiple_of3A] : memref<2101248xf32, #tpu.memory_space<hbm>> -> memref<8256xf32, #tpu.memory_space<hbm>>
        tpu.wait_dma2 semaphore(%run_scoped3A : memref<!tpu.dma_semaphore, #tpu.memory_space<semaphore_mem>>) src(%dma_wait3A_119 : memref<8256xf32, #tpu.memory_space<hbm>>) dst(%dma_wait3A_118 : memref<8256xf32, #tpu.memory_space<vmem>>)
        tpu.yield
      }) : () -> ()
      %scan3A = arith.constant 0 : i32
      %scan3A_99 = arith.constant 0 : i32
      %scan3A_100 = arith.constant 128 : i32
      %scan3A_101 = arith.addi %scan3A_99, %scan3A_100 : i32
      %scan3A_102 = arith.constant 1 : i32
      scf.for %scan3A_110 = %scan3A_99 to %scan3A_101 step %scan3A_102  : i32 {
        %add3A_111 = arith.constant 384 : i32
        %add3A_112 = arith.addi %add3A_111, %scan3A_110 : i32
        %mul3A_113 = arith.constant 512 : i32
        %mul3A_114 = arith.muli %add3A_112, %mul3A_113 : i32
        %sub3A_115 = arith.constant 1 : i32
        %sub3A_116 = arith.subi %add3A_112, %sub3A_115 : i32
        %mul3A_117 = arith.muli %add3A_112, %sub3A_116 : i32
        %jit3A = arith.constant 2 : i32
        %div3A = arith.divsi %mul3A_117, %jit3A : i32
        %sign3A = arith.constant 0 : i32
        %sign3A_118 = arith.cmpi sgt, %mul3A_117, %sign3A : i32
        %sign3A_119 = arith.extui %sign3A_118 : i1 to i32
        %sign3A_120 = arith.constant 0 : i32
        %sign3A_121 = arith.cmpi slt, %mul3A_117, %sign3A_120 : i32
        %sign3A_122 = arith.extui %sign3A_121 : i1 to i32
        %sign3A_123 = arith.subi %sign3A_119, %sign3A_122 : i32
        %sign3A_124 = arith.constant 0 : i32
        %sign3A_125 = arith.cmpi sgt, %jit3A, %sign3A_124 : i32
        %sign3A_126 = arith.extui %sign3A_125 : i1 to i32
        %sign3A_127 = arith.constant 0 : i32
        %sign3A_128 = arith.cmpi slt, %jit3A, %sign3A_127 : i32
        %sign3A_129 = arith.extui %sign3A_128 : i1 to i32
        %sign3A_130 = arith.subi %sign3A_126, %sign3A_129 : i32
        %ne3A = arith.cmpi ne, %sign3A_123, %sign3A_130 : i32
        %rem3A = arith.remsi %mul3A_117, %jit3A : i32
        %ne3A_131 = arith.constant 0 : i32
        %ne3A_132 = arith.cmpi ne, %rem3A, %ne3A_131 : i32
        %and3A_133 = arith.andi %ne3A, %ne3A_132 : i1
        %sub3A_134 = arith.constant 1 : i32
        %sub3A_135 = arith.subi %div3A, %sub3A_134 : i32
        %select_n3A = arith.select %and3A_133, %sub3A_135, %div3A : i32
        %sub3A_136 = arith.subi %mul3A_114, %select_n3A : i32
        %add3A_137 = arith.constant 384 : i32
        %add3A_138 = arith.addi %sub3A_136, %add3A_137 : i32
        %sub3A_139 = arith.subi %add3A_138, %add3A_112 : i32
        %sub3A_140 = arith.constant 123072 : i32
        %sub3A_141 = arith.subi %sub3A_139, %sub3A_140 : i32
        %add3A_142 = arith.constant 0 : i32
        %add3A_143 = arith.addi %sub3A_141, %add3A_142 : i32
        %add3A_144 = vector.broadcast %add3A_143 : i32 to vector<16xi32>
        %add3A_145 = arith.addi %add3A_144, %iota3A : vector<16xi32>
        %gather3A = tpu.vector_load_idx %arg4[%add3A_145] : memref<57024xf32, #tpu.memory_space<vmem>>[vector<16xi32>], vector<16xf32>,
        %add3A_146 = arith.constant 384 : i32
        %add3A_147 = vector.broadcast %add3A_146 : i32 to vector<16xi32>
        %add3A_148 = arith.addi %add3A_147, %iota3A : vector<16xi32>
        %ge3A_149 = vector.broadcast %add3A_112 : i32 to vector<16xi32>
        %ge3A_150 = arith.cmpi sge, %add3A_148, %ge3A_149 : vector<16xi32>
        %jit3A_151 = arith.constant 0.000000e+00 : f32
        %broadcast_in_dim3A = vector.broadcast %jit3A_151 : f32 to vector<16xf32>
        %select_n3A_152 = arith.select %ge3A_150, %gather3A, %broadcast_in_dim3A : vector<16xi1>, vector<16xf32>
        %swap3A = arith.index_cast %scan3A_110 : i32 to index
        %swap3A_153 = arith.constant 0 : index
        %swap3A_154 = tpu.vector_load %arg5[%swap3A, %swap3A_153] {strides = array<i32>} : memref<128x128xf32, #tpu.memory_space<vmem>>, vector<16xf32>,
        tpu.vector_store %arg5[%swap3A, %swap3A_153], %select_n3A_152 {strides = array<i32>} : memref<128x128xf32, #tpu.memory_space<vmem>>, vector<16xf32>,
        %add3A_155 = arith.constant 16 : i32
        %add3A_156 = arith.addi %sub3A_141, %add3A_155 : i32
        %add3A_157 = vector.broadcast %add3A_156 : i32 to vector<16xi32>
        %add3A_158 = arith.addi %add3A_157, %iota3A : vector<16xi32>
        %gather3A_159 = tpu.vector_load_idx %arg4[%add3A_158] : memref<57024xf32, #tpu.memory_space<vmem>>[vector<16xi32>], vector<16xf32>,
        %add3A_160 = arith.constant 400 : i32
        %add3A_161 = vector.broadcast %add3A_160 : i32 to vector<16xi32>
        %add3A_162 = arith.addi %add3A_161, %iota3A : vector<16xi32>
        %ge3A_163 = vector.broadcast %add3A_112 : i32 to vector<16xi32>
        %ge3A_164 = arith.cmpi sge, %add3A_162, %ge3A_163 : vector<16xi32>
        %jit3A_165 = arith.constant 0.000000e+00 : f32
        %broadcast_in_dim3A_166 = vector.broadcast %jit3A_165 : f32 to vector<16xf32>
        %select_n3A_167 = arith.select %ge3A_164, %gather3A_159, %broadcast_in_dim3A_166 : vector<16xi1>, vector<16xf32>
        %swap3A_168 = arith.index_cast %scan3A_110 : i32 to index
        %swap3A_169 = arith.constant 16 : index
        %swap3A_170 = tpu.vector_load %arg5[%swap3A_168, %swap3A_169] {strides = array<i32>} : memref<128x128xf32, #tpu.memory_space<vmem>>, vector<16xf32>,
        tpu.vector_store %arg5[%swap3A_168, %swap3A_169], %select_n3A_167 {strides = array<i32>} : memref<128x128xf32, #tpu.memory_space<vmem>>, vector<16xf32>,
        %add3A_171 = arith.constant 32 : i32
        %add3A_172 = arith.addi %sub3A_141, %add3A_171 : i32
        %add3A_173 = vector.broadcast %add3A_172 : i32 to vector<16xi32>
        %add3A_174 = arith.addi %add3A_173, %iota3A : vector<16xi32>
        %gather3A_175 = tpu.vector_load_idx %arg4[%add3A_174] : memref<57024xf32, #tpu.memory_space<vmem>>[vector<16xi32>], vector<16xf32>,
        %add3A_176 = arith.constant 416 : i32
        %add3A_177 = vector.broadcast %add3A_176 : i32 to vector<16xi32>
        %add3A_178 = arith.addi %add3A_177, %iota3A : vector<16xi32>
        %ge3A_179 = vector.broadcast %add3A_112 : i32 to vector<16xi32>
        %ge3A_180 = arith.cmpi sge, %add3A_178, %ge3A_179 : vector<16xi32>
        %jit3A_181 = arith.constant 0.000000e+00 : f32
        %broadcast_in_dim3A_182 = vector.broadcast %jit3A_181 : f32 to vector<16xf32>
        %select_n3A_183 = arith.select %ge3A_180, %gather3A_175, %broadcast_in_dim3A_182 : vector<16xi1>, vector<16xf32>
        %swap3A_184 = arith.index_cast %scan3A_110 : i32 to index
        %swap3A_185 = arith.constant 32 : index
        %swap3A_186 = tpu.vector_load %arg5[%swap3A_184, %swap3A_185] {strides = array<i32>} : memref<128x128xf32, #tpu.memory_space<vmem>>, vector<16xf32>,
        tpu.vector_store %arg5[%swap3A_184, %swap3A_185], %select_n3A_183 {strides = array<i32>} : memref<128x128xf32, #tpu.memory_space<vmem>>, vector<16xf32>,
        %add3A_187 = arith.constant 48 : i32
        %add3A_188 = arith.addi %sub3A_141, %add3A_187 : i32
        %add3A_189 = vector.broadcast %add3A_188 : i32 to vector<16xi32>
        %add3A_190 = arith.addi %add3A_189, %iota3A : vector<16xi32>
        %gather3A_191 = tpu.vector_load_idx %arg4[%add3A_190] : memref<57024xf32, #tpu.memory_space<vmem>>[vector<16xi32>], vector<16xf32>,
        %add3A_192 = arith.constant 432 : i32
        %add3A_193 = vector.broadcast %add3A_192 : i32 to vector<16xi32>
        %add3A_194 = arith.addi %add3A_193, %iota3A : vector<16xi32>
        %ge3A_195 = vector.broadcast %add3A_112 : i32 to vector<16xi32>
        %ge3A_196 = arith.cmpi sge, %add3A_194, %ge3A_195 : vector<16xi32>
        %jit3A_197 = arith.constant 0.000000e+00 : f32
        %broadcast_in_dim3A_198 = vector.broadcast %jit3A_197 : f32 to vector<16xf32>
        %select_n3A_199 = arith.select %ge3A_196, %gather3A_191, %broadcast_in_dim3A_198 : vector<16xi1>, vector<16xf32>
        %swap3A_200 = arith.index_cast %scan3A_110 : i32 to index
        %swap3A_201 = arith.constant 48 : index
        %swap3A_202 = tpu.vector_load %arg5[%swap3A_200, %swap3A_201] {strides = array<i32>} : memref<128x128xf32, #tpu.memory_space<vmem>>, vector<16xf32>,
        tpu.vector_store %arg5[%swap3A_200, %swap3A_201], %select_n3A_199 {strides = array<i32>} : memref<128x128xf32, #tpu.memory_space<vmem>>, vector<16xf32>,
        %add3A_203 = arith.constant 64 : i32
        %add3A_204 = arith.addi %sub3A_141, %add3A_203 : i32
        %add3A_205 = vector.broadcast %add3A_204 : i32 to vector<16xi32>
        %add3A_206 = arith.addi %add3A_205, %iota3A : vector<16xi32>
        %gather3A_207 = tpu.vector_load_idx %arg4[%add3A_206] : memref<57024xf32, #tpu.memory_space<vmem>>[vector<16xi32>], vector<16xf32>,
        %add3A_208 = arith.constant 448 : i32
        %add3A_209 = vector.broadcast %add3A_208 : i32 to vector<16xi32>
        %add3A_210 = arith.addi %add3A_209, %iota3A : vector<16xi32>
        %ge3A_211 = vector.broadcast %add3A_112 : i32 to vector<16xi32>
        %ge3A_212 = arith.cmpi sge, %add3A_210, %ge3A_211 : vector<16xi32>
        %jit3A_213 = arith.constant 0.000000e+00 : f32
        %broadcast_in_dim3A_214 = vector.broadcast %jit3A_213 : f32 to vector<16xf32>
        %select_n3A_215 = arith.select %ge3A_212, %gather3A_207, %broadcast_in_dim3A_214 : vector<16xi1>, vector<16xf32>
        %swap3A_216 = arith.index_cast %scan3A_110 : i32 to index
        %swap3A_217 = arith.constant 64 : index
        %swap3A_218 = tpu.vector_load %arg5[%swap3A_216, %swap3A_217] {strides = array<i32>} : memref<128x128xf32, #tpu.memory_space<vmem>>, vector<16xf32>,
        tpu.vector_store %arg5[%swap3A_216, %swap3A_217], %select_n3A_215 {strides = array<i32>} : memref<128x128xf32, #tpu.memory_space<vmem>>, vector<16xf32>,
        %add3A_219 = arith.constant 80 : i32
        %add3A_220 = arith.addi %sub3A_141, %add3A_219 : i32
        %add3A_221 = vector.broadcast %add3A_220 : i32 to vector<16xi32>
        %add3A_222 = arith.addi %add3A_221, %iota3A : vector<16xi32>
        %gather3A_223 = tpu.vector_load_idx %arg4[%add3A_222] : memref<57024xf32, #tpu.memory_space<vmem>>[vector<16xi32>], vector<16xf32>,
        %add3A_224 = arith.constant 464 : i32
        %add3A_225 = vector.broadcast %add3A_224 : i32 to vector<16xi32>
        %add3A_226 = arith.addi %add3A_225, %iota3A : vector<16xi32>
        %ge3A_227 = vector.broadcast %add3A_112 : i32 to vector<16xi32>
        %ge3A_228 = arith.cmpi sge, %add3A_226, %ge3A_227 : vector<16xi32>
        %jit3A_229 = arith.constant 0.000000e+00 : f32
        %broadcast_in_dim3A_230 = vector.broadcast %jit3A_229 : f32 to vector<16xf32>
        %select_n3A_231 = arith.select %ge3A_228, %gather3A_223, %broadcast_in_dim3A_230 : vector<16xi1>, vector<16xf32>
        %swap3A_232 = arith.index_cast %scan3A_110 : i32 to index
        %swap3A_233 = arith.constant 80 : index
        %swap3A_234 = tpu.vector_load %arg5[%swap3A_232, %swap3A_233] {strides = array<i32>} : memref<128x128xf32, #tpu.memory_space<vmem>>, vector<16xf32>,
        tpu.vector_store %arg5[%swap3A_232, %swap3A_233], %select_n3A_231 {strides = array<i32>} : memref<128x128xf32, #tpu.memory_space<vmem>>, vector<16xf32>,
        %add3A_235 = arith.constant 96 : i32
        %add3A_236 = arith.addi %sub3A_141, %add3A_235 : i32
        %add3A_237 = vector.broadcast %add3A_236 : i32 to vector<16xi32>
        %add3A_238 = arith.addi %add3A_237, %iota3A : vector<16xi32>
        %gather3A_239 = tpu.vector_load_idx %arg4[%add3A_238] : memref<57024xf32, #tpu.memory_space<vmem>>[vector<16xi32>], vector<16xf32>,
        %add3A_240 = arith.constant 480 : i32
        %add3A_241 = vector.broadcast %add3A_240 : i32 to vector<16xi32>
        %add3A_242 = arith.addi %add3A_241, %iota3A : vector<16xi32>
        %ge3A_243 = vector.broadcast %add3A_112 : i32 to vector<16xi32>
        %ge3A_244 = arith.cmpi sge, %add3A_242, %ge3A_243 : vector<16xi32>
        %jit3A_245 = arith.constant 0.000000e+00 : f32
        %broadcast_in_dim3A_246 = vector.broadcast %jit3A_245 : f32 to vector<16xf32>
        %select_n3A_247 = arith.select %ge3A_244, %gather3A_239, %broadcast_in_dim3A_246 : vector<16xi1>, vector<16xf32>
        %swap3A_248 = arith.index_cast %scan3A_110 : i32 to index
        %swap3A_249 = arith.constant 96 : index
        %swap3A_250 = tpu.vector_load %arg5[%swap3A_248, %swap3A_249] {strides = array<i32>} : memref<128x128xf32, #tpu.memory_space<vmem>>, vector<16xf32>,
        tpu.vector_store %arg5[%swap3A_248, %swap3A_249], %select_n3A_247 {strides = array<i32>} : memref<128x128xf32, #tpu.memory_space<vmem>>, vector<16xf32>,
        %add3A_251 = arith.constant 112 : i32
        %add3A_252 = arith.addi %sub3A_141, %add3A_251 : i32
        %add3A_253 = vector.broadcast %add3A_252 : i32 to vector<16xi32>
        %add3A_254 = arith.addi %add3A_253, %iota3A : vector<16xi32>
        %gather3A_255 = tpu.vector_load_idx %arg4[%add3A_254] : memref<57024xf32, #tpu.memory_space<vmem>>[vector<16xi32>], vector<16xf32>,
        %add3A_256 = arith.constant 496 : i32
        %add3A_257 = vector.broadcast %add3A_256 : i32 to vector<16xi32>
        %add3A_258 = arith.addi %add3A_257, %iota3A : vector<16xi32>
        %ge3A_259 = vector.broadcast %add3A_112 : i32 to vector<16xi32>
        %ge3A_260 = arith.cmpi sge, %add3A_258, %ge3A_259 : vector<16xi32>
        %jit3A_261 = arith.constant 0.000000e+00 : f32
        %broadcast_in_dim3A_262 = vector.broadcast %jit3A_261 : f32 to vector<16xf32>
        %select_n3A_263 = arith.select %ge3A_260, %gather3A_255, %broadcast_in_dim3A_262 : vector<16xi1>, vector<16xf32>
        %swap3A_264 = arith.index_cast %scan3A_110 : i32 to index
        %swap3A_265 = arith.constant 112 : index
        %swap3A_266 = tpu.vector_load %arg5[%swap3A_264, %swap3A_265] {strides = array<i32>} : memref<128x128xf32, #tpu.memory_space<vmem>>, vector<16xf32>,
        tpu.vector_store %arg5[%swap3A_264, %swap3A_265], %select_n3A_263 {strides = array<i32>} : memref<128x128xf32, #tpu.memory_space<vmem>>, vector<16xf32>,
      }
      %scan3A_103 = arith.constant 128 : i32
      %scan3A_104 = arith.constant 0 : i32
      %scan3A_105 = arith.constant 0 : i32
      %scan3A_106 = arith.constant 128 : i32
      %scan3A_107 = arith.addi %scan3A_105, %scan3A_106 : i32
      %scan3A_108 = arith.constant 1 : i32
      scf.for %scan3A_110 = %scan3A_105 to %scan3A_107 step %scan3A_108  : i32 {
        %add3A_111 = arith.constant 384 : i32
        %add3A_112 = arith.addi %add3A_111, %scan3A_110 : i32
        %get3A = arith.index_cast %scan3A_110 : i32 to index
        %get3A_113 = arith.constant 0 : index
        %get3A_114 = tpu.vector_load %arg5[%get3A, %get3A_113] {strides = array<i32>} : memref<128x128xf32, #tpu.memory_space<vmem>>, vector<16xf32>,
        %add3A_115 = arith.constant 384 : i32
        %add3A_116 = vector.broadcast %add3A_115 : i32 to vector<16xi32>
        %add3A_117 = arith.addi %add3A_116, %iota3A : vector<16xi32>
        %add3A_118 = arith.constant 0 : i32
        %add3A_119 = vector.broadcast %add3A_118 : i32 to vector<16xi32>
        %add3A_120 = arith.addi %add3A_119, %iota3A : vector<16xi32>
        %broadcast_in_dim3A = vector.broadcast %scan3A_110 : i32 to vector<16xi32>
        %gt3A = vector.broadcast %add3A_112 : i32 to vector<16xi32>
        %gt3A_121 = arith.cmpi sgt, %add3A_117, %gt3A : vector<16xi32>
        tpu.vector_store_idx %arg5[%add3A_120, %broadcast_in_dim3A], %get3A_114 masked %gt3A_121 : memref<128x128xf32, #tpu.memory_space<vmem>>[vector<16xi32>, vector<16xi32>], vector<16xf32>, vector<16xi1>
        %get3A_122 = arith.index_cast %scan3A_110 : i32 to index
        %get3A_123 = arith.constant 16 : index
        %get3A_124 = tpu.vector_load %arg5[%get3A_122, %get3A_123] {strides = array<i32>} : memref<128x128xf32, #tpu.memory_space<vmem>>, vector<16xf32>,
        %add3A_125 = arith.constant 400 : i32
        %add3A_126 = vector.broadcast %add3A_125 : i32 to vector<16xi32>
        %add3A_127 = arith.addi %add3A_126, %iota3A : vector<16xi32>
        %add3A_128 = arith.constant 16 : i32
        %add3A_129 = vector.broadcast %add3A_128 : i32 to vector<16xi32>
        %add3A_130 = arith.addi %add3A_129, %iota3A : vector<16xi32>
        %broadcast_in_dim3A_131 = vector.broadcast %scan3A_110 : i32 to vector<16xi32>
        %gt3A_132 = vector.broadcast %add3A_112 : i32 to vector<16xi32>
        %gt3A_133 = arith.cmpi sgt, %add3A_127, %gt3A_132 : vector<16xi32>
        tpu.vector_store_idx %arg5[%add3A_130, %broadcast_in_dim3A_131], %get3A_124 masked %gt3A_133 : memref<128x128xf32, #tpu.memory_space<vmem>>[vector<16xi32>, vector<16xi32>], vector<16xf32>, vector<16xi1>
        %get3A_134 = arith.index_cast %scan3A_110 : i32 to index
        %get3A_135 = arith.constant 32 : index
        %get3A_136 = tpu.vector_load %arg5[%get3A_134, %get3A_135] {strides = array<i32>} : memref<128x128xf32, #tpu.memory_space<vmem>>, vector<16xf32>,
        %add3A_137 = arith.constant 416 : i32
        %add3A_138 = vector.broadcast %add3A_137 : i32 to vector<16xi32>
        %add3A_139 = arith.addi %add3A_138, %iota3A : vector<16xi32>
        %add3A_140 = arith.constant 32 : i32
        %add3A_141 = vector.broadcast %add3A_140 : i32 to vector<16xi32>
        %add3A_142 = arith.addi %add3A_141, %iota3A : vector<16xi32>
        %broadcast_in_dim3A_143 = vector.broadcast %scan3A_110 : i32 to vector<16xi32>
        %gt3A_144 = vector.broadcast %add3A_112 : i32 to vector<16xi32>
        %gt3A_145 = arith.cmpi sgt, %add3A_139, %gt3A_144 : vector<16xi32>
        tpu.vector_store_idx %arg5[%add3A_142, %broadcast_in_dim3A_143], %get3A_136 masked %gt3A_145 : memref<128x128xf32, #tpu.memory_space<vmem>>[vector<16xi32>, vector<16xi32>], vector<16xf32>, vector<16xi1>
        %get3A_146 = arith.index_cast %scan3A_110 : i32 to index
        %get3A_147 = arith.constant 48 : index
        %get3A_148 = tpu.vector_load %arg5[%get3A_146, %get3A_147] {strides = array<i32>} : memref<128x128xf32, #tpu.memory_space<vmem>>, vector<16xf32>,
        %add3A_149 = arith.constant 432 : i32
        %add3A_150 = vector.broadcast %add3A_149 : i32 to vector<16xi32>
        %add3A_151 = arith.addi %add3A_150, %iota3A : vector<16xi32>
        %add3A_152 = arith.constant 48 : i32
        %add3A_153 = vector.broadcast %add3A_152 : i32 to vector<16xi32>
        %add3A_154 = arith.addi %add3A_153, %iota3A : vector<16xi32>
        %broadcast_in_dim3A_155 = vector.broadcast %scan3A_110 : i32 to vector<16xi32>
        %gt3A_156 = vector.broadcast %add3A_112 : i32 to vector<16xi32>
        %gt3A_157 = arith.cmpi sgt, %add3A_151, %gt3A_156 : vector<16xi32>
        tpu.vector_store_idx %arg5[%add3A_154, %broadcast_in_dim3A_155], %get3A_148 masked %gt3A_157 : memref<128x128xf32, #tpu.memory_space<vmem>>[vector<16xi32>, vector<16xi32>], vector<16xf32>, vector<16xi1>
        %get3A_158 = arith.index_cast %scan3A_110 : i32 to index
        %get3A_159 = arith.constant 64 : index
        %get3A_160 = tpu.vector_load %arg5[%get3A_158, %get3A_159] {strides = array<i32>} : memref<128x128xf32, #tpu.memory_space<vmem>>, vector<16xf32>,
        %add3A_161 = arith.constant 448 : i32
        %add3A_162 = vector.broadcast %add3A_161 : i32 to vector<16xi32>
        %add3A_163 = arith.addi %add3A_162, %iota3A : vector<16xi32>
        %add3A_164 = arith.constant 64 : i32
        %add3A_165 = vector.broadcast %add3A_164 : i32 to vector<16xi32>
        %add3A_166 = arith.addi %add3A_165, %iota3A : vector<16xi32>
        %broadcast_in_dim3A_167 = vector.broadcast %scan3A_110 : i32 to vector<16xi32>
        %gt3A_168 = vector.broadcast %add3A_112 : i32 to vector<16xi32>
        %gt3A_169 = arith.cmpi sgt, %add3A_163, %gt3A_168 : vector<16xi32>
        tpu.vector_store_idx %arg5[%add3A_166, %broadcast_in_dim3A_167], %get3A_160 masked %gt3A_169 : memref<128x128xf32, #tpu.memory_space<vmem>>[vector<16xi32>, vector<16xi32>], vector<16xf32>, vector<16xi1>
        %get3A_170 = arith.index_cast %scan3A_110 : i32 to index
        %get3A_171 = arith.constant 80 : index
        %get3A_172 = tpu.vector_load %arg5[%get3A_170, %get3A_171] {strides = array<i32>} : memref<128x128xf32, #tpu.memory_space<vmem>>, vector<16xf32>,
        %add3A_173 = arith.constant 464 : i32
        %add3A_174 = vector.broadcast %add3A_173 : i32 to vector<16xi32>
        %add3A_175 = arith.addi %add3A_174, %iota3A : vector<16xi32>
        %add3A_176 = arith.constant 80 : i32
        %add3A_177 = vector.broadcast %add3A_176 : i32 to vector<16xi32>
        %add3A_178 = arith.addi %add3A_177, %iota3A : vector<16xi32>
        %broadcast_in_dim3A_179 = vector.broadcast %scan3A_110 : i32 to vector<16xi32>
        %gt3A_180 = vector.broadcast %add3A_112 : i32 to vector<16xi32>
        %gt3A_181 = arith.cmpi sgt, %add3A_175, %gt3A_180 : vector<16xi32>
        tpu.vector_store_idx %arg5[%add3A_178, %broadcast_in_dim3A_179], %get3A_172 masked %gt3A_181 : memref<128x128xf32, #tpu.memory_space<vmem>>[vector<16xi32>, vector<16xi32>], vector<16xf32>, vector<16xi1>
        %get3A_182 = arith.index_cast %scan3A_110 : i32 to index
        %get3A_183 = arith.constant 96 : index
        %get3A_184 = tpu.vector_load %arg5[%get3A_182, %get3A_183] {strides = array<i32>} : memref<128x128xf32, #tpu.memory_space<vmem>>, vector<16xf32>,
        %add3A_185 = arith.constant 480 : i32
        %add3A_186 = vector.broadcast %add3A_185 : i32 to vector<16xi32>
        %add3A_187 = arith.addi %add3A_186, %iota3A : vector<16xi32>
        %add3A_188 = arith.constant 96 : i32
        %add3A_189 = vector.broadcast %add3A_188 : i32 to vector<16xi32>
        %add3A_190 = arith.addi %add3A_189, %iota3A : vector<16xi32>
        %broadcast_in_dim3A_191 = vector.broadcast %scan3A_110 : i32 to vector<16xi32>
        %gt3A_192 = vector.broadcast %add3A_112 : i32 to vector<16xi32>
        %gt3A_193 = arith.cmpi sgt, %add3A_187, %gt3A_192 : vector<16xi32>
        tpu.vector_store_idx %arg5[%add3A_190, %broadcast_in_dim3A_191], %get3A_184 masked %gt3A_193 : memref<128x128xf32, #tpu.memory_space<vmem>>[vector<16xi32>, vector<16xi32>], vector<16xf32>, vector<16xi1>
        %get3A_194 = arith.index_cast %scan3A_110 : i32 to index
        %get3A_195 = arith.constant 112 : index
        %get3A_196 = tpu.vector_load %arg5[%get3A_194, %get3A_195] {strides = array<i32>} : memref<128x128xf32, #tpu.memory_space<vmem>>, vector<16xf32>,
        %add3A_197 = arith.constant 496 : i32
        %add3A_198 = vector.broadcast %add3A_197 : i32 to vector<16xi32>
        %add3A_199 = arith.addi %add3A_198, %iota3A : vector<16xi32>
        %add3A_200 = arith.constant 112 : i32
        %add3A_201 = vector.broadcast %add3A_200 : i32 to vector<16xi32>
        %add3A_202 = arith.addi %add3A_201, %iota3A : vector<16xi32>
        %broadcast_in_dim3A_203 = vector.broadcast %scan3A_110 : i32 to vector<16xi32>
        %gt3A_204 = vector.broadcast %add3A_112 : i32 to vector<16xi32>
        %gt3A_205 = arith.cmpi sgt, %add3A_199, %gt3A_204 : vector<16xi32>
        tpu.vector_store_idx %arg5[%add3A_202, %broadcast_in_dim3A_203], %get3A_196 masked %gt3A_205 : memref<128x128xf32, #tpu.memory_space<vmem>>[vector<16xi32>, vector<16xi32>], vector<16xf32>, vector<16xi1>
      }
      %scan3A_109 = arith.constant 128 : i32
      "tpu.region"() ({
        %run_scoped3A = tpu.sem_alloc : memref<!tpu.dma_semaphore, #tpu.memory_space<semaphore_mem>>
        %dma_start3A = arith.constant 384 : i32
        %dma_start3A_110 = arith.constant 384 : i32
        %dma_start3A_111 = tpu.memref_slice %arg3[%sub3A_86, %dma_start3A, %dma_start3A_110] : memref<16x512x512xf32, #tpu.memory_space<hbm>> -> memref<1x128x128xf32, #tpu.memory_space<hbm>>
        %dma_start3A_112 = tpu.memref_squeeze %dma_start3A_111 : memref<1x128x128xf32, #tpu.memory_space<hbm>> -> memref<128x128xf32, #tpu.memory_space<hbm>>
        %dma_start3A_113 = arith.constant 384 : i32
        %dma_start3A_114 = arith.constant 384 : i32
        %dma_start3A_115 = tpu.memref_slice %arg3[%sub3A_86, %dma_start3A_113, %dma_start3A_114] : memref<16x512x512xf32, #tpu.memory_space<hbm>> -> memref<1x128x128xf32, #tpu.memory_space<hbm>>
        %dma_start3A_116 = tpu.memref_squeeze %dma_start3A_115 : memref<1x128x128xf32, #tpu.memory_space<hbm>> -> memref<128x128xf32, #tpu.memory_space<hbm>>
        tpu.enqueue_dma source(%arg5 : memref<128x128xf32, #tpu.memory_space<vmem>>) target(%dma_start3A_116 : memref<128x128xf32, #tpu.memory_space<hbm>>) target_semaphore(%run_scoped3A : memref<!tpu.dma_semaphore, #tpu.memory_space<semaphore_mem>>)
        %dma_wait3A = arith.constant 384 : i32
        %dma_wait3A_117 = arith.constant 384 : i32
        %dma_wait3A_118 = tpu.memref_slice %arg3[%sub3A_86, %dma_wait3A, %dma_wait3A_117] : memref<16x512x512xf32, #tpu.memory_space<hbm>> -> memref<1x128x128xf32, #tpu.memory_space<hbm>>
        %dma_wait3A_119 = tpu.memref_squeeze %dma_wait3A_118 : memref<1x128x128xf32, #tpu.memory_space<hbm>> -> memref<128x128xf32, #tpu.memory_space<hbm>>
        %dma_wait3A_120 = arith.constant 384 : i32
        %dma_wait3A_121 = arith.constant 384 : i32
        %dma_wait3A_122 = tpu.memref_slice %arg3[%sub3A_86, %dma_wait3A_120, %dma_wait3A_121] : memref<16x512x512xf32, #tpu.memory_space<hbm>> -> memref<1x128x128xf32, #tpu.memory_space<hbm>>
        %dma_wait3A_123 = tpu.memref_squeeze %dma_wait3A_122 : memref<1x128x128xf32, #tpu.memory_space<hbm>> -> memref<128x128xf32, #tpu.memory_space<hbm>>
        tpu.wait_dma2 semaphore(%run_scoped3A : memref<!tpu.dma_semaphore, #tpu.memory_space<semaphore_mem>>) src(%arg5 : memref<128x128xf32, #tpu.memory_space<vmem>>) dst(%dma_wait3A_123 : memref<128x128xf32, #tpu.memory_space<hbm>>)
        tpu.yield
      }) : () -> ()
    } else {
    }
    return
  }
}

module attributes {stable_mosaic.version = 14 : i64} {
  func.func @_mlp_body(%arg0: memref<16x512xf32, #tpu.memory_space<vmem>>, %arg1: memref<16x512xf32, #tpu.memory_space<vmem>>, %arg2: memref<512x1024xf32, #tpu.memory_space<vmem>>, %arg3: memref<1x1024xf32, #tpu.memory_space<vmem>>, %arg4: memref<1024x1024xf32, #tpu.memory_space<vmem>>, %arg5: memref<1x1024xf32, #tpu.memory_space<vmem>>, %arg6: memref<1024x1024xf32, #tpu.memory_space<vmem>>, %arg7: memref<1x1024xf32, #tpu.memory_space<vmem>>, %arg8: memref<512x1024xf32, #tpu.memory_space<vmem>>, %arg9: memref<1x1024xf32, #tpu.memory_space<vmem>>, %arg10: memref<1024x1024xf32, #tpu.memory_space<vmem>>, %arg11: memref<1x1024xf32, #tpu.memory_space<vmem>>, %arg12: memref<1024x1024xf32, #tpu.memory_space<vmem>>, %arg13: memref<1x1024xf32, #tpu.memory_space<vmem>>, %arg14: memref<16x1024xf32, #tpu.memory_space<vmem>>, %arg15: memref<16x1024xf32, #tpu.memory_space<vmem>>) attributes {dimension_semantics = [], scalar_prefetch = 0 : i64, scratch_operands = 0 : i64, tpu.core_type = #tpu.core_type<tc>} {
    %get3A = arith.constant 0 : index
    %get3A_0 = arith.constant 0 : index
    %get3A_1 = vector.load %arg0[%get3A, %get3A_0] : memref<16x512xf32, #tpu.memory_space<vmem>>, vector<16x512xf32>
    %get3A_2 = arith.constant 0 : index
    %get3A_3 = arith.constant 0 : index
    %get3A_4 = vector.load %arg2[%get3A_2, %get3A_3] : memref<512x1024xf32, #tpu.memory_space<vmem>>, vector<512x1024xf32>
    %dot_general3A = arith.constant dense<0.000000e+00> : vector<16x1024xf32>
    %dot_general3A_5 = tpu.matmul %get3A_1, %get3A_4, %dot_general3A {dimension_numbers = #tpu.dot_dimension_numbers<[1], [0], [0], [1], [0, 0, 1, 1], [], []>, transpose_lhs_hint = false} : vector<16x512xf32>, vector<512x1024xf32>, vector<16x1024xf32> -> vector<16x1024xf32>
    %get3A_6 = arith.constant 0 : index
    %get3A_7 = arith.constant 0 : index
    %get3A_8 = vector.load %arg3[%get3A_6, %get3A_7] : memref<1x1024xf32, #tpu.memory_space<vmem>>, vector<1x1024xf32>
    %add3A = vector.broadcast %get3A_8 : vector<1x1024xf32> to vector<16x1024xf32>
    %add3A_9 = arith.addf %dot_general3A_5, %add3A : vector<16x1024xf32>
    %gt3A = arith.constant 0.000000e+00 : f32
    %gt3A_10 = vector.broadcast %gt3A : f32 to vector<16x1024xf32>
    %gt3A_11 = arith.cmpf ogt, %add3A_9, %gt3A_10 : vector<16x1024xf32>
    %min3A = arith.constant 0.000000e+00 : f32
    %min3A_12 = vector.broadcast %min3A : f32 to vector<16x1024xf32>
    %min3A_13 = arith.minimumf %add3A_9, %min3A_12 : vector<16x1024xf32>
    %exp3A = math.exp %min3A_13 : vector<16x1024xf32>
    %sub3A = arith.constant 1.000000e+00 : f32
    %sub3A_14 = vector.broadcast %sub3A : f32 to vector<16x1024xf32>
    %sub3A_15 = arith.subf %exp3A, %sub3A_14 : vector<16x1024xf32>
    %select_n3A = arith.select %gt3A_11, %add3A_9, %sub3A_15 : vector<16x1024xi1>, vector<16x1024xf32>
    %get3A_16 = arith.constant 0 : index
    %get3A_17 = arith.constant 0 : index
    %get3A_18 = vector.load %arg4[%get3A_16, %get3A_17] : memref<1024x1024xf32, #tpu.memory_space<vmem>>, vector<1024x1024xf32>
    %dot_general3A_19 = arith.constant dense<0.000000e+00> : vector<16x1024xf32>
    %dot_general3A_20 = tpu.matmul %select_n3A, %get3A_18, %dot_general3A_19 {dimension_numbers = #tpu.dot_dimension_numbers<[1], [0], [0], [1], [0, 0, 1, 1], [], []>, transpose_lhs_hint = false} : vector<16x1024xf32>, vector<1024x1024xf32>, vector<16x1024xf32> -> vector<16x1024xf32>
    %get3A_21 = arith.constant 0 : index
    %get3A_22 = arith.constant 0 : index
    %get3A_23 = vector.load %arg5[%get3A_21, %get3A_22] : memref<1x1024xf32, #tpu.memory_space<vmem>>, vector<1x1024xf32>
    %add3A_24 = vector.broadcast %get3A_23 : vector<1x1024xf32> to vector<16x1024xf32>
    %add3A_25 = arith.addf %dot_general3A_20, %add3A_24 : vector<16x1024xf32>
    %gt3A_26 = arith.constant 0.000000e+00 : f32
    %gt3A_27 = vector.broadcast %gt3A_26 : f32 to vector<16x1024xf32>
    %gt3A_28 = arith.cmpf ogt, %add3A_25, %gt3A_27 : vector<16x1024xf32>
    %min3A_29 = arith.constant 0.000000e+00 : f32
    %min3A_30 = vector.broadcast %min3A_29 : f32 to vector<16x1024xf32>
    %min3A_31 = arith.minimumf %add3A_25, %min3A_30 : vector<16x1024xf32>
    %exp3A_32 = math.exp %min3A_31 : vector<16x1024xf32>
    %sub3A_33 = arith.constant 1.000000e+00 : f32
    %sub3A_34 = vector.broadcast %sub3A_33 : f32 to vector<16x1024xf32>
    %sub3A_35 = arith.subf %exp3A_32, %sub3A_34 : vector<16x1024xf32>
    %select_n3A_36 = arith.select %gt3A_28, %add3A_25, %sub3A_35 : vector<16x1024xi1>, vector<16x1024xf32>
    %get3A_37 = arith.constant 0 : index
    %get3A_38 = arith.constant 0 : index
    %get3A_39 = vector.load %arg6[%get3A_37, %get3A_38] : memref<1024x1024xf32, #tpu.memory_space<vmem>>, vector<1024x1024xf32>
    %dot_general3A_40 = arith.constant dense<0.000000e+00> : vector<16x1024xf32>
    %dot_general3A_41 = tpu.matmul %select_n3A_36, %get3A_39, %dot_general3A_40 {dimension_numbers = #tpu.dot_dimension_numbers<[1], [0], [0], [1], [0, 0, 1, 1], [], []>, transpose_lhs_hint = false} : vector<16x1024xf32>, vector<1024x1024xf32>, vector<16x1024xf32> -> vector<16x1024xf32>
    %get3A_42 = arith.constant 0 : index
    %get3A_43 = arith.constant 0 : index
    %get3A_44 = vector.load %arg7[%get3A_42, %get3A_43] : memref<1x1024xf32, #tpu.memory_space<vmem>>, vector<1x1024xf32>
    %add3A_45 = vector.broadcast %get3A_44 : vector<1x1024xf32> to vector<16x1024xf32>
    %add3A_46 = arith.addf %dot_general3A_41, %add3A_45 : vector<16x1024xf32>
    %gt3A_47 = arith.constant 0.000000e+00 : f32
    %gt3A_48 = vector.broadcast %gt3A_47 : f32 to vector<16x1024xf32>
    %gt3A_49 = arith.cmpf ogt, %add3A_46, %gt3A_48 : vector<16x1024xf32>
    %min3A_50 = arith.constant 0.000000e+00 : f32
    %min3A_51 = vector.broadcast %min3A_50 : f32 to vector<16x1024xf32>
    %min3A_52 = arith.minimumf %add3A_46, %min3A_51 : vector<16x1024xf32>
    %exp3A_53 = math.exp %min3A_52 : vector<16x1024xf32>
    %sub3A_54 = arith.constant 1.000000e+00 : f32
    %sub3A_55 = vector.broadcast %sub3A_54 : f32 to vector<16x1024xf32>
    %sub3A_56 = arith.subf %exp3A_53, %sub3A_55 : vector<16x1024xf32>
    %select_n3A_57 = arith.select %gt3A_49, %add3A_46, %sub3A_56 : vector<16x1024xi1>, vector<16x1024xf32>
    %swap3A = arith.constant 0 : index
    %swap3A_58 = arith.constant 0 : index
    %swap3A_59 = vector.load %arg14[%swap3A, %swap3A_58] : memref<16x1024xf32, #tpu.memory_space<vmem>>, vector<16x1024xf32>
    tpu.vector_store %arg14[%swap3A, %swap3A_58], %select_n3A_57 {strides = array<i32>} : memref<16x1024xf32, #tpu.memory_space<vmem>>, vector<16x1024xf32>,
    %get3A_60 = arith.constant 0 : index
    %get3A_61 = arith.constant 0 : index
    %get3A_62 = vector.load %arg1[%get3A_60, %get3A_61] : memref<16x512xf32, #tpu.memory_space<vmem>>, vector<16x512xf32>
    %get3A_63 = arith.constant 0 : index
    %get3A_64 = arith.constant 0 : index
    %get3A_65 = vector.load %arg8[%get3A_63, %get3A_64] : memref<512x1024xf32, #tpu.memory_space<vmem>>, vector<512x1024xf32>
    %dot_general3A_66 = arith.constant dense<0.000000e+00> : vector<16x1024xf32>
    %dot_general3A_67 = tpu.matmul %get3A_62, %get3A_65, %dot_general3A_66 {dimension_numbers = #tpu.dot_dimension_numbers<[1], [0], [0], [1], [0, 0, 1, 1], [], []>, transpose_lhs_hint = false} : vector<16x512xf32>, vector<512x1024xf32>, vector<16x1024xf32> -> vector<16x1024xf32>
    %get3A_68 = arith.constant 0 : index
    %get3A_69 = arith.constant 0 : index
    %get3A_70 = vector.load %arg9[%get3A_68, %get3A_69] : memref<1x1024xf32, #tpu.memory_space<vmem>>, vector<1x1024xf32>
    %add3A_71 = vector.broadcast %get3A_70 : vector<1x1024xf32> to vector<16x1024xf32>
    %add3A_72 = arith.addf %dot_general3A_67, %add3A_71 : vector<16x1024xf32>
    %gt3A_73 = arith.constant 0.000000e+00 : f32
    %gt3A_74 = vector.broadcast %gt3A_73 : f32 to vector<16x1024xf32>
    %gt3A_75 = arith.cmpf ogt, %add3A_72, %gt3A_74 : vector<16x1024xf32>
    %min3A_76 = arith.constant 0.000000e+00 : f32
    %min3A_77 = vector.broadcast %min3A_76 : f32 to vector<16x1024xf32>
    %min3A_78 = arith.minimumf %add3A_72, %min3A_77 : vector<16x1024xf32>
    %exp3A_79 = math.exp %min3A_78 : vector<16x1024xf32>
    %sub3A_80 = arith.constant 1.000000e+00 : f32
    %sub3A_81 = vector.broadcast %sub3A_80 : f32 to vector<16x1024xf32>
    %sub3A_82 = arith.subf %exp3A_79, %sub3A_81 : vector<16x1024xf32>
    %select_n3A_83 = arith.select %gt3A_75, %add3A_72, %sub3A_82 : vector<16x1024xi1>, vector<16x1024xf32>
    %get3A_84 = arith.constant 0 : index
    %get3A_85 = arith.constant 0 : index
    %get3A_86 = vector.load %arg10[%get3A_84, %get3A_85] : memref<1024x1024xf32, #tpu.memory_space<vmem>>, vector<1024x1024xf32>
    %dot_general3A_87 = arith.constant dense<0.000000e+00> : vector<16x1024xf32>
    %dot_general3A_88 = tpu.matmul %select_n3A_83, %get3A_86, %dot_general3A_87 {dimension_numbers = #tpu.dot_dimension_numbers<[1], [0], [0], [1], [0, 0, 1, 1], [], []>, transpose_lhs_hint = false} : vector<16x1024xf32>, vector<1024x1024xf32>, vector<16x1024xf32> -> vector<16x1024xf32>
    %get3A_89 = arith.constant 0 : index
    %get3A_90 = arith.constant 0 : index
    %get3A_91 = vector.load %arg11[%get3A_89, %get3A_90] : memref<1x1024xf32, #tpu.memory_space<vmem>>, vector<1x1024xf32>
    %add3A_92 = vector.broadcast %get3A_91 : vector<1x1024xf32> to vector<16x1024xf32>
    %add3A_93 = arith.addf %dot_general3A_88, %add3A_92 : vector<16x1024xf32>
    %gt3A_94 = arith.constant 0.000000e+00 : f32
    %gt3A_95 = vector.broadcast %gt3A_94 : f32 to vector<16x1024xf32>
    %gt3A_96 = arith.cmpf ogt, %add3A_93, %gt3A_95 : vector<16x1024xf32>
    %min3A_97 = arith.constant 0.000000e+00 : f32
    %min3A_98 = vector.broadcast %min3A_97 : f32 to vector<16x1024xf32>
    %min3A_99 = arith.minimumf %add3A_93, %min3A_98 : vector<16x1024xf32>
    %exp3A_100 = math.exp %min3A_99 : vector<16x1024xf32>
    %sub3A_101 = arith.constant 1.000000e+00 : f32
    %sub3A_102 = vector.broadcast %sub3A_101 : f32 to vector<16x1024xf32>
    %sub3A_103 = arith.subf %exp3A_100, %sub3A_102 : vector<16x1024xf32>
    %select_n3A_104 = arith.select %gt3A_96, %add3A_93, %sub3A_103 : vector<16x1024xi1>, vector<16x1024xf32>
    %get3A_105 = arith.constant 0 : index
    %get3A_106 = arith.constant 0 : index
    %get3A_107 = vector.load %arg12[%get3A_105, %get3A_106] : memref<1024x1024xf32, #tpu.memory_space<vmem>>, vector<1024x1024xf32>
    %dot_general3A_108 = arith.constant dense<0.000000e+00> : vector<16x1024xf32>
    %dot_general3A_109 = tpu.matmul %select_n3A_104, %get3A_107, %dot_general3A_108 {dimension_numbers = #tpu.dot_dimension_numbers<[1], [0], [0], [1], [0, 0, 1, 1], [], []>, transpose_lhs_hint = false} : vector<16x1024xf32>, vector<1024x1024xf32>, vector<16x1024xf32> -> vector<16x1024xf32>
    %get3A_110 = arith.constant 0 : index
    %get3A_111 = arith.constant 0 : index
    %get3A_112 = vector.load %arg13[%get3A_110, %get3A_111] : memref<1x1024xf32, #tpu.memory_space<vmem>>, vector<1x1024xf32>
    %add3A_113 = vector.broadcast %get3A_112 : vector<1x1024xf32> to vector<16x1024xf32>
    %add3A_114 = arith.addf %dot_general3A_109, %add3A_113 : vector<16x1024xf32>
    %gt3A_115 = arith.constant 0.000000e+00 : f32
    %gt3A_116 = vector.broadcast %gt3A_115 : f32 to vector<16x1024xf32>
    %gt3A_117 = arith.cmpf ogt, %add3A_114, %gt3A_116 : vector<16x1024xf32>
    %min3A_118 = arith.constant 0.000000e+00 : f32
    %min3A_119 = vector.broadcast %min3A_118 : f32 to vector<16x1024xf32>
    %min3A_120 = arith.minimumf %add3A_114, %min3A_119 : vector<16x1024xf32>
    %exp3A_121 = math.exp %min3A_120 : vector<16x1024xf32>
    %sub3A_122 = arith.constant 1.000000e+00 : f32
    %sub3A_123 = vector.broadcast %sub3A_122 : f32 to vector<16x1024xf32>
    %sub3A_124 = arith.subf %exp3A_121, %sub3A_123 : vector<16x1024xf32>
    %select_n3A_125 = arith.select %gt3A_117, %add3A_114, %sub3A_124 : vector<16x1024xi1>, vector<16x1024xf32>
    %swap3A_126 = arith.constant 0 : index
    %swap3A_127 = arith.constant 0 : index
    %swap3A_128 = vector.load %arg15[%swap3A_126, %swap3A_127] : memref<16x1024xf32, #tpu.memory_space<vmem>>, vector<16x1024xf32>
    tpu.vector_store %arg15[%swap3A_126, %swap3A_127], %select_n3A_125 {strides = array<i32>} : memref<16x1024xf32, #tpu.memory_space<vmem>>, vector<16x1024xf32>,
    return
  }
}

module attributes {stable_mosaic.version = 14 : i64} {
  func.func @_pad_body(%arg0: memref<17xi32, #tpu.memory_space<smem>>, %arg1: memref<4096x128xf32, #tpu.memory_space<vmem>>, %arg2: memref<128x1xf32, #tpu.memory_space<vmem>>, %arg3: memref<128x1xf32, #tpu.memory_space<vmem>>, %arg4: memref<1x1xf32, #tpu.memory_space<vmem>>, %arg5: memref<1x1xf32, #tpu.memory_space<vmem>>, %arg6: memref<16x512xf32, #tpu.memory_space<vmem>>, %arg7: memref<16x512xf32, #tpu.memory_space<vmem>>, %arg8: memref<1x4736xf32, #tpu.memory_space<vmem>>, %arg9: memref<1x4736xf32, #tpu.memory_space<vmem>>) attributes {dimension_semantics = [], scalar_prefetch = 0 : i64, scratch_operands = 2 : i64, tpu.core_type = #tpu.core_type<tc>} {
    %get3A = arith.constant 0 : index
    %get3A_0 = arith.constant 0 : index
    %get3A_1 = vector.load %arg2[%get3A, %get3A_0] : memref<128x1xf32, #tpu.memory_space<vmem>>, vector<128x1xf32>
    %get3A_2 = arith.constant 0 : index
    %get3A_3 = arith.constant 0 : index
    %get3A_4 = vector.load %arg1[%get3A_2, %get3A_3] : memref<4096x128xf32, #tpu.memory_space<vmem>>, vector<4096x128xf32>
    %dot_general3A = arith.constant dense<0.000000e+00> : vector<1x4096xf32>
    %dot_general3A_5 = tpu.matmul %get3A_1, %get3A_4, %dot_general3A {dimension_numbers = #tpu.dot_dimension_numbers<[0], [1], [1], [0], [0, 1, 1, 0], [], []>, transpose_lhs_hint = false} : vector<128x1xf32>, vector<4096x128xf32>, vector<1x4096xf32> -> vector<1x4096xf32>
    %get3A_6 = arith.constant 0 : index
    %get3A_7 = arith.constant 0 : index
    %get3A_8 = vector.load %arg4[%get3A_6, %get3A_7] : memref<1x1xf32, #tpu.memory_space<vmem>>, vector<1x1xf32>
    %get3A_9 = vector.extract %get3A_8[0, 0] : f32 from vector<1x1xf32>
    %add3A = vector.broadcast %get3A_9 : f32 to vector<1x4096xf32>
    %add3A_10 = arith.addf %dot_general3A_5, %add3A : vector<1x4096xf32>
    %get3A_11 = arith.constant 0 : index
    %get3A_12 = arith.constant 0 : index
    %get3A_13 = vector.load %arg3[%get3A_11, %get3A_12] : memref<128x1xf32, #tpu.memory_space<vmem>>, vector<128x1xf32>
    %get3A_14 = arith.constant 0 : index
    %get3A_15 = arith.constant 0 : index
    %get3A_16 = vector.load %arg1[%get3A_14, %get3A_15] : memref<4096x128xf32, #tpu.memory_space<vmem>>, vector<4096x128xf32>
    %dot_general3A_17 = arith.constant dense<0.000000e+00> : vector<1x4096xf32>
    %dot_general3A_18 = tpu.matmul %get3A_13, %get3A_16, %dot_general3A_17 {dimension_numbers = #tpu.dot_dimension_numbers<[0], [1], [1], [0], [0, 1, 1, 0], [], []>, transpose_lhs_hint = false} : vector<128x1xf32>, vector<4096x128xf32>, vector<1x4096xf32> -> vector<1x4096xf32>
    %get3A_19 = arith.constant 0 : index
    %get3A_20 = arith.constant 0 : index
    %get3A_21 = vector.load %arg5[%get3A_19, %get3A_20] : memref<1x1xf32, #tpu.memory_space<vmem>>, vector<1x1xf32>
    %get3A_22 = vector.extract %get3A_21[0, 0] : f32 from vector<1x1xf32>
    %add3A_23 = vector.broadcast %get3A_22 : f32 to vector<1x4096xf32>
    %add3A_24 = arith.addf %dot_general3A_18, %add3A_23 : vector<1x4096xf32>
    %swap3A = arith.constant 0 : index
    %swap3A_25 = arith.constant 0 : index
    %swap3A_26 = vector.load %arg8[%swap3A, %swap3A_25] : memref<1x4736xf32, #tpu.memory_space<vmem>>, vector<1x4096xf32>
    tpu.vector_store %arg8[%swap3A, %swap3A_25], %add3A_10 {strides = array<i32>} : memref<1x4736xf32, #tpu.memory_space<vmem>>, vector<1x4096xf32>,
    %broadcast_in_dim3A = arith.constant 0.000000e+00 : f32
    %broadcast_in_dim3A_27 = vector.broadcast %broadcast_in_dim3A : f32 to vector<1x640xf32>
    %swap3A_28 = arith.constant 0 : index
    %swap3A_29 = arith.constant 4096 : index
    %swap3A_30 = vector.load %arg8[%swap3A_28, %swap3A_29] : memref<1x4736xf32, #tpu.memory_space<vmem>>, vector<1x640xf32>
    tpu.vector_store %arg8[%swap3A_28, %swap3A_29], %broadcast_in_dim3A_27 {strides = array<i32>} : memref<1x4736xf32, #tpu.memory_space<vmem>>, vector<1x640xf32>,
    %swap3A_31 = arith.constant 0 : index
    %swap3A_32 = arith.constant 0 : index
    %swap3A_33 = vector.load %arg9[%swap3A_31, %swap3A_32] : memref<1x4736xf32, #tpu.memory_space<vmem>>, vector<1x4096xf32>
    tpu.vector_store %arg9[%swap3A_31, %swap3A_32], %add3A_24 {strides = array<i32>} : memref<1x4736xf32, #tpu.memory_space<vmem>>, vector<1x4096xf32>,
    %broadcast_in_dim3A_34 = arith.constant 0.000000e+00 : f32
    %broadcast_in_dim3A_35 = vector.broadcast %broadcast_in_dim3A_34 : f32 to vector<1x640xf32>
    %swap3A_36 = arith.constant 0 : index
    %swap3A_37 = arith.constant 4096 : index
    %swap3A_38 = vector.load %arg9[%swap3A_36, %swap3A_37] : memref<1x4736xf32, #tpu.memory_space<vmem>>, vector<1x640xf32>
    tpu.vector_store %arg9[%swap3A_36, %swap3A_37], %broadcast_in_dim3A_35 {strides = array<i32>} : memref<1x4736xf32, #tpu.memory_space<vmem>>, vector<1x640xf32>,
    %iota3A = tpu.iota {dimensions = array<i32: 1>} : vector<1x512xi32>
    %scan3A = arith.constant 0 : i32
    %scan3A_39 = arith.constant 16 : i32
    %scan3A_40 = arith.addi %scan3A, %scan3A_39 : i32
    %scan3A_41 = arith.constant 1 : i32
    scf.for %scan3A_43 = %scan3A to %scan3A_40 step %scan3A_41  : i32 {
      %get3A_44 = arith.index_cast %scan3A_43 : i32 to index
      %get3A_45 = memref.load %arg0[%get3A_44] : memref<17xi32, #tpu.memory_space<smem>>
      %add3A_46 = arith.constant 1 : i32
      %add3A_47 = arith.addi %scan3A_43, %add3A_46 : i32
      %get3A_48 = arith.index_cast %add3A_47 : i32 to index
      %get3A_49 = memref.load %arg0[%get3A_48] : memref<17xi32, #tpu.memory_space<smem>>
      %sub3A = arith.subi %get3A_49, %get3A_45 : i32
      %lt3A = vector.broadcast %sub3A : i32 to vector<1x512xi32>
      %lt3A_50 = arith.cmpi slt, %iota3A, %lt3A : vector<1x512xi32>
      %jit3A = arith.constant 128 : i32
      %eq3A = arith.constant 0 : i32
      %eq3A_51 = arith.cmpi eq, %jit3A, %eq3A : i32
      %jit3A_52 = arith.constant 1 : i32
      %select_n3A = arith.select %eq3A_51, %jit3A_52, %jit3A : i32
      %rem3A = arith.remsi %get3A_45, %select_n3A : i32
      %ne3A = arith.constant 0 : i32
      %ne3A_53 = arith.cmpi ne, %rem3A, %ne3A : i32
      %lt3A_54 = arith.constant 0 : i32
      %lt3A_55 = arith.cmpi slt, %rem3A, %lt3A_54 : i32
      %lt3A_56 = arith.constant 0 : i32
      %lt3A_57 = arith.cmpi slt, %select_n3A, %lt3A_56 : i32
      %ne3A_58 = arith.xori %lt3A_55, %lt3A_57 : i1
      %and3A = arith.andi %ne3A_58, %ne3A_53 : i1
      %add3A_59 = arith.addi %rem3A, %select_n3A : i32
      %select_n3A_60 = arith.select %and3A, %add3A_59, %rem3A : i32
      %sub3A_61 = arith.subi %get3A_45, %select_n3A_60 : i32
      %multiple_of3A = tpu.assume_multiple %sub3A_61, 128 : i32
      %get3A_62 = arith.constant 0 : index
      %get3A_63 = arith.index_cast %multiple_of3A : i32 to index
      %get3A_64 = vector.load %arg8[%get3A_62, %get3A_63] : memref<1x4736xf32, #tpu.memory_space<vmem>>, vector<1x640xf32>
      %sub3A_65 = arith.constant 640 : i32
      %sub3A_66 = arith.subi %sub3A_65, %select_n3A_60 : i32
      %roll3A = tpu.dynamic_rotate %get3A_64 by %sub3A_66 dim 1 : vector<1x640xf32>, i32 -> vector<1x640xf32>
      %slice3A = vector.extract_strided_slice %roll3A {offsets = [0, 0], sizes = [1, 512], strides = [1, 1]} : vector<1x640xf32> to vector<1x512xf32>
      %get3A_67 = arith.constant 0 : index
      %get3A_68 = arith.index_cast %multiple_of3A : i32 to index
      %get3A_69 = vector.load %arg9[%get3A_67, %get3A_68] : memref<1x4736xf32, #tpu.memory_space<vmem>>, vector<1x640xf32>
      %sub3A_70 = arith.constant 640 : i32
      %sub3A_71 = arith.subi %sub3A_70, %select_n3A_60 : i32
      %roll3A_72 = tpu.dynamic_rotate %get3A_69 by %sub3A_71 dim 1 : vector<1x640xf32>, i32 -> vector<1x640xf32>
      %slice3A_73 = vector.extract_strided_slice %roll3A_72 {offsets = [0, 0], sizes = [1, 512], strides = [1, 1]} : vector<1x640xf32> to vector<1x512xf32>
      %jit3A_74 = arith.constant 0.000000e+00 : f32
      %broadcast_in_dim3A_75 = vector.broadcast %jit3A_74 : f32 to vector<1x512xf32>
      %select_n3A_76 = arith.select %lt3A_50, %slice3A, %broadcast_in_dim3A_75 : vector<1x512xi1>, vector<1x512xf32>
      %swap3A_77 = arith.index_cast %scan3A_43 : i32 to index
      %swap3A_78 = arith.constant 0 : index
      %swap3A_79 = vector.load %arg6[%swap3A_77, %swap3A_78] : memref<16x512xf32, #tpu.memory_space<vmem>>, vector<1x512xf32>
      tpu.vector_store %arg6[%swap3A_77, %swap3A_78], %select_n3A_76 {strides = array<i32>} : memref<16x512xf32, #tpu.memory_space<vmem>>, vector<1x512xf32>,
      %jit3A_80 = arith.constant 0.000000e+00 : f32
      %broadcast_in_dim3A_81 = vector.broadcast %jit3A_80 : f32 to vector<1x512xf32>
      %select_n3A_82 = arith.select %lt3A_50, %slice3A_73, %broadcast_in_dim3A_81 : vector<1x512xi1>, vector<1x512xf32>
      %swap3A_83 = arith.index_cast %scan3A_43 : i32 to index
      %swap3A_84 = arith.constant 0 : index
      %swap3A_85 = vector.load %arg7[%swap3A_83, %swap3A_84] : memref<16x512xf32, #tpu.memory_space<vmem>>, vector<1x512xf32>
      tpu.vector_store %arg7[%swap3A_83, %swap3A_84], %select_n3A_82 {strides = array<i32>} : memref<16x512xf32, #tpu.memory_space<vmem>>, vector<1x512xf32>,
    }
    %scan3A_42 = arith.constant 16 : i32
    return
  }
}

module attributes {stable_mosaic.version = 14 : i64} {
  func.func @_head_body(%arg0: i32, %arg1: memref<16x1024xf32, #tpu.memory_space<vmem>>, %arg2: memref<1024x256xf32, #tpu.memory_space<vmem>>, %arg3: memref<1x256xf32, #tpu.memory_space<vmem>>, %arg4: memref<16x256xf32, #tpu.memory_space<vmem>>) attributes {dimension_semantics = [#tpu.dimension_semantics<arbitrary>], iteration_bounds = array<i64: 513>, scalar_prefetch = 0 : i64, scratch_operands = 0 : i64, tpu.core_type = #tpu.core_type<tc>, window_params = [{pipeline_mode = #tpu.pipeline_mode<synchronous>, transform_indices = @transform_0, window_bounds = array<i64: 16, 1024>}, {transform_indices = @transform_1, window_bounds = array<i64: 1024, 256>}, {transform_indices = @transform_2, window_bounds = array<i64: 1, 256>}, {transform_indices = @transform_3, window_bounds = array<i64: 16, 256>}]} {
    %get3A = arith.constant 0 : index
    %get3A_0 = arith.constant 0 : index
    %get3A_1 = vector.load %arg1[%get3A, %get3A_0] : memref<16x1024xf32, #tpu.memory_space<vmem>>, vector<16x1024xf32>
    %get3A_2 = arith.constant 0 : index
    %get3A_3 = arith.constant 0 : index
    %get3A_4 = vector.load %arg2[%get3A_2, %get3A_3] : memref<1024x256xf32, #tpu.memory_space<vmem>>, vector<1024x256xf32>
    %dot_general3A = arith.constant dense<0.000000e+00> : vector<16x256xf32>
    %dot_general3A_5 = tpu.matmul %get3A_1, %get3A_4, %dot_general3A {dimension_numbers = #tpu.dot_dimension_numbers<[1], [0], [0], [1], [0, 0, 1, 1], [], []>, transpose_lhs_hint = false} : vector<16x1024xf32>, vector<1024x256xf32>, vector<16x256xf32> -> vector<16x256xf32>
    %get3A_6 = arith.constant 0 : index
    %get3A_7 = arith.constant 0 : index
    %get3A_8 = vector.load %arg3[%get3A_6, %get3A_7] : memref<1x256xf32, #tpu.memory_space<vmem>>, vector<1x256xf32>
    %add3A = vector.broadcast %get3A_8 : vector<1x256xf32> to vector<16x256xf32>
    %add3A_9 = arith.addf %dot_general3A_5, %add3A : vector<16x256xf32>
    %swap3A = arith.constant 0 : index
    %swap3A_10 = arith.constant 0 : index
    %swap3A_11 = vector.load %arg4[%swap3A, %swap3A_10] : memref<16x256xf32, #tpu.memory_space<vmem>>, vector<16x256xf32>
    tpu.vector_store %arg4[%swap3A, %swap3A_10], %add3A_9 {strides = array<i32>} : memref<16x256xf32, #tpu.memory_space<vmem>>, vector<16x256xf32>,
    return
  }
  func.func @transform_0(%arg0: i32) -> (i32, i32) {
    %c0_i32 = arith.constant 0 : i32
    %c0_i32_0 = arith.constant 0 : i32
    %c0_i32_1 = arith.constant 0 : i32
    return %c0_i32, %c0_i32_0 : i32, i32
  }
  func.func @transform_1(%arg0: i32) -> (i32, i32) {
    %c0_i32 = arith.constant 0 : i32
    %c0_i32_0 = arith.constant 0 : i32
    return %c0_i32, %arg0 : i32, i32
  }
  func.func @transform_2(%arg0: i32) -> (i32, i32) {
    %c0_i32 = arith.constant 0 : i32
    %c0_i32_0 = arith.constant 0 : i32
    return %c0_i32, %arg0 : i32, i32
  }
  func.func @transform_3(%arg0: i32) -> (i32, i32) {
    %c0_i32 = arith.constant 0 : i32
    %c0_i32_0 = arith.constant 0 : i32
    return %c0_i32, %arg0 : i32, i32
  }
}

module attributes {stable_mosaic.version = 14 : i64} {
  func.func @_head_body(%arg0: i32, %arg1: memref<16x1024xf32, #tpu.memory_space<vmem>>, %arg2: memref<1024x256xf32, #tpu.memory_space<vmem>>, %arg3: memref<1x256xf32, #tpu.memory_space<vmem>>, %arg4: memref<16x256xf32, #tpu.memory_space<vmem>>) attributes {dimension_semantics = [#tpu.dimension_semantics<arbitrary>], iteration_bounds = array<i64: 22>, scalar_prefetch = 0 : i64, scratch_operands = 0 : i64, tpu.core_type = #tpu.core_type<tc>, window_params = [{pipeline_mode = #tpu.pipeline_mode<synchronous>, transform_indices = @transform_0, window_bounds = array<i64: 16, 1024>}, {transform_indices = @transform_1, window_bounds = array<i64: 1024, 256>}, {transform_indices = @transform_2, window_bounds = array<i64: 1, 256>}, {transform_indices = @transform_3, window_bounds = array<i64: 16, 256>}]} {
    %get3A = arith.constant 0 : index
    %get3A_0 = arith.constant 0 : index
    %get3A_1 = vector.load %arg1[%get3A, %get3A_0] : memref<16x1024xf32, #tpu.memory_space<vmem>>, vector<16x1024xf32>
    %get3A_2 = arith.constant 0 : index
    %get3A_3 = arith.constant 0 : index
    %get3A_4 = vector.load %arg2[%get3A_2, %get3A_3] : memref<1024x256xf32, #tpu.memory_space<vmem>>, vector<1024x256xf32>
    %dot_general3A = arith.constant dense<0.000000e+00> : vector<16x256xf32>
    %dot_general3A_5 = tpu.matmul %get3A_1, %get3A_4, %dot_general3A {dimension_numbers = #tpu.dot_dimension_numbers<[1], [0], [0], [1], [0, 0, 1, 1], [], []>, transpose_lhs_hint = false} : vector<16x1024xf32>, vector<1024x256xf32>, vector<16x256xf32> -> vector<16x256xf32>
    %get3A_6 = arith.constant 0 : index
    %get3A_7 = arith.constant 0 : index
    %get3A_8 = vector.load %arg3[%get3A_6, %get3A_7] : memref<1x256xf32, #tpu.memory_space<vmem>>, vector<1x256xf32>
    %add3A = vector.broadcast %get3A_8 : vector<1x256xf32> to vector<16x256xf32>
    %add3A_9 = arith.addf %dot_general3A_5, %add3A : vector<16x256xf32>
    %swap3A = arith.constant 0 : index
    %swap3A_10 = arith.constant 0 : index
    %swap3A_11 = vector.load %arg4[%swap3A, %swap3A_10] : memref<16x256xf32, #tpu.memory_space<vmem>>, vector<16x256xf32>
    tpu.vector_store %arg4[%swap3A, %swap3A_10], %add3A_9 {strides = array<i32>} : memref<16x256xf32, #tpu.memory_space<vmem>>, vector<16x256xf32>,
    return
  }
  func.func @transform_0(%arg0: i32) -> (i32, i32) {
    %c0_i32 = arith.constant 0 : i32
    %c0_i32_0 = arith.constant 0 : i32
    %c0_i32_1 = arith.constant 0 : i32
    return %c0_i32, %c0_i32_0 : i32, i32
  }
  func.func @transform_1(%arg0: i32) -> (i32, i32) {
    %c0_i32 = arith.constant 0 : i32
    %c0_i32_0 = arith.constant 0 : i32
    return %c0_i32, %arg0 : i32, i32
  }
  func.func @transform_2(%arg0: i32) -> (i32, i32) {
    %c0_i32 = arith.constant 0 : i32
    %c0_i32_0 = arith.constant 0 : i32
    return %c0_i32, %arg0 : i32, i32
  }
  func.func @transform_3(%arg0: i32) -> (i32, i32) {
    %c0_i32 = arith.constant 0 : i32
    %c0_i32_0 = arith.constant 0 : i32
    return %c0_i32, %arg0 : i32, i32
  }
}

</mosaic_0001>

<sc_bundles>
// kernel: kernel.7.cloned.1.call-start
scs
__scs_entry_jumppad:
0x0: {  	(pc) =	sbr.rel $0x88, $3  }
0x1: {  	(tag) =	ssettag $0x0;
	lr =	simm.s32 $0x1  }
0x2: {  	[smem:$0x3F8B] =	sst lr;
	_ =	strace $0xD0000000  }
0x3: {  	_ = 	snop  }
0x4: {  	_ = 	snop  }
0x5: {  	_ = 	snop  }
0x6: {  	_ = 	snop  }
0x7: {  	_ = 	snop  }
__scs_overlays_trampoline_lowered:
0x8: {  	[smem:$0x3F9A] =	sst s0  }
0x9: {  	[smem:$0x3F9B] =	sst s1  }
0xa: {  	[smem:$0x3F9C] =	sst s2  }
0xb: {  	[smem:$0x3F9D] =	sst s3  }
0xc: {  	[smem:$0x3F9E] =	sst s4  }
0xd: {  	[smem:$0x3F9F] =	sst s5  }
0xe: {  	[smem:$0x3FA0] =	sst s6  }
0xf: {  	[smem:$0x3FA1] =	sst s7  }
0x10: {  	[smem:$0x3FA2] =	sst s8  }
0x11: {  	[smem:$0x3FA3] =	sst s9;
	s0 =	simm.s32 @!p0 $0x0  }
0x12: {  	s1 =	sld [smem:$0x3F89];
	s0 =	simm.s32 @p0 $0x1  }
0x13: {  	[smem:$0x3FA4] =	sst s0;
	s0 =	simm.s32 @!p1 $0x0  }
0x14: {  	s2 =	sld [smem:$0x3F88];
	s0 =	simm.s32 @p1 $0x1  }
0x15: {  	[smem:$0x3FA5] =	sst s0;
	s0 =	simm.s32 @!p2 $0x0  }
0x16: {  	s3 =	sld [smem:$0x3FDB];
	s0 =	simm.s32 @p2 $0x1  }
0x17: {  	s4 =	simm.s32 $0x1BF5;
	[smem:$0x3FA7] =	sst s0  }
0x18: {  	s0 =	sld [smem:$0x3F8A];
	_ =	swait.ge [sflag:s4], $0x0  }
0x19: {  	s7 =	sld [smem:$0x3F8B]  }
0x1a: {  	s8 =	sadd.s32 $0xFFFFE003, lr  }
0x1b: {  	s9 =	sadd.s32 $0xFFFFFEF7, lr;
	s5 =	simm.s32 $0xFFFFFFFF;
	p2 =	slt.u32 s8, $0xFFFFF086  }
0x1c: {  	p1 =	slt.u32 s9, $0xF7A;
	s5 =	simm.s32 @!p2 $0x0  }
0x1d: {  	s5 =	simm.s32 @p1 $0x1;
	p0 =	seq.s32 s7, s2  }
0x1e: {  	s7 =	smul.u32 @!p0 $0xF7A, s2;
	p2 =	seq.s32 @!p0 s5, $0x0  }
0x1f: {  	s9 =	smul.u32 $0xF7A, s1;
	s8 =	simm.s32 @!p0 $0x1BF5;
	p2 =	por !p2, p0  }
0x20: {  	[sflag:s8] =	ssyncset.s32 @!p0 $0xFFFFF086;
	s6 =	sadd.s32 @!p0 s3, s7;
	s7 =	simm.s32 @!p0 $0x108  }
0x21: {  	s3 =	sadd.s32 s3, s9;
	s6 =	sadd.s32 @!p0 $0x88, s6;
	s7 =	simm.s32 @p2 $0x1082  }
0x22: {  	[simem:s7], [sflag:s8] =	dma.local @!p0 [hbm:s6], $0xF7A  }
0x23: {  	s9 =	sor.u32 $0xD0000000, s2;
	s6 =	simm.s32 $0x108;
	_ =	swait.ge @!p0 [sflag:s8], $0x0  }
0x24: {  	s3 =	sadd.s32 $0x88, s3;
	s6 =	simm.s32 @!p1 $0x1082;
	[sflag:s4] =	ssyncset.s32 $0xFFFFF086  }
0x25: {  	[simem:s6], [sflag:s4] =	dma.local [hbm:s3], $0xF7A  }
0x26: {  	[smem:$0x3F8B] =	sst s1;
	(tag) =	ssettag s2;
	_ =	strace s9  }
0x27: {  	s1 =	sld [smem:$0x3F9B]  }
0x28: {  	s2 =	sld [smem:$0x3F9C]  }
0x29: {  	s4 =	sld [smem:$0x3F9E]  }
0x2a: {  	p0 =	seq.s32 s5, $0x0;
	s5 =	sld [smem:$0x3F9F]  }
0x2b: {  	s6 =	sld [smem:$0x3FA0]  }
0x2c: {  	s7 =	sld [smem:$0x3FA1]  }
0x2d: {  	s3 =	simm.s32 $0x108;
	s8 =	sld [smem:$0x3FA2]  }
0x2e: {  	s3 =	simm.s32 @!p0 $0x1082;
	s9 =	sld [smem:$0x3FA3]  }
0x2f: {  	lr =	sadd.s32 s0, s3;
	s0 =	sld [smem:$0x3F9A]  }
0x30: {  	s3 =	sld [smem:$0x3F9D]  }
0x31: {  	[smem:$0x3FA6] =	sst s10  }
0x32: {  	s10 =	sld [smem:$0x3FA4];
	_ =	sdelay $0x3  }
0x33: {  	p0 =	seq.s32 s10, $0x1;
	s10 =	sld [smem:$0x3FA6];
	_ =	sdelay $0x3  }
0x34: {  	[smem:$0x3FA6] =	sst s10  }
0x35: {  	s10 =	sld [smem:$0x3FA5];
	_ =	sdelay $0x3  }
0x36: {  	p1 =	seq.s32 s10, $0x1;
	s10 =	sld [smem:$0x3FA6];
	_ =	sdelay $0x3  }
0x37: {  	[smem:$0x3FA6] =	sst s10  }
0x38: {  	s10 =	sld [smem:$0x3FA7]  }
0x39: {  	_ = 	snop;
	(pc) =	sbr.ind lr, $3  }
0x3a: {  	_ = 	snop  }
0x3b: {  	_ = 	snop  }
0x3c: {  	p2 =	seq.s32 s10, $0x1;
	s10 =	sld [smem:$0x3FA6]  }
0x3d: {  	_ =	shalt  }
0x3e: {  	_ =	shalt  }
0x3f: {  	_ =	shalt  }
0x40: {  	_ =	shalt  }
0x41: {  	_ =	shalt  }
0x42: {  	_ =	shalt  }
0x43: {  	_ =	shalt  }
0x44: {  	_ =	shalt  }
0x45: {  	_ =	shalt  }
0x46: {  	_ =	shalt  }
0x47: {  	_ =	shalt  }
0x48: {  	_ =	shalt  }
0x49: {  	_ =	shalt  }
0x4a: {  	_ =	shalt  }
0x4b: {  	_ =	shalt  }
0x4c: {  	_ =	shalt  }
0x4d: {  	_ =	shalt  }
0x4e: {  	_ =	shalt  }
0x4f: {  	_ =	shalt  }
0x50: {  	_ =	shalt  }
0x51: {  	_ =	shalt  }
0x52: {  	_ =	shalt  }
0x53: {  	_ =	shalt  }
0x54: {  	_ =	shalt  }
0x55: {  	_ =	shalt  }
0x56: {  	_ =	shalt  }
0x57: {  	_ =	shalt  }
0x58: {  	_ =	shalt  }
0x59: {  	_ =	shalt  }
0x5a: {  	_ =	shalt  }
0x5b: {  	_ =	shalt  }
0x5c: {  	_ =	shalt  }
0x5d: {  	_ =	shalt  }
0x5e: {  	_ =	shalt  }
0x5f: {  	_ =	shalt  }
0x60: {  	_ =	shalt  }
0x61: {  	_ =	shalt  }
0x62: {  	_ =	shalt  }
0x63: {  	_ =	shalt  }
0x64: {  	_ =	shalt  }
0x65: {  	_ =	shalt  }
0x66: {  	_ =	shalt  }
0x67: {  	_ =	shalt  }
0x68: {  	_ =	shalt  }
0x69: {  	_ =	shalt  }
0x6a: {  	_ =	shalt  }
0x6b: {  	_ =	shalt  }
0x6c: {  	_ =	shalt  }
0x6d: {  	_ =	shalt  }
0x6e: {  	_ =	shalt  }
0x6f: {  	_ =	shalt  }
0x70: {  	_ =	shalt  }
0x71: {  	_ =	shalt  }
0x72: {  	_ =	shalt  }
0x73: {  	_ =	shalt  }
0x74: {  	_ =	shalt  }
0x75: {  	_ =	shalt  }
0x76: {  	_ =	shalt  }
0x77: {  	_ =	shalt  }
0x78: {  	_ =	shalt  }
0x79: {  	_ =	shalt  }
0x7a: {  	_ =	shalt  }
0x7b: {  	_ =	shalt  }
0x7c: {  	_ =	shalt  }
0x7d: {  	_ =	shalt  }
0x7e: {  	_ =	shalt  }
0x7f: {  	_ =	shalt  }
0x80: {  	_ =	shalt  }
0x81: {  	_ =	shalt  }
0x82: {  	_ =	shalt  }
0x83: {  	_ =	shalt  }
0x84: {  	_ =	shalt  }
0x85: {  	_ =	shalt  }
0x86: {  	_ =	shalt  }
0x87: {  	_ =	shalt  }
.Lfunc_end0:
.L_simem_size_0:
called_computation_lowered:
.L_overlay_start_0:
0x88: {  	s2 =	sld [smem:$0x3FD9]  }
0x89: {  	s3 =	sld [smem:$0x3FFE];
	_ =	sdelay $0x1  }
0x8a: {  	s1 =	srdreg.scid  }
0x8b: {  	s0 =	sand.u32 $0x1, s1  }
0x8c: {  	s14 =	sshll.u32 s0, $0xA;
	s2 =	sadd.s32 s3, s2  }
0x8d: {  	s2 =	sadd.s32 s2, s14  }
0x8e: {  	[smem:$0x3FB2] =	sst s2  }
0x8f: {  	_ = 	snop  }
0x90: {  	s2 =	sld [smem:$0x3FD0];
	_ =	sdelay $0x2  }
0x91: {  	s15 =	simm.s32 $0xA;
	s4 =	simm.s32 $0x10  }
0x92: {  	[smem:s4], [sflag:s15] =	dma.local [hbm:s2], $0x1  }
0x93: {  	_ =	swait.eq [sflag:s15], $0x1  }
0x94: {  	[sflag:s15] =	ssyncset.done $0x0  }
0x95: {  	[sflag:s15] =	ssyncadd.s32 $0xFFFFFFFF  }
0x96: {  	s16 =	sld [smem:$0x10];
	(tm) =	ssettm $0x1  }
0x97: {  	s17 =	sld [smem:$0x3FFB];
	_ =	sdelay $0x3  }
0x98: {  	_ =	strace s17  }
0x99: {  	s3 =	sld [smem:$0x3FFC];
	_ =	sdelay $0x3  }
0x9a: {  	_ =	strace s3  }
0x9b: {  	s3 =	sld [smem:$0x3FFD];
	_ =	sdelay $0x3  }
0x9c: {  	_ =	strace s3  }
0x9d: {  	_ =	strace $0x8FFFFFFF  }
0x9e: {  	s18 =	sld [smem:$0x3FDB];
	_ =	sdelay $0x1  }
0x9f: {  	s19 =	simm.s32 $_scs_section_size  }
0xa0: {  	s5 =	simm.s32 $_size__tile_overlayer_lowered;
	s6 =	simm.s32 $_tile_overlayer_lowered  }
0xa1: {  	s22 =	simm.s32 $0x1BFF;
	s21 =	sshll.u32 s6, $0x1;
	s3 =	sadd.s32 s19, s18  }
0xa2: {  	s7 =	simm.s32 $0x0;
	s20 =	sshll.u32 s5, $0x1;
	s5 =	sadd.s32 s21, s3  }
0xa3: {  	[timem:s7], [sflag:s22] =	dma.local [hbm:s5], s20  }
0xa4: {  	_ =	swait.ge [sflag:s22], s20  }
0xa5: {  	s4 =	ssub.s32 $0x0, s20;
	[sflag:s22] =	ssyncset.done $0x0  }
0xa6: {  	[sflag:s22] =	ssyncadd.s32 s4;
	_ =	sdelay $0x1  }
0xa7: {  	s23 =	simm.s32 $0x1B8B  }
0xa8: {  	_ =	swait.ge [sflag:s23], $0x1  }
0xa9: {  	[sflag:s23] =	ssyncset.done $0x0  }
0xaa: {  	s25 =	simm.s32 $0x1B8E;
	s24 =	sld [smem:$0x3FFE];
	[sflag:s23] =	ssyncadd.s32 $0xFFFFFFFF  }
0xab: {  	s26 =	simm.s32 $execute0_lowered;
	[smem:$0x3FD2] =	sst s25  }
0xac: {  	s5 =	sshll.u32 s26, $0x1;
	_ =	strace $0x80000046;
	[dreg:$0x1] =	wrdreg $0xFFFFFFFF  }
0xad: {  	s28 =	simm.s32 $_size_execute0_lowered;
	s3 =	sadd.s32 s3, s5;
	[dreg:$0x0] =	wrdreg $0x0  }
0xae: {  	s5 =	sshll.u32 s28, $0x1;
	[dreg:$0x2] =	wrdreg s3  }
0xaf: {  	[dreg:$0x3] =	wrdreg s5  }
0xb0: {  	[dreg:$0x4] =	wrdreg $0xC0  }
0xb1: {  	_ =	task [dreg:s7], $0x5FFFF  }
0xb2: {  	[dreg:$0x1] =	wrdreg $0xFFFFFFFF  }
0xb3: {  	[dreg:$0x0] =	wrdreg $0x60  }
0xb4: {  	[dreg:$0x2] =	wrdreg s16  }
0xb5: {  	[dreg:$0x3] =	wrdreg s24  }
0xb6: {  	[dreg:$0x4] =	wrdreg $0x9  }
0xb7: {  	_ =	task.clear_ibuf [dreg:s7], $0x5FFFF;
	_ =	strace $0x90000046  }
0xb8: {  	s29 =	simm.s32 $0x9;
	_ =	strace $0x80000048  }
0xb9: {  	_ =	swait.ge [sflag:s29], $0x1  }
0xba: {  	[sflag:s29] =	ssyncadd.s32 $0xFFFFFFFF  }
0xbb: {  	_ =	strace $0x90000048  }
0xbc: {  	_ =	sfence  }
0xbd: {  	s30 =	sld [smem:$0x0];
	_ =	sdelay $0x2  }
0xbe: {  	s31 =	sshll.u32 s1, $0xD;
	s1 =	sshrl.u32 s1, $0x2  }
0xbf: {  	s3 =	sand.u32 $0x4000, s31;
	s1 =	sadd.s32 s1, s30  }
0xc0: {  	s0 =	sor.u32 s3, s0;
	s1 =	sshll.u32 s1, $0x11  }
0xc1: {  	s0 =	sor.u32 s1, s0  }
0xc2: {  	s0 =	sadd.s32 $0x8F2B, s0  }
0xc3: {  	[sflag:s0] =	ssyncadd.remote.s32 $0x1  }
0xc4: {  	_ =	sfence.sel $0xFFFF  }
0xc5: {  	[dreg:$0x0] =	wrdreg $0xFFFFFFFF;
	(pc) =	sbr.abs _section_cstart, $3  }
0xc6: {  	[dreg:$0x1] =	wrdreg $0xFFFFFFFF  }
0xc7: {  	_ =	task.clear_ibuf [dreg:s7], $0x2FFFF;
	_ =	strace $0x9FFFFFFF  }
0xc8: {  	(tm) =	ssettm $0x7FFFFFFF  }
0xc9: {  	_ =	shalt  }
tec
execute0_lowered:
.L_overlay_start_1:
0x0: {  	(tag) =	ssettag $0x1  }
0x1: {  	s1 =	rddreg [dreg:$0x0]  }
0x2: {  	s0 =	rddreg [dreg:$0x1];
	s3 =	srdreg.scid  }
0x3: {  	s2 =	simm.s32 $0x0;
	s9 =	stileid.u32;
	s31 =	simm.s32 $0x1  }
0x4: {  	s3 =	sand.u32 $0x1, s3;
	[smem:$0x7FF] =	sst s2;
	s5 =	sshll.u32 s9, $0x1  }
0x5: {  	s23 =	sadd.s32 $0x2A00, s0;
	p1 =	sgt.u32 s9, $0x7;
	s4 =	ssub.s32 $0x2, s3  }
0x6: {  	_ =	strace $0x80000047;
	s3 =	sor.u32 s3, s5;
	s6 =	sshrl.u32 s4, $0x1  }
0x7: {  	s24 =	smul.u32 $0x4020, s3;
	s25 =	sshll.u32 s3, $0xF;
	s7 =	sadd.s32 $0xFFFFFFF0, s3  }
0x8: {  	s8 =	smul.u32 $0x20100, s3;
	s0 =	ssub.s32 s4, s6;
	s4 =	sadd.s32 s23, s25  }
0x9: {  	s26 =	sshll.u32 s7, $0xF;
	p0 =	sgt.u32 s7, $0xF;
	s7 =	simm.s32 $0x0  }
0xa: {  	v0 =	vlaneseq.u32;
	s3 =	sadd.s32 s1, s24;
	s5 =	sadd.s32 s26, s23;
	s15 =	sadd.s32 $0x100, s4  }
0xb: {  	v1 =	vadd.s32 $0x1, v0;
	v2 =	vadd.s32 $0x11, v0;
	v3 =	vadd.s32 $0x21, v0;
	s11 =	sshrl.u32 s8, $0x3;
	s16 =	sadd.s32 $0x4000, s4;
	[dreg:$0x7] =	wrdreg s15  }
0xc: {  	v4 =	vadd.s32 $0x31, v0;
	v5 =	vadd.s32 $0x41, v0;
	v6 =	vmul.u32 $0x80, v0;
	s8 =	sadd.s32 $0xFFDFF000, s8;
	s20 =	sadd.s32 $0x2080, s4;
	[dreg:$0x8] =	wrdreg s16  }
0xd: {  	v7 =	vadd.s32 $0x51, v0;
	v8 =	vadd.s32 $0x61, v0;
	v9 =	vadd.s32 $0x71, v0;
	s28 =	sadd.s32 $0x6080, s4;
	s10 =	sadd.s32 $0xFFFBFE10, s3;
	[dreg:$0xd] =	wrdreg s20  }
0xe: {  	v10 =	vor.u32 $0x10, v0;
	v12 =	vor.u32 $0x20, v0;
	v14 =	vor.u32 $0x30, v0;
	s29 =	sadd.s32 $0x4180, s4;
	s12 =	sadd.s32 $0x80, s5;
	[dreg:$0x3] =	wrdreg s10  }
0xf: {  	v16 =	vor.u32 $0x40, v0;
	v18 =	vor.u32 $0x50, v0;
	v20 =	vor.u32 $0x60, v0;
	s30 =	sadd.s32 $0x6100, s4;
	s13 =	sadd.s32 $0x2000, s5;
	[dreg:$0x4] =	wrdreg s12  }
0x10: {  	v22 =	vor.u32 $0x70, v0;
	v24 =	vadd.s32 $0x81, v0;
	v25 =	vadd.s32 $0x91, v0;
	s6 =	sadd.s32 s1, s11;
	s17 =	sadd.s32 $0x180, s5;
	[dreg:$0x5] =	wrdreg s13  }
0x11: {  	v26 =	vadd.s32 $0xA1, v0;
	v27 =	vadd.s32 $0xB1, v0;
	v28 =	vadd.s32 $0xC1, v0;
	s8 =	sshrl.u32 s8, $0x3;
	s18 =	sadd.s32 $0x6000, s5;
	[dreg:$0xa] =	wrdreg s17  }
0x12: {  	v29 =	vadd.s32 $0xD1, v0;
	v30 =	vadd.s32 $0xE1, v0;
	v31 =	vadd.s32 $0xF1, v0;
	s22 =	sadd.s32 $0x2100, s5;
	s23 =	sadd.s32 $0x4080, s5;
	[dreg:$0xb] =	wrdreg s18  }
0x13: {  	v32 =	vor.u32 $0x80, v0;
	v33 =	vor.u32 $0x90, v0;
	v34 =	vor.u32 $0xA0, v0;
	s26 =	sadd.s32 $0x4100, s5;
	s14 =	sadd.s32 $0x20, s6;
	[dreg:$0xf] =	wrdreg s22  }
0x14: {  	v35 =	vor.u32 $0xB0, v0;
	v36 =	vor.u32 $0xC0, v0;
	v37 =	vor.u32 $0xD0, v0;
	s1 =	sadd.s32 s1, s8;
	s19 =	sadd.s32 $0x1C08, s6;
	[dreg:$0x10] =	wrdreg s23  }
0x15: {  	v38 =	vor.u32 $0xE0, v0;
	v39 =	vor.u32 $0xF0, v0;
	v40 =	vadd.s32 $0x101, v0;
	s24 =	sadd.s32 $0x1C28, s6;
	[dreg:$0x13] =	wrdreg s26;
	s22 =	sadd.s32 $0x3020, s6  }
0x16: {  	v41 =	vadd.s32 $0x111, v0;
	v42 =	vadd.s32 $0x121, v0;
	v43 =	vadd.s32 $0x131, v0;
	s26 =	sadd.s32 $0x2180, s4;
	s6 =	simm.s32 $0x11F00;
	[dreg:$0x6] =	wrdreg s14  }
.Ltmp0:
0x17: {  	v44 =	vadd.s32 $0x141, v0;
	v45 =	vadd.s32 $0x151, v0;
	v46 =	vadd.s32 $0x161, v0;
	s8 =	sadd.s32 $0x30, s1;
	[dreg:$0xc] =	wrdreg s19;
	(pc) =	sbr.rel .LBB2_1-.Ltmp0, $4  }
0x18: {  	v47 =	vadd.s32 $0x171, v0;
	v48 =	vor.u32 $0x100, v0;
	v49 =	vor.u32 $0x110, v0;
	s21 =	sadd.s32 $0x1C18, s1;
	[dreg:$0x11] =	wrdreg s24;
	s25 =	sadd.s32 $0x3010, s1  }
0x19: {  	v50 =	vor.u32 $0x120, v0;
	v51 =	vor.u32 $0x130, v0;
	v11 =	vor.u32 $0x800, v6;
	s23 =	sadd.s32 $0x3C18, s1;
	s24 =	sadd.s32 $0x6180, s5;
	[dreg:$0x9] =	wrdreg s8  }
0x1a: {  	v13 =	vor.u32 $0x1000, v6;
	v15 =	vor.u32 $0x1800, v6;
	v17 =	vor.u32 $0x2000, v6;
	s1 =	simm.s32 $0x400;
	s5 =	simm.s32 $0x1000;
	[dreg:$0xe] =	wrdreg s21  }
0x1b: {  	v19 =	vor.u32 $0x2800, v6;
	v21 =	vor.u32 $0x3000, v6;
	v23 =	vor.u32 $0x3800, v6;
	[dreg:$0x12] =	wrdreg s25;
	s25 =	smax.u32 s0, $0x1;
	s0 =	simm.s32 $0xDF00  }
.LBB2_48:
0x1c: {  	_ =	sdelay $0x2  }
0x1d: {  	s9 =	sadd.s32 $0x180, s9;
	v62 =	vand.u32 $0x7F, v62  }
0x1e: {  	v63 =	vmov s9;
	v62 =	vbroadcast v62, $0x0  }
0x1f: {  	[tilespmem:v61+s0+$0x0] =	vst.idx.msk vm0, v60;
	s8 =	sadd.s32 $0x80, s8;
	vm1 =	vlt.u32 v63, v52  }
0x20: {  	v52 =	vld [tilespmem:s8+$0xFFFFFFC0];
	v60 =	vor.u32 v6, v62;
	_ =	sdelay $0x4  }
0x21: {  	vm9 =	vlt.u32 v63, v53;
	[tilespmem:v60+s0+$0x0] =	vst.idx.msk vm1, v52  }
0x22: {  	v61 =	vor.u32 v11, v62;
	v52 =	vld [tilespmem:s8+$0xFFFFFFD0];
	_ =	sdelay $0x4  }
0x23: {  	vm10 =	vlt.u32 v63, v54;
	[tilespmem:v61+s0+$0x0] =	vst.idx.msk vm9, v52  }
0x24: {  	v60 =	vor.u32 v13, v62;
	v52 =	vld [tilespmem:s8+$0xFFFFFFE0];
	_ =	sdelay $0x4  }
0x25: {  	vm11 =	vlt.u32 v63, v55;
	[tilespmem:v60+s0+$0x0] =	vst.idx.msk vm10, v52  }
0x26: {  	v61 =	vor.u32 v15, v62;
	v52 =	vld [tilespmem:s8+$0xFFFFFFF0];
	_ =	sdelay $0x4  }
0x27: {  	vm12 =	vlt.u32 v63, v56;
	[tilespmem:v61+s0+$0x0] =	vst.idx.msk vm11, v52  }
0x28: {  	v56 =	vor.u32 v17, v62;
	v52 =	vld [tilespmem:s8+$0x0];
	_ =	sdelay $0x4  }
0x29: {  	vm13 =	vlt.u32 v63, v57;
	[tilespmem:v56+s0+$0x0] =	vst.idx.msk vm12, v52  }
0x2a: {  	v60 =	vor.u32 v19, v62;
	v52 =	vld [tilespmem:s8+$0x10];
	_ =	sdelay $0x4  }
0x2b: {  	vm14 =	vlt.u32 v63, v58;
	[tilespmem:v60+s0+$0x0] =	vst.idx.msk vm13, v52  }
0x2c: {  	v61 =	vor.u32 v21, v62;
	v52 =	vld [tilespmem:s8+$0x20];
	_ =	sdelay $0x4  }
0x2d: {  	vm15 =	vlt.u32 v63, v59;
	[tilespmem:v61+s0+$0x0] =	vst.idx.msk vm14, v52  }
0x2e: {  	v63 =	vor.u32 v23, v62;
	v52 =	vld [tilespmem:s8+$0x30];
	_ =	sdelay $0x4  }
0x2f: {  	[tilespmem:v63+s0+$0x0] =	vst.idx.msk vm15, v52  }
0x30: {  	[hbm4b:s24+s1] =	stream.strided.scatter [tilespmem:s0], [sflag:$0x1], $0x4000, s5, s1, $0x38;
	[tilespmem:$0x15F00] =	vst v63  }
0x31: {  	_ =	swait.ge [sflag:s31], $0x4000  }
0x32: {  	[sflag:s31] =	ssyncset.done $0x0  }
0x33: {  	[sflag:s31] =	ssyncadd.s32 $0xFFFFC000  }
.LBB2_49:
0x34: {  	s7 =	sadd.s32 $0x1, s7  }
0x35: {  	p2 =	sne.s32 s7, s25  }
.Ltmp1:
0x36: {  	_ = 	snop;
	(pc) =	sbr.rel @!p2 .LBB2_50-.Ltmp1, $1  }
0x37: {  	_ =	sdelay $0x3  }
.LBB2_1:
.Ltmp2:
0x38: {  	(pc) =	sbr.rel @p1 .LBB2_7-.Ltmp2, $1  }
0x39: {  	_ =	sdelay $0x3  }
0x3a: {  	s9 =	simm.s32 $0x0;
	s8 =	simm.s32 $0xFFFFFFFF  }
0x3b: {  	s8 =	smul.u32 s9, s8;
	_ =	sdelay $0x1  }
0x3c: {  	s10 =	sand.u32 $0x8000, s8  }
0x3d: {  	s10 =	sshrl.u32 s10, $0xF  }
0x3e: {  	s8 =	sadd.s32 s10, s8  }
0x3f: {  	s8 =	sshll.u32 s8, $0x10  }
0x40: {  	s8 =	sshra.s32 s8, $0x11  }
0x41: {  	s11 =	ssub.s32 $0x0, s8  }
0x42: {  	v52 =	vadd.s32 s11, v0  }
0x43: {  	[tilespmem:s9], [sflag:$0x1] =	stream.linear.gather [hbm4b:s3+s9], $0xDEC0, $0x38;
	[tilespmem:$0x15F00] =	vst v63  }
0x44: {  	_ =	swait.ge [sflag:s31], $0xDEC0  }
0x45: {  	[sflag:s31] =	ssyncset.done $0x0  }
0x46: {  	[sflag:s31] =	ssyncadd.s32 $0xFFFF2140  }
0x47: {  	v53 =	vld.idx.msk [tilespmem:v52+s9+$0x0], $0xffff  }
0x48: {  	s8 =	sadd.s32 $0x10, s11  }
0x49: {  	v54 =	vadd.s32 s8, v0  }
0x4a: {  	v52 =	vmov s9  }
0x4b: {  	vm0 =	vlt.u32 v52, v1  }
0x4c: {  	s8 =	simm.s32 $0xDF40;
	v53 =	vnsel vm0, $0x0, v53  }
0x4d: {  	[tilespmem:s8+$0xFFFFFFC0] =	vst v53  }
0x4e: {  	v53 =	vld.idx.msk [tilespmem:v54+s9+$0x0], $0xffff  }
0x4f: {  	s17 =	sadd.s32 $0x20, s11  }
0x50: {  	v59 =	vadd.s32 s17, v0;
	_ =	sdelay $0x1  }
0x51: {  	vm11 =	vlt.u32 v52, v2  }
0x52: {  	v53 =	vnsel vm11, $0x0, v53  }
0x53: {  	[tilespmem:s8+$0xFFFFFFD0] =	vst v53  }
0x54: {  	v53 =	vld.idx.msk [tilespmem:v59+s9+$0x0], $0xffff  }
0x55: {  	s18 =	sadd.s32 $0x30, s11  }
0x56: {  	v60 =	vadd.s32 s18, v0;
	_ =	sdelay $0x1  }
0x57: {  	vm12 =	vlt.u32 v52, v3  }
0x58: {  	v53 =	vnsel vm12, $0x0, v53  }
0x59: {  	[tilespmem:s8+$0xFFFFFFE0] =	vst v53  }
0x5a: {  	v53 =	vld.idx.msk [tilespmem:v60+s9+$0x0], $0xffff  }
0x5b: {  	s19 =	sadd.s32 $0x40, s11  }
0x5c: {  	v61 =	vadd.s32 s19, v0;
	_ =	sdelay $0x1  }
0x5d: {  	vm13 =	vlt.u32 v52, v4  }
0x5e: {  	v53 =	vnsel vm13, $0x0, v53  }
0x5f: {  	[tilespmem:s8+$0xFFFFFFF0] =	vst v53  }
0x60: {  	v53 =	vld.idx.msk [tilespmem:v61+s9+$0x0], $0xffff  }
0x61: {  	s20 =	sadd.s32 $0x50, s11  }
0x62: {  	v62 =	vadd.s32 s20, v0;
	_ =	sdelay $0x1  }
0x63: {  	vm14 =	vlt.u32 v52, v5  }
0x64: {  	v53 =	vnsel vm14, $0x0, v53  }
0x65: {  	[tilespmem:s8+$0x0] =	vst v53  }
0x66: {  	v53 =	vld.idx.msk [tilespmem:v62+s9+$0x0], $0xffff  }
0x67: {  	s21 =	sadd.s32 $0x60, s11  }
0x68: {  	v63 =	vadd.s32 s21, v0;
	_ =	sdelay $0x1  }
0x69: {  	vm15 =	vlt.u32 v52, v7  }
0x6a: {  	v53 =	vnsel vm15, $0x0, v53  }
0x6b: {  	[tilespmem:s8+$0x10] =	vst v53  }
0x6c: {  	s12 =	simm.s32 $0x1FF;
	s15 =	simm.s32 $0x0;
	s13 =	simm.s32 $0x3FE;
	v53 =	vld.idx.msk [tilespmem:v63+s9+$0x0], $0xffff  }
0x6d: {  	s10 =	simm.s32 $0x1;
	s14 =	sadd.s32 $0x70, s11;
	s11 =	simm.s32 $0xDF40  }
.LBB2_3:
0x6e: {  	p2 =	sne.s32 s13, $0xFD81;
	s15 =	smul.u32 s10, s15;
	v54 =	vadd.s32 s14, v0;
	_ =	sdelay $0x1  }
0x6f: {  	vm0 =	vlt.u32 v52, v8;
	s14 =	sand.u32 $0x8000, s15  }
0x70: {  	v53 =	vnsel vm0, $0x0, v53;
	s14 =	sshrl.u32 s14, $0xF  }
0x71: {  	s14 =	sadd.s32 s14, s15;
	[tilespmem:s11+$0x20] =	vst v53  }
0x72: {  	s14 =	sshll.u32 s14, $0x10;
	v53 =	vld.idx.msk [tilespmem:v54+s9+$0x0], $0xffff  }
0x73: {  	s14 =	sshra.s32 s14, $0x11  }
0x74: {  	s14 =	ssub.s32 s12, s14;
	s12 =	smov.u32 s13  }
0x75: {  	v54 =	vadd.s32 s14, v0;
	_ =	sdelay $0x1  }
0x76: {  	vm0 =	vlt.u32 v52, v9  }
0x77: {  	v52 =	vnsel vm0, $0x0, v53  }
0x78: {  	[tilespmem:s11+$0x30] =	vst v52  }
0x79: {  	v53 =	vld.idx.msk [tilespmem:v54+s9+$0x0], $0xffff;
	_ =	sdelay $0x1  }
0x7a: {  	s15 =	sadd.s32 $0x10, s14  }
0x7b: {  	v54 =	vadd.s32 s15, v0  }
0x7c: {  	v52 =	vmov s10  }
0x7d: {  	vm0 =	vlt.u32 v52, v1  }
0x7e: {  	s11 =	sadd.s32 $0x80, s11;
	v53 =	vnsel vm0, $0x0, v53  }
0x7f: {  	[tilespmem:s11+$0xFFFFFFC0] =	vst v53  }
0x80: {  	v53 =	vld.idx.msk [tilespmem:v54+s9+$0x0], $0xffff;
	_ =	sdelay $0x1  }
0x81: {  	s15 =	sadd.s32 $0x20, s14  }
0x82: {  	v54 =	vadd.s32 s15, v0;
	_ =	sdelay $0x1  }
0x83: {  	vm0 =	vlt.u32 v52, v2  }
0x84: {  	v53 =	vnsel vm0, $0x0, v53  }
0x85: {  	[tilespmem:s11+$0xFFFFFFD0] =	vst v53  }
0x86: {  	v53 =	vld.idx.msk [tilespmem:v54+s9+$0x0], $0xffff;
	_ =	sdelay $0x1  }
0x87: {  	s15 =	sadd.s32 $0x30, s14  }
0x88: {  	v54 =	vadd.s32 s15, v0;
	_ =	sdelay $0x1  }
0x89: {  	vm0 =	vlt.u32 v52, v3  }
0x8a: {  	v53 =	vnsel vm0, $0x0, v53  }
0x8b: {  	[tilespmem:s11+$0xFFFFFFE0] =	vst v53  }
0x8c: {  	v53 =	vld.idx.msk [tilespmem:v54+s9+$0x0], $0xffff;
	_ =	sdelay $0x1  }
0x8d: {  	s15 =	sadd.s32 $0x40, s14  }
0x8e: {  	v54 =	vadd.s32 s15, v0;
	_ =	sdelay $0x1  }
0x8f: {  	vm0 =	vlt.u32 v52, v4  }
0x90: {  	v53 =	vnsel vm0, $0x0, v53  }
0x91: {  	[tilespmem:s11+$0xFFFFFFF0] =	vst v53  }
0x92: {  	v53 =	vld.idx.msk [tilespmem:v54+s9+$0x0], $0xffff;
	_ =	sdelay $0x1  }
0x93: {  	s15 =	sadd.s32 $0x50, s14  }
0x94: {  	v54 =	vadd.s32 s15, v0;
	_ =	sdelay $0x1  }
0x95: {  	vm0 =	vlt.u32 v52, v5  }
0x96: {  	v53 =	vnsel vm0, $0x0, v53  }
0x97: {  	[tilespmem:s11+$0x0] =	vst v53  }
0x98: {  	v53 =	vld.idx.msk [tilespmem:v54+s9+$0x0], $0xffff;
	_ =	sdelay $0x1  }
0x99: {  	s15 =	sadd.s32 $0x60, s14  }
0x9a: {  	v54 =	vadd.s32 s15, v0;
	_ =	sdelay $0x1  }
0x9b: {  	vm0 =	vlt.u32 v52, v7  }
.Ltmp3:
0x9c: {  	v53 =	vnsel vm0, $0x0, v53;
	(pc) =	sbr.rel @p2 .LBB2_3-.Ltmp3, $4  }
0x9d: {  	[tilespmem:s11+$0x10] =	vst v53  }
0x9e: {  	v53 =	vld.idx.msk [tilespmem:v54+s9+$0x0], $0xffff  }
0x9f: {  	s10 =	sadd.s32 $0x1, s10  }
0xa0: {  	s13 =	sadd.s32 $0x1FF, s13;
	s14 =	sadd.s32 $0x70, s14;
	s15 =	sadd.s32 $0xFFFFFFFF, s10  }
0xa1: {  	s13 =	smul.u32 s10, s15  }
0xa2: {  	v54 =	vadd.s32 s14, v0  }
0xa3: {  	s21 =	sand.u32 $0x8000, s13  }
0xa4: {  	vm0 =	vlt.u32 v52, v8;
	s14 =	sshrl.u32 s21, $0xF  }
0xa5: {  	v53 =	vnsel vm0, $0x0, v53;
	s13 =	sadd.s32 s14, s13  }
0xa6: {  	[tilespmem:s11+$0x20] =	vst v53;
	s13 =	sshll.u32 s13, $0x10  }
0xa7: {  	v53 =	vld.idx.msk [tilespmem:v54+s9+$0x0], $0xffff;
	s13 =	sshra.s32 s13, $0x11  }
0xa8: {  	s12 =	ssub.s32 s12, s13  }
0xa9: {  	v63 =	vadd.s32 s12, v0;
	_ =	sdelay $0x1  }
0xaa: {  	vm0 =	vlt.u32 v52, v9  }
0xab: {  	v52 =	vnsel vm0, $0x0, v53  }
0xac: {  	[tilespmem:s11+$0x30] =	vst v52  }
0xad: {  	v52 =	vld.idx.msk [tilespmem:v63+s9+$0x0], $0xffff  }
0xae: {  	s13 =	sadd.s32 $0x10, s12  }
0xaf: {  	v57 =	vadd.s32 s13, v0  }
0xb0: {  	v58 =	vmov s10  }
0xb1: {  	vm0 =	vlt.u32 v58, v1  }
0xb2: {  	s15 =	sadd.s32 $0x80, s11;
	v52 =	vnsel vm0, $0x0, v52  }
0xb3: {  	[tilespmem:s15+$0xFFFFFFC0] =	vst v52  }
0xb4: {  	v52 =	vld.idx.msk [tilespmem:v57+s9+$0x0], $0xffff  }
0xb5: {  	s16 =	sadd.s32 $0x20, s12  }
0xb6: {  	v59 =	vadd.s32 s16, v0;
	_ =	sdelay $0x1  }
0xb7: {  	vm0 =	vlt.u32 v58, v2  }
0xb8: {  	v52 =	vnsel vm0, $0x0, v52  }
0xb9: {  	[tilespmem:s15+$0xFFFFFFD0] =	vst v52  }
0xba: {  	v52 =	vld.idx.msk [tilespmem:v59+s9+$0x0], $0xffff  }
0xbb: {  	s17 =	sadd.s32 $0x30, s12  }
0xbc: {  	v60 =	vadd.s32 s17, v0;
	_ =	sdelay $0x1  }
0xbd: {  	vm0 =	vlt.u32 v58, v3  }
0xbe: {  	v52 =	vnsel vm0, $0x0, v52  }
0xbf: {  	[tilespmem:s15+$0xFFFFFFE0] =	vst v52  }
0xc0: {  	v52 =	vld.idx.msk [tilespmem:v60+s9+$0x0], $0xffff  }
0xc1: {  	s18 =	sadd.s32 $0x40, s12  }
0xc2: {  	v61 =	vadd.s32 s18, v0;
	_ =	sdelay $0x1  }
0xc3: {  	vm0 =	vlt.u32 v58, v4  }
0xc4: {  	v52 =	vnsel vm0, $0x0, v52  }
0xc5: {  	[tilespmem:s15+$0xFFFFFFF0] =	vst v52  }
0xc6: {  	v52 =	vld.idx.msk [tilespmem:v61+s9+$0x0], $0xffff  }
0xc7: {  	s19 =	sadd.s32 $0x50, s12  }
0xc8: {  	v62 =	vadd.s32 s19, v0;
	_ =	sdelay $0x1  }
0xc9: {  	vm0 =	vlt.u32 v58, v5  }
0xca: {  	v52 =	vnsel vm0, $0x0, v52  }
0xcb: {  	[tilespmem:s15+$0x0] =	vst v52  }
0xcc: {  	v52 =	vld.idx.msk [tilespmem:v62+s9+$0x0], $0xffff  }
0xcd: {  	s20 =	sadd.s32 $0x60, s12  }
0xce: {  	v63 =	vadd.s32 s20, v0;
	_ =	sdelay $0x1  }
0xcf: {  	vm0 =	vlt.u32 v58, v7  }
0xd0: {  	v52 =	vnsel vm0, $0x0, v52  }
0xd1: {  	[tilespmem:s15+$0x10] =	vst v52  }
0xd2: {  	v52 =	vld.idx.msk [tilespmem:v63+s9+$0x0], $0xffff  }
0xd3: {  	s21 =	sadd.s32 $0x70, s12  }
0xd4: {  	v56 =	vadd.s32 s21, v0;
	_ =	sdelay $0x1  }
0xd5: {  	vm0 =	vlt.u32 v58, v8  }
0xd6: {  	v52 =	vnsel vm0, $0x0, v52  }
0xd7: {  	[tilespmem:s15+$0x20] =	vst v52  }
0xd8: {  	v52 =	vld.idx.msk [tilespmem:v56+s9+$0x0], $0xffff;
	_ =	sdelay $0x3  }
0xd9: {  	vm0 =	vlt.u32 v58, v9  }
0xda: {  	v53 =	vmov s9;
	v52 =	vnsel vm0, $0x0, v52  }
0xdb: {  	vm0 =	vlt.u32 v53, v0;
	[tilespmem:s15+$0x30] =	vst v52  }
0xdc: {  	v57 =	vor.u32 s9, v6;
	v52 =	vld [tilespmem:s8+$0xFFFFFFC0];
	_ =	sdelay $0x4  }
0xdd: {  	[tilespmem:v57+s0+$0x0] =	vst.idx.msk vm0, v52;
	vm0 =	vlt.u32 v53, v10  }
0xde: {  	v58 =	vor.u32 s9, v11;
	v52 =	vld [tilespmem:s8+$0xFFFFFFD0];
	_ =	sdelay $0x4  }
0xdf: {  	[tilespmem:v58+s0+$0x0] =	vst.idx.msk vm0, v52;
	vm0 =	vlt.u32 v53, v12  }
0xe0: {  	v59 =	vor.u32 s9, v13;
	v52 =	vld [tilespmem:s8+$0xFFFFFFE0];
	_ =	sdelay $0x4  }
0xe1: {  	[tilespmem:v59+s0+$0x0] =	vst.idx.msk vm0, v52;
	vm0 =	vlt.u32 v53, v14  }
0xe2: {  	v60 =	vor.u32 s9, v15;
	v52 =	vld [tilespmem:s8+$0xFFFFFFF0];
	_ =	sdelay $0x4  }
0xe3: {  	[tilespmem:v60+s0+$0x0] =	vst.idx.msk vm0, v52;
	vm0 =	vlt.u32 v53, v16  }
0xe4: {  	v61 =	vor.u32 s9, v17;
	v52 =	vld [tilespmem:s8+$0x0];
	_ =	sdelay $0x4  }
0xe5: {  	[tilespmem:v61+s0+$0x0] =	vst.idx.msk vm0, v52;
	vm0 =	vlt.u32 v53, v18  }
0xe6: {  	v62 =	vor.u32 s9, v19;
	v52 =	vld [tilespmem:s8+$0x10];
	_ =	sdelay $0x4  }
0xe7: {  	[tilespmem:v62+s0+$0x0] =	vst.idx.msk vm0, v52;
	vm0 =	vlt.u32 v53, v20  }
0xe8: {  	v63 =	vor.u32 s9, v21;
	v52 =	vld [tilespmem:s8+$0x20];
	_ =	sdelay $0x4  }
0xe9: {  	[tilespmem:v63+s0+$0x0] =	vst.idx.msk vm0, v52;
	vm0 =	vlt.u32 v53, v22  }
0xea: {  	v54 =	vor.u32 s9, v23;
	v53 =	vld [tilespmem:s8+$0x30];
	_ =	sdelay $0x2  }
0xeb: {  	s10 =	simm.s32 $0x1  }
0xec: {  	s9 =	simm.s32 $0x2;
	v52 =	vmov s10  }
.LBB2_5:
0xed: {  	p2 =	sne.s32 s9, $0x7F;
	vm1 =	vlt.u32 v52, v0;
	[tilespmem:v54+s0+$0x0] =	vst.idx.msk vm0, v53;
	s8 =	sadd.s32 $0x80, s8  }
0xee: {  	v54 =	vor.u32 s10, v6;
	v53 =	vld [tilespmem:s8+$0xFFFFFFC0];
	_ =	sdelay $0x4  }
0xef: {  	vm0 =	vlt.u32 v52, v10;
	[tilespmem:v54+s0+$0x0] =	vst.idx.msk vm1, v53  }
0xf0: {  	v54 =	vor.u32 s10, v11;
	v53 =	vld [tilespmem:s8+$0xFFFFFFD0];
	_ =	sdelay $0x4  }
0xf1: {  	[tilespmem:v54+s0+$0x0] =	vst.idx.msk vm0, v53;
	vm0 =	vlt.u32 v52, v12  }
0xf2: {  	v54 =	vor.u32 s10, v13;
	v53 =	vld [tilespmem:s8+$0xFFFFFFE0];
	_ =	sdelay $0x4  }
0xf3: {  	[tilespmem:v54+s0+$0x0] =	vst.idx.msk vm0, v53;
	vm0 =	vlt.u32 v52, v14  }
0xf4: {  	v54 =	vor.u32 s10, v15;
	v53 =	vld [tilespmem:s8+$0xFFFFFFF0];
	_ =	sdelay $0x4  }
0xf5: {  	[tilespmem:v54+s0+$0x0] =	vst.idx.msk vm0, v53;
	vm0 =	vlt.u32 v52, v16  }
0xf6: {  	v54 =	vor.u32 s10, v17;
	v53 =	vld [tilespmem:s8+$0x0];
	_ =	sdelay $0x4  }
0xf7: {  	[tilespmem:v54+s0+$0x0] =	vst.idx.msk vm0, v53;
	vm0 =	vlt.u32 v52, v18  }
0xf8: {  	v54 =	vor.u32 s10, v19;
	v53 =	vld [tilespmem:s8+$0x10];
	_ =	sdelay $0x4  }
0xf9: {  	[tilespmem:v54+s0+$0x0] =	vst.idx.msk vm0, v53;
	vm0 =	vlt.u32 v52, v20  }
0xfa: {  	v54 =	vor.u32 s10, v21;
	v53 =	vld [tilespmem:s8+$0x20];
	_ =	sdelay $0x4  }
0xfb: {  	[tilespmem:v54+s0+$0x0] =	vst.idx.msk vm0, v53;
	vm0 =	vlt.u32 v52, v22  }
.Ltmp4:
0xfc: {  	v54 =	vor.u32 s10, v23;
	s10 =	smov.u32 s9;
	v53 =	vld [tilespmem:s8+$0x30];
	(pc) =	sbr.rel @p2 .LBB2_5-.Ltmp4, $2  }
0xfd: {  	_ =	sdelay $0x2  }
0xfe: {  	s9 =	sadd.s32 $0x1, s9;
	v52 =	vmov s10  }
0xff: {  	_ =	sdelay $0x4  }
0x100: {  	vm1 =	vlt.u32 v52, v0;
	[tilespmem:v54+s0+$0x0] =	vst.idx.msk vm0, v53;
	s8 =	sadd.s32 $0x80, s8  }
0x101: {  	v62 =	vor.u32 s10, v6;
	v53 =	vld [tilespmem:s8+$0xFFFFFFC0];
	_ =	sdelay $0x4  }
0x102: {  	vm9 =	vlt.u32 v52, v10;
	[tilespmem:v62+s0+$0x0] =	vst.idx.msk vm1, v53  }
0x103: {  	v63 =	vor.u32 s10, v11;
	v53 =	vld [tilespmem:s8+$0xFFFFFFD0];
	_ =	sdelay $0x4  }
0x104: {  	vm10 =	vlt.u32 v52, v12;
	[tilespmem:v63+s0+$0x0] =	vst.idx.msk vm9, v53  }
0x105: {  	v57 =	vor.u32 s10, v13;
	v53 =	vld [tilespmem:s8+$0xFFFFFFE0];
	_ =	sdelay $0x4  }
0x106: {  	vm11 =	vlt.u32 v52, v14;
	[tilespmem:v57+s0+$0x0] =	vst.idx.msk vm10, v53  }
0x107: {  	v58 =	vor.u32 s10, v15;
	v53 =	vld [tilespmem:s8+$0xFFFFFFF0];
	_ =	sdelay $0x4  }
0x108: {  	vm12 =	vlt.u32 v52, v16;
	[tilespmem:v58+s0+$0x0] =	vst.idx.msk vm11, v53  }
0x109: {  	v59 =	vor.u32 s10, v17;
	v53 =	vld [tilespmem:s8+$0x0];
	_ =	sdelay $0x4  }
0x10a: {  	vm13 =	vlt.u32 v52, v18;
	[tilespmem:v59+s0+$0x0] =	vst.idx.msk vm12, v53  }
0x10b: {  	v60 =	vor.u32 s10, v19;
	v53 =	vld [tilespmem:s8+$0x10];
	_ =	sdelay $0x4  }
0x10c: {  	vm14 =	vlt.u32 v52, v20;
	[tilespmem:v60+s0+$0x0] =	vst.idx.msk vm13, v53  }
0x10d: {  	v61 =	vor.u32 s10, v21;
	v53 =	vld [tilespmem:s8+$0x20];
	_ =	sdelay $0x4  }
0x10e: {  	vm15 =	vlt.u32 v52, v22;
	[tilespmem:v61+s0+$0x0] =	vst.idx.msk vm14, v53  }
0x10f: {  	v63 =	vor.u32 s10, v23;
	v62 =	vld [tilespmem:s8+$0x30];
	_ =	sdelay $0x4  }
0x110: {  	[tilespmem:v63+s0+$0x0] =	vst.idx.msk vm15, v62  }
0x111: {  	[hbm4b:s4+s1] =	stream.strided.scatter [tilespmem:s0], [sflag:$0x1], $0x4000, s5, s1, $0x38;
	[tilespmem:$0x15F00] =	vst v63  }
0x112: {  	_ =	swait.ge [sflag:s31], $0x4000  }
0x113: {  	[sflag:s31] =	ssyncset.done $0x0  }
0x114: {  	[sflag:s31] =	ssyncadd.s32 $0xFFFFC000  }
.LBB2_7:
.Ltmp5:
0x115: {  	(pc) =	sbr.rel @p0 .LBB2_11-.Ltmp5, $1  }
0x116: {  	_ =	sdelay $0x3  }
0x117: {  	s8 =	simm.s32 $0x0;
	s9 =	simm.s32 $0xFFFFFFFF  }
0x118: {  	s9 =	smul.u32 s8, s9;
	_ =	sdelay $0x1  }
0x119: {  	s10 =	sand.u32 $0x8000, s9  }
0x11a: {  	s10 =	sshrl.u32 s10, $0xF  }
0x11b: {  	s9 =	sadd.s32 s10, s9  }
0x11c: {  	s9 =	sshll.u32 s9, $0x10  }
0x11d: {  	s9 =	sshra.s32 s9, $0x11  }
0x11e: {  	s9 =	ssub.s32 $0x0, s9  }
0x11f: {  	s13 =	rddreg [dreg:$0x3];
	v52 =	vadd.s32 s9, v0  }
0x120: {  	[tilespmem:s8], [sflag:$0x1] =	stream.linear.gather [hbm4b:s13+s8], $0xDEC0, $0x38;
	[tilespmem:$0x15F00] =	vst v63  }
0x121: {  	v53 =	vmov s8;
	_ =	swait.ge [sflag:s31], $0xDEC0  }
0x122: {  	v53 =	vand.u32 $0x7F, v53;
	[sflag:s31] =	ssyncset.done $0x0  }
0x123: {  	v53 =	vbroadcast v53, $0x0;
	[sflag:s31] =	ssyncadd.s32 $0xFFFF2140  }
0x124: {  	v52 =	vld.idx.msk [tilespmem:v52+s2+$0x0], $0xffff  }
0x125: {  	v54 =	vor.u32 v6, v53;
	s14 =	sadd.s32 $0x10, s9  }
0x126: {  	v55 =	vadd.s32 s14, v0;
	_ =	sdelay $0x1  }
0x127: {  	s8 =	simm.s32 $0xDF40  }
0x128: {  	[tilespmem:s8+$0xFFFFFFC0] =	vst v52  }
0x129: {  	[tilespmem:v54+s6+$0x0] =	vst.idx.msk $0xffff, v52  }
0x12a: {  	v52 =	vld.idx.msk [tilespmem:v55+s2+$0x0], $0xffff  }
0x12b: {  	v59 =	vor.u32 v11, v53;
	s15 =	sadd.s32 $0x20, s9  }
0x12c: {  	v60 =	vadd.s32 s15, v0;
	_ =	sdelay $0x2  }
0x12d: {  	[tilespmem:s8+$0xFFFFFFD0] =	vst v52  }
0x12e: {  	[tilespmem:v59+s6+$0x0] =	vst.idx.msk $0xffff, v52  }
0x12f: {  	v52 =	vld.idx.msk [tilespmem:v60+s2+$0x0], $0xffff  }
0x130: {  	v61 =	vor.u32 v13, v53;
	s16 =	sadd.s32 $0x30, s9  }
0x131: {  	v62 =	vadd.s32 s16, v0;
	_ =	sdelay $0x2  }
0x132: {  	[tilespmem:s8+$0xFFFFFFE0] =	vst v52  }
0x133: {  	[tilespmem:v61+s6+$0x0] =	vst.idx.msk $0xffff, v52  }
0x134: {  	v52 =	vld.idx.msk [tilespmem:v62+s2+$0x0], $0xffff  }
0x135: {  	v63 =	vor.u32 v15, v53;
	s17 =	sadd.s32 $0x40, s9  }
0x136: {  	v57 =	vadd.s32 s17, v0;
	_ =	sdelay $0x2  }
0x137: {  	[tilespmem:s8+$0xFFFFFFF0] =	vst v52  }
0x138: {  	[tilespmem:v63+s6+$0x0] =	vst.idx.msk $0xffff, v52  }
0x139: {  	v52 =	vld.idx.msk [tilespmem:v57+s2+$0x0], $0xffff  }
0x13a: {  	v58 =	vor.u32 v17, v53;
	s18 =	sadd.s32 $0x50, s9  }
0x13b: {  	v59 =	vadd.s32 s18, v0;
	_ =	sdelay $0x2  }
0x13c: {  	[tilespmem:s8+$0x0] =	vst v52  }
0x13d: {  	[tilespmem:v58+s6+$0x0] =	vst.idx.msk $0xffff, v52  }
0x13e: {  	v52 =	vld.idx.msk [tilespmem:v59+s2+$0x0], $0xffff  }
0x13f: {  	s19 =	sadd.s32 $0x60, s9;
	v60 =	vor.u32 v19, v53  }
0x140: {  	v61 =	vadd.s32 s19, v0;
	_ =	sdelay $0x2  }
0x141: {  	[tilespmem:s8+$0x10] =	vst v52  }
0x142: {  	[tilespmem:v60+s6+$0x0] =	vst.idx.msk $0xffff, v52  }
0x143: {  	v52 =	vld.idx.msk [tilespmem:v61+s2+$0x0], $0xffff  }
0x144: {  	s11 =	simm.s32 $0x0;
	s20 =	sadd.s32 $0x70, s9;
	s9 =	simm.s32 $0x1;
	v62 =	vor.u32 v21, v53  }
0x145: {  	s11 =	smul.u32 s9, s11;
	v63 =	vadd.s32 s20, v0;
	_ =	sdelay $0x1  }
0x146: {  	s21 =	sand.u32 $0x8000, s11  }
0x147: {  	s10 =	sshrl.u32 s21, $0xF;
	[tilespmem:s8+$0x20] =	vst v52  }
0x148: {  	s10 =	sadd.s32 s10, s11;
	[tilespmem:v62+s6+$0x0] =	vst.idx.msk $0xffff, v52  }
0x149: {  	s10 =	sshll.u32 s10, $0x10;
	v52 =	vld.idx.msk [tilespmem:v63+s2+$0x0], $0xffff  }
0x14a: {  	s10 =	sshra.s32 s10, $0x11  }
0x14b: {  	s10 =	ssub.s32 $0x1FF, s10;
	v54 =	vor.u32 v23, v53  }
0x14c: {  	s11 =	simm.s32 $0x3FE;
	s17 =	sadd.s32 $0x20, s10;
	v53 =	vadd.s32 s10, v0  }
0x14d: {  	s16 =	sadd.s32 $0x30, s10;
	s15 =	sadd.s32 $0x40, s10;
	s13 =	sadd.s32 $0x50, s10  }
0x14e: {  	s12 =	sadd.s32 $0x60, s10;
	v55 =	vmov s9;
	s18 =	sadd.s32 $0x10, s10;
	s10 =	sadd.s32 $0x70, s10;
	[tilespmem:s8+$0x30] =	vst v52  }
.LBB2_9:
0x14f: {  	p2 =	sne.s32 s11, $0xFD81  }
0x150: {  	v55 =	vand.u32 $0x7F, v55;
	[tilespmem:v54+s6+$0x0] =	vst.idx.msk $0xffff, v52;
	s8 =	sadd.s32 $0x80, s8;
	s14 =	smov.u32 s11;
	s11 =	sadd.s32 $0x1FF, s11  }
0x151: {  	v52 =	vld.idx.msk [tilespmem:v53+s2+$0x0], $0xffff;
	v53 =	vbroadcast v55, $0x0;
	_ =	sdelay $0x1  }
0x152: {  	v54 =	vor.u32 v6, v53  }
0x153: {  	v55 =	vadd.s32 s18, v0;
	_ =	sdelay $0x2  }
0x154: {  	[tilespmem:s8+$0xFFFFFFC0] =	vst v52  }
0x155: {  	[tilespmem:v54+s6+$0x0] =	vst.idx.msk $0xffff, v52  }
0x156: {  	v52 =	vld.idx.msk [tilespmem:v55+s2+$0x0], $0xffff;
	_ =	sdelay $0x1  }
0x157: {  	v54 =	vor.u32 v11, v53  }
0x158: {  	v55 =	vadd.s32 s17, v0;
	_ =	sdelay $0x2  }
0x159: {  	[tilespmem:s8+$0xFFFFFFD0] =	vst v52  }
0x15a: {  	[tilespmem:v54+s6+$0x0] =	vst.idx.msk $0xffff, v52  }
0x15b: {  	v52 =	vld.idx.msk [tilespmem:v55+s2+$0x0], $0xffff;
	_ =	sdelay $0x1  }
0x15c: {  	v54 =	vor.u32 v13, v53  }
0x15d: {  	v55 =	vadd.s32 s16, v0;
	_ =	sdelay $0x2  }
0x15e: {  	[tilespmem:s8+$0xFFFFFFE0] =	vst v52  }
0x15f: {  	[tilespmem:v54+s6+$0x0] =	vst.idx.msk $0xffff, v52  }
0x160: {  	v52 =	vld.idx.msk [tilespmem:v55+s2+$0x0], $0xffff;
	_ =	sdelay $0x1  }
0x161: {  	v54 =	vor.u32 v15, v53  }
0x162: {  	v55 =	vadd.s32 s15, v0;
	_ =	sdelay $0x2  }
0x163: {  	[tilespmem:s8+$0xFFFFFFF0] =	vst v52  }
0x164: {  	[tilespmem:v54+s6+$0x0] =	vst.idx.msk $0xffff, v52  }
0x165: {  	v52 =	vld.idx.msk [tilespmem:v55+s2+$0x0], $0xffff;
	_ =	sdelay $0x1  }
0x166: {  	v54 =	vor.u32 v17, v53  }
0x167: {  	v55 =	vadd.s32 s13, v0;
	_ =	sdelay $0x2  }
0x168: {  	[tilespmem:s8+$0x0] =	vst v52  }
0x169: {  	[tilespmem:v54+s6+$0x0] =	vst.idx.msk $0xffff, v52  }
0x16a: {  	v52 =	vld.idx.msk [tilespmem:v55+s2+$0x0], $0xffff;
	_ =	sdelay $0x1  }
0x16b: {  	v54 =	vor.u32 v19, v53  }
0x16c: {  	v55 =	vadd.s32 s12, v0;
	_ =	sdelay $0x2  }
0x16d: {  	[tilespmem:s8+$0x10] =	vst v52  }
0x16e: {  	[tilespmem:v54+s6+$0x0] =	vst.idx.msk $0xffff, v52  }
0x16f: {  	v52 =	vld.idx.msk [tilespmem:v55+s2+$0x0], $0xffff  }
0x170: {  	s9 =	sadd.s32 $0x1, s9  }
0x171: {  	s12 =	sadd.s32 $0xFFFFFFFF, s9;
	v54 =	vor.u32 v21, v53  }
0x172: {  	s12 =	smul.u32 s9, s12;
	v55 =	vadd.s32 s10, v0;
	_ =	sdelay $0x1  }
0x173: {  	s10 =	sand.u32 $0x8000, s12  }
0x174: {  	s10 =	sshrl.u32 s10, $0xF;
	[tilespmem:s8+$0x20] =	vst v52  }
0x175: {  	s10 =	sadd.s32 s10, s12;
	[tilespmem:v54+s6+$0x0] =	vst.idx.msk $0xffff, v52  }
0x176: {  	s10 =	sshll.u32 s10, $0x10;
	v52 =	vld.idx.msk [tilespmem:v55+s2+$0x0], $0xffff  }
0x177: {  	s10 =	sshra.s32 s10, $0x11  }
.Ltmp6:
0x178: {  	s10 =	ssub.s32 s14, s10;
	v54 =	vor.u32 v23, v53;
	(pc) =	sbr.rel @p2 .LBB2_9-.Ltmp6, $4  }
0x179: {  	s18 =	sadd.s32 $0x10, s10;
	s17 =	sadd.s32 $0x20, s10;
	s16 =	sadd.s32 $0x30, s10;
	v53 =	vadd.s32 s10, v0  }
0x17a: {  	s15 =	sadd.s32 $0x40, s10;
	s13 =	sadd.s32 $0x50, s10;
	s12 =	sadd.s32 $0x60, s10  }
0x17b: {  	s10 =	sadd.s32 $0x70, s10  }
0x17c: {  	v55 =	vmov s9;
	[tilespmem:s8+$0x30] =	vst v52  }
0x17d: {  	_ =	sdelay $0x2  }
0x17e: {  	v55 =	vand.u32 $0x7F, v55  }
0x17f: {  	[tilespmem:v54+s6+$0x0] =	vst.idx.msk $0xffff, v52;
	v52 =	vbroadcast v55, $0x0  }
0x180: {  	v53 =	vld.idx.msk [tilespmem:v53+s2+$0x0], $0xffff  }
0x181: {  	v57 =	vor.u32 v6, v52  }
0x182: {  	v58 =	vadd.s32 s18, v0;
	_ =	sdelay $0x1  }
0x183: {  	s8 =	sadd.s32 $0x80, s8  }
0x184: {  	[tilespmem:s8+$0xFFFFFFC0] =	vst v53  }
0x185: {  	[tilespmem:v57+s6+$0x0] =	vst.idx.msk $0xffff, v53  }
0x186: {  	v53 =	vld.idx.msk [tilespmem:v58+s2+$0x0], $0xffff  }
0x187: {  	v59 =	vor.u32 v11, v52  }
0x188: {  	v60 =	vadd.s32 s17, v0;
	_ =	sdelay $0x2  }
0x189: {  	[tilespmem:s8+$0xFFFFFFD0] =	vst v53  }
0x18a: {  	[tilespmem:v59+s6+$0x0] =	vst.idx.msk $0xffff, v53  }
0x18b: {  	v53 =	vld.idx.msk [tilespmem:v60+s2+$0x0], $0xffff  }
0x18c: {  	v61 =	vor.u32 v13, v52  }
0x18d: {  	v62 =	vadd.s32 s16, v0;
	_ =	sdelay $0x2  }
0x18e: {  	[tilespmem:s8+$0xFFFFFFE0] =	vst v53  }
0x18f: {  	[tilespmem:v61+s6+$0x0] =	vst.idx.msk $0xffff, v53  }
0x190: {  	v53 =	vld.idx.msk [tilespmem:v62+s2+$0x0], $0xffff  }
0x191: {  	v63 =	vor.u32 v15, v52  }
0x192: {  	v57 =	vadd.s32 s15, v0;
	_ =	sdelay $0x2  }
0x193: {  	[tilespmem:s8+$0xFFFFFFF0] =	vst v53  }
0x194: {  	[tilespmem:v63+s6+$0x0] =	vst.idx.msk $0xffff, v53  }
0x195: {  	v53 =	vld.idx.msk [tilespmem:v57+s2+$0x0], $0xffff  }
0x196: {  	v58 =	vor.u32 v17, v52  }
0x197: {  	v59 =	vadd.s32 s13, v0;
	_ =	sdelay $0x2  }
0x198: {  	[tilespmem:s8+$0x0] =	vst v53  }
0x199: {  	[tilespmem:v58+s6+$0x0] =	vst.idx.msk $0xffff, v53  }
0x19a: {  	v53 =	vld.idx.msk [tilespmem:v59+s2+$0x0], $0xffff  }
0x19b: {  	v60 =	vor.u32 v19, v52  }
0x19c: {  	v61 =	vadd.s32 s12, v0;
	_ =	sdelay $0x2  }
0x19d: {  	[tilespmem:s8+$0x10] =	vst v53  }
0x19e: {  	[tilespmem:v60+s6+$0x0] =	vst.idx.msk $0xffff, v53  }
0x19f: {  	v53 =	vld.idx.msk [tilespmem:v61+s2+$0x0], $0xffff  }
0x1a0: {  	v62 =	vor.u32 v21, v52  }
0x1a1: {  	v63 =	vadd.s32 s10, v0;
	_ =	sdelay $0x2  }
0x1a2: {  	[tilespmem:s8+$0x20] =	vst v53  }
0x1a3: {  	[tilespmem:v62+s6+$0x0] =	vst.idx.msk $0xffff, v53  }
0x1a4: {  	v53 =	vld.idx.msk [tilespmem:v63+s2+$0x0], $0xffff  }
0x1a5: {  	v52 =	vor.u32 v23, v52;
	_ =	sdelay $0x3  }
0x1a6: {  	[tilespmem:s8+$0x30] =	vst v53  }
0x1a7: {  	s20 =	rddreg [dreg:$0x4];
	[tilespmem:v52+s6+$0x0] =	vst.idx.msk $0xffff, v53  }
0x1a8: {  	[hbm4b:s20+s1] =	stream.strided.scatter [tilespmem:s0], [sflag:$0x1], $0x4000, s5, s1, $0x38;
	[tilespmem:$0x15F00] =	vst v63  }
0x1a9: {  	_ =	swait.ge [sflag:s31], $0x4000  }
0x1aa: {  	[sflag:s31] =	ssyncset.done $0x0  }
0x1ab: {  	s21 =	rddreg [dreg:$0x5];
	[sflag:s31] =	ssyncadd.s32 $0xFFFFC000  }
0x1ac: {  	[hbm4b:s21+s1] =	stream.strided.scatter [tilespmem:s6], [sflag:$0x1], $0x4000, s5, s1, $0x38;
	[tilespmem:$0x15F00] =	vst v63  }
0x1ad: {  	_ =	swait.ge [sflag:s31], $0x4000  }
0x1ae: {  	[sflag:s31] =	ssyncset.done $0x0  }
0x1af: {  	[sflag:s31] =	ssyncadd.s32 $0xFFFFC000  }
.LBB2_11:
.Ltmp7:
0x1b0: {  	(pc) =	sbr.rel @p1 .LBB2_15-.Ltmp7, $1  }
0x1b1: {  	_ =	sdelay $0x3  }
0x1b2: {  	s8 =	simm.s32 $0x0;
	s9 =	simm.s32 $0xFFFFFFFF  }
0x1b3: {  	s9 =	smul.u32 s8, s9;
	_ =	sdelay $0x1  }
0x1b4: {  	s10 =	sand.u32 $0x8000, s9  }
0x1b5: {  	s10 =	sshrl.u32 s10, $0xF  }
0x1b6: {  	s9 =	sadd.s32 s10, s9  }
0x1b7: {  	s9 =	sshll.u32 s9, $0x10  }
0x1b8: {  	s9 =	sshra.s32 s9, $0x11  }
0x1b9: {  	s9 =	ssub.s32 $0x0, s9  }
0x1ba: {  	s13 =	rddreg [dreg:$0x6];
	v52 =	vadd.s32 s9, v0  }
0x1bb: {  	[tilespmem:s8], [sflag:$0x1] =	stream.linear.gather [hbm4b:s13+s8], $0xDEC0, $0x38;
	[tilespmem:$0x15F00] =	vst v63  }
0x1bc: {  	v53 =	vmov s8;
	_ =	swait.ge [sflag:s31], $0xDEC0  }
0x1bd: {  	v53 =	vand.u32 $0x7F, v53;
	[sflag:s31] =	ssyncset.done $0x0  }
0x1be: {  	v53 =	vbroadcast v53, $0x0;
	[sflag:s31] =	ssyncadd.s32 $0xFFFF2140  }
0x1bf: {  	v52 =	vld.idx.msk [tilespmem:v52+s2+$0x0], $0xffff  }
0x1c0: {  	v54 =	vor.u32 v6, v53;
	s14 =	sadd.s32 $0x10, s9  }
0x1c1: {  	v55 =	vadd.s32 s14, v0;
	_ =	sdelay $0x1  }
0x1c2: {  	s8 =	simm.s32 $0xDF40  }
0x1c3: {  	[tilespmem:s8+$0xFFFFFFC0] =	vst v52  }
0x1c4: {  	[tilespmem:v54+s6+$0x0] =	vst.idx.msk $0xffff, v52  }
0x1c5: {  	v52 =	vld.idx.msk [tilespmem:v55+s2+$0x0], $0xffff  }
0x1c6: {  	v59 =	vor.u32 v11, v53;
	s15 =	sadd.s32 $0x20, s9  }
0x1c7: {  	v60 =	vadd.s32 s15, v0;
	_ =	sdelay $0x2  }
0x1c8: {  	[tilespmem:s8+$0xFFFFFFD0] =	vst v52  }
0x1c9: {  	[tilespmem:v59+s6+$0x0] =	vst.idx.msk $0xffff, v52  }
0x1ca: {  	v52 =	vld.idx.msk [tilespmem:v60+s2+$0x0], $0xffff  }
0x1cb: {  	v61 =	vor.u32 v13, v53;
	s16 =	sadd.s32 $0x30, s9  }
0x1cc: {  	v62 =	vadd.s32 s16, v0;
	_ =	sdelay $0x2  }
0x1cd: {  	[tilespmem:s8+$0xFFFFFFE0] =	vst v52  }
0x1ce: {  	[tilespmem:v61+s6+$0x0] =	vst.idx.msk $0xffff, v52  }
0x1cf: {  	v52 =	vld.idx.msk [tilespmem:v62+s2+$0x0], $0xffff  }
0x1d0: {  	v63 =	vor.u32 v15, v53;
	s17 =	sadd.s32 $0x40, s9  }
0x1d1: {  	v57 =	vadd.s32 s17, v0;
	_ =	sdelay $0x2  }
0x1d2: {  	[tilespmem:s8+$0xFFFFFFF0] =	vst v52  }
0x1d3: {  	[tilespmem:v63+s6+$0x0] =	vst.idx.msk $0xffff, v52  }
0x1d4: {  	v52 =	vld.idx.msk [tilespmem:v57+s2+$0x0], $0xffff  }
0x1d5: {  	v58 =	vor.u32 v17, v53;
	s18 =	sadd.s32 $0x50, s9  }
0x1d6: {  	v59 =	vadd.s32 s18, v0;
	_ =	sdelay $0x2  }
0x1d7: {  	[tilespmem:s8+$0x0] =	vst v52  }
0x1d8: {  	[tilespmem:v58+s6+$0x0] =	vst.idx.msk $0xffff, v52  }
0x1d9: {  	v52 =	vld.idx.msk [tilespmem:v59+s2+$0x0], $0xffff  }
0x1da: {  	s19 =	sadd.s32 $0x60, s9;
	v60 =	vor.u32 v19, v53  }
0x1db: {  	v61 =	vadd.s32 s19, v0;
	_ =	sdelay $0x2  }
0x1dc: {  	[tilespmem:s8+$0x10] =	vst v52  }
0x1dd: {  	[tilespmem:v60+s6+$0x0] =	vst.idx.msk $0xffff, v52  }
0x1de: {  	v52 =	vld.idx.msk [tilespmem:v61+s2+$0x0], $0xffff  }
0x1df: {  	s11 =	simm.s32 $0x0;
	s20 =	sadd.s32 $0x70, s9;
	s9 =	simm.s32 $0x1;
	v62 =	vor.u32 v21, v53  }
0x1e0: {  	s11 =	smul.u32 s9, s11;
	v63 =	vadd.s32 s20, v0;
	_ =	sdelay $0x1  }
0x1e1: {  	s21 =	sand.u32 $0x8000, s11  }
0x1e2: {  	s10 =	sshrl.u32 s21, $0xF;
	[tilespmem:s8+$0x20] =	vst v52  }
0x1e3: {  	s10 =	sadd.s32 s10, s11;
	[tilespmem:v62+s6+$0x0] =	vst.idx.msk $0xffff, v52  }
0x1e4: {  	s10 =	sshll.u32 s10, $0x10;
	v52 =	vld.idx.msk [tilespmem:v63+s2+$0x0], $0xffff  }
0x1e5: {  	s10 =	sshra.s32 s10, $0x11  }
0x1e6: {  	s10 =	ssub.s32 $0x1FF, s10;
	v54 =	vor.u32 v23, v53  }
0x1e7: {  	s11 =	simm.s32 $0x3FE;
	s17 =	sadd.s32 $0x20, s10;
	v53 =	vadd.s32 s10, v0  }
0x1e8: {  	s16 =	sadd.s32 $0x30, s10;
	s15 =	sadd.s32 $0x40, s10;
	s13 =	sadd.s32 $0x50, s10  }
0x1e9: {  	s12 =	sadd.s32 $0x60, s10;
	v55 =	vmov s9;
	s18 =	sadd.s32 $0x10, s10;
	s10 =	sadd.s32 $0x70, s10;
	[tilespmem:s8+$0x30] =	vst v52  }
.LBB2_13:
0x1ea: {  	p2 =	sne.s32 s11, $0xFD81  }
0x1eb: {  	v55 =	vand.u32 $0x7F, v55;
	[tilespmem:v54+s6+$0x0] =	vst.idx.msk $0xffff, v52;
	s8 =	sadd.s32 $0x80, s8;
	s14 =	smov.u32 s11;
	s11 =	sadd.s32 $0x1FF, s11  }
0x1ec: {  	v52 =	vld.idx.msk [tilespmem:v53+s2+$0x0], $0xffff;
	v53 =	vbroadcast v55, $0x0;
	_ =	sdelay $0x1  }
0x1ed: {  	v54 =	vor.u32 v6, v53  }
0x1ee: {  	v55 =	vadd.s32 s18, v0;
	_ =	sdelay $0x2  }
0x1ef: {  	[tilespmem:s8+$0xFFFFFFC0] =	vst v52  }
0x1f0: {  	[tilespmem:v54+s6+$0x0] =	vst.idx.msk $0xffff, v52  }
0x1f1: {  	v52 =	vld.idx.msk [tilespmem:v55+s2+$0x0], $0xffff;
	_ =	sdelay $0x1  }
0x1f2: {  	v54 =	vor.u32 v11, v53  }
0x1f3: {  	v55 =	vadd.s32 s17, v0;
	_ =	sdelay $0x2  }
0x1f4: {  	[tilespmem:s8+$0xFFFFFFD0] =	vst v52  }
0x1f5: {  	[tilespmem:v54+s6+$0x0] =	vst.idx.msk $0xffff, v52  }
0x1f6: {  	v52 =	vld.idx.msk [tilespmem:v55+s2+$0x0], $0xffff;
	_ =	sdelay $0x1  }
0x1f7: {  	v54 =	vor.u32 v13, v53  }
0x1f8: {  	v55 =	vadd.s32 s16, v0;
	_ =	sdelay $0x2  }
0x1f9: {  	[tilespmem:s8+$0xFFFFFFE0] =	vst v52  }
0x1fa: {  	[tilespmem:v54+s6+$0x0] =	vst.idx.msk $0xffff, v52  }
0x1fb: {  	v52 =	vld.idx.msk [tilespmem:v55+s2+$0x0], $0xffff;
	_ =	sdelay $0x1  }
0x1fc: {  	v54 =	vor.u32 v15, v53  }
0x1fd: {  	v55 =	vadd.s32 s15, v0;
	_ =	sdelay $0x2  }
0x1fe: {  	[tilespmem:s8+$0xFFFFFFF0] =	vst v52  }
0x1ff: {  	[tilespmem:v54+s6+$0x0] =	vst.idx.msk $0xffff, v52  }
0x200: {  	v52 =	vld.idx.msk [tilespmem:v55+s2+$0x0], $0xffff;
	_ =	sdelay $0x1  }
0x201: {  	v54 =	vor.u32 v17, v53  }
0x202: {  	v55 =	vadd.s32 s13, v0;
	_ =	sdelay $0x2  }
0x203: {  	[tilespmem:s8+$0x0] =	vst v52  }
0x204: {  	[tilespmem:v54+s6+$0x0] =	vst.idx.msk $0xffff, v52  }
0x205: {  	v52 =	vld.idx.msk [tilespmem:v55+s2+$0x0], $0xffff;
	_ =	sdelay $0x1  }
0x206: {  	v54 =	vor.u32 v19, v53  }
0x207: {  	v55 =	vadd.s32 s12, v0;
	_ =	sdelay $0x2  }
0x208: {  	[tilespmem:s8+$0x10] =	vst v52  }
0x209: {  	[tilespmem:v54+s6+$0x0] =	vst.idx.msk $0xffff, v52  }
0x20a: {  	v52 =	vld.idx.msk [tilespmem:v55+s2+$0x0], $0xffff  }
0x20b: {  	s9 =	sadd.s32 $0x1, s9  }
0x20c: {  	s12 =	sadd.s32 $0xFFFFFFFF, s9;
	v54 =	vor.u32 v21, v53  }
0x20d: {  	s12 =	smul.u32 s9, s12;
	v55 =	vadd.s32 s10, v0;
	_ =	sdelay $0x1  }
0x20e: {  	s10 =	sand.u32 $0x8000, s12  }
0x20f: {  	s10 =	sshrl.u32 s10, $0xF;
	[tilespmem:s8+$0x20] =	vst v52  }
0x210: {  	s10 =	sadd.s32 s10, s12;
	[tilespmem:v54+s6+$0x0] =	vst.idx.msk $0xffff, v52  }
0x211: {  	s10 =	sshll.u32 s10, $0x10;
	v52 =	vld.idx.msk [tilespmem:v55+s2+$0x0], $0xffff  }
0x212: {  	s10 =	sshra.s32 s10, $0x11  }
.Ltmp8:
0x213: {  	s10 =	ssub.s32 s14, s10;
	v54 =	vor.u32 v23, v53;
	(pc) =	sbr.rel @p2 .LBB2_13-.Ltmp8, $4  }
0x214: {  	s18 =	sadd.s32 $0x10, s10;
	s17 =	sadd.s32 $0x20, s10;
	s16 =	sadd.s32 $0x30, s10;
	v53 =	vadd.s32 s10, v0  }
0x215: {  	s15 =	sadd.s32 $0x40, s10;
	s13 =	sadd.s32 $0x50, s10;
	s12 =	sadd.s32 $0x60, s10  }
0x216: {  	s10 =	sadd.s32 $0x70, s10  }
0x217: {  	v55 =	vmov s9;
	[tilespmem:s8+$0x30] =	vst v52  }
0x218: {  	_ =	sdelay $0x2  }
0x219: {  	v55 =	vand.u32 $0x7F, v55  }
0x21a: {  	[tilespmem:v54+s6+$0x0] =	vst.idx.msk $0xffff, v52;
	v52 =	vbroadcast v55, $0x0  }
0x21b: {  	v53 =	vld.idx.msk [tilespmem:v53+s2+$0x0], $0xffff  }
0x21c: {  	v57 =	vor.u32 v6, v52  }
0x21d: {  	v58 =	vadd.s32 s18, v0;
	_ =	sdelay $0x1  }
0x21e: {  	s8 =	sadd.s32 $0x80, s8  }
0x21f: {  	[tilespmem:s8+$0xFFFFFFC0] =	vst v53  }
0x220: {  	[tilespmem:v57+s6+$0x0] =	vst.idx.msk $0xffff, v53  }
0x221: {  	v53 =	vld.idx.msk [tilespmem:v58+s2+$0x0], $0xffff  }
0x222: {  	v59 =	vor.u32 v11, v52  }
0x223: {  	v60 =	vadd.s32 s17, v0;
	_ =	sdelay $0x2  }
0x224: {  	[tilespmem:s8+$0xFFFFFFD0] =	vst v53  }
0x225: {  	[tilespmem:v59+s6+$0x0] =	vst.idx.msk $0xffff, v53  }
0x226: {  	v53 =	vld.idx.msk [tilespmem:v60+s2+$0x0], $0xffff  }
0x227: {  	v61 =	vor.u32 v13, v52  }
0x228: {  	v62 =	vadd.s32 s16, v0;
	_ =	sdelay $0x2  }
0x229: {  	[tilespmem:s8+$0xFFFFFFE0] =	vst v53  }
0x22a: {  	[tilespmem:v61+s6+$0x0] =	vst.idx.msk $0xffff, v53  }
0x22b: {  	v53 =	vld.idx.msk [tilespmem:v62+s2+$0x0], $0xffff  }
0x22c: {  	v63 =	vor.u32 v15, v52  }
0x22d: {  	v57 =	vadd.s32 s15, v0;
	_ =	sdelay $0x2  }
0x22e: {  	[tilespmem:s8+$0xFFFFFFF0] =	vst v53  }
0x22f: {  	[tilespmem:v63+s6+$0x0] =	vst.idx.msk $0xffff, v53  }
0x230: {  	v53 =	vld.idx.msk [tilespmem:v57+s2+$0x0], $0xffff  }
0x231: {  	v58 =	vor.u32 v17, v52  }
0x232: {  	v59 =	vadd.s32 s13, v0;
	_ =	sdelay $0x2  }
0x233: {  	[tilespmem:s8+$0x0] =	vst v53  }
0x234: {  	[tilespmem:v58+s6+$0x0] =	vst.idx.msk $0xffff, v53  }
0x235: {  	v53 =	vld.idx.msk [tilespmem:v59+s2+$0x0], $0xffff  }
0x236: {  	v60 =	vor.u32 v19, v52  }
0x237: {  	v61 =	vadd.s32 s12, v0;
	_ =	sdelay $0x2  }
0x238: {  	[tilespmem:s8+$0x10] =	vst v53  }
0x239: {  	[tilespmem:v60+s6+$0x0] =	vst.idx.msk $0xffff, v53  }
0x23a: {  	v53 =	vld.idx.msk [tilespmem:v61+s2+$0x0], $0xffff  }
0x23b: {  	v62 =	vor.u32 v21, v52  }
0x23c: {  	v63 =	vadd.s32 s10, v0;
	_ =	sdelay $0x2  }
0x23d: {  	[tilespmem:s8+$0x20] =	vst v53  }
0x23e: {  	[tilespmem:v62+s6+$0x0] =	vst.idx.msk $0xffff, v53  }
0x23f: {  	v53 =	vld.idx.msk [tilespmem:v63+s2+$0x0], $0xffff  }
0x240: {  	v52 =	vor.u32 v23, v52;
	_ =	sdelay $0x3  }
0x241: {  	[tilespmem:s8+$0x30] =	vst v53  }
0x242: {  	s20 =	rddreg [dreg:$0x7];
	[tilespmem:v52+s6+$0x0] =	vst.idx.msk $0xffff, v53  }
0x243: {  	[hbm4b:s20+s1] =	stream.strided.scatter [tilespmem:s0], [sflag:$0x1], $0x4000, s5, s1, $0x38;
	[tilespmem:$0x15F00] =	vst v63  }
0x244: {  	_ =	swait.ge [sflag:s31], $0x4000  }
0x245: {  	[sflag:s31] =	ssyncset.done $0x0  }
0x246: {  	s21 =	rddreg [dreg:$0x8];
	[sflag:s31] =	ssyncadd.s32 $0xFFFFC000  }
0x247: {  	[hbm4b:s21+s1] =	stream.strided.scatter [tilespmem:s6], [sflag:$0x1], $0x4000, s5, s1, $0x38;
	[tilespmem:$0x15F00] =	vst v63  }
0x248: {  	_ =	swait.ge [sflag:s31], $0x4000  }
0x249: {  	[sflag:s31] =	ssyncset.done $0x0  }
0x24a: {  	[sflag:s31] =	ssyncadd.s32 $0xFFFFC000  }
.LBB2_15:
.Ltmp9:
0x24b: {  	(pc) =	sbr.rel @p0 .LBB2_19-.Ltmp9, $1  }
0x24c: {  	_ =	sdelay $0x3  }
0x24d: {  	s8 =	simm.s32 $0x0;
	s9 =	simm.s32 $0xFFFFFFFF  }
0x24e: {  	s9 =	smul.u32 s8, s9;
	_ =	sdelay $0x1  }
0x24f: {  	s10 =	sand.u32 $0x8000, s9  }
0x250: {  	s10 =	sshrl.u32 s10, $0xF  }
0x251: {  	s9 =	sadd.s32 s10, s9  }
0x252: {  	s9 =	sshll.u32 s9, $0x10  }
0x253: {  	s9 =	sshra.s32 s9, $0x11  }
0x254: {  	s9 =	ssub.s32 $0x0, s9  }
0x255: {  	s13 =	rddreg [dreg:$0x9];
	v52 =	vadd.s32 s9, v0  }
0x256: {  	[tilespmem:s8], [sflag:$0x1] =	stream.linear.gather [hbm4b:s13+s8], $0xDEC0, $0x38;
	[tilespmem:$0x15F00] =	vst v63  }
0x257: {  	v53 =	vmov s8;
	_ =	swait.ge [sflag:s31], $0xDEC0  }
0x258: {  	v53 =	vand.u32 $0x7F, v53;
	[sflag:s31] =	ssyncset.done $0x0  }
0x259: {  	v53 =	vbroadcast v53, $0x0;
	[sflag:s31] =	ssyncadd.s32 $0xFFFF2140  }
0x25a: {  	v52 =	vld.idx.msk [tilespmem:v52+s2+$0x0], $0xffff  }
0x25b: {  	v54 =	vor.u32 v6, v53;
	s14 =	sadd.s32 $0x10, s9  }
0x25c: {  	v55 =	vadd.s32 s14, v0;
	_ =	sdelay $0x1  }
0x25d: {  	s8 =	simm.s32 $0xDF40  }
0x25e: {  	[tilespmem:s8+$0xFFFFFFC0] =	vst v52  }
0x25f: {  	[tilespmem:v54+s6+$0x0] =	vst.idx.msk $0xffff, v52  }
0x260: {  	v52 =	vld.idx.msk [tilespmem:v55+s2+$0x0], $0xffff  }
0x261: {  	v59 =	vor.u32 v11, v53;
	s15 =	sadd.s32 $0x20, s9  }
0x262: {  	v60 =	vadd.s32 s15, v0;
	_ =	sdelay $0x2  }
0x263: {  	[tilespmem:s8+$0xFFFFFFD0] =	vst v52  }
0x264: {  	[tilespmem:v59+s6+$0x0] =	vst.idx.msk $0xffff, v52  }
0x265: {  	v52 =	vld.idx.msk [tilespmem:v60+s2+$0x0], $0xffff  }
0x266: {  	v61 =	vor.u32 v13, v53;
	s16 =	sadd.s32 $0x30, s9  }
0x267: {  	v62 =	vadd.s32 s16, v0;
	_ =	sdelay $0x2  }
0x268: {  	[tilespmem:s8+$0xFFFFFFE0] =	vst v52  }
0x269: {  	[tilespmem:v61+s6+$0x0] =	vst.idx.msk $0xffff, v52  }
0x26a: {  	v52 =	vld.idx.msk [tilespmem:v62+s2+$0x0], $0xffff  }
0x26b: {  	v63 =	vor.u32 v15, v53;
	s17 =	sadd.s32 $0x40, s9  }
0x26c: {  	v57 =	vadd.s32 s17, v0;
	_ =	sdelay $0x2  }
0x26d: {  	[tilespmem:s8+$0xFFFFFFF0] =	vst v52  }
0x26e: {  	[tilespmem:v63+s6+$0x0] =	vst.idx.msk $0xffff, v52  }
0x26f: {  	v52 =	vld.idx.msk [tilespmem:v57+s2+$0x0], $0xffff  }
0x270: {  	v58 =	vor.u32 v17, v53;
	s18 =	sadd.s32 $0x50, s9  }
0x271: {  	v59 =	vadd.s32 s18, v0;
	_ =	sdelay $0x2  }
0x272: {  	[tilespmem:s8+$0x0] =	vst v52  }
0x273: {  	[tilespmem:v58+s6+$0x0] =	vst.idx.msk $0xffff, v52  }
0x274: {  	v52 =	vld.idx.msk [tilespmem:v59+s2+$0x0], $0xffff  }
0x275: {  	s19 =	sadd.s32 $0x60, s9;
	v60 =	vor.u32 v19, v53  }
0x276: {  	v61 =	vadd.s32 s19, v0;
	_ =	sdelay $0x2  }
0x277: {  	[tilespmem:s8+$0x10] =	vst v52  }
0x278: {  	[tilespmem:v60+s6+$0x0] =	vst.idx.msk $0xffff, v52  }
0x279: {  	v52 =	vld.idx.msk [tilespmem:v61+s2+$0x0], $0xffff  }
0x27a: {  	s11 =	simm.s32 $0x0;
	s20 =	sadd.s32 $0x70, s9;
	s9 =	simm.s32 $0x1;
	v62 =	vor.u32 v21, v53  }
0x27b: {  	s11 =	smul.u32 s9, s11;
	v63 =	vadd.s32 s20, v0;
	_ =	sdelay $0x1  }
0x27c: {  	s21 =	sand.u32 $0x8000, s11  }
0x27d: {  	s10 =	sshrl.u32 s21, $0xF;
	[tilespmem:s8+$0x20] =	vst v52  }
0x27e: {  	s10 =	sadd.s32 s10, s11;
	[tilespmem:v62+s6+$0x0] =	vst.idx.msk $0xffff, v52  }
0x27f: {  	s10 =	sshll.u32 s10, $0x10;
	v52 =	vld.idx.msk [tilespmem:v63+s2+$0x0], $0xffff  }
0x280: {  	s10 =	sshra.s32 s10, $0x11  }
0x281: {  	s10 =	ssub.s32 $0x1FF, s10;
	v54 =	vor.u32 v23, v53  }
0x282: {  	s11 =	simm.s32 $0x3FE;
	s17 =	sadd.s32 $0x20, s10;
	v53 =	vadd.s32 s10, v0  }
0x283: {  	s16 =	sadd.s32 $0x30, s10;
	s15 =	sadd.s32 $0x40, s10;
	s13 =	sadd.s32 $0x50, s10  }
0x284: {  	s12 =	sadd.s32 $0x60, s10;
	v55 =	vmov s9;
	s18 =	sadd.s32 $0x10, s10;
	s10 =	sadd.s32 $0x70, s10;
	[tilespmem:s8+$0x30] =	vst v52  }
.LBB2_17:
0x285: {  	p2 =	sne.s32 s11, $0xFD81  }
0x286: {  	v55 =	vand.u32 $0x7F, v55;
	[tilespmem:v54+s6+$0x0] =	vst.idx.msk $0xffff, v52;
	s8 =	sadd.s32 $0x80, s8;
	s14 =	smov.u32 s11;
	s11 =	sadd.s32 $0x1FF, s11  }
0x287: {  	v52 =	vld.idx.msk [tilespmem:v53+s2+$0x0], $0xffff;
	v53 =	vbroadcast v55, $0x0;
	_ =	sdelay $0x1  }
0x288: {  	v54 =	vor.u32 v6, v53  }
0x289: {  	v55 =	vadd.s32 s18, v0;
	_ =	sdelay $0x2  }
0x28a: {  	[tilespmem:s8+$0xFFFFFFC0] =	vst v52  }
0x28b: {  	[tilespmem:v54+s6+$0x0] =	vst.idx.msk $0xffff, v52  }
0x28c: {  	v52 =	vld.idx.msk [tilespmem:v55+s2+$0x0], $0xffff;
	_ =	sdelay $0x1  }
0x28d: {  	v54 =	vor.u32 v11, v53  }
0x28e: {  	v55 =	vadd.s32 s17, v0;
	_ =	sdelay $0x2  }
0x28f: {  	[tilespmem:s8+$0xFFFFFFD0] =	vst v52  }
0x290: {  	[tilespmem:v54+s6+$0x0] =	vst.idx.msk $0xffff, v52  }
0x291: {  	v52 =	vld.idx.msk [tilespmem:v55+s2+$0x0], $0xffff;
	_ =	sdelay $0x1  }
0x292: {  	v54 =	vor.u32 v13, v53  }
0x293: {  	v55 =	vadd.s32 s16, v0;
	_ =	sdelay $0x2  }
0x294: {  	[tilespmem:s8+$0xFFFFFFE0] =	vst v52  }
0x295: {  	[tilespmem:v54+s6+$0x0] =	vst.idx.msk $0xffff, v52  }
0x296: {  	v52 =	vld.idx.msk [tilespmem:v55+s2+$0x0], $0xffff;
	_ =	sdelay $0x1  }
0x297: {  	v54 =	vor.u32 v15, v53  }
0x298: {  	v55 =	vadd.s32 s15, v0;
	_ =	sdelay $0x2  }
0x299: {  	[tilespmem:s8+$0xFFFFFFF0] =	vst v52  }
0x29a: {  	[tilespmem:v54+s6+$0x0] =	vst.idx.msk $0xffff, v52  }
0x29b: {  	v52 =	vld.idx.msk [tilespmem:v55+s2+$0x0], $0xffff;
	_ =	sdelay $0x1  }
0x29c: {  	v54 =	vor.u32 v17, v53  }
0x29d: {  	v55 =	vadd.s32 s13, v0;
	_ =	sdelay $0x2  }
0x29e: {  	[tilespmem:s8+$0x0] =	vst v52  }
0x29f: {  	[tilespmem:v54+s6+$0x0] =	vst.idx.msk $0xffff, v52  }
0x2a0: {  	v52 =	vld.idx.msk [tilespmem:v55+s2+$0x0], $0xffff;
	_ =	sdelay $0x1  }
0x2a1: {  	v54 =	vor.u32 v19, v53  }
0x2a2: {  	v55 =	vadd.s32 s12, v0;
	_ =	sdelay $0x2  }
0x2a3: {  	[tilespmem:s8+$0x10] =	vst v52  }
0x2a4: {  	[tilespmem:v54+s6+$0x0] =	vst.idx.msk $0xffff, v52  }
0x2a5: {  	v52 =	vld.idx.msk [tilespmem:v55+s2+$0x0], $0xffff  }
0x2a6: {  	s9 =	sadd.s32 $0x1, s9  }
0x2a7: {  	s12 =	sadd.s32 $0xFFFFFFFF, s9;
	v54 =	vor.u32 v21, v53  }
0x2a8: {  	s12 =	smul.u32 s9, s12;
	v55 =	vadd.s32 s10, v0;
	_ =	sdelay $0x1  }
0x2a9: {  	s10 =	sand.u32 $0x8000, s12  }
0x2aa: {  	s10 =	sshrl.u32 s10, $0xF;
	[tilespmem:s8+$0x20] =	vst v52  }
0x2ab: {  	s10 =	sadd.s32 s10, s12;
	[tilespmem:v54+s6+$0x0] =	vst.idx.msk $0xffff, v52  }
0x2ac: {  	s10 =	sshll.u32 s10, $0x10;
	v52 =	vld.idx.msk [tilespmem:v55+s2+$0x0], $0xffff  }
0x2ad: {  	s10 =	sshra.s32 s10, $0x11  }
.Ltmp10:
0x2ae: {  	s10 =	ssub.s32 s14, s10;
	v54 =	vor.u32 v23, v53;
	(pc) =	sbr.rel @p2 .LBB2_17-.Ltmp10, $4  }
0x2af: {  	s18 =	sadd.s32 $0x10, s10;
	s17 =	sadd.s32 $0x20, s10;
	s16 =	sadd.s32 $0x30, s10;
	v53 =	vadd.s32 s10, v0  }
0x2b0: {  	s15 =	sadd.s32 $0x40, s10;
	s13 =	sadd.s32 $0x50, s10;
	s12 =	sadd.s32 $0x60, s10  }
0x2b1: {  	s10 =	sadd.s32 $0x70, s10  }
0x2b2: {  	v55 =	vmov s9;
	[tilespmem:s8+$0x30] =	vst v52  }
0x2b3: {  	_ =	sdelay $0x2  }
0x2b4: {  	v55 =	vand.u32 $0x7F, v55  }
0x2b5: {  	[tilespmem:v54+s6+$0x0] =	vst.idx.msk $0xffff, v52;
	v52 =	vbroadcast v55, $0x0  }
0x2b6: {  	v53 =	vld.idx.msk [tilespmem:v53+s2+$0x0], $0xffff  }
0x2b7: {  	v57 =	vor.u32 v6, v52  }
0x2b8: {  	v58 =	vadd.s32 s18, v0;
	_ =	sdelay $0x1  }
0x2b9: {  	s8 =	sadd.s32 $0x80, s8  }
0x2ba: {  	[tilespmem:s8+$0xFFFFFFC0] =	vst v53  }
0x2bb: {  	[tilespmem:v57+s6+$0x0] =	vst.idx.msk $0xffff, v53  }
0x2bc: {  	v53 =	vld.idx.msk [tilespmem:v58+s2+$0x0], $0xffff  }
0x2bd: {  	v59 =	vor.u32 v11, v52  }
0x2be: {  	v60 =	vadd.s32 s17, v0;
	_ =	sdelay $0x2  }
0x2bf: {  	[tilespmem:s8+$0xFFFFFFD0] =	vst v53  }
0x2c0: {  	[tilespmem:v59+s6+$0x0] =	vst.idx.msk $0xffff, v53  }
0x2c1: {  	v53 =	vld.idx.msk [tilespmem:v60+s2+$0x0], $0xffff  }
0x2c2: {  	v61 =	vor.u32 v13, v52  }
0x2c3: {  	v62 =	vadd.s32 s16, v0;
	_ =	sdelay $0x2  }
0x2c4: {  	[tilespmem:s8+$0xFFFFFFE0] =	vst v53  }
0x2c5: {  	[tilespmem:v61+s6+$0x0] =	vst.idx.msk $0xffff, v53  }
0x2c6: {  	v53 =	vld.idx.msk [tilespmem:v62+s2+$0x0], $0xffff  }
0x2c7: {  	v63 =	vor.u32 v15, v52  }
0x2c8: {  	v57 =	vadd.s32 s15, v0;
	_ =	sdelay $0x2  }
0x2c9: {  	[tilespmem:s8+$0xFFFFFFF0] =	vst v53  }
0x2ca: {  	[tilespmem:v63+s6+$0x0] =	vst.idx.msk $0xffff, v53  }
0x2cb: {  	v53 =	vld.idx.msk [tilespmem:v57+s2+$0x0], $0xffff  }
0x2cc: {  	v58 =	vor.u32 v17, v52  }
0x2cd: {  	v59 =	vadd.s32 s13, v0;
	_ =	sdelay $0x2  }
0x2ce: {  	[tilespmem:s8+$0x0] =	vst v53  }
0x2cf: {  	[tilespmem:v58+s6+$0x0] =	vst.idx.msk $0xffff, v53  }
0x2d0: {  	v53 =	vld.idx.msk [tilespmem:v59+s2+$0x0], $0xffff  }
0x2d1: {  	v60 =	vor.u32 v19, v52  }
0x2d2: {  	v61 =	vadd.s32 s12, v0;
	_ =	sdelay $0x2  }
0x2d3: {  	[tilespmem:s8+$0x10] =	vst v53  }
0x2d4: {  	[tilespmem:v60+s6+$0x0] =	vst.idx.msk $0xffff, v53  }
0x2d5: {  	v53 =	vld.idx.msk [tilespmem:v61+s2+$0x0], $0xffff  }
0x2d6: {  	v62 =	vor.u32 v21, v52  }
0x2d7: {  	v63 =	vadd.s32 s10, v0;
	_ =	sdelay $0x2  }
0x2d8: {  	[tilespmem:s8+$0x20] =	vst v53  }
0x2d9: {  	[tilespmem:v62+s6+$0x0] =	vst.idx.msk $0xffff, v53  }
0x2da: {  	v53 =	vld.idx.msk [tilespmem:v63+s2+$0x0], $0xffff  }
0x2db: {  	v52 =	vor.u32 v23, v52;
	_ =	sdelay $0x3  }
0x2dc: {  	[tilespmem:s8+$0x30] =	vst v53  }
0x2dd: {  	s20 =	rddreg [dreg:$0xa];
	[tilespmem:v52+s6+$0x0] =	vst.idx.msk $0xffff, v53  }
0x2de: {  	[hbm4b:s20+s1] =	stream.strided.scatter [tilespmem:s0], [sflag:$0x1], $0x4000, s5, s1, $0x38;
	[tilespmem:$0x15F00] =	vst v63  }
0x2df: {  	_ =	swait.ge [sflag:s31], $0x4000  }
0x2e0: {  	[sflag:s31] =	ssyncset.done $0x0  }
0x2e1: {  	s21 =	rddreg [dreg:$0xb];
	[sflag:s31] =	ssyncadd.s32 $0xFFFFC000  }
0x2e2: {  	[hbm4b:s21+s1] =	stream.strided.scatter [tilespmem:s6], [sflag:$0x1], $0x4000, s5, s1, $0x38;
	[tilespmem:$0x15F00] =	vst v63  }
0x2e3: {  	_ =	swait.ge [sflag:s31], $0x4000  }
0x2e4: {  	[sflag:s31] =	ssyncset.done $0x0  }
0x2e5: {  	[sflag:s31] =	ssyncadd.s32 $0xFFFFC000  }
.LBB2_19:
.Ltmp11:
0x2e6: {  	(pc) =	sbr.rel @p1 .LBB2_25-.Ltmp11, $1  }
0x2e7: {  	_ =	sdelay $0x3  }
0x2e8: {  	s9 =	simm.s32 $0x0  }
0x2e9: {  	s8 =	simm.s32 $0x0;
	s16 =	rddreg [dreg:$0xc];
	v52 =	vadd.s32 s9, v0  }
0x2ea: {  	[tilespmem:s8], [sflag:$0x1] =	stream.linear.gather [hbm4b:s16+s8], $0x9F40, $0x38;
	[tilespmem:$0x15F00] =	vst v63  }
0x2eb: {  	_ =	swait.ge [sflag:s31], $0x9F40  }
0x2ec: {  	[sflag:s31] =	ssyncset.done $0x0  }
0x2ed: {  	[sflag:s31] =	ssyncadd.s32 $0xFFFF60C0  }
0x2ee: {  	v53 =	vld.idx.msk [tilespmem:v52+s8+$0x0], $0xffff  }
0x2ef: {  	s10 =	simm.s32 $0x10  }
0x2f0: {  	s9 =	simm.s32 $0x80;
	v54 =	vadd.s32 s10, v0  }
0x2f1: {  	v52 =	vmov s9  }
0x2f2: {  	vm0 =	vlt.u32 v52, v24  }
0x2f3: {  	s10 =	simm.s32 $0x4000;
	v53 =	vnsel vm0, $0x0, v53  }
0x2f4: {  	[tilespmem:s10+$0x9F00] =	vst v53  }
0x2f5: {  	v53 =	vld.idx.msk [tilespmem:v54+s8+$0x0], $0xffff  }
0x2f6: {  	s11 =	simm.s32 $0x20  }
0x2f7: {  	v58 =	vadd.s32 s11, v0;
	_ =	sdelay $0x1  }
0x2f8: {  	vm10 =	vlt.u32 v52, v25  }
0x2f9: {  	v53 =	vnsel vm10, $0x0, v53  }
0x2fa: {  	[tilespmem:s10+$0x9F10] =	vst v53  }
0x2fb: {  	v53 =	vld.idx.msk [tilespmem:v58+s8+$0x0], $0xffff  }
0x2fc: {  	s17 =	simm.s32 $0x30  }
0x2fd: {  	v59 =	vadd.s32 s17, v0;
	_ =	sdelay $0x1  }
0x2fe: {  	vm11 =	vlt.u32 v52, v26  }
0x2ff: {  	v53 =	vnsel vm11, $0x0, v53  }
0x300: {  	[tilespmem:s10+$0x9F20] =	vst v53  }
0x301: {  	v53 =	vld.idx.msk [tilespmem:v59+s8+$0x0], $0xffff  }
0x302: {  	s18 =	simm.s32 $0x40  }
0x303: {  	v60 =	vadd.s32 s18, v0;
	_ =	sdelay $0x1  }
0x304: {  	vm12 =	vlt.u32 v52, v27  }
0x305: {  	v53 =	vnsel vm12, $0x0, v53  }
0x306: {  	[tilespmem:s10+$0x9F30] =	vst v53  }
0x307: {  	v53 =	vld.idx.msk [tilespmem:v60+s8+$0x0], $0xffff  }
0x308: {  	s19 =	simm.s32 $0x50  }
0x309: {  	v61 =	vadd.s32 s19, v0;
	_ =	sdelay $0x1  }
0x30a: {  	vm13 =	vlt.u32 v52, v28  }
0x30b: {  	v53 =	vnsel vm13, $0x0, v53  }
0x30c: {  	[tilespmem:s10+$0x9F40] =	vst v53  }
0x30d: {  	v53 =	vld.idx.msk [tilespmem:v61+s8+$0x0], $0xffff  }
0x30e: {  	s20 =	simm.s32 $0x60  }
0x30f: {  	v62 =	vadd.s32 s20, v0;
	_ =	sdelay $0x1  }
0x310: {  	vm14 =	vlt.u32 v52, v29  }
0x311: {  	v53 =	vnsel vm14, $0x0, v53  }
0x312: {  	[tilespmem:s10+$0x9F50] =	vst v53  }
0x313: {  	v53 =	vld.idx.msk [tilespmem:v62+s8+$0x0], $0xffff  }
0x314: {  	s21 =	simm.s32 $0x70  }
0x315: {  	v63 =	vadd.s32 s21, v0;
	_ =	sdelay $0x1  }
0x316: {  	vm15 =	vlt.u32 v52, v30  }
0x317: {  	v53 =	vnsel vm15, $0x0, v53  }
0x318: {  	s12 =	simm.s32 $0x100;
	s13 =	simm.s32 $0x1FF;
	s14 =	simm.s32 $0x4080;
	[tilespmem:s10+$0x9F60] =	vst v53  }
0x319: {  	s15 =	simm.s32 $0x3FE;
	s11 =	simm.s32 $0x10000;
	s16 =	simm.s32 $0x2040;
	v53 =	vld.idx.msk [tilespmem:v63+s8+$0x0], $0xffff  }
.LBB2_21:
0x31a: {  	p2 =	sne.s32 s15, $0xFD81;
	s16 =	ssub.s32 s13, s16;
	s13 =	smov.u32 s15  }
0x31b: {  	s17 =	sadd.s32 $0x1FC0, s16  }
0x31c: {  	v54 =	vadd.s32 s17, v0;
	_ =	sdelay $0x1  }
0x31d: {  	vm0 =	vlt.u32 v52, v31  }
0x31e: {  	v52 =	vnsel vm0, $0x0, v53  }
0x31f: {  	[tilespmem:s10+$0x9F70] =	vst v52  }
0x320: {  	v53 =	vld.idx.msk [tilespmem:v54+s8+$0x0], $0xffff;
	_ =	sdelay $0x1  }
0x321: {  	s10 =	sadd.s32 $0x1FD0, s16  }
0x322: {  	s9 =	sadd.s32 $0x1, s9;
	v54 =	vadd.s32 s10, v0  }
0x323: {  	v52 =	vmov s9  }
0x324: {  	s11 =	sadd.s32 $0x200, s11;
	vm0 =	vlt.u32 v52, v24  }
0x325: {  	s10 =	sshra.s32 s11, $0x2;
	v53 =	vnsel vm0, $0x0, v53  }
0x326: {  	[tilespmem:s10+$0x9F00] =	vst v53  }
0x327: {  	v53 =	vld.idx.msk [tilespmem:v54+s8+$0x0], $0xffff;
	_ =	sdelay $0x1  }
0x328: {  	s17 =	sadd.s32 $0x1FE0, s16  }
0x329: {  	v54 =	vadd.s32 s17, v0;
	_ =	sdelay $0x1  }
0x32a: {  	vm0 =	vlt.u32 v52, v25  }
0x32b: {  	v53 =	vnsel vm0, $0x0, v53  }
0x32c: {  	[tilespmem:s10+$0x9F10] =	vst v53  }
0x32d: {  	v53 =	vld.idx.msk [tilespmem:v54+s8+$0x0], $0xffff;
	_ =	sdelay $0x1  }
0x32e: {  	s17 =	sadd.s32 $0x1FF0, s16  }
0x32f: {  	v54 =	vadd.s32 s17, v0;
	_ =	sdelay $0x1  }
0x330: {  	vm0 =	vlt.u32 v52, v26  }
0x331: {  	v53 =	vnsel vm0, $0x0, v53  }
0x332: {  	[tilespmem:s10+$0x9F20] =	vst v53  }
0x333: {  	v53 =	vld.idx.msk [tilespmem:v54+s8+$0x0], $0xffff;
	_ =	sdelay $0x1  }
0x334: {  	s17 =	sadd.s32 $0x2000, s16  }
0x335: {  	v54 =	vadd.s32 s17, v0;
	_ =	sdelay $0x1  }
0x336: {  	vm0 =	vlt.u32 v52, v27  }
0x337: {  	v53 =	vnsel vm0, $0x0, v53  }
0x338: {  	[tilespmem:s10+$0x9F30] =	vst v53  }
0x339: {  	v53 =	vld.idx.msk [tilespmem:v54+s8+$0x0], $0xffff;
	_ =	sdelay $0x1  }
0x33a: {  	s17 =	sadd.s32 $0x2010, s16  }
0x33b: {  	v54 =	vadd.s32 s17, v0;
	_ =	sdelay $0x1  }
0x33c: {  	vm0 =	vlt.u32 v52, v28  }
0x33d: {  	v53 =	vnsel vm0, $0x0, v53  }
0x33e: {  	[tilespmem:s10+$0x9F40] =	vst v53  }
0x33f: {  	v53 =	vld.idx.msk [tilespmem:v54+s8+$0x0], $0xffff;
	_ =	sdelay $0x1  }
0x340: {  	s17 =	sadd.s32 $0x2020, s16  }
0x341: {  	v54 =	vadd.s32 s17, v0;
	_ =	sdelay $0x1  }
0x342: {  	vm0 =	vlt.u32 v52, v29  }
0x343: {  	v53 =	vnsel vm0, $0x0, v53  }
0x344: {  	[tilespmem:s10+$0x9F50] =	vst v53  }
0x345: {  	v53 =	vld.idx.msk [tilespmem:v54+s8+$0x0], $0xffff;
	_ =	sdelay $0x1  }
0x346: {  	s16 =	sadd.s32 $0x2030, s16  }
0x347: {  	v54 =	vadd.s32 s16, v0  }
.Ltmp12:
0x348: {  	(pc) =	sbr.rel @p2 .LBB2_21-.Ltmp12, $4  }
0x349: {  	vm0 =	vlt.u32 v52, v30  }
0x34a: {  	s12 =	sadd.s32 $0x2, s12;
	v53 =	vnsel vm0, $0x0, v53  }
0x34b: {  	s14 =	sadd.s32 s12, s14;
	[tilespmem:s10+$0x9F60] =	vst v53  }
0x34c: {  	s15 =	sadd.s32 $0x1FF, s15;
	s16 =	sshrl.u32 s14, $0x1;
	v53 =	vld.idx.msk [tilespmem:v54+s8+$0x0], $0xffff  }
0x34d: {  	s12 =	ssub.s32 s13, s16  }
0x34e: {  	s13 =	sadd.s32 $0x1FC0, s12  }
0x34f: {  	v54 =	vadd.s32 s13, v0;
	_ =	sdelay $0x1  }
0x350: {  	vm0 =	vlt.u32 v52, v31  }
0x351: {  	v52 =	vnsel vm0, $0x0, v53  }
0x352: {  	[tilespmem:s10+$0x9F70] =	vst v52  }
0x353: {  	v52 =	vld.idx.msk [tilespmem:v54+s8+$0x0], $0xffff  }
0x354: {  	s13 =	sadd.s32 $0x1FD0, s12  }
0x355: {  	s9 =	sadd.s32 $0x1, s9;
	v63 =	vadd.s32 s13, v0  }
0x356: {  	v57 =	vmov s9  }
0x357: {  	s14 =	sadd.s32 $0x200, s11;
	vm0 =	vlt.u32 v57, v24  }
0x358: {  	s9 =	sshra.s32 s14, $0x2;
	v52 =	vnsel vm0, $0x0, v52  }
0x359: {  	[tilespmem:s9+$0x9F00] =	vst v52  }
0x35a: {  	v52 =	vld.idx.msk [tilespmem:v63+s8+$0x0], $0xffff  }
0x35b: {  	s15 =	sadd.s32 $0x1FE0, s12  }
0x35c: {  	v58 =	vadd.s32 s15, v0;
	_ =	sdelay $0x1  }
0x35d: {  	vm0 =	vlt.u32 v57, v25  }
0x35e: {  	v52 =	vnsel vm0, $0x0, v52  }
0x35f: {  	[tilespmem:s9+$0x9F10] =	vst v52  }
0x360: {  	v52 =	vld.idx.msk [tilespmem:v58+s8+$0x0], $0xffff  }
0x361: {  	s16 =	sadd.s32 $0x1FF0, s12  }
0x362: {  	v59 =	vadd.s32 s16, v0;
	_ =	sdelay $0x1  }
0x363: {  	vm0 =	vlt.u32 v57, v26  }
0x364: {  	v52 =	vnsel vm0, $0x0, v52  }
0x365: {  	[tilespmem:s9+$0x9F20] =	vst v52  }
0x366: {  	v52 =	vld.idx.msk [tilespmem:v59+s8+$0x0], $0xffff  }
0x367: {  	s17 =	sadd.s32 $0x2000, s12  }
0x368: {  	v60 =	vadd.s32 s17, v0;
	_ =	sdelay $0x1  }
0x369: {  	vm0 =	vlt.u32 v57, v27  }
0x36a: {  	v52 =	vnsel vm0, $0x0, v52  }
0x36b: {  	[tilespmem:s9+$0x9F30] =	vst v52  }
0x36c: {  	v52 =	vld.idx.msk [tilespmem:v60+s8+$0x0], $0xffff  }
0x36d: {  	s18 =	sadd.s32 $0x2010, s12  }
0x36e: {  	v61 =	vadd.s32 s18, v0;
	_ =	sdelay $0x1  }
0x36f: {  	vm0 =	vlt.u32 v57, v28  }
0x370: {  	v52 =	vnsel vm0, $0x0, v52  }
0x371: {  	[tilespmem:s9+$0x9F40] =	vst v52  }
0x372: {  	v52 =	vld.idx.msk [tilespmem:v61+s8+$0x0], $0xffff  }
0x373: {  	s19 =	sadd.s32 $0x2020, s12  }
0x374: {  	v62 =	vadd.s32 s19, v0;
	_ =	sdelay $0x1  }
0x375: {  	vm0 =	vlt.u32 v57, v29  }
0x376: {  	v52 =	vnsel vm0, $0x0, v52  }
0x377: {  	[tilespmem:s9+$0x9F50] =	vst v52  }
0x378: {  	v52 =	vld.idx.msk [tilespmem:v62+s8+$0x0], $0xffff  }
0x379: {  	s20 =	sadd.s32 $0x2030, s12  }
0x37a: {  	v63 =	vadd.s32 s20, v0;
	_ =	sdelay $0x1  }
0x37b: {  	vm0 =	vlt.u32 v57, v30  }
0x37c: {  	v52 =	vnsel vm0, $0x0, v52  }
0x37d: {  	[tilespmem:s9+$0x9F60] =	vst v52  }
0x37e: {  	v52 =	vld.idx.msk [tilespmem:v63+s8+$0x0], $0xffff;
	_ =	sdelay $0x2  }
0x37f: {  	v56 =	vmov s8  }
0x380: {  	s21 =	simm.s32 $0x80;
	v53 =	vand.u32 $0x7F, v56;
	vm0 =	vlt.u32 v57, v31  }
0x381: {  	v53 =	vbroadcast v53, $0x0;
	v57 =	vmov s21;
	v52 =	vnsel vm0, $0x0, v52  }
0x382: {  	s8 =	simm.s32 $0xDF40;
	vm0 =	vlt.u32 v57, v32;
	[tilespmem:s9+$0x9F70] =	vst v52  }
0x383: {  	v55 =	vor.u32 v6, v53;
	v52 =	vld [tilespmem:s8+$0xFFFFFFC0];
	_ =	sdelay $0x4  }
0x384: {  	[tilespmem:v55+s0+$0x0] =	vst.idx.msk vm0, v52;
	vm0 =	vlt.u32 v57, v33  }
0x385: {  	v58 =	vor.u32 v11, v53;
	v52 =	vld [tilespmem:s8+$0xFFFFFFD0];
	_ =	sdelay $0x4  }
0x386: {  	[tilespmem:v58+s0+$0x0] =	vst.idx.msk vm0, v52;
	vm0 =	vlt.u32 v57, v34  }
0x387: {  	v59 =	vor.u32 v13, v53;
	v52 =	vld [tilespmem:s8+$0xFFFFFFE0];
	_ =	sdelay $0x4  }
0x388: {  	[tilespmem:v59+s0+$0x0] =	vst.idx.msk vm0, v52;
	vm0 =	vlt.u32 v57, v35  }
0x389: {  	v60 =	vor.u32 v15, v53;
	v52 =	vld [tilespmem:s8+$0xFFFFFFF0];
	_ =	sdelay $0x4  }
0x38a: {  	[tilespmem:v60+s0+$0x0] =	vst.idx.msk vm0, v52;
	vm0 =	vlt.u32 v57, v36  }
0x38b: {  	v61 =	vor.u32 v17, v53;
	v52 =	vld [tilespmem:s8+$0x0];
	_ =	sdelay $0x4  }
0x38c: {  	[tilespmem:v61+s0+$0x0] =	vst.idx.msk vm0, v52;
	vm0 =	vlt.u32 v57, v37  }
0x38d: {  	v62 =	vor.u32 v19, v53;
	v52 =	vld [tilespmem:s8+$0x10];
	_ =	sdelay $0x4  }
0x38e: {  	[tilespmem:v62+s0+$0x0] =	vst.idx.msk vm0, v52;
	vm0 =	vlt.u32 v57, v38  }
0x38f: {  	v63 =	vor.u32 v21, v53;
	v52 =	vld [tilespmem:s8+$0x20];
	_ =	sdelay $0x4  }
0x390: {  	[tilespmem:v63+s0+$0x0] =	vst.idx.msk vm0, v52;
	vm0 =	vlt.u32 v57, v39  }
0x391: {  	v53 =	vor.u32 v23, v53;
	v52 =	vld [tilespmem:s8+$0x30]  }
0x392: {  	s9 =	simm.s32 $0x1  }
0x393: {  	s10 =	simm.s32 $0x2;
	v54 =	vmov s9  }
.LBB2_23:
0x394: {  	p2 =	sne.s32 s10, $0x7F;
	s11 =	sadd.s32 $0x80, s9;
	v54 =	vand.u32 $0x7F, v54;
	s9 =	smov.u32 s10  }
0x395: {  	v55 =	vmov s11;
	v54 =	vbroadcast v54, $0x0  }
0x396: {  	s8 =	sadd.s32 $0x80, s8;
	vm1 =	vlt.u32 v55, v32;
	[tilespmem:v53+s0+$0x0] =	vst.idx.msk vm0, v52  }
0x397: {  	v52 =	vld [tilespmem:s8+$0xFFFFFFC0];
	v53 =	vor.u32 v6, v54;
	_ =	sdelay $0x4  }
0x398: {  	vm0 =	vlt.u32 v55, v33;
	[tilespmem:v53+s0+$0x0] =	vst.idx.msk vm1, v52  }
0x399: {  	v53 =	vor.u32 v11, v54;
	v52 =	vld [tilespmem:s8+$0xFFFFFFD0];
	_ =	sdelay $0x4  }
0x39a: {  	[tilespmem:v53+s0+$0x0] =	vst.idx.msk vm0, v52;
	vm0 =	vlt.u32 v55, v34  }
0x39b: {  	v53 =	vor.u32 v13, v54;
	v52 =	vld [tilespmem:s8+$0xFFFFFFE0];
	_ =	sdelay $0x4  }
0x39c: {  	[tilespmem:v53+s0+$0x0] =	vst.idx.msk vm0, v52;
	vm0 =	vlt.u32 v55, v35  }
0x39d: {  	v53 =	vor.u32 v15, v54;
	v52 =	vld [tilespmem:s8+$0xFFFFFFF0];
	_ =	sdelay $0x4  }
0x39e: {  	[tilespmem:v53+s0+$0x0] =	vst.idx.msk vm0, v52;
	vm0 =	vlt.u32 v55, v36  }
0x39f: {  	v53 =	vor.u32 v17, v54;
	v52 =	vld [tilespmem:s8+$0x0];
	_ =	sdelay $0x4  }
0x3a0: {  	[tilespmem:v53+s0+$0x0] =	vst.idx.msk vm0, v52;
	vm0 =	vlt.u32 v55, v37  }
0x3a1: {  	v53 =	vor.u32 v19, v54;
	v52 =	vld [tilespmem:s8+$0x10];
	_ =	sdelay $0x4  }
0x3a2: {  	[tilespmem:v53+s0+$0x0] =	vst.idx.msk vm0, v52;
	vm0 =	vlt.u32 v55, v38  }
0x3a3: {  	v53 =	vor.u32 v21, v54;
	v52 =	vld [tilespmem:s8+$0x20];
	_ =	sdelay $0x3  }
.Ltmp13:
0x3a4: {  	(pc) =	sbr.rel @p2 .LBB2_23-.Ltmp13, $3  }
0x3a5: {  	[tilespmem:v53+s0+$0x0] =	vst.idx.msk vm0, v52;
	vm0 =	vlt.u32 v55, v39  }
0x3a6: {  	v53 =	vor.u32 v23, v54;
	v52 =	vld [tilespmem:s8+$0x30];
	_ =	sdelay $0x1  }
0x3a7: {  	s10 =	sadd.s32 $0x1, s10;
	v54 =	vmov s9  }
0x3a8: {  	_ =	sdelay $0x2  }
0x3a9: {  	s9 =	sadd.s32 $0x80, s9;
	v54 =	vand.u32 $0x7F, v54  }
0x3aa: {  	v55 =	vmov s9;
	v54 =	vbroadcast v54, $0x0  }
0x3ab: {  	s8 =	sadd.s32 $0x80, s8;
	vm1 =	vlt.u32 v55, v32;
	[tilespmem:v53+s0+$0x0] =	vst.idx.msk vm0, v52  }
0x3ac: {  	v52 =	vld [tilespmem:s8+$0xFFFFFFC0];
	v56 =	vor.u32 v6, v54;
	_ =	sdelay $0x4  }
0x3ad: {  	vm9 =	vlt.u32 v55, v33;
	[tilespmem:v56+s0+$0x0] =	vst.idx.msk vm1, v52  }
0x3ae: {  	v57 =	vor.u32 v11, v54;
	v52 =	vld [tilespmem:s8+$0xFFFFFFD0];
	_ =	sdelay $0x4  }
0x3af: {  	vm10 =	vlt.u32 v55, v34;
	[tilespmem:v57+s0+$0x0] =	vst.idx.msk vm9, v52  }
0x3b0: {  	v58 =	vor.u32 v13, v54;
	v52 =	vld [tilespmem:s8+$0xFFFFFFE0];
	_ =	sdelay $0x4  }
0x3b1: {  	vm11 =	vlt.u32 v55, v35;
	[tilespmem:v58+s0+$0x0] =	vst.idx.msk vm10, v52  }
0x3b2: {  	v59 =	vor.u32 v15, v54;
	v52 =	vld [tilespmem:s8+$0xFFFFFFF0];
	_ =	sdelay $0x4  }
0x3b3: {  	vm12 =	vlt.u32 v55, v36;
	[tilespmem:v59+s0+$0x0] =	vst.idx.msk vm11, v52  }
0x3b4: {  	v60 =	vor.u32 v17, v54;
	v52 =	vld [tilespmem:s8+$0x0];
	_ =	sdelay $0x4  }
0x3b5: {  	vm13 =	vlt.u32 v55, v37;
	[tilespmem:v60+s0+$0x0] =	vst.idx.msk vm12, v52  }
0x3b6: {  	v61 =	vor.u32 v19, v54;
	v52 =	vld [tilespmem:s8+$0x10];
	_ =	sdelay $0x4  }
0x3b7: {  	vm14 =	vlt.u32 v55, v38;
	[tilespmem:v61+s0+$0x0] =	vst.idx.msk vm13, v52  }
0x3b8: {  	v62 =	vor.u32 v21, v54;
	v52 =	vld [tilespmem:s8+$0x20];
	_ =	sdelay $0x4  }
0x3b9: {  	vm15 =	vlt.u32 v55, v39;
	[tilespmem:v62+s0+$0x0] =	vst.idx.msk vm14, v52  }
0x3ba: {  	v63 =	vor.u32 v23, v54;
	v52 =	vld [tilespmem:s8+$0x30];
	_ =	sdelay $0x4  }
0x3bb: {  	s21 =	rddreg [dreg:$0xd];
	[tilespmem:v63+s0+$0x0] =	vst.idx.msk vm15, v52  }
0x3bc: {  	[hbm4b:s21+s1] =	stream.strided.scatter [tilespmem:s0], [sflag:$0x1], $0x4000, s5, s1, $0x38;
	[tilespmem:$0x15F00] =	vst v63  }
0x3bd: {  	_ =	swait.ge [sflag:s31], $0x4000  }
0x3be: {  	[sflag:s31] =	ssyncset.done $0x0  }
0x3bf: {  	[sflag:s31] =	ssyncadd.s32 $0xFFFFC000  }
.LBB2_25:
.Ltmp14:
0x3c0: {  	(pc) =	sbr.rel @p0 .LBB2_29-.Ltmp14, $1  }
0x3c1: {  	_ =	sdelay $0x3  }
0x3c2: {  	s8 =	simm.s32 $0x0  }
0x3c3: {  	s9 =	simm.s32 $0x0;
	s14 =	rddreg [dreg:$0xe];
	v52 =	vadd.s32 s8, v0  }
0x3c4: {  	[tilespmem:s9], [sflag:$0x1] =	stream.linear.gather [hbm4b:s14+s9], $0x9F40, $0x38;
	[tilespmem:$0x15F00] =	vst v63  }
0x3c5: {  	v53 =	vmov s9;
	_ =	swait.ge [sflag:s31], $0x9F40  }
0x3c6: {  	v53 =	vand.u32 $0x7F, v53;
	[sflag:s31] =	ssyncset.done $0x0  }
0x3c7: {  	v53 =	vbroadcast v53, $0x0;
	[sflag:s31] =	ssyncadd.s32 $0xFFFF60C0  }
0x3c8: {  	v52 =	vld.idx.msk [tilespmem:v52+s2+$0x0], $0xffff  }
0x3c9: {  	s15 =	simm.s32 $0x10;
	v54 =	vor.u32 v6, v53  }
0x3ca: {  	v55 =	vadd.s32 s15, v0;
	_ =	sdelay $0x1  }
0x3cb: {  	s14 =	simm.s32 $0x4020  }
0x3cc: {  	[tilespmem:s14+$0x9EE0] =	vst v52  }
0x3cd: {  	[tilespmem:v54+s6+$0x0] =	vst.idx.msk $0xffff, v52  }
0x3ce: {  	v52 =	vld.idx.msk [tilespmem:v55+s2+$0x0], $0xffff  }
0x3cf: {  	s16 =	simm.s32 $0x20;
	v59 =	vor.u32 v11, v53  }
0x3d0: {  	v60 =	vadd.s32 s16, v0;
	_ =	sdelay $0x2  }
0x3d1: {  	[tilespmem:s14+$0x9EF0] =	vst v52  }
0x3d2: {  	[tilespmem:v59+s6+$0x0] =	vst.idx.msk $0xffff, v52  }
0x3d3: {  	v52 =	vld.idx.msk [tilespmem:v60+s2+$0x0], $0xffff  }
0x3d4: {  	s17 =	simm.s32 $0x30;
	v61 =	vor.u32 v13, v53  }
0x3d5: {  	v62 =	vadd.s32 s17, v0;
	_ =	sdelay $0x2  }
0x3d6: {  	[tilespmem:s14+$0x9F00] =	vst v52  }
0x3d7: {  	[tilespmem:v61+s6+$0x0] =	vst.idx.msk $0xffff, v52  }
0x3d8: {  	v52 =	vld.idx.msk [tilespmem:v62+s2+$0x0], $0xffff  }
0x3d9: {  	s18 =	simm.s32 $0x40;
	v63 =	vor.u32 v15, v53  }
0x3da: {  	v57 =	vadd.s32 s18, v0;
	_ =	sdelay $0x2  }
0x3db: {  	[tilespmem:s14+$0x9F10] =	vst v52  }
0x3dc: {  	[tilespmem:v63+s6+$0x0] =	vst.idx.msk $0xffff, v52  }
0x3dd: {  	v52 =	vld.idx.msk [tilespmem:v57+s2+$0x0], $0xffff  }
0x3de: {  	s19 =	simm.s32 $0x50;
	v58 =	vor.u32 v17, v53  }
0x3df: {  	v59 =	vadd.s32 s19, v0;
	_ =	sdelay $0x2  }
0x3e0: {  	[tilespmem:s14+$0x9F20] =	vst v52  }
0x3e1: {  	[tilespmem:v58+s6+$0x0] =	vst.idx.msk $0xffff, v52  }
0x3e2: {  	v52 =	vld.idx.msk [tilespmem:v59+s2+$0x0], $0xffff  }
0x3e3: {  	s20 =	simm.s32 $0x60;
	v60 =	vor.u32 v19, v53  }
0x3e4: {  	v61 =	vadd.s32 s20, v0;
	_ =	sdelay $0x2  }
0x3e5: {  	[tilespmem:s14+$0x9F30] =	vst v52  }
0x3e6: {  	[tilespmem:v60+s6+$0x0] =	vst.idx.msk $0xffff, v52  }
0x3e7: {  	v52 =	vld.idx.msk [tilespmem:v61+s2+$0x0], $0xffff  }
0x3e8: {  	s21 =	simm.s32 $0x70;
	v62 =	vor.u32 v21, v53  }
0x3e9: {  	v63 =	vadd.s32 s21, v0;
	_ =	sdelay $0x2  }
0x3ea: {  	[tilespmem:s14+$0x9F40] =	vst v52  }
0x3eb: {  	[tilespmem:v62+s6+$0x0] =	vst.idx.msk $0xffff, v52  }
0x3ec: {  	v52 =	vld.idx.msk [tilespmem:v63+s2+$0x0], $0xffff  }
0x3ed: {  	s11 =	simm.s32 $0x4080  }
0x3ee: {  	s10 =	simm.s32 $0x17F;
	s12 =	simm.s32 $0x1;
	s13 =	simm.s32 $0x1DF;
	v54 =	vor.u32 v23, v53  }
0x3ef: {  	s9 =	simm.s32 $0x100;
	s8 =	simm.s32 $0x10080;
	s16 =	simm.s32 $0x3FE;
	v53 =	vadd.s32 s10, v0  }
0x3f0: {  	s18 =	simm.s32 $0x1BF;
	s15 =	simm.s32 $0x1CF;
	s19 =	simm.s32 $0x1AF  }
0x3f1: {  	v55 =	vmov s12;
	s20 =	simm.s32 $0x19F;
	s10 =	simm.s32 $0x1EF;
	s21 =	simm.s32 $0x18F;
	[tilespmem:s14+$0x9F50] =	vst v52  }
.LBB2_27:
0x3f2: {  	s9 =	sadd.s32 $0x2, s9  }
0x3f3: {  	v55 =	vand.u32 $0x7F, v55;
	[tilespmem:v54+s6+$0x0] =	vst.idx.msk $0xffff, v52;
	s8 =	sadd.s32 $0x200, s8;
	s17 =	smov.u32 s16;
	s14 =	sadd.s32 $0x1FF, s16  }
0x3f4: {  	p2 =	sne.s32 s16, $0xFD81;
	v52 =	vld.idx.msk [tilespmem:v53+s2+$0x0], $0xffff;
	v53 =	vbroadcast v55, $0x0;
	_ =	sdelay $0x1  }
0x3f5: {  	v54 =	vor.u32 v6, v53  }
0x3f6: {  	v55 =	vadd.s32 s21, v0;
	_ =	sdelay $0x1  }
0x3f7: {  	s16 =	sshra.s32 s8, $0x2  }
0x3f8: {  	[tilespmem:s16+$0x9EE0] =	vst v52  }
0x3f9: {  	[tilespmem:v54+s6+$0x0] =	vst.idx.msk $0xffff, v52  }
0x3fa: {  	v52 =	vld.idx.msk [tilespmem:v55+s2+$0x0], $0xffff;
	_ =	sdelay $0x1  }
0x3fb: {  	v54 =	vor.u32 v11, v53  }
0x3fc: {  	v55 =	vadd.s32 s20, v0;
	_ =	sdelay $0x2  }
0x3fd: {  	[tilespmem:s16+$0x9EF0] =	vst v52  }
0x3fe: {  	[tilespmem:v54+s6+$0x0] =	vst.idx.msk $0xffff, v52  }
0x3ff: {  	v52 =	vld.idx.msk [tilespmem:v55+s2+$0x0], $0xffff;
	_ =	sdelay $0x1  }
0x400: {  	v54 =	vor.u32 v13, v53  }
0x401: {  	v55 =	vadd.s32 s19, v0;
	_ =	sdelay $0x2  }
0x402: {  	[tilespmem:s16+$0x9F00] =	vst v52  }
0x403: {  	[tilespmem:v54+s6+$0x0] =	vst.idx.msk $0xffff, v52  }
0x404: {  	v52 =	vld.idx.msk [tilespmem:v55+s2+$0x0], $0xffff;
	_ =	sdelay $0x1  }
0x405: {  	v54 =	vor.u32 v15, v53  }
0x406: {  	v55 =	vadd.s32 s18, v0;
	_ =	sdelay $0x2  }
0x407: {  	[tilespmem:s16+$0x9F10] =	vst v52  }
0x408: {  	[tilespmem:v54+s6+$0x0] =	vst.idx.msk $0xffff, v52  }
0x409: {  	v52 =	vld.idx.msk [tilespmem:v55+s2+$0x0], $0xffff;
	_ =	sdelay $0x1  }
0x40a: {  	v54 =	vor.u32 v17, v53  }
0x40b: {  	v55 =	vadd.s32 s15, v0;
	_ =	sdelay $0x2  }
0x40c: {  	[tilespmem:s16+$0x9F20] =	vst v52  }
0x40d: {  	[tilespmem:v54+s6+$0x0] =	vst.idx.msk $0xffff, v52  }
0x40e: {  	v52 =	vld.idx.msk [tilespmem:v55+s2+$0x0], $0xffff;
	_ =	sdelay $0x1  }
0x40f: {  	v54 =	vor.u32 v19, v53  }
0x410: {  	v55 =	vadd.s32 s13, v0;
	_ =	sdelay $0x2  }
0x411: {  	[tilespmem:s16+$0x9F30] =	vst v52  }
0x412: {  	[tilespmem:v54+s6+$0x0] =	vst.idx.msk $0xffff, v52  }
0x413: {  	v52 =	vld.idx.msk [tilespmem:v55+s2+$0x0], $0xffff;
	_ =	sdelay $0x1  }
0x414: {  	v54 =	vor.u32 v21, v53  }
0x415: {  	v55 =	vadd.s32 s10, v0;
	_ =	sdelay $0x2  }
0x416: {  	[tilespmem:s16+$0x9F40] =	vst v52  }
0x417: {  	s11 =	sadd.s32 s9, s11;
	[tilespmem:v54+s6+$0x0] =	vst.idx.msk $0xffff, v52  }
0x418: {  	s10 =	sshrl.u32 s11, $0x1;
	v52 =	vld.idx.msk [tilespmem:v55+s2+$0x0], $0xffff  }
0x419: {  	s10 =	ssub.s32 s17, s10  }
.Ltmp15:
0x41a: {  	s13 =	sadd.s32 $0x1FC0, s10;
	s21 =	sadd.s32 $0x1FD0, s10;
	v54 =	vor.u32 v23, v53;
	(pc) =	sbr.rel @p2 .LBB2_27-.Ltmp15, $4  }
0x41b: {  	s20 =	sadd.s32 $0x1FE0, s10;
	s19 =	sadd.s32 $0x1FF0, s10;
	s18 =	sadd.s32 $0x2000, s10;
	v53 =	vadd.s32 s13, v0  }
0x41c: {  	s15 =	sadd.s32 $0x2010, s10;
	s13 =	sadd.s32 $0x2020, s10;
	s10 =	sadd.s32 $0x2030, s10  }
0x41d: {  	s12 =	sadd.s32 $0x1, s12  }
0x41e: {  	v55 =	vmov s12;
	[tilespmem:s16+$0x9F50] =	vst v52;
	s16 =	smov.u32 s14  }
0x41f: {  	_ =	sdelay $0x2  }
0x420: {  	v55 =	vand.u32 $0x7F, v55  }
0x421: {  	[tilespmem:v54+s6+$0x0] =	vst.idx.msk $0xffff, v52;
	v52 =	vbroadcast v55, $0x0  }
0x422: {  	v53 =	vld.idx.msk [tilespmem:v53+s2+$0x0], $0xffff  }
0x423: {  	v57 =	vor.u32 v6, v52  }
0x424: {  	v58 =	vadd.s32 s21, v0  }
0x425: {  	s8 =	sadd.s32 $0x200, s8  }
0x426: {  	s8 =	sshra.s32 s8, $0x2  }
0x427: {  	[tilespmem:s8+$0x9EE0] =	vst v53  }
0x428: {  	[tilespmem:v57+s6+$0x0] =	vst.idx.msk $0xffff, v53  }
0x429: {  	v53 =	vld.idx.msk [tilespmem:v58+s2+$0x0], $0xffff  }
0x42a: {  	v59 =	vor.u32 v11, v52  }
0x42b: {  	v60 =	vadd.s32 s20, v0;
	_ =	sdelay $0x2  }
0x42c: {  	[tilespmem:s8+$0x9EF0] =	vst v53  }
0x42d: {  	[tilespmem:v59+s6+$0x0] =	vst.idx.msk $0xffff, v53  }
0x42e: {  	v53 =	vld.idx.msk [tilespmem:v60+s2+$0x0], $0xffff  }
0x42f: {  	v61 =	vor.u32 v13, v52  }
0x430: {  	v62 =	vadd.s32 s19, v0;
	_ =	sdelay $0x2  }
0x431: {  	[tilespmem:s8+$0x9F00] =	vst v53  }
0x432: {  	[tilespmem:v61+s6+$0x0] =	vst.idx.msk $0xffff, v53  }
0x433: {  	v53 =	vld.idx.msk [tilespmem:v62+s2+$0x0], $0xffff  }
0x434: {  	v63 =	vor.u32 v15, v52  }
0x435: {  	v57 =	vadd.s32 s18, v0;
	_ =	sdelay $0x2  }
0x436: {  	[tilespmem:s8+$0x9F10] =	vst v53  }
0x437: {  	[tilespmem:v63+s6+$0x0] =	vst.idx.msk $0xffff, v53  }
0x438: {  	v53 =	vld.idx.msk [tilespmem:v57+s2+$0x0], $0xffff  }
0x439: {  	v58 =	vor.u32 v17, v52  }
0x43a: {  	v59 =	vadd.s32 s15, v0;
	_ =	sdelay $0x2  }
0x43b: {  	[tilespmem:s8+$0x9F20] =	vst v53  }
0x43c: {  	[tilespmem:v58+s6+$0x0] =	vst.idx.msk $0xffff, v53  }
0x43d: {  	v53 =	vld.idx.msk [tilespmem:v59+s2+$0x0], $0xffff  }
0x43e: {  	v60 =	vor.u32 v19, v52  }
0x43f: {  	v61 =	vadd.s32 s13, v0;
	_ =	sdelay $0x2  }
0x440: {  	[tilespmem:s8+$0x9F30] =	vst v53  }
0x441: {  	[tilespmem:v60+s6+$0x0] =	vst.idx.msk $0xffff, v53  }
0x442: {  	v53 =	vld.idx.msk [tilespmem:v61+s2+$0x0], $0xffff  }
0x443: {  	v62 =	vor.u32 v21, v52  }
0x444: {  	v63 =	vadd.s32 s10, v0;
	_ =	sdelay $0x2  }
0x445: {  	[tilespmem:s8+$0x9F40] =	vst v53  }
0x446: {  	[tilespmem:v62+s6+$0x0] =	vst.idx.msk $0xffff, v53  }
0x447: {  	v53 =	vld.idx.msk [tilespmem:v63+s2+$0x0], $0xffff  }
0x448: {  	v52 =	vor.u32 v23, v52;
	_ =	sdelay $0x3  }
0x449: {  	[tilespmem:s8+$0x9F50] =	vst v53  }
0x44a: {  	s20 =	rddreg [dreg:$0xf];
	[tilespmem:v52+s6+$0x0] =	vst.idx.msk $0xffff, v53  }
0x44b: {  	[hbm4b:s20+s1] =	stream.strided.scatter [tilespmem:s0], [sflag:$0x1], $0x4000, s5, s1, $0x38;
	[tilespmem:$0x15F00] =	vst v63  }
0x44c: {  	_ =	swait.ge [sflag:s31], $0x4000  }
0x44d: {  	[sflag:s31] =	ssyncset.done $0x0  }
0x44e: {  	s21 =	rddreg [dreg:$0x10];
	[sflag:s31] =	ssyncadd.s32 $0xFFFFC000  }
0x44f: {  	[hbm4b:s21+s1] =	stream.strided.scatter [tilespmem:s6], [sflag:$0x1], $0x4000, s5, s1, $0x38;
	[tilespmem:$0x15F00] =	vst v63  }
0x450: {  	_ =	swait.ge [sflag:s31], $0x4000  }
0x451: {  	[sflag:s31] =	ssyncset.done $0x0  }
0x452: {  	[sflag:s31] =	ssyncadd.s32 $0xFFFFC000  }
.LBB2_29:
.Ltmp16:
0x453: {  	(pc) =	sbr.rel @p1 .LBB2_33-.Ltmp16, $1  }
0x454: {  	_ =	sdelay $0x3  }
0x455: {  	s8 =	simm.s32 $0x0  }
0x456: {  	s9 =	simm.s32 $0x0;
	s14 =	rddreg [dreg:$0x11];
	v52 =	vadd.s32 s8, v0  }
0x457: {  	[tilespmem:s9], [sflag:$0x1] =	stream.linear.gather [hbm4b:s14+s9], $0x9F40, $0x38;
	[tilespmem:$0x15F00] =	vst v63  }
0x458: {  	v53 =	vmov s9;
	_ =	swait.ge [sflag:s31], $0x9F40  }
0x459: {  	v53 =	vand.u32 $0x7F, v53;
	[sflag:s31] =	ssyncset.done $0x0  }
0x45a: {  	v53 =	vbroadcast v53, $0x0;
	[sflag:s31] =	ssyncadd.s32 $0xFFFF60C0  }
0x45b: {  	v52 =	vld.idx.msk [tilespmem:v52+s2+$0x0], $0xffff  }
0x45c: {  	s15 =	simm.s32 $0x10;
	v54 =	vor.u32 v6, v53  }
0x45d: {  	v55 =	vadd.s32 s15, v0;
	_ =	sdelay $0x1  }
0x45e: {  	s14 =	simm.s32 $0x4040  }
0x45f: {  	[tilespmem:s14+$0x9EC0] =	vst v52  }
0x460: {  	[tilespmem:v54+s6+$0x0] =	vst.idx.msk $0xffff, v52  }
0x461: {  	v52 =	vld.idx.msk [tilespmem:v55+s2+$0x0], $0xffff  }
0x462: {  	s16 =	simm.s32 $0x20;
	v59 =	vor.u32 v11, v53  }
0x463: {  	v60 =	vadd.s32 s16, v0;
	_ =	sdelay $0x2  }
0x464: {  	[tilespmem:s14+$0x9ED0] =	vst v52  }
0x465: {  	[tilespmem:v59+s6+$0x0] =	vst.idx.msk $0xffff, v52  }
0x466: {  	v52 =	vld.idx.msk [tilespmem:v60+s2+$0x0], $0xffff  }
0x467: {  	s17 =	simm.s32 $0x30;
	v61 =	vor.u32 v13, v53  }
0x468: {  	v62 =	vadd.s32 s17, v0;
	_ =	sdelay $0x2  }
0x469: {  	[tilespmem:s14+$0x9EE0] =	vst v52  }
0x46a: {  	[tilespmem:v61+s6+$0x0] =	vst.idx.msk $0xffff, v52  }
0x46b: {  	v52 =	vld.idx.msk [tilespmem:v62+s2+$0x0], $0xffff  }
0x46c: {  	s18 =	simm.s32 $0x40;
	v63 =	vor.u32 v15, v53  }
0x46d: {  	v57 =	vadd.s32 s18, v0;
	_ =	sdelay $0x2  }
0x46e: {  	[tilespmem:s14+$0x9EF0] =	vst v52  }
0x46f: {  	[tilespmem:v63+s6+$0x0] =	vst.idx.msk $0xffff, v52  }
0x470: {  	v52 =	vld.idx.msk [tilespmem:v57+s2+$0x0], $0xffff  }
0x471: {  	s19 =	simm.s32 $0x50;
	v58 =	vor.u32 v17, v53  }
0x472: {  	v59 =	vadd.s32 s19, v0;
	_ =	sdelay $0x2  }
0x473: {  	[tilespmem:s14+$0x9F00] =	vst v52  }
0x474: {  	[tilespmem:v58+s6+$0x0] =	vst.idx.msk $0xffff, v52  }
0x475: {  	v52 =	vld.idx.msk [tilespmem:v59+s2+$0x0], $0xffff  }
0x476: {  	s20 =	simm.s32 $0x60;
	v60 =	vor.u32 v19, v53  }
0x477: {  	v61 =	vadd.s32 s20, v0;
	_ =	sdelay $0x2  }
0x478: {  	[tilespmem:s14+$0x9F10] =	vst v52  }
0x479: {  	[tilespmem:v60+s6+$0x0] =	vst.idx.msk $0xffff, v52  }
0x47a: {  	v52 =	vld.idx.msk [tilespmem:v61+s2+$0x0], $0xffff  }
0x47b: {  	s21 =	simm.s32 $0x70;
	v62 =	vor.u32 v21, v53  }
0x47c: {  	v63 =	vadd.s32 s21, v0;
	_ =	sdelay $0x2  }
0x47d: {  	[tilespmem:s14+$0x9F20] =	vst v52  }
0x47e: {  	[tilespmem:v62+s6+$0x0] =	vst.idx.msk $0xffff, v52  }
0x47f: {  	v52 =	vld.idx.msk [tilespmem:v63+s2+$0x0], $0xffff  }
0x480: {  	s11 =	simm.s32 $0x4080  }
0x481: {  	s10 =	simm.s32 $0x17F;
	s12 =	simm.s32 $0x1;
	s13 =	simm.s32 $0x1DF;
	v54 =	vor.u32 v23, v53  }
0x482: {  	s9 =	simm.s32 $0x100;
	s8 =	simm.s32 $0x10100;
	s16 =	simm.s32 $0x3FE;
	v53 =	vadd.s32 s10, v0  }
0x483: {  	s18 =	simm.s32 $0x1BF;
	s15 =	simm.s32 $0x1CF;
	s19 =	simm.s32 $0x1AF  }
0x484: {  	v55 =	vmov s12;
	s20 =	simm.s32 $0x19F;
	s10 =	simm.s32 $0x1EF;
	s21 =	simm.s32 $0x18F;
	[tilespmem:s14+$0x9F30] =	vst v52  }
.LBB2_31:
0x485: {  	s9 =	sadd.s32 $0x2, s9  }
0x486: {  	v55 =	vand.u32 $0x7F, v55;
	[tilespmem:v54+s6+$0x0] =	vst.idx.msk $0xffff, v52;
	s8 =	sadd.s32 $0x200, s8;
	s17 =	smov.u32 s16;
	s14 =	sadd.s32 $0x1FF, s16  }
0x487: {  	p2 =	sne.s32 s16, $0xFD81;
	v52 =	vld.idx.msk [tilespmem:v53+s2+$0x0], $0xffff;
	v53 =	vbroadcast v55, $0x0;
	_ =	sdelay $0x1  }
0x488: {  	v54 =	vor.u32 v6, v53  }
0x489: {  	v55 =	vadd.s32 s21, v0;
	_ =	sdelay $0x1  }
0x48a: {  	s16 =	sshra.s32 s8, $0x2  }
0x48b: {  	[tilespmem:s16+$0x9EC0] =	vst v52  }
0x48c: {  	[tilespmem:v54+s6+$0x0] =	vst.idx.msk $0xffff, v52  }
0x48d: {  	v52 =	vld.idx.msk [tilespmem:v55+s2+$0x0], $0xffff;
	_ =	sdelay $0x1  }
0x48e: {  	v54 =	vor.u32 v11, v53  }
0x48f: {  	v55 =	vadd.s32 s20, v0;
	_ =	sdelay $0x2  }
0x490: {  	[tilespmem:s16+$0x9ED0] =	vst v52  }
0x491: {  	[tilespmem:v54+s6+$0x0] =	vst.idx.msk $0xffff, v52  }
0x492: {  	v52 =	vld.idx.msk [tilespmem:v55+s2+$0x0], $0xffff;
	_ =	sdelay $0x1  }
0x493: {  	v54 =	vor.u32 v13, v53  }
0x494: {  	v55 =	vadd.s32 s19, v0;
	_ =	sdelay $0x2  }
0x495: {  	[tilespmem:s16+$0x9EE0] =	vst v52  }
0x496: {  	[tilespmem:v54+s6+$0x0] =	vst.idx.msk $0xffff, v52  }
0x497: {  	v52 =	vld.idx.msk [tilespmem:v55+s2+$0x0], $0xffff;
	_ =	sdelay $0x1  }
0x498: {  	v54 =	vor.u32 v15, v53  }
0x499: {  	v55 =	vadd.s32 s18, v0;
	_ =	sdelay $0x2  }
0x49a: {  	[tilespmem:s16+$0x9EF0] =	vst v52  }
0x49b: {  	[tilespmem:v54+s6+$0x0] =	vst.idx.msk $0xffff, v52  }
0x49c: {  	v52 =	vld.idx.msk [tilespmem:v55+s2+$0x0], $0xffff;
	_ =	sdelay $0x1  }
0x49d: {  	v54 =	vor.u32 v17, v53  }
0x49e: {  	v55 =	vadd.s32 s15, v0;
	_ =	sdelay $0x2  }
0x49f: {  	[tilespmem:s16+$0x9F00] =	vst v52  }
0x4a0: {  	[tilespmem:v54+s6+$0x0] =	vst.idx.msk $0xffff, v52  }
0x4a1: {  	v52 =	vld.idx.msk [tilespmem:v55+s2+$0x0], $0xffff;
	_ =	sdelay $0x1  }
0x4a2: {  	v54 =	vor.u32 v19, v53  }
0x4a3: {  	v55 =	vadd.s32 s13, v0;
	_ =	sdelay $0x2  }
0x4a4: {  	[tilespmem:s16+$0x9F10] =	vst v52  }
0x4a5: {  	[tilespmem:v54+s6+$0x0] =	vst.idx.msk $0xffff, v52  }
0x4a6: {  	v52 =	vld.idx.msk [tilespmem:v55+s2+$0x0], $0xffff;
	_ =	sdelay $0x1  }
0x4a7: {  	v54 =	vor.u32 v21, v53  }
0x4a8: {  	v55 =	vadd.s32 s10, v0;
	_ =	sdelay $0x2  }
0x4a9: {  	[tilespmem:s16+$0x9F20] =	vst v52  }
0x4aa: {  	s11 =	sadd.s32 s9, s11;
	[tilespmem:v54+s6+$0x0] =	vst.idx.msk $0xffff, v52  }
0x4ab: {  	s10 =	sshrl.u32 s11, $0x1;
	v52 =	vld.idx.msk [tilespmem:v55+s2+$0x0], $0xffff  }
0x4ac: {  	s10 =	ssub.s32 s17, s10  }
.Ltmp17:
0x4ad: {  	s13 =	sadd.s32 $0x1FC0, s10;
	s21 =	sadd.s32 $0x1FD0, s10;
	v54 =	vor.u32 v23, v53;
	(pc) =	sbr.rel @p2 .LBB2_31-.Ltmp17, $4  }
0x4ae: {  	s20 =	sadd.s32 $0x1FE0, s10;
	s19 =	sadd.s32 $0x1FF0, s10;
	s18 =	sadd.s32 $0x2000, s10;
	v53 =	vadd.s32 s13, v0  }
0x4af: {  	s15 =	sadd.s32 $0x2010, s10;
	s13 =	sadd.s32 $0x2020, s10;
	s10 =	sadd.s32 $0x2030, s10  }
0x4b0: {  	s12 =	sadd.s32 $0x1, s12  }
0x4b1: {  	v55 =	vmov s12;
	[tilespmem:s16+$0x9F30] =	vst v52;
	s16 =	smov.u32 s14  }
0x4b2: {  	_ =	sdelay $0x2  }
0x4b3: {  	v55 =	vand.u32 $0x7F, v55  }
0x4b4: {  	[tilespmem:v54+s6+$0x0] =	vst.idx.msk $0xffff, v52;
	v52 =	vbroadcast v55, $0x0  }
0x4b5: {  	v53 =	vld.idx.msk [tilespmem:v53+s2+$0x0], $0xffff  }
0x4b6: {  	v57 =	vor.u32 v6, v52  }
0x4b7: {  	v58 =	vadd.s32 s21, v0  }
0x4b8: {  	s8 =	sadd.s32 $0x200, s8  }
0x4b9: {  	s8 =	sshra.s32 s8, $0x2  }
0x4ba: {  	[tilespmem:s8+$0x9EC0] =	vst v53  }
0x4bb: {  	[tilespmem:v57+s6+$0x0] =	vst.idx.msk $0xffff, v53  }
0x4bc: {  	v53 =	vld.idx.msk [tilespmem:v58+s2+$0x0], $0xffff  }
0x4bd: {  	v59 =	vor.u32 v11, v52  }
0x4be: {  	v60 =	vadd.s32 s20, v0;
	_ =	sdelay $0x2  }
0x4bf: {  	[tilespmem:s8+$0x9ED0] =	vst v53  }
0x4c0: {  	[tilespmem:v59+s6+$0x0] =	vst.idx.msk $0xffff, v53  }
0x4c1: {  	v53 =	vld.idx.msk [tilespmem:v60+s2+$0x0], $0xffff  }
0x4c2: {  	v61 =	vor.u32 v13, v52  }
0x4c3: {  	v62 =	vadd.s32 s19, v0;
	_ =	sdelay $0x2  }
0x4c4: {  	[tilespmem:s8+$0x9EE0] =	vst v53  }
0x4c5: {  	[tilespmem:v61+s6+$0x0] =	vst.idx.msk $0xffff, v53  }
0x4c6: {  	v53 =	vld.idx.msk [tilespmem:v62+s2+$0x0], $0xffff  }
0x4c7: {  	v63 =	vor.u32 v15, v52  }
0x4c8: {  	v57 =	vadd.s32 s18, v0;
	_ =	sdelay $0x2  }
0x4c9: {  	[tilespmem:s8+$0x9EF0] =	vst v53  }
0x4ca: {  	[tilespmem:v63+s6+$0x0] =	vst.idx.msk $0xffff, v53  }
0x4cb: {  	v53 =	vld.idx.msk [tilespmem:v57+s2+$0x0], $0xffff  }
0x4cc: {  	v58 =	vor.u32 v17, v52  }
0x4cd: {  	v59 =	vadd.s32 s15, v0;
	_ =	sdelay $0x2  }
0x4ce: {  	[tilespmem:s8+$0x9F00] =	vst v53  }
0x4cf: {  	[tilespmem:v58+s6+$0x0] =	vst.idx.msk $0xffff, v53  }
0x4d0: {  	v53 =	vld.idx.msk [tilespmem:v59+s2+$0x0], $0xffff  }
0x4d1: {  	v60 =	vor.u32 v19, v52  }
0x4d2: {  	v61 =	vadd.s32 s13, v0;
	_ =	sdelay $0x2  }
0x4d3: {  	[tilespmem:s8+$0x9F10] =	vst v53  }
0x4d4: {  	[tilespmem:v60+s6+$0x0] =	vst.idx.msk $0xffff, v53  }
0x4d5: {  	v53 =	vld.idx.msk [tilespmem:v61+s2+$0x0], $0xffff  }
0x4d6: {  	v62 =	vor.u32 v21, v52  }
0x4d7: {  	v63 =	vadd.s32 s10, v0;
	_ =	sdelay $0x2  }
0x4d8: {  	[tilespmem:s8+$0x9F20] =	vst v53  }
0x4d9: {  	[tilespmem:v62+s6+$0x0] =	vst.idx.msk $0xffff, v53  }
0x4da: {  	v53 =	vld.idx.msk [tilespmem:v63+s2+$0x0], $0xffff  }
0x4db: {  	v52 =	vor.u32 v23, v52;
	_ =	sdelay $0x3  }
0x4dc: {  	[tilespmem:s8+$0x9F30] =	vst v53  }
0x4dd: {  	[tilespmem:v52+s6+$0x0] =	vst.idx.msk $0xffff, v53  }
0x4de: {  	[hbm4b:s26+s1] =	stream.strided.scatter [tilespmem:s0], [sflag:$0x1], $0x4000, s5, s1, $0x38;
	[tilespmem:$0x15F00] =	vst v63  }
0x4df: {  	_ =	swait.ge [sflag:s31], $0x4000  }
0x4e0: {  	[sflag:s31] =	ssyncset.done $0x0  }
0x4e1: {  	[sflag:s31] =	ssyncadd.s32 $0xFFFFC000  }
0x4e2: {  	[hbm4b:s28+s1] =	stream.strided.scatter [tilespmem:s6], [sflag:$0x1], $0x4000, s5, s1, $0x38;
	[tilespmem:$0x15F00] =	vst v63  }
0x4e3: {  	_ =	swait.ge [sflag:s31], $0x4000  }
0x4e4: {  	[sflag:s31] =	ssyncset.done $0x0  }
0x4e5: {  	[sflag:s31] =	ssyncadd.s32 $0xFFFFC000  }
.LBB2_33:
.Ltmp18:
0x4e6: {  	(pc) =	sbr.rel @p0 .LBB2_39-.Ltmp18, $1  }
0x4e7: {  	_ =	sdelay $0x3  }
0x4e8: {  	s9 =	simm.s32 $0x0  }
0x4e9: {  	s8 =	simm.s32 $0x0;
	s16 =	rddreg [dreg:$0x12];
	v52 =	vadd.s32 s9, v0  }
0x4ea: {  	[tilespmem:s8], [sflag:$0x1] =	stream.linear.gather [hbm4b:s16+s8], $0x5FC0, $0x38;
	[tilespmem:$0x15F00] =	vst v63  }
0x4eb: {  	_ =	swait.ge [sflag:s31], $0x5FC0  }
0x4ec: {  	[sflag:s31] =	ssyncset.done $0x0  }
0x4ed: {  	[sflag:s31] =	ssyncadd.s32 $0xFFFFA040  }
0x4ee: {  	v53 =	vld.idx.msk [tilespmem:v52+s8+$0x0], $0xffff  }
0x4ef: {  	s10 =	simm.s32 $0x10  }
0x4f0: {  	s9 =	simm.s32 $0x100;
	v54 =	vadd.s32 s10, v0  }
0x4f1: {  	v52 =	vmov s9  }
0x4f2: {  	vm0 =	vlt.u32 v52, v40  }
0x4f3: {  	s10 =	simm.s32 $0x8000;
	v53 =	vnsel vm0, $0x0, v53  }
0x4f4: {  	[tilespmem:s10+$0x5F00] =	vst v53  }
0x4f5: {  	v53 =	vld.idx.msk [tilespmem:v54+s8+$0x0], $0xffff  }
0x4f6: {  	s11 =	simm.s32 $0x20  }
0x4f7: {  	v58 =	vadd.s32 s11, v0;
	_ =	sdelay $0x1  }
0x4f8: {  	vm10 =	vlt.u32 v52, v41  }
0x4f9: {  	v53 =	vnsel vm10, $0x0, v53  }
0x4fa: {  	[tilespmem:s10+$0x5F10] =	vst v53  }
0x4fb: {  	v53 =	vld.idx.msk [tilespmem:v58+s8+$0x0], $0xffff  }
0x4fc: {  	s17 =	simm.s32 $0x30  }
0x4fd: {  	v59 =	vadd.s32 s17, v0;
	_ =	sdelay $0x1  }
0x4fe: {  	vm11 =	vlt.u32 v52, v42  }
0x4ff: {  	v53 =	vnsel vm11, $0x0, v53  }
0x500: {  	[tilespmem:s10+$0x5F20] =	vst v53  }
0x501: {  	v53 =	vld.idx.msk [tilespmem:v59+s8+$0x0], $0xffff  }
0x502: {  	s18 =	simm.s32 $0x40  }
0x503: {  	v60 =	vadd.s32 s18, v0;
	_ =	sdelay $0x1  }
0x504: {  	vm12 =	vlt.u32 v52, v43  }
0x505: {  	v53 =	vnsel vm12, $0x0, v53  }
0x506: {  	[tilespmem:s10+$0x5F30] =	vst v53  }
0x507: {  	v53 =	vld.idx.msk [tilespmem:v60+s8+$0x0], $0xffff  }
0x508: {  	s19 =	simm.s32 $0x50  }
0x509: {  	v61 =	vadd.s32 s19, v0;
	_ =	sdelay $0x1  }
0x50a: {  	vm13 =	vlt.u32 v52, v44  }
0x50b: {  	v53 =	vnsel vm13, $0x0, v53  }
0x50c: {  	[tilespmem:s10+$0x5F40] =	vst v53  }
0x50d: {  	v53 =	vld.idx.msk [tilespmem:v61+s8+$0x0], $0xffff  }
0x50e: {  	s20 =	simm.s32 $0x60  }
0x50f: {  	v62 =	vadd.s32 s20, v0;
	_ =	sdelay $0x1  }
0x510: {  	vm14 =	vlt.u32 v52, v45  }
0x511: {  	v53 =	vnsel vm14, $0x0, v53  }
0x512: {  	[tilespmem:s10+$0x5F50] =	vst v53  }
0x513: {  	v53 =	vld.idx.msk [tilespmem:v62+s8+$0x0], $0xffff  }
0x514: {  	s21 =	simm.s32 $0x70  }
0x515: {  	v63 =	vadd.s32 s21, v0;
	_ =	sdelay $0x1  }
0x516: {  	vm15 =	vlt.u32 v52, v46  }
0x517: {  	v53 =	vnsel vm15, $0x0, v53  }
0x518: {  	s12 =	simm.s32 $0x200;
	s13 =	simm.s32 $0x1FF;
	s14 =	simm.s32 $0x10100;
	[tilespmem:s10+$0x5F60] =	vst v53  }
0x519: {  	s15 =	simm.s32 $0x3FE;
	s11 =	simm.s32 $0x20000;
	s16 =	simm.s32 $0x8080;
	v53 =	vld.idx.msk [tilespmem:v63+s8+$0x0], $0xffff  }
.LBB2_35:
0x51a: {  	p2 =	sne.s32 s15, $0xFD81;
	s16 =	ssub.s32 s13, s16;
	s13 =	smov.u32 s15  }
0x51b: {  	s17 =	sadd.s32 $0x7F80, s16  }
0x51c: {  	v54 =	vadd.s32 s17, v0;
	_ =	sdelay $0x1  }
0x51d: {  	vm0 =	vlt.u32 v52, v47  }
0x51e: {  	v52 =	vnsel vm0, $0x0, v53  }
0x51f: {  	[tilespmem:s10+$0x5F70] =	vst v52  }
0x520: {  	v53 =	vld.idx.msk [tilespmem:v54+s8+$0x0], $0xffff;
	_ =	sdelay $0x1  }
0x521: {  	s10 =	sadd.s32 $0x7F90, s16  }
0x522: {  	s9 =	sadd.s32 $0x1, s9;
	v54 =	vadd.s32 s10, v0  }
0x523: {  	v52 =	vmov s9  }
0x524: {  	s11 =	sadd.s32 $0x200, s11;
	vm0 =	vlt.u32 v52, v40  }
0x525: {  	s10 =	sshra.s32 s11, $0x2;
	v53 =	vnsel vm0, $0x0, v53  }
0x526: {  	[tilespmem:s10+$0x5F00] =	vst v53  }
0x527: {  	v53 =	vld.idx.msk [tilespmem:v54+s8+$0x0], $0xffff;
	_ =	sdelay $0x1  }
0x528: {  	s17 =	sadd.s32 $0x7FA0, s16  }
0x529: {  	v54 =	vadd.s32 s17, v0;
	_ =	sdelay $0x1  }
0x52a: {  	vm0 =	vlt.u32 v52, v41  }
0x52b: {  	v53 =	vnsel vm0, $0x0, v53  }
0x52c: {  	[tilespmem:s10+$0x5F10] =	vst v53  }
0x52d: {  	v53 =	vld.idx.msk [tilespmem:v54+s8+$0x0], $0xffff;
	_ =	sdelay $0x1  }
0x52e: {  	s17 =	sadd.s32 $0x7FB0, s16  }
0x52f: {  	v54 =	vadd.s32 s17, v0;
	_ =	sdelay $0x1  }
0x530: {  	vm0 =	vlt.u32 v52, v42  }
0x531: {  	v53 =	vnsel vm0, $0x0, v53  }
0x532: {  	[tilespmem:s10+$0x5F20] =	vst v53  }
0x533: {  	v53 =	vld.idx.msk [tilespmem:v54+s8+$0x0], $0xffff;
	_ =	sdelay $0x1  }
0x534: {  	s17 =	sadd.s32 $0x7FC0, s16  }
0x535: {  	v54 =	vadd.s32 s17, v0;
	_ =	sdelay $0x1  }
0x536: {  	vm0 =	vlt.u32 v52, v43  }
0x537: {  	v53 =	vnsel vm0, $0x0, v53  }
0x538: {  	[tilespmem:s10+$0x5F30] =	vst v53  }
0x539: {  	v53 =	vld.idx.msk [tilespmem:v54+s8+$0x0], $0xffff;
	_ =	sdelay $0x1  }
0x53a: {  	s17 =	sadd.s32 $0x7FD0, s16  }
0x53b: {  	v54 =	vadd.s32 s17, v0;
	_ =	sdelay $0x1  }
0x53c: {  	vm0 =	vlt.u32 v52, v44  }
0x53d: {  	v53 =	vnsel vm0, $0x0, v53  }
0x53e: {  	[tilespmem:s10+$0x5F40] =	vst v53  }
0x53f: {  	v53 =	vld.idx.msk [tilespmem:v54+s8+$0x0], $0xffff;
	_ =	sdelay $0x1  }
0x540: {  	s17 =	sadd.s32 $0x7FE0, s16  }
0x541: {  	v54 =	vadd.s32 s17, v0;
	_ =	sdelay $0x1  }
0x542: {  	vm0 =	vlt.u32 v52, v45  }
0x543: {  	v53 =	vnsel vm0, $0x0, v53  }
0x544: {  	[tilespmem:s10+$0x5F50] =	vst v53  }
0x545: {  	v53 =	vld.idx.msk [tilespmem:v54+s8+$0x0], $0xffff;
	_ =	sdelay $0x1  }
0x546: {  	s16 =	sadd.s32 $0x7FF0, s16  }
0x547: {  	v54 =	vadd.s32 s16, v0  }
.Ltmp19:
0x548: {  	(pc) =	sbr.rel @p2 .LBB2_35-.Ltmp19, $4  }
0x549: {  	vm0 =	vlt.u32 v52, v46  }
0x54a: {  	s12 =	sadd.s32 $0x2, s12;
	v53 =	vnsel vm0, $0x0, v53  }
0x54b: {  	s14 =	sadd.s32 s12, s14;
	[tilespmem:s10+$0x5F60] =	vst v53  }
0x54c: {  	s15 =	sadd.s32 $0x1FF, s15;
	s16 =	sshrl.u32 s14, $0x1;
	v53 =	vld.idx.msk [tilespmem:v54+s8+$0x0], $0xffff  }
0x54d: {  	s12 =	ssub.s32 s13, s16  }
0x54e: {  	s13 =	sadd.s32 $0x7F80, s12  }
0x54f: {  	v54 =	vadd.s32 s13, v0;
	_ =	sdelay $0x1  }
0x550: {  	vm0 =	vlt.u32 v52, v47  }
0x551: {  	v52 =	vnsel vm0, $0x0, v53  }
0x552: {  	[tilespmem:s10+$0x5F70] =	vst v52  }
0x553: {  	v52 =	vld.idx.msk [tilespmem:v54+s8+$0x0], $0xffff  }
0x554: {  	s13 =	sadd.s32 $0x7F90, s12  }
0x555: {  	s9 =	sadd.s32 $0x1, s9;
	v60 =	vadd.s32 s13, v0  }
0x556: {  	v61 =	vmov s9  }
0x557: {  	s14 =	sadd.s32 $0x200, s11;
	vm0 =	vlt.u32 v61, v40  }
0x558: {  	s9 =	sshra.s32 s14, $0x2;
	v52 =	vnsel vm0, $0x0, v52  }
0x559: {  	[tilespmem:s9+$0x5F00] =	vst v52  }
0x55a: {  	v52 =	vld.idx.msk [tilespmem:v60+s8+$0x0], $0xffff  }
0x55b: {  	s15 =	sadd.s32 $0x7FA0, s12  }
0x55c: {  	v62 =	vadd.s32 s15, v0;
	_ =	sdelay $0x1  }
0x55d: {  	vm0 =	vlt.u32 v61, v41  }
0x55e: {  	v52 =	vnsel vm0, $0x0, v52  }
0x55f: {  	[tilespmem:s9+$0x5F10] =	vst v52  }
0x560: {  	v52 =	vld.idx.msk [tilespmem:v62+s8+$0x0], $0xffff  }
0x561: {  	s16 =	sadd.s32 $0x7FB0, s12  }
0x562: {  	v63 =	vadd.s32 s16, v0;
	_ =	sdelay $0x1  }
0x563: {  	vm0 =	vlt.u32 v61, v42  }
0x564: {  	v52 =	vnsel vm0, $0x0, v52  }
0x565: {  	[tilespmem:s9+$0x5F20] =	vst v52  }
0x566: {  	v52 =	vld.idx.msk [tilespmem:v63+s8+$0x0], $0xffff  }
0x567: {  	s17 =	sadd.s32 $0x7FC0, s12  }
0x568: {  	v56 =	vadd.s32 s17, v0;
	_ =	sdelay $0x1  }
0x569: {  	vm0 =	vlt.u32 v61, v43  }
0x56a: {  	v52 =	vnsel vm0, $0x0, v52  }
0x56b: {  	[tilespmem:s9+$0x5F30] =	vst v52  }
0x56c: {  	v52 =	vld.idx.msk [tilespmem:v56+s8+$0x0], $0xffff  }
0x56d: {  	s18 =	sadd.s32 $0x7FD0, s12  }
0x56e: {  	v57 =	vadd.s32 s18, v0;
	_ =	sdelay $0x1  }
0x56f: {  	vm0 =	vlt.u32 v61, v44  }
0x570: {  	v52 =	vnsel vm0, $0x0, v52  }
0x571: {  	[tilespmem:s9+$0x5F40] =	vst v52  }
0x572: {  	v52 =	vld.idx.msk [tilespmem:v57+s8+$0x0], $0xffff  }
0x573: {  	s19 =	sadd.s32 $0x7FE0, s12  }
0x574: {  	v58 =	vadd.s32 s19, v0;
	_ =	sdelay $0x1  }
0x575: {  	vm0 =	vlt.u32 v61, v45  }
0x576: {  	v52 =	vnsel vm0, $0x0, v52  }
0x577: {  	[tilespmem:s9+$0x5F50] =	vst v52  }
0x578: {  	v52 =	vld.idx.msk [tilespmem:v58+s8+$0x0], $0xffff  }
0x579: {  	s20 =	sadd.s32 $0x7FF0, s12  }
0x57a: {  	v59 =	vadd.s32 s20, v0;
	_ =	sdelay $0x1  }
0x57b: {  	vm0 =	vlt.u32 v61, v46  }
0x57c: {  	v52 =	vnsel vm0, $0x0, v52  }
0x57d: {  	[tilespmem:s9+$0x5F60] =	vst v52  }
0x57e: {  	v52 =	vld.idx.msk [tilespmem:v59+s8+$0x0], $0xffff;
	_ =	sdelay $0x2  }
0x57f: {  	v60 =	vmov s8  }
0x580: {  	s21 =	simm.s32 $0x100;
	v53 =	vand.u32 $0x7F, v60;
	vm0 =	vlt.u32 v61, v47  }
0x581: {  	v56 =	vmov s21;
	v57 =	vbroadcast v53, $0x0;
	v52 =	vnsel vm0, $0x0, v52  }
0x582: {  	s8 =	simm.s32 $0xDF40;
	vm0 =	vlt.u32 v56, v48;
	[tilespmem:s9+$0x5F70] =	vst v52  }
0x583: {  	v53 =	vor.u32 v6, v57;
	v52 =	vld [tilespmem:s8+$0xFFFFFFC0];
	_ =	sdelay $0x4  }
0x584: {  	[tilespmem:v53+s0+$0x0] =	vst.idx.msk vm0, v52;
	vm0 =	vlt.u32 v56, v49  }
0x585: {  	v61 =	vor.u32 v11, v57;
	v52 =	vld [tilespmem:s8+$0xFFFFFFD0];
	_ =	sdelay $0x4  }
0x586: {  	[tilespmem:v61+s0+$0x0] =	vst.idx.msk vm0, v52;
	vm0 =	vlt.u32 v56, v50  }
0x587: {  	v62 =	vor.u32 v13, v57;
	v52 =	vld [tilespmem:s8+$0xFFFFFFE0];
	_ =	sdelay $0x4  }
0x588: {  	[tilespmem:v62+s0+$0x0] =	vst.idx.msk vm0, v52;
	vm0 =	vlt.u32 v56, v51  }
0x589: {  	v63 =	vor.u32 v15, v57;
	v53 =	vld [tilespmem:s8+$0xFFFFFFF0];
	_ =	sdelay $0x3  }
0x58a: {  	v52 =	vor.u32 $0x140, v0  }
0x58b: {  	[tilespmem:v63+s0+$0x0] =	vst.idx.msk vm0, v53;
	vm0 =	vlt.u32 v56, v52  }
0x58c: {  	v55 =	vor.u32 v17, v57;
	v54 =	vld [tilespmem:s8+$0x0];
	_ =	sdelay $0x3  }
0x58d: {  	v53 =	vor.u32 $0x150, v0  }
0x58e: {  	[tilespmem:v55+s0+$0x0] =	vst.idx.msk vm0, v54;
	vm0 =	vlt.u32 v56, v53  }
0x58f: {  	v58 =	vor.u32 v19, v57;
	v55 =	vld [tilespmem:s8+$0x10];
	_ =	sdelay $0x3  }
0x590: {  	v54 =	vor.u32 $0x160, v0  }
0x591: {  	[tilespmem:v58+s0+$0x0] =	vst.idx.msk vm0, v55;
	vm0 =	vlt.u32 v56, v54  }
0x592: {  	v59 =	vor.u32 v21, v57;
	v58 =	vld [tilespmem:s8+$0x20];
	_ =	sdelay $0x3  }
0x593: {  	v55 =	vor.u32 $0x170, v0  }
0x594: {  	[tilespmem:v59+s0+$0x0] =	vst.idx.msk vm0, v58;
	vm0 =	vlt.u32 v56, v55  }
0x595: {  	v57 =	vor.u32 v23, v57;
	v56 =	vld [tilespmem:s8+$0x30]  }
0x596: {  	s9 =	simm.s32 $0x1  }
0x597: {  	s10 =	simm.s32 $0x2;
	v58 =	vmov s9  }
.LBB2_37:
0x598: {  	p2 =	sne.s32 s10, $0x7F;
	s11 =	sadd.s32 $0x100, s9;
	v58 =	vand.u32 $0x7F, v58;
	s9 =	smov.u32 s10  }
0x599: {  	v59 =	vmov s11;
	v58 =	vbroadcast v58, $0x0  }
0x59a: {  	s8 =	sadd.s32 $0x80, s8;
	vm1 =	vlt.u32 v59, v48;
	[tilespmem:v57+s0+$0x0] =	vst.idx.msk vm0, v56  }
0x59b: {  	v56 =	vld [tilespmem:s8+$0xFFFFFFC0];
	v57 =	vor.u32 v6, v58;
	_ =	sdelay $0x4  }
0x59c: {  	vm0 =	vlt.u32 v59, v49;
	[tilespmem:v57+s0+$0x0] =	vst.idx.msk vm1, v56  }
0x59d: {  	v57 =	vor.u32 v11, v58;
	v56 =	vld [tilespmem:s8+$0xFFFFFFD0];
	_ =	sdelay $0x4  }
0x59e: {  	[tilespmem:v57+s0+$0x0] =	vst.idx.msk vm0, v56;
	vm0 =	vlt.u32 v59, v50  }
0x59f: {  	v57 =	vor.u32 v13, v58;
	v56 =	vld [tilespmem:s8+$0xFFFFFFE0];
	_ =	sdelay $0x4  }
0x5a0: {  	[tilespmem:v57+s0+$0x0] =	vst.idx.msk vm0, v56;
	vm0 =	vlt.u32 v59, v51  }
0x5a1: {  	v57 =	vor.u32 v15, v58;
	v56 =	vld [tilespmem:s8+$0xFFFFFFF0];
	_ =	sdelay $0x4  }
0x5a2: {  	[tilespmem:v57+s0+$0x0] =	vst.idx.msk vm0, v56;
	vm0 =	vlt.u32 v59, v52  }
0x5a3: {  	v57 =	vor.u32 v17, v58;
	v56 =	vld [tilespmem:s8+$0x0];
	_ =	sdelay $0x4  }
0x5a4: {  	[tilespmem:v57+s0+$0x0] =	vst.idx.msk vm0, v56;
	vm0 =	vlt.u32 v59, v53  }
0x5a5: {  	v57 =	vor.u32 v19, v58;
	v56 =	vld [tilespmem:s8+$0x10];
	_ =	sdelay $0x4  }
0x5a6: {  	[tilespmem:v57+s0+$0x0] =	vst.idx.msk vm0, v56;
	vm0 =	vlt.u32 v59, v54  }
0x5a7: {  	v57 =	vor.u32 v21, v58;
	v56 =	vld [tilespmem:s8+$0x20];
	_ =	sdelay $0x3  }
.Ltmp20:
0x5a8: {  	(pc) =	sbr.rel @p2 .LBB2_37-.Ltmp20, $3  }
0x5a9: {  	[tilespmem:v57+s0+$0x0] =	vst.idx.msk vm0, v56;
	vm0 =	vlt.u32 v59, v55  }
0x5aa: {  	v57 =	vor.u32 v23, v58;
	v56 =	vld [tilespmem:s8+$0x30];
	_ =	sdelay $0x1  }
0x5ab: {  	s10 =	sadd.s32 $0x1, s10;
	v58 =	vmov s9  }
0x5ac: {  	_ =	sdelay $0x2  }
0x5ad: {  	s9 =	sadd.s32 $0x100, s9;
	v58 =	vand.u32 $0x7F, v58  }
0x5ae: {  	v59 =	vmov s9;
	v58 =	vbroadcast v58, $0x0  }
0x5af: {  	s8 =	sadd.s32 $0x80, s8;
	vm1 =	vlt.u32 v59, v48;
	[tilespmem:v57+s0+$0x0] =	vst.idx.msk vm0, v56  }
0x5b0: {  	v56 =	vld [tilespmem:s8+$0xFFFFFFC0];
	v63 =	vor.u32 v6, v58;
	_ =	sdelay $0x4  }
0x5b1: {  	vm9 =	vlt.u32 v59, v49;
	[tilespmem:v63+s0+$0x0] =	vst.idx.msk vm1, v56  }
0x5b2: {  	v60 =	vor.u32 v11, v58;
	v56 =	vld [tilespmem:s8+$0xFFFFFFD0];
	_ =	sdelay $0x4  }
0x5b3: {  	vm10 =	vlt.u32 v59, v50;
	[tilespmem:v60+s0+$0x0] =	vst.idx.msk vm9, v56  }
0x5b4: {  	v61 =	vor.u32 v13, v58;
	v56 =	vld [tilespmem:s8+$0xFFFFFFE0];
	_ =	sdelay $0x4  }
0x5b5: {  	vm11 =	vlt.u32 v59, v51;
	[tilespmem:v61+s0+$0x0] =	vst.idx.msk vm10, v56  }
0x5b6: {  	v62 =	vor.u32 v15, v58;
	v56 =	vld [tilespmem:s8+$0xFFFFFFF0];
	_ =	sdelay $0x4  }
0x5b7: {  	vm12 =	vlt.u32 v59, v52;
	[tilespmem:v62+s0+$0x0] =	vst.idx.msk vm11, v56  }
0x5b8: {  	v60 =	vor.u32 v17, v58;
	v63 =	vld [tilespmem:s8+$0x0];
	_ =	sdelay $0x4  }
0x5b9: {  	vm13 =	vlt.u32 v59, v53;
	[tilespmem:v60+s0+$0x0] =	vst.idx.msk vm12, v63  }
0x5ba: {  	v61 =	vor.u32 v19, v58;
	v52 =	vld [tilespmem:s8+$0x10];
	_ =	sdelay $0x4  }
0x5bb: {  	vm14 =	vlt.u32 v59, v54;
	[tilespmem:v61+s0+$0x0] =	vst.idx.msk vm13, v52  }
0x5bc: {  	v62 =	vor.u32 v21, v58;
	v52 =	vld [tilespmem:s8+$0x20];
	_ =	sdelay $0x4  }
0x5bd: {  	vm15 =	vlt.u32 v59, v55;
	[tilespmem:v62+s0+$0x0] =	vst.idx.msk vm14, v52  }
0x5be: {  	v63 =	vor.u32 v23, v58;
	v52 =	vld [tilespmem:s8+$0x30];
	_ =	sdelay $0x4  }
0x5bf: {  	s21 =	rddreg [dreg:$0x13];
	[tilespmem:v63+s0+$0x0] =	vst.idx.msk vm15, v52  }
0x5c0: {  	[hbm4b:s21+s1] =	stream.strided.scatter [tilespmem:s0], [sflag:$0x1], $0x4000, s5, s1, $0x38;
	[tilespmem:$0x15F00] =	vst v63  }
0x5c1: {  	_ =	swait.ge [sflag:s31], $0x4000  }
0x5c2: {  	[sflag:s31] =	ssyncset.done $0x0  }
0x5c3: {  	[sflag:s31] =	ssyncadd.s32 $0xFFFFC000  }
.LBB2_39:
.Ltmp21:
0x5c4: {  	(pc) =	sbr.rel @p1 .LBB2_43-.Ltmp21, $1  }
0x5c5: {  	_ =	sdelay $0x3  }
0x5c6: {  	s8 =	simm.s32 $0x0  }
0x5c7: {  	s9 =	simm.s32 $0x0;
	v52 =	vadd.s32 s8, v0  }
0x5c8: {  	[tilespmem:s9], [sflag:$0x1] =	stream.linear.gather [hbm4b:s22+s9], $0x5FC0, $0x38;
	[tilespmem:$0x15F00] =	vst v63  }
0x5c9: {  	v53 =	vmov s9;
	_ =	swait.ge [sflag:s31], $0x5FC0  }
0x5ca: {  	v53 =	vand.u32 $0x7F, v53;
	[sflag:s31] =	ssyncset.done $0x0  }
0x5cb: {  	v53 =	vbroadcast v53, $0x0;
	[sflag:s31] =	ssyncadd.s32 $0xFFFFA040  }
0x5cc: {  	v52 =	vld.idx.msk [tilespmem:v52+s2+$0x0], $0xffff  }
0x5cd: {  	s15 =	simm.s32 $0x10;
	v54 =	vor.u32 v6, v53  }
0x5ce: {  	v55 =	vadd.s32 s15, v0;
	_ =	sdelay $0x1  }
0x5cf: {  	s14 =	simm.s32 $0x8020  }
0x5d0: {  	[tilespmem:s14+$0x5EE0] =	vst v52  }
0x5d1: {  	[tilespmem:v54+s6+$0x0] =	vst.idx.msk $0xffff, v52  }
0x5d2: {  	v52 =	vld.idx.msk [tilespmem:v55+s2+$0x0], $0xffff  }
0x5d3: {  	s16 =	simm.s32 $0x20;
	v59 =	vor.u32 v11, v53  }
0x5d4: {  	v60 =	vadd.s32 s16, v0;
	_ =	sdelay $0x2  }
0x5d5: {  	[tilespmem:s14+$0x5EF0] =	vst v52  }
0x5d6: {  	[tilespmem:v59+s6+$0x0] =	vst.idx.msk $0xffff, v52  }
0x5d7: {  	v52 =	vld.idx.msk [tilespmem:v60+s2+$0x0], $0xffff  }
0x5d8: {  	s17 =	simm.s32 $0x30;
	v61 =	vor.u32 v13, v53  }
0x5d9: {  	v62 =	vadd.s32 s17, v0;
	_ =	sdelay $0x2  }
0x5da: {  	[tilespmem:s14+$0x5F00] =	vst v52  }
0x5db: {  	[tilespmem:v61+s6+$0x0] =	vst.idx.msk $0xffff, v52  }
0x5dc: {  	v52 =	vld.idx.msk [tilespmem:v62+s2+$0x0], $0xffff  }
0x5dd: {  	s18 =	simm.s32 $0x40;
	v63 =	vor.u32 v15, v53  }
0x5de: {  	v57 =	vadd.s32 s18, v0;
	_ =	sdelay $0x2  }
0x5df: {  	[tilespmem:s14+$0x5F10] =	vst v52  }
0x5e0: {  	[tilespmem:v63+s6+$0x0] =	vst.idx.msk $0xffff, v52  }
0x5e1: {  	v52 =	vld.idx.msk [tilespmem:v57+s2+$0x0], $0xffff  }
0x5e2: {  	s19 =	simm.s32 $0x50;
	v58 =	vor.u32 v17, v53  }
0x5e3: {  	v59 =	vadd.s32 s19, v0;
	_ =	sdelay $0x2  }
0x5e4: {  	[tilespmem:s14+$0x5F20] =	vst v52  }
0x5e5: {  	[tilespmem:v58+s6+$0x0] =	vst.idx.msk $0xffff, v52  }
0x5e6: {  	v52 =	vld.idx.msk [tilespmem:v59+s2+$0x0], $0xffff  }
0x5e7: {  	s20 =	simm.s32 $0x60;
	v60 =	vor.u32 v19, v53  }
0x5e8: {  	v61 =	vadd.s32 s20, v0;
	_ =	sdelay $0x2  }
0x5e9: {  	[tilespmem:s14+$0x5F30] =	vst v52  }
0x5ea: {  	[tilespmem:v60+s6+$0x0] =	vst.idx.msk $0xffff, v52  }
0x5eb: {  	v52 =	vld.idx.msk [tilespmem:v61+s2+$0x0], $0xffff  }
0x5ec: {  	s21 =	simm.s32 $0x70;
	v62 =	vor.u32 v21, v53  }
0x5ed: {  	v63 =	vadd.s32 s21, v0;
	_ =	sdelay $0x2  }
0x5ee: {  	[tilespmem:s14+$0x5F40] =	vst v52  }
0x5ef: {  	[tilespmem:v62+s6+$0x0] =	vst.idx.msk $0xffff, v52  }
0x5f0: {  	v52 =	vld.idx.msk [tilespmem:v63+s2+$0x0], $0xffff  }
0x5f1: {  	s11 =	simm.s32 $0x10100  }
0x5f2: {  	s10 =	simm.s32 $0xFF;
	s12 =	simm.s32 $0x1;
	s13 =	simm.s32 $0x15F;
	v54 =	vor.u32 v23, v53  }
0x5f3: {  	s9 =	simm.s32 $0x200;
	s8 =	simm.s32 $0x20080;
	s16 =	simm.s32 $0x3FE;
	v53 =	vadd.s32 s10, v0  }
0x5f4: {  	s18 =	simm.s32 $0x13F;
	s15 =	simm.s32 $0x14F;
	s19 =	simm.s32 $0x12F  }
0x5f5: {  	v55 =	vmov s12;
	s20 =	simm.s32 $0x11F;
	s10 =	simm.s32 $0x16F;
	s21 =	simm.s32 $0x10F;
	[tilespmem:s14+$0x5F50] =	vst v52  }
.LBB2_41:
0x5f6: {  	s9 =	sadd.s32 $0x2, s9  }
0x5f7: {  	v55 =	vand.u32 $0x7F, v55;
	[tilespmem:v54+s6+$0x0] =	vst.idx.msk $0xffff, v52;
	s8 =	sadd.s32 $0x200, s8;
	s17 =	smov.u32 s16;
	s14 =	sadd.s32 $0x1FF, s16  }
0x5f8: {  	p2 =	sne.s32 s16, $0xFD81;
	v52 =	vld.idx.msk [tilespmem:v53+s2+$0x0], $0xffff;
	v53 =	vbroadcast v55, $0x0;
	_ =	sdelay $0x1  }
0x5f9: {  	v54 =	vor.u32 v6, v53  }
0x5fa: {  	v55 =	vadd.s32 s21, v0;
	_ =	sdelay $0x1  }
0x5fb: {  	s16 =	sshra.s32 s8, $0x2  }
0x5fc: {  	[tilespmem:s16+$0x5EE0] =	vst v52  }
0x5fd: {  	[tilespmem:v54+s6+$0x0] =	vst.idx.msk $0xffff, v52  }
0x5fe: {  	v52 =	vld.idx.msk [tilespmem:v55+s2+$0x0], $0xffff;
	_ =	sdelay $0x1  }
0x5ff: {  	v54 =	vor.u32 v11, v53  }
0x600: {  	v55 =	vadd.s32 s20, v0;
	_ =	sdelay $0x2  }
0x601: {  	[tilespmem:s16+$0x5EF0] =	vst v52  }
0x602: {  	[tilespmem:v54+s6+$0x0] =	vst.idx.msk $0xffff, v52  }
0x603: {  	v52 =	vld.idx.msk [tilespmem:v55+s2+$0x0], $0xffff;
	_ =	sdelay $0x1  }
0x604: {  	v54 =	vor.u32 v13, v53  }
0x605: {  	v55 =	vadd.s32 s19, v0;
	_ =	sdelay $0x2  }
0x606: {  	[tilespmem:s16+$0x5F00] =	vst v52  }
0x607: {  	[tilespmem:v54+s6+$0x0] =	vst.idx.msk $0xffff, v52  }
0x608: {  	v52 =	vld.idx.msk [tilespmem:v55+s2+$0x0], $0xffff;
	_ =	sdelay $0x1  }
0x609: {  	v54 =	vor.u32 v15, v53  }
0x60a: {  	v55 =	vadd.s32 s18, v0;
	_ =	sdelay $0x2  }
0x60b: {  	[tilespmem:s16+$0x5F10] =	vst v52  }
0x60c: {  	[tilespmem:v54+s6+$0x0] =	vst.idx.msk $0xffff, v52  }
0x60d: {  	v52 =	vld.idx.msk [tilespmem:v55+s2+$0x0], $0xffff;
	_ =	sdelay $0x1  }
0x60e: {  	v54 =	vor.u32 v17, v53  }
0x60f: {  	v55 =	vadd.s32 s15, v0;
	_ =	sdelay $0x2  }
0x610: {  	[tilespmem:s16+$0x5F20] =	vst v52  }
0x611: {  	[tilespmem:v54+s6+$0x0] =	vst.idx.msk $0xffff, v52  }
0x612: {  	v52 =	vld.idx.msk [tilespmem:v55+s2+$0x0], $0xffff;
	_ =	sdelay $0x1  }
0x613: {  	v54 =	vor.u32 v19, v53  }
0x614: {  	v55 =	vadd.s32 s13, v0;
	_ =	sdelay $0x2  }
0x615: {  	[tilespmem:s16+$0x5F30] =	vst v52  }
0x616: {  	[tilespmem:v54+s6+$0x0] =	vst.idx.msk $0xffff, v52  }
0x617: {  	v52 =	vld.idx.msk [tilespmem:v55+s2+$0x0], $0xffff;
	_ =	sdelay $0x1  }
0x618: {  	v54 =	vor.u32 v21, v53  }
0x619: {  	v55 =	vadd.s32 s10, v0;
	_ =	sdelay $0x2  }
0x61a: {  	[tilespmem:s16+$0x5F40] =	vst v52  }
0x61b: {  	s11 =	sadd.s32 s9, s11;
	[tilespmem:v54+s6+$0x0] =	vst.idx.msk $0xffff, v52  }
0x61c: {  	s10 =	sshrl.u32 s11, $0x1;
	v52 =	vld.idx.msk [tilespmem:v55+s2+$0x0], $0xffff  }
0x61d: {  	s10 =	ssub.s32 s17, s10  }
.Ltmp22:
0x61e: {  	s13 =	sadd.s32 $0x7F80, s10;
	s21 =	sadd.s32 $0x7F90, s10;
	v54 =	vor.u32 v23, v53;
	(pc) =	sbr.rel @p2 .LBB2_41-.Ltmp22, $4  }
0x61f: {  	s20 =	sadd.s32 $0x7FA0, s10;
	s19 =	sadd.s32 $0x7FB0, s10;
	s18 =	sadd.s32 $0x7FC0, s10;
	v53 =	vadd.s32 s13, v0  }
0x620: {  	s15 =	sadd.s32 $0x7FD0, s10;
	s13 =	sadd.s32 $0x7FE0, s10;
	s10 =	sadd.s32 $0x7FF0, s10  }
0x621: {  	s12 =	sadd.s32 $0x1, s12  }
0x622: {  	v55 =	vmov s12;
	[tilespmem:s16+$0x5F50] =	vst v52;
	s16 =	smov.u32 s14  }
0x623: {  	_ =	sdelay $0x2  }
0x624: {  	v55 =	vand.u32 $0x7F, v55  }
0x625: {  	[tilespmem:v54+s6+$0x0] =	vst.idx.msk $0xffff, v52;
	v52 =	vbroadcast v55, $0x0  }
0x626: {  	v53 =	vld.idx.msk [tilespmem:v53+s2+$0x0], $0xffff  }
0x627: {  	v57 =	vor.u32 v6, v52  }
0x628: {  	v58 =	vadd.s32 s21, v0  }
0x629: {  	s8 =	sadd.s32 $0x200, s8  }
0x62a: {  	s8 =	sshra.s32 s8, $0x2  }
0x62b: {  	[tilespmem:s8+$0x5EE0] =	vst v53  }
0x62c: {  	[tilespmem:v57+s6+$0x0] =	vst.idx.msk $0xffff, v53  }
0x62d: {  	v53 =	vld.idx.msk [tilespmem:v58+s2+$0x0], $0xffff  }
0x62e: {  	v59 =	vor.u32 v11, v52  }
0x62f: {  	v60 =	vadd.s32 s20, v0;
	_ =	sdelay $0x2  }
0x630: {  	[tilespmem:s8+$0x5EF0] =	vst v53  }
0x631: {  	[tilespmem:v59+s6+$0x0] =	vst.idx.msk $0xffff, v53  }
0x632: {  	v53 =	vld.idx.msk [tilespmem:v60+s2+$0x0], $0xffff  }
0x633: {  	v61 =	vor.u32 v13, v52  }
0x634: {  	v62 =	vadd.s32 s19, v0;
	_ =	sdelay $0x2  }
0x635: {  	[tilespmem:s8+$0x5F00] =	vst v53  }
0x636: {  	[tilespmem:v61+s6+$0x0] =	vst.idx.msk $0xffff, v53  }
0x637: {  	v53 =	vld.idx.msk [tilespmem:v62+s2+$0x0], $0xffff  }
0x638: {  	v63 =	vor.u32 v15, v52  }
0x639: {  	v57 =	vadd.s32 s18, v0;
	_ =	sdelay $0x2  }
0x63a: {  	[tilespmem:s8+$0x5F10] =	vst v53  }
0x63b: {  	[tilespmem:v63+s6+$0x0] =	vst.idx.msk $0xffff, v53  }
0x63c: {  	v53 =	vld.idx.msk [tilespmem:v57+s2+$0x0], $0xffff  }
0x63d: {  	v58 =	vor.u32 v17, v52  }
0x63e: {  	v59 =	vadd.s32 s15, v0;
	_ =	sdelay $0x2  }
0x63f: {  	[tilespmem:s8+$0x5F20] =	vst v53  }
0x640: {  	[tilespmem:v58+s6+$0x0] =	vst.idx.msk $0xffff, v53  }
0x641: {  	v53 =	vld.idx.msk [tilespmem:v59+s2+$0x0], $0xffff  }
0x642: {  	v60 =	vor.u32 v19, v52  }
0x643: {  	v61 =	vadd.s32 s13, v0;
	_ =	sdelay $0x2  }
0x644: {  	[tilespmem:s8+$0x5F30] =	vst v53  }
0x645: {  	[tilespmem:v60+s6+$0x0] =	vst.idx.msk $0xffff, v53  }
0x646: {  	v53 =	vld.idx.msk [tilespmem:v61+s2+$0x0], $0xffff  }
0x647: {  	v62 =	vor.u32 v21, v52  }
0x648: {  	v63 =	vadd.s32 s10, v0;
	_ =	sdelay $0x2  }
0x649: {  	[tilespmem:s8+$0x5F40] =	vst v53  }
0x64a: {  	[tilespmem:v62+s6+$0x0] =	vst.idx.msk $0xffff, v53  }
0x64b: {  	v53 =	vld.idx.msk [tilespmem:v63+s2+$0x0], $0xffff  }
0x64c: {  	v52 =	vor.u32 v23, v52;
	_ =	sdelay $0x3  }
0x64d: {  	[tilespmem:s8+$0x5F50] =	vst v53  }
0x64e: {  	[tilespmem:v52+s6+$0x0] =	vst.idx.msk $0xffff, v53  }
0x64f: {  	[hbm4b:s29+s1] =	stream.strided.scatter [tilespmem:s0], [sflag:$0x1], $0x4000, s5, s1, $0x38;
	[tilespmem:$0x15F00] =	vst v63  }
0x650: {  	_ =	swait.ge [sflag:s31], $0x4000  }
0x651: {  	[sflag:s31] =	ssyncset.done $0x0  }
0x652: {  	[sflag:s31] =	ssyncadd.s32 $0xFFFFC000  }
0x653: {  	[hbm4b:s30+s1] =	stream.strided.scatter [tilespmem:s6], [sflag:$0x1], $0x4000, s5, s1, $0x38;
	[tilespmem:$0x15F00] =	vst v63  }
0x654: {  	_ =	swait.ge [sflag:s31], $0x4000  }
0x655: {  	[sflag:s31] =	ssyncset.done $0x0  }
0x656: {  	[sflag:s31] =	ssyncadd.s32 $0xFFFFC000  }
.LBB2_43:
.Ltmp23:
0x657: {  	(pc) =	sbr.rel @p0 .LBB2_49-.Ltmp23, $1  }
0x658: {  	_ =	sdelay $0x3  }
0x659: {  	s9 =	simm.s32 $0x0  }
0x65a: {  	s8 =	simm.s32 $0x0;
	v52 =	vadd.s32 s9, v0  }
0x65b: {  	[tilespmem:s8], [sflag:$0x1] =	stream.linear.gather [hbm4b:s23+s8], $0x2040, $0x38;
	[tilespmem:$0x15F00] =	vst v63  }
0x65c: {  	_ =	swait.ge [sflag:s31], $0x2040  }
0x65d: {  	[sflag:s31] =	ssyncset.done $0x0  }
0x65e: {  	[sflag:s31] =	ssyncadd.s32 $0xFFFFDFC0  }
0x65f: {  	v53 =	vld.idx.msk [tilespmem:v52+s8+$0x0], $0xffff  }
0x660: {  	s10 =	simm.s32 $0x10  }
0x661: {  	s9 =	simm.s32 $0x180;
	v54 =	vadd.s32 s10, v0  }
0x662: {  	v59 =	vmov s9;
	v52 =	vadd.s32 $0x181, v0  }
0x663: {  	vm0 =	vlt.u32 v59, v52  }
0x664: {  	s10 =	simm.s32 $0xC000;
	v53 =	vnsel vm0, $0x0, v53  }
0x665: {  	[tilespmem:s10+$0x1F00] =	vst v53  }
0x666: {  	v54 =	vld.idx.msk [tilespmem:v54+s8+$0x0], $0xffff  }
0x667: {  	s11 =	simm.s32 $0x20  }
0x668: {  	v55 =	vadd.s32 s11, v0  }
0x669: {  	v53 =	vadd.s32 $0x191, v0  }
0x66a: {  	vm10 =	vlt.u32 v59, v53  }
0x66b: {  	v54 =	vnsel vm10, $0x0, v54  }
0x66c: {  	[tilespmem:s10+$0x1F10] =	vst v54  }
0x66d: {  	v55 =	vld.idx.msk [tilespmem:v55+s8+$0x0], $0xffff  }
0x66e: {  	s17 =	simm.s32 $0x30  }
0x66f: {  	v56 =	vadd.s32 s17, v0  }
0x670: {  	v54 =	vadd.s32 $0x1A1, v0  }
0x671: {  	vm11 =	vlt.u32 v59, v54  }
0x672: {  	v55 =	vnsel vm11, $0x0, v55  }
0x673: {  	[tilespmem:s10+$0x1F20] =	vst v55  }
0x674: {  	v56 =	vld.idx.msk [tilespmem:v56+s8+$0x0], $0xffff  }
0x675: {  	s18 =	simm.s32 $0x40  }
0x676: {  	v57 =	vadd.s32 s18, v0  }
0x677: {  	v55 =	vadd.s32 $0x1B1, v0  }
0x678: {  	vm12 =	vlt.u32 v59, v55  }
0x679: {  	v56 =	vnsel vm12, $0x0, v56  }
0x67a: {  	[tilespmem:s10+$0x1F30] =	vst v56  }
0x67b: {  	v57 =	vld.idx.msk [tilespmem:v57+s8+$0x0], $0xffff  }
0x67c: {  	s19 =	simm.s32 $0x50  }
0x67d: {  	v58 =	vadd.s32 s19, v0  }
0x67e: {  	v56 =	vadd.s32 $0x1C1, v0  }
0x67f: {  	vm13 =	vlt.u32 v59, v56  }
0x680: {  	v57 =	vnsel vm13, $0x0, v57  }
0x681: {  	[tilespmem:s10+$0x1F40] =	vst v57  }
0x682: {  	v58 =	vld.idx.msk [tilespmem:v58+s8+$0x0], $0xffff  }
0x683: {  	s20 =	simm.s32 $0x60  }
0x684: {  	v60 =	vadd.s32 s20, v0  }
0x685: {  	v57 =	vadd.s32 $0x1D1, v0  }
0x686: {  	vm14 =	vlt.u32 v59, v57  }
0x687: {  	v58 =	vnsel vm14, $0x0, v58  }
0x688: {  	[tilespmem:s10+$0x1F50] =	vst v58  }
0x689: {  	v60 =	vld.idx.msk [tilespmem:v60+s8+$0x0], $0xffff  }
0x68a: {  	s21 =	simm.s32 $0x70  }
0x68b: {  	v61 =	vadd.s32 s21, v0  }
0x68c: {  	v58 =	vadd.s32 $0x1E1, v0  }
0x68d: {  	vm15 =	vlt.u32 v59, v58  }
0x68e: {  	v60 =	vnsel vm15, $0x0, v60  }
0x68f: {  	s12 =	simm.s32 $0x300;
	s13 =	simm.s32 $0x1FF;
	s14 =	simm.s32 $0x24180;
	[tilespmem:s10+$0x1F60] =	vst v60  }
0x690: {  	s16 =	simm.s32 $0x120C0;
	s15 =	simm.s32 $0x3FE;
	s11 =	simm.s32 $0x30000;
	v61 =	vld.idx.msk [tilespmem:v61+s8+$0x0], $0xffff  }
.LBB2_45:
0x691: {  	p2 =	sne.s32 s15, $0xFD81;
	s16 =	ssub.s32 s13, s16;
	s13 =	smov.u32 s15  }
0x692: {  	s17 =	sadd.s32 $0x11F40, s16  }
0x693: {  	v62 =	vadd.s32 s17, v0  }
0x694: {  	v60 =	vadd.s32 $0x1F1, v0  }
0x695: {  	vm0 =	vlt.u32 v59, v60  }
0x696: {  	v59 =	vnsel vm0, $0x0, v61  }
0x697: {  	[tilespmem:s10+$0x1F70] =	vst v59  }
0x698: {  	v61 =	vld.idx.msk [tilespmem:v62+s8+$0x0], $0xffff;
	_ =	sdelay $0x1  }
0x699: {  	s10 =	sadd.s32 $0x11F50, s16  }
0x69a: {  	s9 =	sadd.s32 $0x1, s9;
	v62 =	vadd.s32 s10, v0  }
0x69b: {  	v59 =	vmov s9  }
0x69c: {  	s11 =	sadd.s32 $0x200, s11;
	vm0 =	vlt.u32 v59, v52  }
0x69d: {  	s10 =	sshra.s32 s11, $0x2;
	v61 =	vnsel vm0, $0x0, v61  }
0x69e: {  	[tilespmem:s10+$0x1F00] =	vst v61  }
0x69f: {  	v61 =	vld.idx.msk [tilespmem:v62+s8+$0x0], $0xffff;
	_ =	sdelay $0x1  }
0x6a0: {  	s17 =	sadd.s32 $0x11F60, s16  }
0x6a1: {  	v62 =	vadd.s32 s17, v0;
	_ =	sdelay $0x1  }
0x6a2: {  	vm0 =	vlt.u32 v59, v53  }
0x6a3: {  	v61 =	vnsel vm0, $0x0, v61  }
0x6a4: {  	[tilespmem:s10+$0x1F10] =	vst v61  }
0x6a5: {  	v61 =	vld.idx.msk [tilespmem:v62+s8+$0x0], $0xffff;
	_ =	sdelay $0x1  }
0x6a6: {  	s17 =	sadd.s32 $0x11F70, s16  }
0x6a7: {  	v62 =	vadd.s32 s17, v0;
	_ =	sdelay $0x1  }
0x6a8: {  	vm0 =	vlt.u32 v59, v54  }
0x6a9: {  	v61 =	vnsel vm0, $0x0, v61  }
0x6aa: {  	[tilespmem:s10+$0x1F20] =	vst v61  }
0x6ab: {  	v61 =	vld.idx.msk [tilespmem:v62+s8+$0x0], $0xffff;
	_ =	sdelay $0x1  }
0x6ac: {  	s17 =	sadd.s32 $0x11F80, s16  }
0x6ad: {  	v62 =	vadd.s32 s17, v0;
	_ =	sdelay $0x1  }
0x6ae: {  	vm0 =	vlt.u32 v59, v55  }
0x6af: {  	v61 =	vnsel vm0, $0x0, v61  }
0x6b0: {  	[tilespmem:s10+$0x1F30] =	vst v61  }
0x6b1: {  	v61 =	vld.idx.msk [tilespmem:v62+s8+$0x0], $0xffff;
	_ =	sdelay $0x1  }
0x6b2: {  	s17 =	sadd.s32 $0x11F90, s16  }
0x6b3: {  	v62 =	vadd.s32 s17, v0;
	_ =	sdelay $0x1  }
0x6b4: {  	vm0 =	vlt.u32 v59, v56  }
0x6b5: {  	v61 =	vnsel vm0, $0x0, v61  }
0x6b6: {  	[tilespmem:s10+$0x1F40] =	vst v61  }
0x6b7: {  	v61 =	vld.idx.msk [tilespmem:v62+s8+$0x0], $0xffff;
	_ =	sdelay $0x1  }
0x6b8: {  	s17 =	sadd.s32 $0x11FA0, s16  }
0x6b9: {  	v62 =	vadd.s32 s17, v0;
	_ =	sdelay $0x1  }
0x6ba: {  	vm0 =	vlt.u32 v59, v57  }
0x6bb: {  	v61 =	vnsel vm0, $0x0, v61  }
0x6bc: {  	[tilespmem:s10+$0x1F50] =	vst v61  }
0x6bd: {  	v61 =	vld.idx.msk [tilespmem:v62+s8+$0x0], $0xffff;
	_ =	sdelay $0x1  }
0x6be: {  	s16 =	sadd.s32 $0x11FB0, s16  }
0x6bf: {  	v62 =	vadd.s32 s16, v0  }
.Ltmp24:
0x6c0: {  	(pc) =	sbr.rel @p2 .LBB2_45-.Ltmp24, $4  }
0x6c1: {  	vm0 =	vlt.u32 v59, v58  }
0x6c2: {  	s12 =	sadd.s32 $0x2, s12;
	v61 =	vnsel vm0, $0x0, v61  }
0x6c3: {  	s14 =	sadd.s32 s12, s14;
	[tilespmem:s10+$0x1F60] =	vst v61  }
0x6c4: {  	s15 =	sadd.s32 $0x1FF, s15;
	s16 =	sshrl.u32 s14, $0x1;
	v61 =	vld.idx.msk [tilespmem:v62+s8+$0x0], $0xffff  }
0x6c5: {  	s12 =	ssub.s32 s13, s16  }
0x6c6: {  	s13 =	sadd.s32 $0x11F40, s12  }
0x6c7: {  	v62 =	vadd.s32 s13, v0;
	_ =	sdelay $0x1  }
0x6c8: {  	vm0 =	vlt.u32 v59, v60  }
0x6c9: {  	v59 =	vnsel vm0, $0x0, v61  }
0x6ca: {  	[tilespmem:s10+$0x1F70] =	vst v59  }
0x6cb: {  	v59 =	vld.idx.msk [tilespmem:v62+s8+$0x0], $0xffff  }
0x6cc: {  	s13 =	sadd.s32 $0x11F50, s12  }
0x6cd: {  	s9 =	sadd.s32 $0x1, s9;
	v61 =	vadd.s32 s13, v0  }
0x6ce: {  	v62 =	vmov s9  }
0x6cf: {  	s14 =	sadd.s32 $0x200, s11;
	vm0 =	vlt.u32 v62, v52  }
0x6d0: {  	s9 =	sshra.s32 s14, $0x2;
	v52 =	vnsel vm0, $0x0, v59  }
0x6d1: {  	[tilespmem:s9+$0x1F00] =	vst v52  }
0x6d2: {  	v52 =	vld.idx.msk [tilespmem:v61+s8+$0x0], $0xffff  }
0x6d3: {  	s15 =	sadd.s32 $0x11F60, s12  }
0x6d4: {  	v61 =	vadd.s32 s15, v0;
	_ =	sdelay $0x1  }
0x6d5: {  	vm0 =	vlt.u32 v62, v53  }
0x6d6: {  	v52 =	vnsel vm0, $0x0, v52  }
0x6d7: {  	[tilespmem:s9+$0x1F10] =	vst v52  }
0x6d8: {  	v52 =	vld.idx.msk [tilespmem:v61+s8+$0x0], $0xffff  }
0x6d9: {  	s16 =	sadd.s32 $0x11F70, s12  }
0x6da: {  	v63 =	vadd.s32 s16, v0;
	_ =	sdelay $0x1  }
0x6db: {  	vm0 =	vlt.u32 v62, v54  }
0x6dc: {  	v52 =	vnsel vm0, $0x0, v52  }
0x6dd: {  	[tilespmem:s9+$0x1F20] =	vst v52  }
0x6de: {  	v52 =	vld.idx.msk [tilespmem:v63+s8+$0x0], $0xffff  }
0x6df: {  	s17 =	sadd.s32 $0x11F80, s12  }
0x6e0: {  	v59 =	vadd.s32 s17, v0;
	_ =	sdelay $0x1  }
0x6e1: {  	vm0 =	vlt.u32 v62, v55  }
0x6e2: {  	v52 =	vnsel vm0, $0x0, v52  }
0x6e3: {  	[tilespmem:s9+$0x1F30] =	vst v52  }
0x6e4: {  	v52 =	vld.idx.msk [tilespmem:v59+s8+$0x0], $0xffff  }
0x6e5: {  	s18 =	sadd.s32 $0x11F90, s12  }
0x6e6: {  	v61 =	vadd.s32 s18, v0;
	_ =	sdelay $0x1  }
0x6e7: {  	vm0 =	vlt.u32 v62, v56  }
0x6e8: {  	v52 =	vnsel vm0, $0x0, v52  }
0x6e9: {  	[tilespmem:s9+$0x1F40] =	vst v52  }
0x6ea: {  	v52 =	vld.idx.msk [tilespmem:v61+s8+$0x0], $0xffff  }
0x6eb: {  	s19 =	sadd.s32 $0x11FA0, s12  }
0x6ec: {  	v63 =	vadd.s32 s19, v0;
	_ =	sdelay $0x1  }
0x6ed: {  	vm0 =	vlt.u32 v62, v57  }
0x6ee: {  	v52 =	vnsel vm0, $0x0, v52  }
0x6ef: {  	[tilespmem:s9+$0x1F50] =	vst v52  }
0x6f0: {  	v52 =	vld.idx.msk [tilespmem:v63+s8+$0x0], $0xffff  }
0x6f1: {  	s20 =	sadd.s32 $0x11FB0, s12  }
0x6f2: {  	v56 =	vadd.s32 s20, v0;
	_ =	sdelay $0x1  }
0x6f3: {  	vm0 =	vlt.u32 v62, v58  }
0x6f4: {  	v52 =	vnsel vm0, $0x0, v52  }
0x6f5: {  	[tilespmem:s9+$0x1F60] =	vst v52  }
0x6f6: {  	v52 =	vld.idx.msk [tilespmem:v56+s8+$0x0], $0xffff;
	_ =	sdelay $0x1  }
0x6f7: {  	v57 =	vmov s8  }
0x6f8: {  	v53 =	vand.u32 $0x7F, v57  }
0x6f9: {  	s21 =	simm.s32 $0x180;
	v61 =	vbroadcast v53, $0x0;
	vm0 =	vlt.u32 v62, v60  }
0x6fa: {  	v60 =	vmov s21;
	v58 =	vnsel vm0, $0x0, v52;
	v52 =	vor.u32 $0x180, v0  }
0x6fb: {  	s8 =	simm.s32 $0xDF40;
	[tilespmem:s9+$0x1F70] =	vst v58;
	vm0 =	vlt.u32 v60, v52  }
0x6fc: {  	v59 =	vor.u32 v6, v61;
	v54 =	vld [tilespmem:s8+$0xFFFFFFC0];
	_ =	sdelay $0x3  }
0x6fd: {  	v53 =	vor.u32 $0x190, v0  }
0x6fe: {  	[tilespmem:v59+s0+$0x0] =	vst.idx.msk vm0, v54;
	vm0 =	vlt.u32 v60, v53  }
0x6ff: {  	v62 =	vor.u32 v11, v61;
	v55 =	vld [tilespmem:s8+$0xFFFFFFD0];
	_ =	sdelay $0x3  }
0x700: {  	v54 =	vor.u32 $0x1A0, v0  }
0x701: {  	[tilespmem:v62+s0+$0x0] =	vst.idx.msk vm0, v55;
	vm0 =	vlt.u32 v60, v54  }
0x702: {  	v63 =	vor.u32 v13, v61;
	v56 =	vld [tilespmem:s8+$0xFFFFFFE0];
	_ =	sdelay $0x3  }
0x703: {  	v55 =	vor.u32 $0x1B0, v0  }
0x704: {  	[tilespmem:v63+s0+$0x0] =	vst.idx.msk vm0, v56;
	vm0 =	vlt.u32 v60, v55  }
0x705: {  	v62 =	vor.u32 v15, v61;
	v57 =	vld [tilespmem:s8+$0xFFFFFFF0];
	_ =	sdelay $0x3  }
0x706: {  	v56 =	vor.u32 $0x1C0, v0  }
0x707: {  	[tilespmem:v62+s0+$0x0] =	vst.idx.msk vm0, v57;
	vm0 =	vlt.u32 v60, v56  }
0x708: {  	v63 =	vor.u32 v17, v61;
	v58 =	vld [tilespmem:s8+$0x0];
	_ =	sdelay $0x3  }
0x709: {  	v57 =	vor.u32 $0x1D0, v0  }
0x70a: {  	[tilespmem:v63+s0+$0x0] =	vst.idx.msk vm0, v58;
	vm0 =	vlt.u32 v60, v57  }
0x70b: {  	v62 =	vor.u32 v19, v61;
	v59 =	vld [tilespmem:s8+$0x10];
	_ =	sdelay $0x3  }
0x70c: {  	v58 =	vor.u32 $0x1E0, v0  }
0x70d: {  	[tilespmem:v62+s0+$0x0] =	vst.idx.msk vm0, v59;
	vm0 =	vlt.u32 v60, v58  }
0x70e: {  	v63 =	vor.u32 v21, v61;
	v62 =	vld [tilespmem:s8+$0x20];
	_ =	sdelay $0x3  }
0x70f: {  	v59 =	vor.u32 $0x1F0, v0  }
0x710: {  	[tilespmem:v63+s0+$0x0] =	vst.idx.msk vm0, v62;
	vm0 =	vlt.u32 v60, v59  }
0x711: {  	v61 =	vor.u32 v23, v61;
	v60 =	vld [tilespmem:s8+$0x30]  }
0x712: {  	s9 =	simm.s32 $0x1  }
0x713: {  	s10 =	simm.s32 $0x2;
	v62 =	vmov s9  }
.LBB2_47:
0x714: {  	p2 =	sne.s32 s10, $0x7F;
	s11 =	sadd.s32 $0x180, s9;
	v62 =	vand.u32 $0x7F, v62;
	s9 =	smov.u32 s10  }
0x715: {  	v63 =	vmov s11;
	v62 =	vbroadcast v62, $0x0  }
0x716: {  	s8 =	sadd.s32 $0x80, s8;
	vm1 =	vlt.u32 v63, v52;
	[tilespmem:v61+s0+$0x0] =	vst.idx.msk vm0, v60  }
0x717: {  	v60 =	vld [tilespmem:s8+$0xFFFFFFC0];
	v61 =	vor.u32 v6, v62;
	_ =	sdelay $0x4  }
0x718: {  	vm0 =	vlt.u32 v63, v53;
	[tilespmem:v61+s0+$0x0] =	vst.idx.msk vm1, v60  }
0x719: {  	v61 =	vor.u32 v11, v62;
	v60 =	vld [tilespmem:s8+$0xFFFFFFD0];
	_ =	sdelay $0x4  }
0x71a: {  	[tilespmem:v61+s0+$0x0] =	vst.idx.msk vm0, v60;
	vm0 =	vlt.u32 v63, v54  }
0x71b: {  	v61 =	vor.u32 v13, v62;
	v60 =	vld [tilespmem:s8+$0xFFFFFFE0];
	_ =	sdelay $0x4  }
0x71c: {  	[tilespmem:v61+s0+$0x0] =	vst.idx.msk vm0, v60;
	vm0 =	vlt.u32 v63, v55  }
0x71d: {  	v61 =	vor.u32 v15, v62;
	v60 =	vld [tilespmem:s8+$0xFFFFFFF0];
	_ =	sdelay $0x4  }
0x71e: {  	[tilespmem:v61+s0+$0x0] =	vst.idx.msk vm0, v60;
	vm0 =	vlt.u32 v63, v56  }
0x71f: {  	v61 =	vor.u32 v17, v62;
	v60 =	vld [tilespmem:s8+$0x0];
	_ =	sdelay $0x4  }
0x720: {  	[tilespmem:v61+s0+$0x0] =	vst.idx.msk vm0, v60;
	vm0 =	vlt.u32 v63, v57  }
0x721: {  	v61 =	vor.u32 v19, v62;
	v60 =	vld [tilespmem:s8+$0x10];
	_ =	sdelay $0x4  }
0x722: {  	[tilespmem:v61+s0+$0x0] =	vst.idx.msk vm0, v60;
	vm0 =	vlt.u32 v63, v58  }
0x723: {  	v61 =	vor.u32 v21, v62;
	v60 =	vld [tilespmem:s8+$0x20];
	_ =	sdelay $0x3  }
.Ltmp25:
0x724: {  	(pc) =	sbr.rel @p2 .LBB2_47-.Ltmp25, $3  }
0x725: {  	[tilespmem:v61+s0+$0x0] =	vst.idx.msk vm0, v60;
	vm0 =	vlt.u32 v63, v59  }
0x726: {  	v61 =	vor.u32 v23, v62;
	v60 =	vld [tilespmem:s8+$0x30];
	_ =	sdelay $0x1  }
0x727: {  	s10 =	sadd.s32 $0x1, s10;
	v62 =	vmov s9  }
.Ltmp26:
0x728: {  	_ = 	snop;
	(pc) =	sbr.rel .LBB2_48-.Ltmp26, $1  }
0x729: {  	_ =	sdelay $0x3  }
.LBB2_50:
0x72a: {  	_ =	sfence.sel $0x180000  }
0x72b: {  	[bflag:$0x0] =	sbarrier.arrive $0xFFFF  }
0x72c: {  	_ =	strace $0x90000047  }
0x72d: {  	s0 =	stileid.u32;
	[bflag:$0x2] =	sbarrier.arrive $0xFFFF  }
0x72e: {  	p0 =	sne.s32 s0, $0x0;
	s0 =	rddreg [dreg:$0x2]  }
0x72f: {  	s0 =	sadd.s32 @!p0 $0x100000, s0  }
0x730: {  	[sflag:s0] =	ssyncadd.tile.s32 @!p0 $0x1;
	_ =	shalt  }
.Lfunc_end2:
_tile_overlayer_lowered:
.L_overlay_start_2:
0x731: {  	(tag) =	ssettag $0x2  }
0x732: {  	s0 =	rddreg [dreg:$0x0];
	s2 =	stileid.u32  }
0x733: {  	s1 =	rddreg [dreg:$0x1];
	p0 =	sne.s32 s2, $0x0  }
0x734: {  	s3 =	rddreg [dreg:$0x2];
	[bflag:$0x3] =	sbarrier.arrive $0xFFFF;
	s2 =	simm.s32 @!p0 $0x1C01  }
0x735: {  	[timem:s3], [sflag:s2] =	dma.local @!p0 [hbm:s0], s1  }
0x736: {  	s0 =	simm.s32 @!p0 $0x1  }
0x737: {  	_ =	swait.ge @!p0 [sflag:s0], s1  }
0x738: {  	s1 =	ssub.s32 @!p0 $0x0, s1;
	[sflag:s0] =	ssyncset.done @!p0 $0x0  }
0x739: {  	[sflag:s0] =	ssyncadd.s32 @!p0 s1  }
0x73a: {  	[bflag:$0x3] =	sbarrier.arrive $0xFFFF  }
0x73b: {  	_ =	shalt  }

</sc_bundles>
